<compile_context>
chip_gen: v7x
topology: tpu7x:2x2x1
jax: 0.10.2.dev20260603
libtpu: 0.0.44.dev20260713+nightly
codegen_flags: <defaults>
</compile_context>

<pallas_src>
import functools

import numpy as _np

import jax
import jax.numpy as jnp
from jax import lax
from jax.experimental import pallas as pl
from jax.experimental.pallas import tpu as pltpu
from jax.experimental.pallas import tpu_sc as plsc

N = 10000
D = 128
E = 320000
NP = 10240
NC = 2
NS = 16
L = 16
NW = NC * NS
EB = 128
NBE = 80
EPT = NBE * EB
EPAD = NW * EPT
NBUF = 4
SEG = NP // NS

_MESH = plsc.VectorSubcoreMesh(core_axis_name="c", subcore_axis_name="s")


def _wid():
    return lax.axis_index("s") * NC + lax.axis_index("c")


def _hist_body(dst_hbm, out_hbm, idx_v, ones_v, zer_v, hist_sh, sem):
    c = lax.axis_index("c")
    s = lax.axis_index("s")

    def fill_zero(i, _):
        zer_v[pl.ds(i * L, L)] = jnp.zeros((L,), jnp.float32)
        return 0

    lax.fori_loop(0, SEG // L, fill_zero, 0)
    for i in range(EB // L):
        ones_v[pl.ds(i * L, L)] = jnp.ones((L,), jnp.float32)
    pltpu.sync_copy(zer_v, hist_sh.at[pl.ds(s * SEG, SEG)])
    plsc.subcore_barrier()

    pltpu.sync_copy(dst_hbm.at[_wid()], idx_v)

    def step(j, _):
        pltpu.sync_copy(ones_v, hist_sh.at[idx_v.at[j]], add=True)
        return 0

    lax.fori_loop(0, NBE, step, 0)
    plsc.subcore_barrier()
    pltpu.sync_copy(hist_sh.at[pl.ds(s * SEG, SEG)],
                    out_hbm.at[c, pl.ds(s * SEG, SEG)])


_hist = functools.partial(
    pl.kernel,
    out_type=jax.ShapeDtypeStruct((NC, NP), jnp.float32),
    mesh=_MESH,
    scratch_types=[
        pltpu.VMEM((NBE, EB), jnp.int32),
        pltpu.VMEM((EB,), jnp.float32),
        pltpu.VMEM((SEG,), jnp.float32),
        pltpu.VMEM_SHARED((NP,), jnp.float32),
        pltpu.SemaphoreType.DMA,
    ],
)(_hist_body)


DH = D // 2


def _agg_body(ya_hbm, yb_hbm, src_hbm, dst_hbm, out_hbm, si_v, di_v,
              *scratch):
    rows = scratch[:NBUF]
    zr_v = scratch[NBUF]
    acc_sh = scratch[NBUF + 1]
    gsem = scratch[NBUF + 2:NBUF + 2 + NBUF]
    ssem = scratch[NBUF + 2 + NBUF:]
    c = lax.axis_index("c")
    s = lax.axis_index("s")

    pltpu.sync_copy(src_hbm.at[_wid()], si_v)
    pltpu.sync_copy(dst_hbm.at[_wid()], di_v)

    def zero_row(i, _):
        for cc in range(DH // L):
            zr_v[i, pl.ds(cc * L, L)] = jnp.zeros((L,), jnp.float32)
        return 0

    lax.fori_loop(0, EB, zero_row, 0)

    for h, y_hbm in enumerate((ya_hbm, yb_hbm)):
        @pl.when(c == 0)
        def _():
            pltpu.sync_copy(y_hbm.at[pl.ds(s * SEG, SEG)],
                            acc_sh.at[pl.ds(s * SEG, SEG)])

        @pl.when(c != 0)
        def _():
            for k in range(SEG // EB):
                pltpu.sync_copy(zr_v, acc_sh.at[pl.ds(s * SEG + k * EB, EB)])

        plsc.subcore_barrier()

        for b in range(NBUF):
            pltpu.async_copy(y_hbm.at[si_v.at[b]], rows[b], gsem[b])

        def group(g, _):
            base = g * NBUF
            for b in range(NBUF):
                j = base + b
                pltpu.make_async_copy(y_hbm.at[si_v.at[j]], rows[b],
                                      gsem[b]).wait()
                pltpu.async_copy(rows[b], acc_sh.at[di_v.at[j]], ssem[b],
                                 add=True)
            for b in range(NBUF):
                j = base + b
                pltpu.make_async_copy(rows[b], acc_sh.at[di_v.at[j]],
                                      ssem[b]).wait()
                pltpu.async_copy(y_hbm.at[si_v.at[j + NBUF]], rows[b],
                                 gsem[b])
            return 0

        lax.fori_loop(0, NBE // NBUF - 1, group, 0)
        for b in range(NBUF):
            j = NBE - NBUF + b
            pltpu.make_async_copy(y_hbm.at[si_v.at[j]], rows[b],
                                  gsem[b]).wait()
            pltpu.async_copy(rows[b], acc_sh.at[di_v.at[j]], ssem[b],
                             add=True)
        for b in range(NBUF):
            j = NBE - NBUF + b
            pltpu.make_async_copy(rows[b], acc_sh.at[di_v.at[j]],
                                  ssem[b]).wait()
        plsc.subcore_barrier()
        @pl.when(c == 0)
        def _():
            pltpu.sync_copy(acc_sh.at[pl.ds(s * SEG, SEG)],
                            out_hbm.at[h, pl.ds(s * SEG, SEG), pl.ds(0, DH)])

        @pl.when(c != 0)
        def _():
            pltpu.sync_copy(acc_sh.at[pl.ds(s * SEG, SEG)],
                            out_hbm.at[h, pl.ds(s * SEG, SEG), pl.ds(DH, DH)])


_agg = functools.partial(
    pl.kernel,
    out_type=jax.ShapeDtypeStruct((2, NP, D), jnp.float32),
    mesh=_MESH,
    compiler_params=pltpu.CompilerParams(use_tc_tiling_on_sc=False),
    scratch_types=(
        [
            pltpu.VMEM((NBE, EB), jnp.int32),
            pltpu.VMEM((NBE, EB), jnp.int32),
        ]
        + [pltpu.VMEM((EB, DH), jnp.float32) for _ in range(NBUF)]
        + [
            pltpu.VMEM((EB, DH), jnp.float32),
            pltpu.VMEM_SHARED((NP, DH), jnp.float32),
        ]
        + [pltpu.SemaphoreType.DMA for _ in range(2 * NBUF)]
    ),
)(_agg_body)


_PREC = lax.Precision.HIGHEST
MB = 512


def _dot_t(a, b):
    return lax.dot_general(a, b, (((1,), (1,)), ((), ())),
                           preferred_element_type=jnp.float32,
                           precision=_PREC)


def _mm_body(x_ref, w_ref, o_ref):
    o_ref[...] = _dot_t(x_ref[...], w_ref[...])


def _mm(x, w):
    return pl.pallas_call(
        _mm_body,
        grid=(NP // MB,),
        in_specs=[
            pl.BlockSpec((MB, D), lambda i: (i, 0)),
            pl.BlockSpec((D, D), lambda i: (0, 0)),
        ],
        out_specs=pl.BlockSpec((MB, D), lambda i: (i, 0)),
        out_shape=jax.ShapeDtypeStruct((NP, D), jnp.float32),
    )(x, w)


def _dinv_body(h_ref, o_ref):
    o_ref[...] = lax.rsqrt(h_ref[0] + h_ref[1] + 1.0)


def _dinv(hist):
    return pl.pallas_call(
        _dinv_body,
        out_shape=jax.ShapeDtypeStruct((NP // D, D), jnp.float32),
    )(hist.reshape(NC, NP // D, D))


_P_SPECS = [
    pl.BlockSpec((1, MB, D), lambda i: (0, i, 0)),
    pl.BlockSpec((1, MB, D), lambda i: (1, i, 0)),
]
_H_SPEC = pl.BlockSpec((MB, DH), lambda i: (i, 0))


def _psum(p_ref):
    return p_ref[0, :, :DH] + p_ref[0, :, DH:]


def _k1_body(dv_ref, x_ref, w_ref, oa_ref, ob_ref):
    y1 = _dot_t(dv_ref[...] * x_ref[...], w_ref[...])
    oa_ref[...] = y1[:, :DH]
    ob_ref[...] = y1[:, DH:]


def _k1(dvb, x, w):
    return pl.pallas_call(
        _k1_body,
        grid=(NP // MB,),
        in_specs=[
            pl.BlockSpec((MB, D), lambda i: (i, 0)),
            pl.BlockSpec((MB, D), lambda i: (i, 0)),
            pl.BlockSpec((D, D), lambda i: (0, 0)),
        ],
        out_specs=[_H_SPEC, _H_SPEC],
        out_shape=[jax.ShapeDtypeStruct((NP, DH), jnp.float32)] * 2,
    )(dvb, x, w)


def _k2_body(dv_ref, pa, pb, b_ref, w_ref, oa_ref, ob_ref):
    dl, dr = dv_ref[:, :DH], dv_ref[:, DH:]
    tl = dl * _psum(pa) + b_ref[:, :DH]
    tr = dr * _psum(pb) + b_ref[:, DH:]
    hl = dl * jnp.maximum(tl, 0.0)
    hr = dr * jnp.maximum(tr, 0.0)
    y2 = _dot_t(hl, w_ref[:, :DH]) + _dot_t(hr, w_ref[:, DH:])
    oa_ref[...] = y2[:, :DH]
    ob_ref[...] = y2[:, DH:]


def _k2(dvb, p, b1, w2):
    return pl.pallas_call(
        _k2_body,
        grid=(NP // MB,),
        in_specs=[pl.BlockSpec((MB, D), lambda i: (i, 0))] + _P_SPECS + [
            pl.BlockSpec((1, D), lambda i: (0, 0)),
            pl.BlockSpec((D, D), lambda i: (0, 0)),
        ],
        out_specs=[_H_SPEC, _H_SPEC],
        out_shape=[jax.ShapeDtypeStruct((NP, DH), jnp.float32)] * 2,
    )(dvb, p, p, b1.reshape(1, D), w2)


def _k3_body(dv_ref, pa, pb, b_ref, o_ref):
    o_ref[:, :DH] = dv_ref[:, :DH] * _psum(pa) + b_ref[:, :DH]
    o_ref[:, DH:] = dv_ref[:, DH:] * _psum(pb) + b_ref[:, DH:]


def _k3(dvb, p, b2):
    return pl.pallas_call(
        _k3_body,
        grid=(40,),
        in_specs=[
            pl.BlockSpec((256, D), lambda i: (i, 0)),
            pl.BlockSpec((1, 256, D), lambda i: (0, i, 0)),
            pl.BlockSpec((1, 256, D), lambda i: (1, i, 0)),
            pl.BlockSpec((1, D), lambda i: (0, 0)),
        ],
        out_specs=pl.BlockSpec((256, D), lambda i: (i, 0)),
        out_shape=jax.ShapeDtypeStruct((N, D), jnp.float32),
    )(dvb, p, p, b2.reshape(1, D))


_PAD_IDX = _np.int32(N) + _np.arange(EPAD - E, dtype=_np.int32) % (NP - N)


def kernel(x, edge_index, W1, b1, W2, b2):
    ei = jnp.concatenate(
        [edge_index.astype(jnp.int32),
         jnp.broadcast_to(jnp.asarray(_PAD_IDX), (2, EPAD - E))], axis=1)
    src3 = ei[0].reshape(NW, NBE, EB)
    dst3 = ei[1].reshape(NW, NBE, EB)
    x_pad = jnp.zeros((NP, D), jnp.float32).at[:N].set(x)

    hist = _hist(dst3)
    dvb = jnp.broadcast_to(
        _dinv(hist).reshape(NP)[:, None], (NP, D))
    ya, yb = _k1(dvb, x_pad, W1)
    p1 = _agg(ya, yb, src3, dst3)
    y2a, y2b = _k2(dvb, p1, b1, W2)
    p2 = _agg(y2a, y2b, src3, dst3)
    return _k3(dvb, p2, b2)

# --- scband reference (transcript-rebuilt; emitter-appended) ---
"""Pipeline reference for scband-gnn-23210003267827 (READ-ONLY COPY).

The authoritative reference and input builder live on the scoring server;
editing this copy changes nothing except your own understanding.
"""

import jax, jax.numpy as jnp
import numpy as np

N_NODES = 10000
N_EDGES = 320000
D = 128


def setup_inputs(seed: int = 0) -> dict:
    key = jax.random.key(seed)
    k1, k2, k3, k4, k5, k6 = jax.random.split(key, 6)
    x = jax.random.normal(k1, (N_NODES, D), dtype=jnp.float32)
    edge_index = jax.random.randint(k2, (2, N_EDGES), 0, N_NODES, dtype=jnp.int64)
    # GCNConv layer 1 params (out_features, in_features) like torch Linear
    W1 = jax.random.normal(k3, (D, D), dtype=jnp.float32) * (1.0 / np.sqrt(D))
    b1 = jnp.zeros((D,), dtype=jnp.float32)
    W2 = jax.random.normal(k4, (D, D), dtype=jnp.float32) * (1.0 / np.sqrt(D))
    b2 = jnp.zeros((D,), dtype=jnp.float32)
    return {"x": x, "edge_index": edge_index, "W1": W1, "b1": b1, "W2": W2, "b2": b2}


def _gcn_conv(x, edge_index, W, b, num_nodes):
    # Faithful PyG GCNConv: add self-loops, symmetric degree normalization,
    # linear transform, scatter-add aggregation to dst, plus bias.
    src = edge_index[0]
    dst = edge_index[1]
    loop = jnp.arange(num_nodes, dtype=src.dtype)
    src = jnp.concatenate([src, loop])
    dst = jnp.concatenate([dst, loop])
    deg = jnp.zeros((num_nodes,), dtype=x.dtype).at[dst].add(1.0)
    dinv = jnp.where(deg > 0, deg ** -0.5, 0.0)
    norm = dinv[src] * dinv[dst]
    xw = x @ W.T
    msg = xw[src] * norm[:, None]
    out = jnp.zeros((num_nodes, W.shape[0]), dtype=x.dtype).at[dst].add(msg)
    return out + b


def reference(x, edge_index, W1, b1, W2, b2):
    h = _gcn_conv(x, edge_index, W1, b1, N_NODES)
    h = jax.nn.relu(h)
    out = _gcn_conv(h, edge_index, W2, b2, N_NODES)
    return out

if __name__ == "__main__":
    import jax
    _d = setup_inputs()
    print(jax.jit(kernel)(*tuple(_d.values())))

</pallas_src>

<mosaic_0001>
#map = affine_map<(d0, d1) -> (0, 0, 0)>
#map1 = affine_map<(d0, d1) -> (0, 0)>
module attributes {stable_mosaic.version = 14 : i64} {
  func.func @_hist_body(%arg0: i32, %arg1: i32, %arg2: memref<32x80x128xi32, #tpu.memory_space<hbm>>, %arg3: memref<2x10240xf32, #tpu.memory_space<hbm>>, %arg4: memref<80x128xi32, #tpu.memory_space<vmem>>, %arg5: memref<128xf32, #tpu.memory_space<vmem>>, %arg6: memref<640xf32, #tpu.memory_space<vmem>>, %arg7: memref<10240xf32, #tpu.memory_space<vmem_shared>>, %arg8: memref<!tpu.dma_semaphore, #tpu.memory_space<semaphore_mem>>) attributes {dimension_semantics = [#tpu.dimension_semantics<core_parallel>, #tpu.dimension_semantics<subcore_parallel>], iteration_bounds = array<i64: 2, 16>, scalar_prefetch = 0 : i64, scratch_operands = 5 : i64, tpu.core_type = #tpu.core_type<sc_vector_subcore>, window_params = [{transform_indices = #map}, {transform_indices = #map1}]} {
    %scan3A = arith.constant 0 : i32
    %scan3A_0 = arith.constant 0 : i32
    %scan3A_1 = arith.constant 40 : i32
    %scan3A_2 = arith.addi %scan3A_0, %scan3A_1 : i32
    %scan3A_3 = arith.constant 1 : i32
    %scan3A_4 = scf.for %scan3A_67 = %scan3A_0 to %scan3A_2 step %scan3A_3 iter_args(%scan3A_68 = %scan3A) -> (i32)  : i32 {
      %broadcast_in_dim3A_69 = arith.constant 0.000000e+00 : f32
      %broadcast_in_dim3A_70 = vector.broadcast %broadcast_in_dim3A_69 : f32 to vector<16xf32>
      %mul3A_71 = arith.constant 16 : i32
      %mul3A_72 = arith.muli %scan3A_67, %mul3A_71 : i32
      %swap3A_73 = arith.index_cast %mul3A_72 : i32 to index
      %swap3A_74 = tpu.vector_load %arg6[%swap3A_73] {strides = array<i32>} : memref<640xf32, #tpu.memory_space<vmem>>, vector<16xf32>,
      %swap3A_75 = vector.shape_cast %swap3A_74 : vector<16xf32> to vector<16xf32>
      %swap3A_76 = vector.shape_cast %broadcast_in_dim3A_70 : vector<16xf32> to vector<16xf32>
      tpu.vector_store %arg6[%swap3A_73], %swap3A_76 {strides = array<i32>} : memref<640xf32, #tpu.memory_space<vmem>>, vector<16xf32>,
      %scan3A_77 = arith.constant 0 : i32
      scf.yield %scan3A_77 : i32
    }
    %scan3A_5 = arith.constant 40 : i32
    %broadcast_in_dim3A = arith.constant 1.000000e+00 : f32
    %broadcast_in_dim3A_6 = vector.broadcast %broadcast_in_dim3A : f32 to vector<16xf32>
    %swap3A = arith.constant 0 : index
    %swap3A_7 = tpu.vector_load %arg5[%swap3A] {strides = array<i32>} : memref<128xf32, #tpu.memory_space<vmem>>, vector<16xf32>,
    %swap3A_8 = vector.shape_cast %swap3A_7 : vector<16xf32> to vector<16xf32>
    %swap3A_9 = vector.shape_cast %broadcast_in_dim3A_6 : vector<16xf32> to vector<16xf32>
    tpu.vector_store %arg5[%swap3A], %swap3A_9 {strides = array<i32>} : memref<128xf32, #tpu.memory_space<vmem>>, vector<16xf32>,
    %broadcast_in_dim3A_10 = arith.constant 1.000000e+00 : f32
    %broadcast_in_dim3A_11 = vector.broadcast %broadcast_in_dim3A_10 : f32 to vector<16xf32>
    %swap3A_12 = arith.constant 16 : index
    %swap3A_13 = tpu.vector_load %arg5[%swap3A_12] {strides = array<i32>} : memref<128xf32, #tpu.memory_space<vmem>>, vector<16xf32>,
    %swap3A_14 = vector.shape_cast %swap3A_13 : vector<16xf32> to vector<16xf32>
    %swap3A_15 = vector.shape_cast %broadcast_in_dim3A_11 : vector<16xf32> to vector<16xf32>
    tpu.vector_store %arg5[%swap3A_12], %swap3A_15 {strides = array<i32>} : memref<128xf32, #tpu.memory_space<vmem>>, vector<16xf32>,
    %broadcast_in_dim3A_16 = arith.constant 1.000000e+00 : f32
    %broadcast_in_dim3A_17 = vector.broadcast %broadcast_in_dim3A_16 : f32 to vector<16xf32>
    %swap3A_18 = arith.constant 32 : index
    %swap3A_19 = tpu.vector_load %arg5[%swap3A_18] {strides = array<i32>} : memref<128xf32, #tpu.memory_space<vmem>>, vector<16xf32>,
    %swap3A_20 = vector.shape_cast %swap3A_19 : vector<16xf32> to vector<16xf32>
    %swap3A_21 = vector.shape_cast %broadcast_in_dim3A_17 : vector<16xf32> to vector<16xf32>
    tpu.vector_store %arg5[%swap3A_18], %swap3A_21 {strides = array<i32>} : memref<128xf32, #tpu.memory_space<vmem>>, vector<16xf32>,
    %broadcast_in_dim3A_22 = arith.constant 1.000000e+00 : f32
    %broadcast_in_dim3A_23 = vector.broadcast %broadcast_in_dim3A_22 : f32 to vector<16xf32>
    %swap3A_24 = arith.constant 48 : index
    %swap3A_25 = tpu.vector_load %arg5[%swap3A_24] {strides = array<i32>} : memref<128xf32, #tpu.memory_space<vmem>>, vector<16xf32>,
    %swap3A_26 = vector.shape_cast %swap3A_25 : vector<16xf32> to vector<16xf32>
    %swap3A_27 = vector.shape_cast %broadcast_in_dim3A_23 : vector<16xf32> to vector<16xf32>
    tpu.vector_store %arg5[%swap3A_24], %swap3A_27 {strides = array<i32>} : memref<128xf32, #tpu.memory_space<vmem>>, vector<16xf32>,
    %broadcast_in_dim3A_28 = arith.constant 1.000000e+00 : f32
    %broadcast_in_dim3A_29 = vector.broadcast %broadcast_in_dim3A_28 : f32 to vector<16xf32>
    %swap3A_30 = arith.constant 64 : index
    %swap3A_31 = tpu.vector_load %arg5[%swap3A_30] {strides = array<i32>} : memref<128xf32, #tpu.memory_space<vmem>>, vector<16xf32>,
    %swap3A_32 = vector.shape_cast %swap3A_31 : vector<16xf32> to vector<16xf32>
    %swap3A_33 = vector.shape_cast %broadcast_in_dim3A_29 : vector<16xf32> to vector<16xf32>
    tpu.vector_store %arg5[%swap3A_30], %swap3A_33 {strides = array<i32>} : memref<128xf32, #tpu.memory_space<vmem>>, vector<16xf32>,
    %broadcast_in_dim3A_34 = arith.constant 1.000000e+00 : f32
    %broadcast_in_dim3A_35 = vector.broadcast %broadcast_in_dim3A_34 : f32 to vector<16xf32>
    %swap3A_36 = arith.constant 80 : index
    %swap3A_37 = tpu.vector_load %arg5[%swap3A_36] {strides = array<i32>} : memref<128xf32, #tpu.memory_space<vmem>>, vector<16xf32>,
    %swap3A_38 = vector.shape_cast %swap3A_37 : vector<16xf32> to vector<16xf32>
    %swap3A_39 = vector.shape_cast %broadcast_in_dim3A_35 : vector<16xf32> to vector<16xf32>
    tpu.vector_store %arg5[%swap3A_36], %swap3A_39 {strides = array<i32>} : memref<128xf32, #tpu.memory_space<vmem>>, vector<16xf32>,
    %broadcast_in_dim3A_40 = arith.constant 1.000000e+00 : f32
    %broadcast_in_dim3A_41 = vector.broadcast %broadcast_in_dim3A_40 : f32 to vector<16xf32>
    %swap3A_42 = arith.constant 96 : index
    %swap3A_43 = tpu.vector_load %arg5[%swap3A_42] {strides = array<i32>} : memref<128xf32, #tpu.memory_space<vmem>>, vector<16xf32>,
    %swap3A_44 = vector.shape_cast %swap3A_43 : vector<16xf32> to vector<16xf32>
    %swap3A_45 = vector.shape_cast %broadcast_in_dim3A_41 : vector<16xf32> to vector<16xf32>
    tpu.vector_store %arg5[%swap3A_42], %swap3A_45 {strides = array<i32>} : memref<128xf32, #tpu.memory_space<vmem>>, vector<16xf32>,
    %broadcast_in_dim3A_46 = arith.constant 1.000000e+00 : f32
    %broadcast_in_dim3A_47 = vector.broadcast %broadcast_in_dim3A_46 : f32 to vector<16xf32>
    %swap3A_48 = arith.constant 112 : index
    %swap3A_49 = tpu.vector_load %arg5[%swap3A_48] {strides = array<i32>} : memref<128xf32, #tpu.memory_space<vmem>>, vector<16xf32>,
    %swap3A_50 = vector.shape_cast %swap3A_49 : vector<16xf32> to vector<16xf32>
    %swap3A_51 = vector.shape_cast %broadcast_in_dim3A_47 : vector<16xf32> to vector<16xf32>
    tpu.vector_store %arg5[%swap3A_48], %swap3A_51 {strides = array<i32>} : memref<128xf32, #tpu.memory_space<vmem>>, vector<16xf32>,
    %mul3A = arith.constant 640 : i32
    %mul3A_52 = arith.muli %arg1, %mul3A : i32
    "tpu.region"() ({
      %run_scoped3A = tpu.sem_alloc : memref<!tpu.dma_semaphore, #tpu.memory_space<semaphore_mem>>
      %dma_start3A = tpu.memref_slice %arg7[%mul3A_52] : memref<10240xf32, #tpu.memory_space<vmem_shared>> -> memref<640xf32, #tpu.memory_space<vmem_shared>>
      %dma_start3A_67 = tpu.memref_slice %arg7[%mul3A_52] : memref<10240xf32, #tpu.memory_space<vmem_shared>> -> memref<640xf32, #tpu.memory_space<vmem_shared>>
      tpu.enqueue_dma source(%arg6 : memref<640xf32, #tpu.memory_space<vmem>>) target(%dma_start3A_67 : memref<640xf32, #tpu.memory_space<vmem_shared>>) target_semaphore(%run_scoped3A : memref<!tpu.dma_semaphore, #tpu.memory_space<semaphore_mem>>)
      %dma_wait3A = tpu.memref_slice %arg7[%mul3A_52] : memref<10240xf32, #tpu.memory_space<vmem_shared>> -> memref<640xf32, #tpu.memory_space<vmem_shared>>
      %dma_wait3A_68 = tpu.memref_slice %arg7[%mul3A_52] : memref<10240xf32, #tpu.memory_space<vmem_shared>> -> memref<640xf32, #tpu.memory_space<vmem_shared>>
      tpu.wait_dma2 semaphore(%run_scoped3A : memref<!tpu.dma_semaphore, #tpu.memory_space<semaphore_mem>>) src(%arg6 : memref<640xf32, #tpu.memory_space<vmem>>) dst(%dma_wait3A_68 : memref<640xf32, #tpu.memory_space<vmem_shared>>)
      tpu.yield
    }) : () -> ()
    %barrier3A = arith.constant 0 : index
    tpu.barrier barrier_id(%barrier3A)
    %mul3A_53 = arith.constant 2 : i32
    %mul3A_54 = arith.muli %arg1, %mul3A_53 : i32
    %add3A = arith.addi %mul3A_54, %arg0 : i32
    "tpu.region"() ({
      %run_scoped3A = tpu.sem_alloc : memref<!tpu.dma_semaphore, #tpu.memory_space<semaphore_mem>>
      %dma_start3A = arith.constant 0 : i32
      %dma_start3A_67 = arith.constant 0 : i32
      %dma_start3A_68 = tpu.memref_slice %arg2[%add3A, %dma_start3A, %dma_start3A_67] : memref<32x80x128xi32, #tpu.memory_space<hbm>> -> memref<1x80x128xi32, #tpu.memory_space<hbm>>
      %dma_start3A_69 = tpu.memref_squeeze %dma_start3A_68 : memref<1x80x128xi32, #tpu.memory_space<hbm>> -> memref<80x128xi32, #tpu.memory_space<hbm>>
      %dma_start3A_70 = arith.constant 0 : i32
      %dma_start3A_71 = arith.constant 0 : i32
      %dma_start3A_72 = tpu.memref_slice %arg2[%add3A, %dma_start3A_70, %dma_start3A_71] : memref<32x80x128xi32, #tpu.memory_space<hbm>> -> memref<1x80x128xi32, #tpu.memory_space<hbm>>
      %dma_start3A_73 = tpu.memref_squeeze %dma_start3A_72 : memref<1x80x128xi32, #tpu.memory_space<hbm>> -> memref<80x128xi32, #tpu.memory_space<hbm>>
      tpu.enqueue_dma source(%dma_start3A_73 : memref<80x128xi32, #tpu.memory_space<hbm>>) target(%arg4 : memref<80x128xi32, #tpu.memory_space<vmem>>) target_semaphore(%run_scoped3A : memref<!tpu.dma_semaphore, #tpu.memory_space<semaphore_mem>>)
      %dma_wait3A = arith.constant 0 : i32
      %dma_wait3A_74 = arith.constant 0 : i32
      %dma_wait3A_75 = tpu.memref_slice %arg2[%add3A, %dma_wait3A, %dma_wait3A_74] : memref<32x80x128xi32, #tpu.memory_space<hbm>> -> memref<1x80x128xi32, #tpu.memory_space<hbm>>
      %dma_wait3A_76 = tpu.memref_squeeze %dma_wait3A_75 : memref<1x80x128xi32, #tpu.memory_space<hbm>> -> memref<80x128xi32, #tpu.memory_space<hbm>>
      %dma_wait3A_77 = arith.constant 0 : i32
      %dma_wait3A_78 = arith.constant 0 : i32
      %dma_wait3A_79 = tpu.memref_slice %arg2[%add3A, %dma_wait3A_77, %dma_wait3A_78] : memref<32x80x128xi32, #tpu.memory_space<hbm>> -> memref<1x80x128xi32, #tpu.memory_space<hbm>>
      %dma_wait3A_80 = tpu.memref_squeeze %dma_wait3A_79 : memref<1x80x128xi32, #tpu.memory_space<hbm>> -> memref<80x128xi32, #tpu.memory_space<hbm>>
      tpu.wait_dma2 semaphore(%run_scoped3A : memref<!tpu.dma_semaphore, #tpu.memory_space<semaphore_mem>>) src(%dma_wait3A_80 : memref<80x128xi32, #tpu.memory_space<hbm>>) dst(%arg4 : memref<80x128xi32, #tpu.memory_space<vmem>>)
      tpu.yield
    }) : () -> ()
    %scan3A_55 = arith.constant 0 : i32
    %scan3A_56 = arith.constant 0 : i32
    %scan3A_57 = arith.constant 80 : i32
    %scan3A_58 = arith.addi %scan3A_56, %scan3A_57 : i32
    %scan3A_59 = arith.constant 1 : i32
    %scan3A_60 = scf.for %scan3A_67 = %scan3A_56 to %scan3A_58 step %scan3A_59 iter_args(%scan3A_68 = %scan3A_55) -> (i32)  : i32 {
      "tpu.region"() ({
        %run_scoped3A = tpu.sem_alloc : memref<!tpu.dma_semaphore, #tpu.memory_space<semaphore_mem>>
        %dma_start3A = arith.constant 0 : i32
        %dma_start3A_70 = tpu.memref_slice %arg4[%scan3A_67, %dma_start3A] : memref<80x128xi32, #tpu.memory_space<vmem>> -> memref<1x128xi32, #tpu.memory_space<vmem>>
        %dma_start3A_71 = tpu.memref_squeeze %dma_start3A_70 : memref<1x128xi32, #tpu.memory_space<vmem>> -> memref<128xi32, #tpu.memory_space<vmem>>
        %dma_start3A_72 = arith.constant 0 : i32
        %dma_start3A_73 = tpu.memref_slice %arg7[%dma_start3A_72] : memref<10240xf32, #tpu.memory_space<vmem_shared>> -> memref<10240xf32, #tpu.memory_space<vmem_shared>>
        tpu.enqueue_indirect_dma source(%arg5 : memref<128xf32, #tpu.memory_space<vmem>>) target(%dma_start3A_73 : memref<10240xf32, #tpu.memory_space<vmem_shared>>) offsets(%dma_start3A_71 : memref<128xi32, #tpu.memory_space<vmem>>) semaphore(%run_scoped3A : memref<!tpu.dma_semaphore, #tpu.memory_space<semaphore_mem>>) {add = true}
        %dma_wait3A = arith.constant 0 : i32
        %dma_wait3A_74 = tpu.memref_slice %arg4[%scan3A_67, %dma_wait3A] : memref<80x128xi32, #tpu.memory_space<vmem>> -> memref<1x128xi32, #tpu.memory_space<vmem>>
        %dma_wait3A_75 = tpu.memref_squeeze %dma_wait3A_74 : memref<1x128xi32, #tpu.memory_space<vmem>> -> memref<128xi32, #tpu.memory_space<vmem>>
        %dma_wait3A_76 = arith.constant 0 : i32
        %dma_wait3A_77 = tpu.memref_slice %arg7[%dma_wait3A_76] : memref<10240xf32, #tpu.memory_space<vmem_shared>> -> memref<10240xf32, #tpu.memory_space<vmem_shared>>
        tpu.wait_indirect_dma semaphore(%run_scoped3A : memref<!tpu.dma_semaphore, #tpu.memory_space<semaphore_mem>>) src(%arg5 : memref<128xf32, #tpu.memory_space<vmem>>) dst(%dma_wait3A_77 : memref<10240xf32, #tpu.memory_space<vmem_shared>>)
        tpu.yield
      }) : () -> ()
      %scan3A_69 = arith.constant 0 : i32
      scf.yield %scan3A_69 : i32
    }
    %scan3A_61 = arith.constant 80 : i32
    %barrier3A_62 = arith.constant 0 : index
    tpu.barrier barrier_id(%barrier3A_62)
    %mul3A_63 = arith.constant 640 : i32
    %mul3A_64 = arith.muli %arg1, %mul3A_63 : i32
    %mul3A_65 = arith.constant 640 : i32
    %mul3A_66 = arith.muli %arg1, %mul3A_65 : i32
    "tpu.region"() ({
      %run_scoped3A = tpu.sem_alloc : memref<!tpu.dma_semaphore, #tpu.memory_space<semaphore_mem>>
      %dma_start3A = tpu.memref_slice %arg3[%arg0, %mul3A_66] : memref<2x10240xf32, #tpu.memory_space<hbm>> -> memref<1x640xf32, #tpu.memory_space<hbm>>
      %dma_start3A_67 = tpu.memref_squeeze %dma_start3A : memref<1x640xf32, #tpu.memory_space<hbm>> -> memref<640xf32, #tpu.memory_space<hbm>>
      %dma_start3A_68 = tpu.memref_slice %arg7[%mul3A_64] : memref<10240xf32, #tpu.memory_space<vmem_shared>> -> memref<640xf32, #tpu.memory_space<vmem_shared>>
      tpu.enqueue_dma source(%dma_start3A_68 : memref<640xf32, #tpu.memory_space<vmem_shared>>) target(%dma_start3A_67 : memref<640xf32, #tpu.memory_space<hbm>>) target_semaphore(%run_scoped3A : memref<!tpu.dma_semaphore, #tpu.memory_space<semaphore_mem>>)
      %dma_wait3A = tpu.memref_slice %arg3[%arg0, %mul3A_66] : memref<2x10240xf32, #tpu.memory_space<hbm>> -> memref<1x640xf32, #tpu.memory_space<hbm>>
      %dma_wait3A_69 = tpu.memref_squeeze %dma_wait3A : memref<1x640xf32, #tpu.memory_space<hbm>> -> memref<640xf32, #tpu.memory_space<hbm>>
      %dma_wait3A_70 = tpu.memref_slice %arg7[%mul3A_64] : memref<10240xf32, #tpu.memory_space<vmem_shared>> -> memref<640xf32, #tpu.memory_space<vmem_shared>>
      tpu.wait_dma2 semaphore(%run_scoped3A : memref<!tpu.dma_semaphore, #tpu.memory_space<semaphore_mem>>) src(%dma_wait3A_70 : memref<640xf32, #tpu.memory_space<vmem_shared>>) dst(%dma_wait3A_69 : memref<640xf32, #tpu.memory_space<hbm>>)
      tpu.yield
    }) : () -> ()
    return
  }
}

#map = affine_map<(d0, d1) -> (0, 0)>
#map1 = affine_map<(d0, d1) -> (0, 0, 0)>
module attributes {stable_mosaic.version = 14 : i64} {
  func.func @_agg_body(%arg0: i32, %arg1: i32, %arg2: memref<10240x64xf32, #tpu.memory_space<hbm>>, %arg3: memref<10240x64xf32, #tpu.memory_space<hbm>>, %arg4: memref<32x80x128xi32, #tpu.memory_space<hbm>>, %arg5: memref<32x80x128xi32, #tpu.memory_space<hbm>>, %arg6: memref<2x10240x128xf32, #tpu.memory_space<hbm>>, %arg7: memref<80x128xi32, #tpu.memory_space<vmem>>, %arg8: memref<80x128xi32, #tpu.memory_space<vmem>>, %arg9: memref<128x64xf32, #tpu.memory_space<vmem>>, %arg10: memref<128x64xf32, #tpu.memory_space<vmem>>, %arg11: memref<128x64xf32, #tpu.memory_space<vmem>>, %arg12: memref<128x64xf32, #tpu.memory_space<vmem>>, %arg13: memref<128x64xf32, #tpu.memory_space<vmem>>, %arg14: memref<10240x64xf32, #tpu.memory_space<vmem_shared>>, %arg15: memref<!tpu.dma_semaphore, #tpu.memory_space<semaphore_mem>>, %arg16: memref<!tpu.dma_semaphore, #tpu.memory_space<semaphore_mem>>, %arg17: memref<!tpu.dma_semaphore, #tpu.memory_space<semaphore_mem>>, %arg18: memref<!tpu.dma_semaphore, #tpu.memory_space<semaphore_mem>>, %arg19: memref<!tpu.dma_semaphore, #tpu.memory_space<semaphore_mem>>, %arg20: memref<!tpu.dma_semaphore, #tpu.memory_space<semaphore_mem>>, %arg21: memref<!tpu.dma_semaphore, #tpu.memory_space<semaphore_mem>>, %arg22: memref<!tpu.dma_semaphore, #tpu.memory_space<semaphore_mem>>) attributes {dimension_semantics = [#tpu.dimension_semantics<core_parallel>, #tpu.dimension_semantics<subcore_parallel>], iteration_bounds = array<i64: 2, 16>, scalar_prefetch = 0 : i64, scratch_operands = 16 : i64, tpu.core_type = #tpu.core_type<sc_vector_subcore>, window_params = [{transform_indices = #map}, {transform_indices = #map}, {transform_indices = #map1}, {transform_indices = #map1}, {transform_indices = #map1}]} {
    %mul3A = arith.constant 2 : i32
    %mul3A_0 = arith.muli %arg1, %mul3A : i32
    %add3A = arith.addi %mul3A_0, %arg0 : i32
    "tpu.region"() ({
      %run_scoped3A = tpu.sem_alloc : memref<!tpu.dma_semaphore, #tpu.memory_space<semaphore_mem>>
      %dma_start3A_285 = arith.constant 0 : i32
      %dma_start3A_286 = arith.constant 0 : i32
      %dma_start3A_287 = tpu.memref_slice %arg4[%add3A, %dma_start3A_285, %dma_start3A_286] : memref<32x80x128xi32, #tpu.memory_space<hbm>> -> memref<1x80x128xi32, #tpu.memory_space<hbm>>
      %dma_start3A_288 = tpu.memref_squeeze %dma_start3A_287 : memref<1x80x128xi32, #tpu.memory_space<hbm>> -> memref<80x128xi32, #tpu.memory_space<hbm>>
      %dma_start3A_289 = arith.constant 0 : i32
      %dma_start3A_290 = arith.constant 0 : i32
      %dma_start3A_291 = tpu.memref_slice %arg4[%add3A, %dma_start3A_289, %dma_start3A_290] : memref<32x80x128xi32, #tpu.memory_space<hbm>> -> memref<1x80x128xi32, #tpu.memory_space<hbm>>
      %dma_start3A_292 = tpu.memref_squeeze %dma_start3A_291 : memref<1x80x128xi32, #tpu.memory_space<hbm>> -> memref<80x128xi32, #tpu.memory_space<hbm>>
      tpu.enqueue_dma source(%dma_start3A_292 : memref<80x128xi32, #tpu.memory_space<hbm>>) target(%arg7 : memref<80x128xi32, #tpu.memory_space<vmem>>) target_semaphore(%run_scoped3A : memref<!tpu.dma_semaphore, #tpu.memory_space<semaphore_mem>>)
      %dma_wait3A_293 = arith.constant 0 : i32
      %dma_wait3A_294 = arith.constant 0 : i32
      %dma_wait3A_295 = tpu.memref_slice %arg4[%add3A, %dma_wait3A_293, %dma_wait3A_294] : memref<32x80x128xi32, #tpu.memory_space<hbm>> -> memref<1x80x128xi32, #tpu.memory_space<hbm>>
      %dma_wait3A_296 = tpu.memref_squeeze %dma_wait3A_295 : memref<1x80x128xi32, #tpu.memory_space<hbm>> -> memref<80x128xi32, #tpu.memory_space<hbm>>
      %dma_wait3A_297 = arith.constant 0 : i32
      %dma_wait3A_298 = arith.constant 0 : i32
      %dma_wait3A_299 = tpu.memref_slice %arg4[%add3A, %dma_wait3A_297, %dma_wait3A_298] : memref<32x80x128xi32, #tpu.memory_space<hbm>> -> memref<1x80x128xi32, #tpu.memory_space<hbm>>
      %dma_wait3A_300 = tpu.memref_squeeze %dma_wait3A_299 : memref<1x80x128xi32, #tpu.memory_space<hbm>> -> memref<80x128xi32, #tpu.memory_space<hbm>>
      tpu.wait_dma2 semaphore(%run_scoped3A : memref<!tpu.dma_semaphore, #tpu.memory_space<semaphore_mem>>) src(%dma_wait3A_300 : memref<80x128xi32, #tpu.memory_space<hbm>>) dst(%arg7 : memref<80x128xi32, #tpu.memory_space<vmem>>)
      tpu.yield
    }) : () -> ()
    %mul3A_1 = arith.constant 2 : i32
    %mul3A_2 = arith.muli %arg1, %mul3A_1 : i32
    %add3A_3 = arith.addi %mul3A_2, %arg0 : i32
    "tpu.region"() ({
      %run_scoped3A = tpu.sem_alloc : memref<!tpu.dma_semaphore, #tpu.memory_space<semaphore_mem>>
      %dma_start3A_285 = arith.constant 0 : i32
      %dma_start3A_286 = arith.constant 0 : i32
      %dma_start3A_287 = tpu.memref_slice %arg5[%add3A_3, %dma_start3A_285, %dma_start3A_286] : memref<32x80x128xi32, #tpu.memory_space<hbm>> -> memref<1x80x128xi32, #tpu.memory_space<hbm>>
      %dma_start3A_288 = tpu.memref_squeeze %dma_start3A_287 : memref<1x80x128xi32, #tpu.memory_space<hbm>> -> memref<80x128xi32, #tpu.memory_space<hbm>>
      %dma_start3A_289 = arith.constant 0 : i32
      %dma_start3A_290 = arith.constant 0 : i32
      %dma_start3A_291 = tpu.memref_slice %arg5[%add3A_3, %dma_start3A_289, %dma_start3A_290] : memref<32x80x128xi32, #tpu.memory_space<hbm>> -> memref<1x80x128xi32, #tpu.memory_space<hbm>>
      %dma_start3A_292 = tpu.memref_squeeze %dma_start3A_291 : memref<1x80x128xi32, #tpu.memory_space<hbm>> -> memref<80x128xi32, #tpu.memory_space<hbm>>
      tpu.enqueue_dma source(%dma_start3A_292 : memref<80x128xi32, #tpu.memory_space<hbm>>) target(%arg8 : memref<80x128xi32, #tpu.memory_space<vmem>>) target_semaphore(%run_scoped3A : memref<!tpu.dma_semaphore, #tpu.memory_space<semaphore_mem>>)
      %dma_wait3A_293 = arith.constant 0 : i32
      %dma_wait3A_294 = arith.constant 0 : i32
      %dma_wait3A_295 = tpu.memref_slice %arg5[%add3A_3, %dma_wait3A_293, %dma_wait3A_294] : memref<32x80x128xi32, #tpu.memory_space<hbm>> -> memref<1x80x128xi32, #tpu.memory_space<hbm>>
      %dma_wait3A_296 = tpu.memref_squeeze %dma_wait3A_295 : memref<1x80x128xi32, #tpu.memory_space<hbm>> -> memref<80x128xi32, #tpu.memory_space<hbm>>
      %dma_wait3A_297 = arith.constant 0 : i32
      %dma_wait3A_298 = arith.constant 0 : i32
      %dma_wait3A_299 = tpu.memref_slice %arg5[%add3A_3, %dma_wait3A_297, %dma_wait3A_298] : memref<32x80x128xi32, #tpu.memory_space<hbm>> -> memref<1x80x128xi32, #tpu.memory_space<hbm>>
      %dma_wait3A_300 = tpu.memref_squeeze %dma_wait3A_299 : memref<1x80x128xi32, #tpu.memory_space<hbm>> -> memref<80x128xi32, #tpu.memory_space<hbm>>
      tpu.wait_dma2 semaphore(%run_scoped3A : memref<!tpu.dma_semaphore, #tpu.memory_space<semaphore_mem>>) src(%dma_wait3A_300 : memref<80x128xi32, #tpu.memory_space<hbm>>) dst(%arg8 : memref<80x128xi32, #tpu.memory_space<vmem>>)
      tpu.yield
    }) : () -> ()
    %scan3A = arith.constant 0 : i32
    %scan3A_4 = arith.constant 0 : i32
    %scan3A_5 = arith.constant 128 : i32
    %scan3A_6 = arith.addi %scan3A_4, %scan3A_5 : i32
    %scan3A_7 = arith.constant 1 : i32
    %scan3A_8 = scf.for %scan3A_285 = %scan3A_4 to %scan3A_6 step %scan3A_7 iter_args(%scan3A_286 = %scan3A) -> (i32)  : i32 {
      %broadcast_in_dim3A = arith.constant 0.000000e+00 : f32
      %broadcast_in_dim3A_287 = vector.broadcast %broadcast_in_dim3A : f32 to vector<16xf32>
      %swap3A = arith.index_cast %scan3A_285 : i32 to index
      %swap3A_288 = arith.constant 0 : index
      %swap3A_289 = tpu.vector_load %arg13[%swap3A, %swap3A_288] {strides = array<i32>} : memref<128x64xf32, #tpu.memory_space<vmem>>, vector<1x16xf32>,
      %swap3A_290 = vector.shape_cast %swap3A_289 : vector<1x16xf32> to vector<16xf32>
      %swap3A_291 = vector.shape_cast %broadcast_in_dim3A_287 : vector<16xf32> to vector<1x16xf32>
      tpu.vector_store %arg13[%swap3A, %swap3A_288], %swap3A_291 {strides = array<i32>} : memref<128x64xf32, #tpu.memory_space<vmem>>, vector<1x16xf32>,
      %broadcast_in_dim3A_292 = arith.constant 0.000000e+00 : f32
      %broadcast_in_dim3A_293 = vector.broadcast %broadcast_in_dim3A_292 : f32 to vector<16xf32>
      %swap3A_294 = arith.index_cast %scan3A_285 : i32 to index
      %swap3A_295 = arith.constant 16 : index
      %swap3A_296 = tpu.vector_load %arg13[%swap3A_294, %swap3A_295] {strides = array<i32>} : memref<128x64xf32, #tpu.memory_space<vmem>>, vector<1x16xf32>,
      %swap3A_297 = vector.shape_cast %swap3A_296 : vector<1x16xf32> to vector<16xf32>
      %swap3A_298 = vector.shape_cast %broadcast_in_dim3A_293 : vector<16xf32> to vector<1x16xf32>
      tpu.vector_store %arg13[%swap3A_294, %swap3A_295], %swap3A_298 {strides = array<i32>} : memref<128x64xf32, #tpu.memory_space<vmem>>, vector<1x16xf32>,
      %broadcast_in_dim3A_299 = arith.constant 0.000000e+00 : f32
      %broadcast_in_dim3A_300 = vector.broadcast %broadcast_in_dim3A_299 : f32 to vector<16xf32>
      %swap3A_301 = arith.index_cast %scan3A_285 : i32 to index
      %swap3A_302 = arith.constant 32 : index
      %swap3A_303 = tpu.vector_load %arg13[%swap3A_301, %swap3A_302] {strides = array<i32>} : memref<128x64xf32, #tpu.memory_space<vmem>>, vector<1x16xf32>,
      %swap3A_304 = vector.shape_cast %swap3A_303 : vector<1x16xf32> to vector<16xf32>
      %swap3A_305 = vector.shape_cast %broadcast_in_dim3A_300 : vector<16xf32> to vector<1x16xf32>
      tpu.vector_store %arg13[%swap3A_301, %swap3A_302], %swap3A_305 {strides = array<i32>} : memref<128x64xf32, #tpu.memory_space<vmem>>, vector<1x16xf32>,
      %broadcast_in_dim3A_306 = arith.constant 0.000000e+00 : f32
      %broadcast_in_dim3A_307 = vector.broadcast %broadcast_in_dim3A_306 : f32 to vector<16xf32>
      %swap3A_308 = arith.index_cast %scan3A_285 : i32 to index
      %swap3A_309 = arith.constant 48 : index
      %swap3A_310 = tpu.vector_load %arg13[%swap3A_308, %swap3A_309] {strides = array<i32>} : memref<128x64xf32, #tpu.memory_space<vmem>>, vector<1x16xf32>,
      %swap3A_311 = vector.shape_cast %swap3A_310 : vector<1x16xf32> to vector<16xf32>
      %swap3A_312 = vector.shape_cast %broadcast_in_dim3A_307 : vector<16xf32> to vector<1x16xf32>
      tpu.vector_store %arg13[%swap3A_308, %swap3A_309], %swap3A_312 {strides = array<i32>} : memref<128x64xf32, #tpu.memory_space<vmem>>, vector<1x16xf32>,
      %scan3A_313 = arith.constant 0 : i32
      scf.yield %scan3A_313 : i32
    }
    %scan3A_9 = arith.constant 128 : i32
    %eq3A = arith.constant 0 : i32
    %eq3A_10 = arith.cmpi eq, %arg0, %eq3A : i32
    %convert_element_type3A = arith.extui %eq3A_10 : i1 to i32
    %cond3A = arith.constant 0 : i32
    %cond3A_11 = arith.cmpi ne, %convert_element_type3A, %cond3A : i32
    scf.if %cond3A_11 {
      %mul3A_285 = arith.constant 640 : i32
      %mul3A_286 = arith.muli %arg1, %mul3A_285 : i32
      %mul3A_287 = arith.constant 640 : i32
      %mul3A_288 = arith.muli %arg1, %mul3A_287 : i32
      "tpu.region"() ({
        %run_scoped3A = tpu.sem_alloc : memref<!tpu.dma_semaphore, #tpu.memory_space<semaphore_mem>>
        %dma_start3A_289 = arith.constant 0 : i32
        %dma_start3A_290 = tpu.memref_slice %arg14[%mul3A_288, %dma_start3A_289] : memref<10240x64xf32, #tpu.memory_space<vmem_shared>> -> memref<640x64xf32, #tpu.memory_space<vmem_shared>>
        %dma_start3A_291 = arith.constant 0 : i32
        %dma_start3A_292 = tpu.memref_slice %arg2[%mul3A_286, %dma_start3A_291] : memref<10240x64xf32, #tpu.memory_space<hbm>> -> memref<640x64xf32, #tpu.memory_space<hbm>>
        tpu.enqueue_dma source(%dma_start3A_292 : memref<640x64xf32, #tpu.memory_space<hbm>>) target(%dma_start3A_290 : memref<640x64xf32, #tpu.memory_space<vmem_shared>>) target_semaphore(%run_scoped3A : memref<!tpu.dma_semaphore, #tpu.memory_space<semaphore_mem>>)
        %dma_wait3A_293 = arith.constant 0 : i32
        %dma_wait3A_294 = tpu.memref_slice %arg14[%mul3A_288, %dma_wait3A_293] : memref<10240x64xf32, #tpu.memory_space<vmem_shared>> -> memref<640x64xf32, #tpu.memory_space<vmem_shared>>
        %dma_wait3A_295 = arith.constant 0 : i32
        %dma_wait3A_296 = tpu.memref_slice %arg2[%mul3A_286, %dma_wait3A_295] : memref<10240x64xf32, #tpu.memory_space<hbm>> -> memref<640x64xf32, #tpu.memory_space<hbm>>
        tpu.wait_dma2 semaphore(%run_scoped3A : memref<!tpu.dma_semaphore, #tpu.memory_space<semaphore_mem>>) src(%dma_wait3A_296 : memref<640x64xf32, #tpu.memory_space<hbm>>) dst(%dma_wait3A_294 : memref<640x64xf32, #tpu.memory_space<vmem_shared>>)
        tpu.yield
      }) : () -> ()
    } else {
    }
    %ne3A = arith.constant 0 : i32
    %ne3A_12 = arith.cmpi ne, %arg0, %ne3A : i32
    %convert_element_type3A_13 = arith.extui %ne3A_12 : i1 to i32
    %cond3A_14 = arith.constant 0 : i32
    %cond3A_15 = arith.cmpi ne, %convert_element_type3A_13, %cond3A_14 : i32
    scf.if %cond3A_15 {
      %mul3A_285 = arith.constant 640 : i32
      %mul3A_286 = arith.muli %arg1, %mul3A_285 : i32
      %add3A_287 = arith.constant 0 : i32
      %add3A_288 = arith.addi %mul3A_286, %add3A_287 : i32
      "tpu.region"() ({
        %run_scoped3A = tpu.sem_alloc : memref<!tpu.dma_semaphore, #tpu.memory_space<semaphore_mem>>
        %dma_start3A_305 = arith.constant 0 : i32
        %dma_start3A_306 = tpu.memref_slice %arg14[%add3A_288, %dma_start3A_305] : memref<10240x64xf32, #tpu.memory_space<vmem_shared>> -> memref<128x64xf32, #tpu.memory_space<vmem_shared>>
        %dma_start3A_307 = arith.constant 0 : i32
        %dma_start3A_308 = tpu.memref_slice %arg14[%add3A_288, %dma_start3A_307] : memref<10240x64xf32, #tpu.memory_space<vmem_shared>> -> memref<128x64xf32, #tpu.memory_space<vmem_shared>>
        tpu.enqueue_dma source(%arg13 : memref<128x64xf32, #tpu.memory_space<vmem>>) target(%dma_start3A_308 : memref<128x64xf32, #tpu.memory_space<vmem_shared>>) target_semaphore(%run_scoped3A : memref<!tpu.dma_semaphore, #tpu.memory_space<semaphore_mem>>)
        %dma_wait3A_309 = arith.constant 0 : i32
        %dma_wait3A_310 = tpu.memref_slice %arg14[%add3A_288, %dma_wait3A_309] : memref<10240x64xf32, #tpu.memory_space<vmem_shared>> -> memref<128x64xf32, #tpu.memory_space<vmem_shared>>
        %dma_wait3A_311 = arith.constant 0 : i32
        %dma_wait3A_312 = tpu.memref_slice %arg14[%add3A_288, %dma_wait3A_311] : memref<10240x64xf32, #tpu.memory_space<vmem_shared>> -> memref<128x64xf32, #tpu.memory_space<vmem_shared>>
        tpu.wait_dma2 semaphore(%run_scoped3A : memref<!tpu.dma_semaphore, #tpu.memory_space<semaphore_mem>>) src(%arg13 : memref<128x64xf32, #tpu.memory_space<vmem>>) dst(%dma_wait3A_312 : memref<128x64xf32, #tpu.memory_space<vmem_shared>>)
        tpu.yield
      }) : () -> ()
      %mul3A_289 = arith.constant 640 : i32
      %mul3A_290 = arith.muli %arg1, %mul3A_289 : i32
      %add3A_291 = arith.constant 128 : i32
      %add3A_292 = arith.addi %mul3A_290, %add3A_291 : i32
      "tpu.region"() ({
        %run_scoped3A = tpu.sem_alloc : memref<!tpu.dma_semaphore, #tpu.memory_space<semaphore_mem>>
        %dma_start3A_305 = arith.constant 0 : i32
        %dma_start3A_306 = tpu.memref_slice %arg14[%add3A_292, %dma_start3A_305] : memref<10240x64xf32, #tpu.memory_space<vmem_shared>> -> memref<128x64xf32, #tpu.memory_space<vmem_shared>>
        %dma_start3A_307 = arith.constant 0 : i32
        %dma_start3A_308 = tpu.memref_slice %arg14[%add3A_292, %dma_start3A_307] : memref<10240x64xf32, #tpu.memory_space<vmem_shared>> -> memref<128x64xf32, #tpu.memory_space<vmem_shared>>
        tpu.enqueue_dma source(%arg13 : memref<128x64xf32, #tpu.memory_space<vmem>>) target(%dma_start3A_308 : memref<128x64xf32, #tpu.memory_space<vmem_shared>>) target_semaphore(%run_scoped3A : memref<!tpu.dma_semaphore, #tpu.memory_space<semaphore_mem>>)
        %dma_wait3A_309 = arith.constant 0 : i32
        %dma_wait3A_310 = tpu.memref_slice %arg14[%add3A_292, %dma_wait3A_309] : memref<10240x64xf32, #tpu.memory_space<vmem_shared>> -> memref<128x64xf32, #tpu.memory_space<vmem_shared>>
        %dma_wait3A_311 = arith.constant 0 : i32
        %dma_wait3A_312 = tpu.memref_slice %arg14[%add3A_292, %dma_wait3A_311] : memref<10240x64xf32, #tpu.memory_space<vmem_shared>> -> memref<128x64xf32, #tpu.memory_space<vmem_shared>>
        tpu.wait_dma2 semaphore(%run_scoped3A : memref<!tpu.dma_semaphore, #tpu.memory_space<semaphore_mem>>) src(%arg13 : memref<128x64xf32, #tpu.memory_space<vmem>>) dst(%dma_wait3A_312 : memref<128x64xf32, #tpu.memory_space<vmem_shared>>)
        tpu.yield
      }) : () -> ()
      %mul3A_293 = arith.constant 640 : i32
      %mul3A_294 = arith.muli %arg1, %mul3A_293 : i32
      %add3A_295 = arith.constant 256 : i32
      %add3A_296 = arith.addi %mul3A_294, %add3A_295 : i32
      "tpu.region"() ({
        %run_scoped3A = tpu.sem_alloc : memref<!tpu.dma_semaphore, #tpu.memory_space<semaphore_mem>>
        %dma_start3A_305 = arith.constant 0 : i32
        %dma_start3A_306 = tpu.memref_slice %arg14[%add3A_296, %dma_start3A_305] : memref<10240x64xf32, #tpu.memory_space<vmem_shared>> -> memref<128x64xf32, #tpu.memory_space<vmem_shared>>
        %dma_start3A_307 = arith.constant 0 : i32
        %dma_start3A_308 = tpu.memref_slice %arg14[%add3A_296, %dma_start3A_307] : memref<10240x64xf32, #tpu.memory_space<vmem_shared>> -> memref<128x64xf32, #tpu.memory_space<vmem_shared>>
        tpu.enqueue_dma source(%arg13 : memref<128x64xf32, #tpu.memory_space<vmem>>) target(%dma_start3A_308 : memref<128x64xf32, #tpu.memory_space<vmem_shared>>) target_semaphore(%run_scoped3A : memref<!tpu.dma_semaphore, #tpu.memory_space<semaphore_mem>>)
        %dma_wait3A_309 = arith.constant 0 : i32
        %dma_wait3A_310 = tpu.memref_slice %arg14[%add3A_296, %dma_wait3A_309] : memref<10240x64xf32, #tpu.memory_space<vmem_shared>> -> memref<128x64xf32, #tpu.memory_space<vmem_shared>>
        %dma_wait3A_311 = arith.constant 0 : i32
        %dma_wait3A_312 = tpu.memref_slice %arg14[%add3A_296, %dma_wait3A_311] : memref<10240x64xf32, #tpu.memory_space<vmem_shared>> -> memref<128x64xf32, #tpu.memory_space<vmem_shared>>
        tpu.wait_dma2 semaphore(%run_scoped3A : memref<!tpu.dma_semaphore, #tpu.memory_space<semaphore_mem>>) src(%arg13 : memref<128x64xf32, #tpu.memory_space<vmem>>) dst(%dma_wait3A_312 : memref<128x64xf32, #tpu.memory_space<vmem_shared>>)
        tpu.yield
      }) : () -> ()
      %mul3A_297 = arith.constant 640 : i32
      %mul3A_298 = arith.muli %arg1, %mul3A_297 : i32
      %add3A_299 = arith.constant 384 : i32
      %add3A_300 = arith.addi %mul3A_298, %add3A_299 : i32
      "tpu.region"() ({
        %run_scoped3A = tpu.sem_alloc : memref<!tpu.dma_semaphore, #tpu.memory_space<semaphore_mem>>
        %dma_start3A_305 = arith.constant 0 : i32
        %dma_start3A_306 = tpu.memref_slice %arg14[%add3A_300, %dma_start3A_305] : memref<10240x64xf32, #tpu.memory_space<vmem_shared>> -> memref<128x64xf32, #tpu.memory_space<vmem_shared>>
        %dma_start3A_307 = arith.constant 0 : i32
        %dma_start3A_308 = tpu.memref_slice %arg14[%add3A_300, %dma_start3A_307] : memref<10240x64xf32, #tpu.memory_space<vmem_shared>> -> memref<128x64xf32, #tpu.memory_space<vmem_shared>>
        tpu.enqueue_dma source(%arg13 : memref<128x64xf32, #tpu.memory_space<vmem>>) target(%dma_start3A_308 : memref<128x64xf32, #tpu.memory_space<vmem_shared>>) target_semaphore(%run_scoped3A : memref<!tpu.dma_semaphore, #tpu.memory_space<semaphore_mem>>)
        %dma_wait3A_309 = arith.constant 0 : i32
        %dma_wait3A_310 = tpu.memref_slice %arg14[%add3A_300, %dma_wait3A_309] : memref<10240x64xf32, #tpu.memory_space<vmem_shared>> -> memref<128x64xf32, #tpu.memory_space<vmem_shared>>
        %dma_wait3A_311 = arith.constant 0 : i32
        %dma_wait3A_312 = tpu.memref_slice %arg14[%add3A_300, %dma_wait3A_311] : memref<10240x64xf32, #tpu.memory_space<vmem_shared>> -> memref<128x64xf32, #tpu.memory_space<vmem_shared>>
        tpu.wait_dma2 semaphore(%run_scoped3A : memref<!tpu.dma_semaphore, #tpu.memory_space<semaphore_mem>>) src(%arg13 : memref<128x64xf32, #tpu.memory_space<vmem>>) dst(%dma_wait3A_312 : memref<128x64xf32, #tpu.memory_space<vmem_shared>>)
        tpu.yield
      }) : () -> ()
      %mul3A_301 = arith.constant 640 : i32
      %mul3A_302 = arith.muli %arg1, %mul3A_301 : i32
      %add3A_303 = arith.constant 512 : i32
      %add3A_304 = arith.addi %mul3A_302, %add3A_303 : i32
      "tpu.region"() ({
        %run_scoped3A = tpu.sem_alloc : memref<!tpu.dma_semaphore, #tpu.memory_space<semaphore_mem>>
        %dma_start3A_305 = arith.constant 0 : i32
        %dma_start3A_306 = tpu.memref_slice %arg14[%add3A_304, %dma_start3A_305] : memref<10240x64xf32, #tpu.memory_space<vmem_shared>> -> memref<128x64xf32, #tpu.memory_space<vmem_shared>>
        %dma_start3A_307 = arith.constant 0 : i32
        %dma_start3A_308 = tpu.memref_slice %arg14[%add3A_304, %dma_start3A_307] : memref<10240x64xf32, #tpu.memory_space<vmem_shared>> -> memref<128x64xf32, #tpu.memory_space<vmem_shared>>
        tpu.enqueue_dma source(%arg13 : memref<128x64xf32, #tpu.memory_space<vmem>>) target(%dma_start3A_308 : memref<128x64xf32, #tpu.memory_space<vmem_shared>>) target_semaphore(%run_scoped3A : memref<!tpu.dma_semaphore, #tpu.memory_space<semaphore_mem>>)
        %dma_wait3A_309 = arith.constant 0 : i32
        %dma_wait3A_310 = tpu.memref_slice %arg14[%add3A_304, %dma_wait3A_309] : memref<10240x64xf32, #tpu.memory_space<vmem_shared>> -> memref<128x64xf32, #tpu.memory_space<vmem_shared>>
        %dma_wait3A_311 = arith.constant 0 : i32
        %dma_wait3A_312 = tpu.memref_slice %arg14[%add3A_304, %dma_wait3A_311] : memref<10240x64xf32, #tpu.memory_space<vmem_shared>> -> memref<128x64xf32, #tpu.memory_space<vmem_shared>>
        tpu.wait_dma2 semaphore(%run_scoped3A : memref<!tpu.dma_semaphore, #tpu.memory_space<semaphore_mem>>) src(%arg13 : memref<128x64xf32, #tpu.memory_space<vmem>>) dst(%dma_wait3A_312 : memref<128x64xf32, #tpu.memory_space<vmem_shared>>)
        tpu.yield
      }) : () -> ()
    } else {
    }
    %barrier3A = arith.constant 0 : index
    tpu.barrier barrier_id(%barrier3A)
    %dma_start3A = arith.constant 0 : i32
    %dma_start3A_16 = arith.constant 0 : i32
    %dma_start3A_17 = tpu.memref_slice %arg7[%dma_start3A, %dma_start3A_16] : memref<80x128xi32, #tpu.memory_space<vmem>> -> memref<1x128xi32, #tpu.memory_space<vmem>>
    %dma_start3A_18 = tpu.memref_squeeze %dma_start3A_17 : memref<1x128xi32, #tpu.memory_space<vmem>> -> memref<128xi32, #tpu.memory_space<vmem>>
    %dma_start3A_19 = arith.constant 0 : i32
    %dma_start3A_20 = arith.constant 0 : i32
    %dma_start3A_21 = tpu.memref_slice %arg2[%dma_start3A_19, %dma_start3A_20] : memref<10240x64xf32, #tpu.memory_space<hbm>> -> memref<10240x64xf32, #tpu.memory_space<hbm>>
    tpu.enqueue_indirect_dma source(%dma_start3A_21 : memref<10240x64xf32, #tpu.memory_space<hbm>>) target(%arg9 : memref<128x64xf32, #tpu.memory_space<vmem>>) offsets(%dma_start3A_18 : memref<128xi32, #tpu.memory_space<vmem>>) semaphore(%arg15 : memref<!tpu.dma_semaphore, #tpu.memory_space<semaphore_mem>>)
    %dma_start3A_22 = arith.constant 1 : i32
    %dma_start3A_23 = arith.constant 0 : i32
    %dma_start3A_24 = tpu.memref_slice %arg7[%dma_start3A_22, %dma_start3A_23] : memref<80x128xi32, #tpu.memory_space<vmem>> -> memref<1x128xi32, #tpu.memory_space<vmem>>
    %dma_start3A_25 = tpu.memref_squeeze %dma_start3A_24 : memref<1x128xi32, #tpu.memory_space<vmem>> -> memref<128xi32, #tpu.memory_space<vmem>>
    %dma_start3A_26 = arith.constant 0 : i32
    %dma_start3A_27 = arith.constant 0 : i32
    %dma_start3A_28 = tpu.memref_slice %arg2[%dma_start3A_26, %dma_start3A_27] : memref<10240x64xf32, #tpu.memory_space<hbm>> -> memref<10240x64xf32, #tpu.memory_space<hbm>>
    tpu.enqueue_indirect_dma source(%dma_start3A_28 : memref<10240x64xf32, #tpu.memory_space<hbm>>) target(%arg10 : memref<128x64xf32, #tpu.memory_space<vmem>>) offsets(%dma_start3A_25 : memref<128xi32, #tpu.memory_space<vmem>>) semaphore(%arg16 : memref<!tpu.dma_semaphore, #tpu.memory_space<semaphore_mem>>)
    %dma_start3A_29 = arith.constant 2 : i32
    %dma_start3A_30 = arith.constant 0 : i32
    %dma_start3A_31 = tpu.memref_slice %arg7[%dma_start3A_29, %dma_start3A_30] : memref<80x128xi32, #tpu.memory_space<vmem>> -> memref<1x128xi32, #tpu.memory_space<vmem>>
    %dma_start3A_32 = tpu.memref_squeeze %dma_start3A_31 : memref<1x128xi32, #tpu.memory_space<vmem>> -> memref<128xi32, #tpu.memory_space<vmem>>
    %dma_start3A_33 = arith.constant 0 : i32
    %dma_start3A_34 = arith.constant 0 : i32
    %dma_start3A_35 = tpu.memref_slice %arg2[%dma_start3A_33, %dma_start3A_34] : memref<10240x64xf32, #tpu.memory_space<hbm>> -> memref<10240x64xf32, #tpu.memory_space<hbm>>
    tpu.enqueue_indirect_dma source(%dma_start3A_35 : memref<10240x64xf32, #tpu.memory_space<hbm>>) target(%arg11 : memref<128x64xf32, #tpu.memory_space<vmem>>) offsets(%dma_start3A_32 : memref<128xi32, #tpu.memory_space<vmem>>) semaphore(%arg17 : memref<!tpu.dma_semaphore, #tpu.memory_space<semaphore_mem>>)
    %dma_start3A_36 = arith.constant 3 : i32
    %dma_start3A_37 = arith.constant 0 : i32
    %dma_start3A_38 = tpu.memref_slice %arg7[%dma_start3A_36, %dma_start3A_37] : memref<80x128xi32, #tpu.memory_space<vmem>> -> memref<1x128xi32, #tpu.memory_space<vmem>>
    %dma_start3A_39 = tpu.memref_squeeze %dma_start3A_38 : memref<1x128xi32, #tpu.memory_space<vmem>> -> memref<128xi32, #tpu.memory_space<vmem>>
    %dma_start3A_40 = arith.constant 0 : i32
    %dma_start3A_41 = arith.constant 0 : i32
    %dma_start3A_42 = tpu.memref_slice %arg2[%dma_start3A_40, %dma_start3A_41] : memref<10240x64xf32, #tpu.memory_space<hbm>> -> memref<10240x64xf32, #tpu.memory_space<hbm>>
    tpu.enqueue_indirect_dma source(%dma_start3A_42 : memref<10240x64xf32, #tpu.memory_space<hbm>>) target(%arg12 : memref<128x64xf32, #tpu.memory_space<vmem>>) offsets(%dma_start3A_39 : memref<128xi32, #tpu.memory_space<vmem>>) semaphore(%arg18 : memref<!tpu.dma_semaphore, #tpu.memory_space<semaphore_mem>>)
    %scan3A_43 = arith.constant 0 : i32
    %scan3A_44 = arith.constant 0 : i32
    %scan3A_45 = arith.constant 19 : i32
    %scan3A_46 = arith.addi %scan3A_44, %scan3A_45 : i32
    %scan3A_47 = arith.constant 1 : i32
    %scan3A_48 = scf.for %scan3A_285 = %scan3A_44 to %scan3A_46 step %scan3A_47 iter_args(%scan3A_286 = %scan3A_43) -> (i32)  : i32 {
      %mul3A_287 = arith.constant 4 : i32
      %mul3A_288 = arith.muli %scan3A_285, %mul3A_287 : i32
      %add3A_289 = arith.constant 0 : i32
      %add3A_290 = arith.addi %mul3A_288, %add3A_289 : i32
      %dma_wait3A_291 = arith.constant 0 : i32
      %dma_wait3A_292 = tpu.memref_slice %arg7[%add3A_290, %dma_wait3A_291] : memref<80x128xi32, #tpu.memory_space<vmem>> -> memref<1x128xi32, #tpu.memory_space<vmem>>
      %dma_wait3A_293 = tpu.memref_squeeze %dma_wait3A_292 : memref<1x128xi32, #tpu.memory_space<vmem>> -> memref<128xi32, #tpu.memory_space<vmem>>
      %dma_wait3A_294 = arith.constant 0 : i32
      %dma_wait3A_295 = arith.constant 0 : i32
      %dma_wait3A_296 = tpu.memref_slice %arg2[%dma_wait3A_294, %dma_wait3A_295] : memref<10240x64xf32, #tpu.memory_space<hbm>> -> memref<10240x64xf32, #tpu.memory_space<hbm>>
      tpu.wait_indirect_dma semaphore(%arg15 : memref<!tpu.dma_semaphore, #tpu.memory_space<semaphore_mem>>) src(%dma_wait3A_296 : memref<10240x64xf32, #tpu.memory_space<hbm>>) dst(%arg9 : memref<128x64xf32, #tpu.memory_space<vmem>>)
      %dma_start3A_297 = arith.constant 0 : i32
      %dma_start3A_298 = tpu.memref_slice %arg8[%add3A_290, %dma_start3A_297] : memref<80x128xi32, #tpu.memory_space<vmem>> -> memref<1x128xi32, #tpu.memory_space<vmem>>
      %dma_start3A_299 = tpu.memref_squeeze %dma_start3A_298 : memref<1x128xi32, #tpu.memory_space<vmem>> -> memref<128xi32, #tpu.memory_space<vmem>>
      %dma_start3A_300 = arith.constant 0 : i32
      %dma_start3A_301 = arith.constant 0 : i32
      %dma_start3A_302 = tpu.memref_slice %arg14[%dma_start3A_300, %dma_start3A_301] : memref<10240x64xf32, #tpu.memory_space<vmem_shared>> -> memref<10240x64xf32, #tpu.memory_space<vmem_shared>>
      tpu.enqueue_indirect_dma source(%arg9 : memref<128x64xf32, #tpu.memory_space<vmem>>) target(%dma_start3A_302 : memref<10240x64xf32, #tpu.memory_space<vmem_shared>>) offsets(%dma_start3A_299 : memref<128xi32, #tpu.memory_space<vmem>>) semaphore(%arg19 : memref<!tpu.dma_semaphore, #tpu.memory_space<semaphore_mem>>) {add = true}
      %add3A_303 = arith.constant 1 : i32
      %add3A_304 = arith.addi %mul3A_288, %add3A_303 : i32
      %dma_wait3A_305 = arith.constant 0 : i32
      %dma_wait3A_306 = tpu.memref_slice %arg7[%add3A_304, %dma_wait3A_305] : memref<80x128xi32, #tpu.memory_space<vmem>> -> memref<1x128xi32, #tpu.memory_space<vmem>>
      %dma_wait3A_307 = tpu.memref_squeeze %dma_wait3A_306 : memref<1x128xi32, #tpu.memory_space<vmem>> -> memref<128xi32, #tpu.memory_space<vmem>>
      %dma_wait3A_308 = arith.constant 0 : i32
      %dma_wait3A_309 = arith.constant 0 : i32
      %dma_wait3A_310 = tpu.memref_slice %arg2[%dma_wait3A_308, %dma_wait3A_309] : memref<10240x64xf32, #tpu.memory_space<hbm>> -> memref<10240x64xf32, #tpu.memory_space<hbm>>
      tpu.wait_indirect_dma semaphore(%arg16 : memref<!tpu.dma_semaphore, #tpu.memory_space<semaphore_mem>>) src(%dma_wait3A_310 : memref<10240x64xf32, #tpu.memory_space<hbm>>) dst(%arg10 : memref<128x64xf32, #tpu.memory_space<vmem>>)
      %dma_start3A_311 = arith.constant 0 : i32
      %dma_start3A_312 = tpu.memref_slice %arg8[%add3A_304, %dma_start3A_311] : memref<80x128xi32, #tpu.memory_space<vmem>> -> memref<1x128xi32, #tpu.memory_space<vmem>>
      %dma_start3A_313 = tpu.memref_squeeze %dma_start3A_312 : memref<1x128xi32, #tpu.memory_space<vmem>> -> memref<128xi32, #tpu.memory_space<vmem>>
      %dma_start3A_314 = arith.constant 0 : i32
      %dma_start3A_315 = arith.constant 0 : i32
      %dma_start3A_316 = tpu.memref_slice %arg14[%dma_start3A_314, %dma_start3A_315] : memref<10240x64xf32, #tpu.memory_space<vmem_shared>> -> memref<10240x64xf32, #tpu.memory_space<vmem_shared>>
      tpu.enqueue_indirect_dma source(%arg10 : memref<128x64xf32, #tpu.memory_space<vmem>>) target(%dma_start3A_316 : memref<10240x64xf32, #tpu.memory_space<vmem_shared>>) offsets(%dma_start3A_313 : memref<128xi32, #tpu.memory_space<vmem>>) semaphore(%arg20 : memref<!tpu.dma_semaphore, #tpu.memory_space<semaphore_mem>>) {add = true}
      %add3A_317 = arith.constant 2 : i32
      %add3A_318 = arith.addi %mul3A_288, %add3A_317 : i32
      %dma_wait3A_319 = arith.constant 0 : i32
      %dma_wait3A_320 = tpu.memref_slice %arg7[%add3A_318, %dma_wait3A_319] : memref<80x128xi32, #tpu.memory_space<vmem>> -> memref<1x128xi32, #tpu.memory_space<vmem>>
      %dma_wait3A_321 = tpu.memref_squeeze %dma_wait3A_320 : memref<1x128xi32, #tpu.memory_space<vmem>> -> memref<128xi32, #tpu.memory_space<vmem>>
      %dma_wait3A_322 = arith.constant 0 : i32
      %dma_wait3A_323 = arith.constant 0 : i32
      %dma_wait3A_324 = tpu.memref_slice %arg2[%dma_wait3A_322, %dma_wait3A_323] : memref<10240x64xf32, #tpu.memory_space<hbm>> -> memref<10240x64xf32, #tpu.memory_space<hbm>>
      tpu.wait_indirect_dma semaphore(%arg17 : memref<!tpu.dma_semaphore, #tpu.memory_space<semaphore_mem>>) src(%dma_wait3A_324 : memref<10240x64xf32, #tpu.memory_space<hbm>>) dst(%arg11 : memref<128x64xf32, #tpu.memory_space<vmem>>)
      %dma_start3A_325 = arith.constant 0 : i32
      %dma_start3A_326 = tpu.memref_slice %arg8[%add3A_318, %dma_start3A_325] : memref<80x128xi32, #tpu.memory_space<vmem>> -> memref<1x128xi32, #tpu.memory_space<vmem>>
      %dma_start3A_327 = tpu.memref_squeeze %dma_start3A_326 : memref<1x128xi32, #tpu.memory_space<vmem>> -> memref<128xi32, #tpu.memory_space<vmem>>
      %dma_start3A_328 = arith.constant 0 : i32
      %dma_start3A_329 = arith.constant 0 : i32
      %dma_start3A_330 = tpu.memref_slice %arg14[%dma_start3A_328, %dma_start3A_329] : memref<10240x64xf32, #tpu.memory_space<vmem_shared>> -> memref<10240x64xf32, #tpu.memory_space<vmem_shared>>
      tpu.enqueue_indirect_dma source(%arg11 : memref<128x64xf32, #tpu.memory_space<vmem>>) target(%dma_start3A_330 : memref<10240x64xf32, #tpu.memory_space<vmem_shared>>) offsets(%dma_start3A_327 : memref<128xi32, #tpu.memory_space<vmem>>) semaphore(%arg21 : memref<!tpu.dma_semaphore, #tpu.memory_space<semaphore_mem>>) {add = true}
      %add3A_331 = arith.constant 3 : i32
      %add3A_332 = arith.addi %mul3A_288, %add3A_331 : i32
      %dma_wait3A_333 = arith.constant 0 : i32
      %dma_wait3A_334 = tpu.memref_slice %arg7[%add3A_332, %dma_wait3A_333] : memref<80x128xi32, #tpu.memory_space<vmem>> -> memref<1x128xi32, #tpu.memory_space<vmem>>
      %dma_wait3A_335 = tpu.memref_squeeze %dma_wait3A_334 : memref<1x128xi32, #tpu.memory_space<vmem>> -> memref<128xi32, #tpu.memory_space<vmem>>
      %dma_wait3A_336 = arith.constant 0 : i32
      %dma_wait3A_337 = arith.constant 0 : i32
      %dma_wait3A_338 = tpu.memref_slice %arg2[%dma_wait3A_336, %dma_wait3A_337] : memref<10240x64xf32, #tpu.memory_space<hbm>> -> memref<10240x64xf32, #tpu.memory_space<hbm>>
      tpu.wait_indirect_dma semaphore(%arg18 : memref<!tpu.dma_semaphore, #tpu.memory_space<semaphore_mem>>) src(%dma_wait3A_338 : memref<10240x64xf32, #tpu.memory_space<hbm>>) dst(%arg12 : memref<128x64xf32, #tpu.memory_space<vmem>>)
      %dma_start3A_339 = arith.constant 0 : i32
      %dma_start3A_340 = tpu.memref_slice %arg8[%add3A_332, %dma_start3A_339] : memref<80x128xi32, #tpu.memory_space<vmem>> -> memref<1x128xi32, #tpu.memory_space<vmem>>
      %dma_start3A_341 = tpu.memref_squeeze %dma_start3A_340 : memref<1x128xi32, #tpu.memory_space<vmem>> -> memref<128xi32, #tpu.memory_space<vmem>>
      %dma_start3A_342 = arith.constant 0 : i32
      %dma_start3A_343 = arith.constant 0 : i32
      %dma_start3A_344 = tpu.memref_slice %arg14[%dma_start3A_342, %dma_start3A_343] : memref<10240x64xf32, #tpu.memory_space<vmem_shared>> -> memref<10240x64xf32, #tpu.memory_space<vmem_shared>>
      tpu.enqueue_indirect_dma source(%arg12 : memref<128x64xf32, #tpu.memory_space<vmem>>) target(%dma_start3A_344 : memref<10240x64xf32, #tpu.memory_space<vmem_shared>>) offsets(%dma_start3A_341 : memref<128xi32, #tpu.memory_space<vmem>>) semaphore(%arg22 : memref<!tpu.dma_semaphore, #tpu.memory_space<semaphore_mem>>) {add = true}
      %add3A_345 = arith.constant 0 : i32
      %add3A_346 = arith.addi %mul3A_288, %add3A_345 : i32
      %dma_wait3A_347 = arith.constant 0 : i32
      %dma_wait3A_348 = tpu.memref_slice %arg8[%add3A_346, %dma_wait3A_347] : memref<80x128xi32, #tpu.memory_space<vmem>> -> memref<1x128xi32, #tpu.memory_space<vmem>>
      %dma_wait3A_349 = tpu.memref_squeeze %dma_wait3A_348 : memref<1x128xi32, #tpu.memory_space<vmem>> -> memref<128xi32, #tpu.memory_space<vmem>>
      %dma_wait3A_350 = arith.constant 0 : i32
      %dma_wait3A_351 = arith.constant 0 : i32
      %dma_wait3A_352 = tpu.memref_slice %arg14[%dma_wait3A_350, %dma_wait3A_351] : memref<10240x64xf32, #tpu.memory_space<vmem_shared>> -> memref<10240x64xf32, #tpu.memory_space<vmem_shared>>
      tpu.wait_indirect_dma semaphore(%arg19 : memref<!tpu.dma_semaphore, #tpu.memory_space<semaphore_mem>>) src(%arg9 : memref<128x64xf32, #tpu.memory_space<vmem>>) dst(%dma_wait3A_352 : memref<10240x64xf32, #tpu.memory_space<vmem_shared>>)
      %add3A_353 = arith.constant 4 : i32
      %add3A_354 = arith.addi %add3A_346, %add3A_353 : i32
      %dma_start3A_355 = arith.constant 0 : i32
      %dma_start3A_356 = tpu.memref_slice %arg7[%add3A_354, %dma_start3A_355] : memref<80x128xi32, #tpu.memory_space<vmem>> -> memref<1x128xi32, #tpu.memory_space<vmem>>
      %dma_start3A_357 = tpu.memref_squeeze %dma_start3A_356 : memref<1x128xi32, #tpu.memory_space<vmem>> -> memref<128xi32, #tpu.memory_space<vmem>>
      %dma_start3A_358 = arith.constant 0 : i32
      %dma_start3A_359 = arith.constant 0 : i32
      %dma_start3A_360 = tpu.memref_slice %arg2[%dma_start3A_358, %dma_start3A_359] : memref<10240x64xf32, #tpu.memory_space<hbm>> -> memref<10240x64xf32, #tpu.memory_space<hbm>>
      tpu.enqueue_indirect_dma source(%dma_start3A_360 : memref<10240x64xf32, #tpu.memory_space<hbm>>) target(%arg9 : memref<128x64xf32, #tpu.memory_space<vmem>>) offsets(%dma_start3A_357 : memref<128xi32, #tpu.memory_space<vmem>>) semaphore(%arg15 : memref<!tpu.dma_semaphore, #tpu.memory_space<semaphore_mem>>)
      %add3A_361 = arith.constant 1 : i32
      %add3A_362 = arith.addi %mul3A_288, %add3A_361 : i32
      %dma_wait3A_363 = arith.constant 0 : i32
      %dma_wait3A_364 = tpu.memref_slice %arg8[%add3A_362, %dma_wait3A_363] : memref<80x128xi32, #tpu.memory_space<vmem>> -> memref<1x128xi32, #tpu.memory_space<vmem>>
      %dma_wait3A_365 = tpu.memref_squeeze %dma_wait3A_364 : memref<1x128xi32, #tpu.memory_space<vmem>> -> memref<128xi32, #tpu.memory_space<vmem>>
      %dma_wait3A_366 = arith.constant 0 : i32
      %dma_wait3A_367 = arith.constant 0 : i32
      %dma_wait3A_368 = tpu.memref_slice %arg14[%dma_wait3A_366, %dma_wait3A_367] : memref<10240x64xf32, #tpu.memory_space<vmem_shared>> -> memref<10240x64xf32, #tpu.memory_space<vmem_shared>>
      tpu.wait_indirect_dma semaphore(%arg20 : memref<!tpu.dma_semaphore, #tpu.memory_space<semaphore_mem>>) src(%arg10 : memref<128x64xf32, #tpu.memory_space<vmem>>) dst(%dma_wait3A_368 : memref<10240x64xf32, #tpu.memory_space<vmem_shared>>)
      %add3A_369 = arith.constant 4 : i32
      %add3A_370 = arith.addi %add3A_362, %add3A_369 : i32
      %dma_start3A_371 = arith.constant 0 : i32
      %dma_start3A_372 = tpu.memref_slice %arg7[%add3A_370, %dma_start3A_371] : memref<80x128xi32, #tpu.memory_space<vmem>> -> memref<1x128xi32, #tpu.memory_space<vmem>>
      %dma_start3A_373 = tpu.memref_squeeze %dma_start3A_372 : memref<1x128xi32, #tpu.memory_space<vmem>> -> memref<128xi32, #tpu.memory_space<vmem>>
      %dma_start3A_374 = arith.constant 0 : i32
      %dma_start3A_375 = arith.constant 0 : i32
      %dma_start3A_376 = tpu.memref_slice %arg2[%dma_start3A_374, %dma_start3A_375] : memref<10240x64xf32, #tpu.memory_space<hbm>> -> memref<10240x64xf32, #tpu.memory_space<hbm>>
      tpu.enqueue_indirect_dma source(%dma_start3A_376 : memref<10240x64xf32, #tpu.memory_space<hbm>>) target(%arg10 : memref<128x64xf32, #tpu.memory_space<vmem>>) offsets(%dma_start3A_373 : memref<128xi32, #tpu.memory_space<vmem>>) semaphore(%arg16 : memref<!tpu.dma_semaphore, #tpu.memory_space<semaphore_mem>>)
      %add3A_377 = arith.constant 2 : i32
      %add3A_378 = arith.addi %mul3A_288, %add3A_377 : i32
      %dma_wait3A_379 = arith.constant 0 : i32
      %dma_wait3A_380 = tpu.memref_slice %arg8[%add3A_378, %dma_wait3A_379] : memref<80x128xi32, #tpu.memory_space<vmem>> -> memref<1x128xi32, #tpu.memory_space<vmem>>
      %dma_wait3A_381 = tpu.memref_squeeze %dma_wait3A_380 : memref<1x128xi32, #tpu.memory_space<vmem>> -> memref<128xi32, #tpu.memory_space<vmem>>
      %dma_wait3A_382 = arith.constant 0 : i32
      %dma_wait3A_383 = arith.constant 0 : i32
      %dma_wait3A_384 = tpu.memref_slice %arg14[%dma_wait3A_382, %dma_wait3A_383] : memref<10240x64xf32, #tpu.memory_space<vmem_shared>> -> memref<10240x64xf32, #tpu.memory_space<vmem_shared>>
      tpu.wait_indirect_dma semaphore(%arg21 : memref<!tpu.dma_semaphore, #tpu.memory_space<semaphore_mem>>) src(%arg11 : memref<128x64xf32, #tpu.memory_space<vmem>>) dst(%dma_wait3A_384 : memref<10240x64xf32, #tpu.memory_space<vmem_shared>>)
      %add3A_385 = arith.constant 4 : i32
      %add3A_386 = arith.addi %add3A_378, %add3A_385 : i32
      %dma_start3A_387 = arith.constant 0 : i32
      %dma_start3A_388 = tpu.memref_slice %arg7[%add3A_386, %dma_start3A_387] : memref<80x128xi32, #tpu.memory_space<vmem>> -> memref<1x128xi32, #tpu.memory_space<vmem>>
      %dma_start3A_389 = tpu.memref_squeeze %dma_start3A_388 : memref<1x128xi32, #tpu.memory_space<vmem>> -> memref<128xi32, #tpu.memory_space<vmem>>
      %dma_start3A_390 = arith.constant 0 : i32
      %dma_start3A_391 = arith.constant 0 : i32
      %dma_start3A_392 = tpu.memref_slice %arg2[%dma_start3A_390, %dma_start3A_391] : memref<10240x64xf32, #tpu.memory_space<hbm>> -> memref<10240x64xf32, #tpu.memory_space<hbm>>
      tpu.enqueue_indirect_dma source(%dma_start3A_392 : memref<10240x64xf32, #tpu.memory_space<hbm>>) target(%arg11 : memref<128x64xf32, #tpu.memory_space<vmem>>) offsets(%dma_start3A_389 : memref<128xi32, #tpu.memory_space<vmem>>) semaphore(%arg17 : memref<!tpu.dma_semaphore, #tpu.memory_space<semaphore_mem>>)
      %add3A_393 = arith.constant 3 : i32
      %add3A_394 = arith.addi %mul3A_288, %add3A_393 : i32
      %dma_wait3A_395 = arith.constant 0 : i32
      %dma_wait3A_396 = tpu.memref_slice %arg8[%add3A_394, %dma_wait3A_395] : memref<80x128xi32, #tpu.memory_space<vmem>> -> memref<1x128xi32, #tpu.memory_space<vmem>>
      %dma_wait3A_397 = tpu.memref_squeeze %dma_wait3A_396 : memref<1x128xi32, #tpu.memory_space<vmem>> -> memref<128xi32, #tpu.memory_space<vmem>>
      %dma_wait3A_398 = arith.constant 0 : i32
      %dma_wait3A_399 = arith.constant 0 : i32
      %dma_wait3A_400 = tpu.memref_slice %arg14[%dma_wait3A_398, %dma_wait3A_399] : memref<10240x64xf32, #tpu.memory_space<vmem_shared>> -> memref<10240x64xf32, #tpu.memory_space<vmem_shared>>
      tpu.wait_indirect_dma semaphore(%arg22 : memref<!tpu.dma_semaphore, #tpu.memory_space<semaphore_mem>>) src(%arg12 : memref<128x64xf32, #tpu.memory_space<vmem>>) dst(%dma_wait3A_400 : memref<10240x64xf32, #tpu.memory_space<vmem_shared>>)
      %add3A_401 = arith.constant 4 : i32
      %add3A_402 = arith.addi %add3A_394, %add3A_401 : i32
      %dma_start3A_403 = arith.constant 0 : i32
      %dma_start3A_404 = tpu.memref_slice %arg7[%add3A_402, %dma_start3A_403] : memref<80x128xi32, #tpu.memory_space<vmem>> -> memref<1x128xi32, #tpu.memory_space<vmem>>
      %dma_start3A_405 = tpu.memref_squeeze %dma_start3A_404 : memref<1x128xi32, #tpu.memory_space<vmem>> -> memref<128xi32, #tpu.memory_space<vmem>>
      %dma_start3A_406 = arith.constant 0 : i32
      %dma_start3A_407 = arith.constant 0 : i32
      %dma_start3A_408 = tpu.memref_slice %arg2[%dma_start3A_406, %dma_start3A_407] : memref<10240x64xf32, #tpu.memory_space<hbm>> -> memref<10240x64xf32, #tpu.memory_space<hbm>>
      tpu.enqueue_indirect_dma source(%dma_start3A_408 : memref<10240x64xf32, #tpu.memory_space<hbm>>) target(%arg12 : memref<128x64xf32, #tpu.memory_space<vmem>>) offsets(%dma_start3A_405 : memref<128xi32, #tpu.memory_space<vmem>>) semaphore(%arg18 : memref<!tpu.dma_semaphore, #tpu.memory_space<semaphore_mem>>)
      %scan3A_409 = arith.constant 0 : i32
      scf.yield %scan3A_409 : i32
    }
    %scan3A_49 = arith.constant 19 : i32
    %dma_wait3A = arith.constant 76 : i32
    %dma_wait3A_50 = arith.constant 0 : i32
    %dma_wait3A_51 = tpu.memref_slice %arg7[%dma_wait3A, %dma_wait3A_50] : memref<80x128xi32, #tpu.memory_space<vmem>> -> memref<1x128xi32, #tpu.memory_space<vmem>>
    %dma_wait3A_52 = tpu.memref_squeeze %dma_wait3A_51 : memref<1x128xi32, #tpu.memory_space<vmem>> -> memref<128xi32, #tpu.memory_space<vmem>>
    %dma_wait3A_53 = arith.constant 0 : i32
    %dma_wait3A_54 = arith.constant 0 : i32
    %dma_wait3A_55 = tpu.memref_slice %arg2[%dma_wait3A_53, %dma_wait3A_54] : memref<10240x64xf32, #tpu.memory_space<hbm>> -> memref<10240x64xf32, #tpu.memory_space<hbm>>
    tpu.wait_indirect_dma semaphore(%arg15 : memref<!tpu.dma_semaphore, #tpu.memory_space<semaphore_mem>>) src(%dma_wait3A_55 : memref<10240x64xf32, #tpu.memory_space<hbm>>) dst(%arg9 : memref<128x64xf32, #tpu.memory_space<vmem>>)
    %dma_start3A_56 = arith.constant 76 : i32
    %dma_start3A_57 = arith.constant 0 : i32
    %dma_start3A_58 = tpu.memref_slice %arg8[%dma_start3A_56, %dma_start3A_57] : memref<80x128xi32, #tpu.memory_space<vmem>> -> memref<1x128xi32, #tpu.memory_space<vmem>>
    %dma_start3A_59 = tpu.memref_squeeze %dma_start3A_58 : memref<1x128xi32, #tpu.memory_space<vmem>> -> memref<128xi32, #tpu.memory_space<vmem>>
    %dma_start3A_60 = arith.constant 0 : i32
    %dma_start3A_61 = arith.constant 0 : i32
    %dma_start3A_62 = tpu.memref_slice %arg14[%dma_start3A_60, %dma_start3A_61] : memref<10240x64xf32, #tpu.memory_space<vmem_shared>> -> memref<10240x64xf32, #tpu.memory_space<vmem_shared>>
    tpu.enqueue_indirect_dma source(%arg9 : memref<128x64xf32, #tpu.memory_space<vmem>>) target(%dma_start3A_62 : memref<10240x64xf32, #tpu.memory_space<vmem_shared>>) offsets(%dma_start3A_59 : memref<128xi32, #tpu.memory_space<vmem>>) semaphore(%arg19 : memref<!tpu.dma_semaphore, #tpu.memory_space<semaphore_mem>>) {add = true}
    %dma_wait3A_63 = arith.constant 77 : i32
    %dma_wait3A_64 = arith.constant 0 : i32
    %dma_wait3A_65 = tpu.memref_slice %arg7[%dma_wait3A_63, %dma_wait3A_64] : memref<80x128xi32, #tpu.memory_space<vmem>> -> memref<1x128xi32, #tpu.memory_space<vmem>>
    %dma_wait3A_66 = tpu.memref_squeeze %dma_wait3A_65 : memref<1x128xi32, #tpu.memory_space<vmem>> -> memref<128xi32, #tpu.memory_space<vmem>>
    %dma_wait3A_67 = arith.constant 0 : i32
    %dma_wait3A_68 = arith.constant 0 : i32
    %dma_wait3A_69 = tpu.memref_slice %arg2[%dma_wait3A_67, %dma_wait3A_68] : memref<10240x64xf32, #tpu.memory_space<hbm>> -> memref<10240x64xf32, #tpu.memory_space<hbm>>
    tpu.wait_indirect_dma semaphore(%arg16 : memref<!tpu.dma_semaphore, #tpu.memory_space<semaphore_mem>>) src(%dma_wait3A_69 : memref<10240x64xf32, #tpu.memory_space<hbm>>) dst(%arg10 : memref<128x64xf32, #tpu.memory_space<vmem>>)
    %dma_start3A_70 = arith.constant 77 : i32
    %dma_start3A_71 = arith.constant 0 : i32
    %dma_start3A_72 = tpu.memref_slice %arg8[%dma_start3A_70, %dma_start3A_71] : memref<80x128xi32, #tpu.memory_space<vmem>> -> memref<1x128xi32, #tpu.memory_space<vmem>>
    %dma_start3A_73 = tpu.memref_squeeze %dma_start3A_72 : memref<1x128xi32, #tpu.memory_space<vmem>> -> memref<128xi32, #tpu.memory_space<vmem>>
    %dma_start3A_74 = arith.constant 0 : i32
    %dma_start3A_75 = arith.constant 0 : i32
    %dma_start3A_76 = tpu.memref_slice %arg14[%dma_start3A_74, %dma_start3A_75] : memref<10240x64xf32, #tpu.memory_space<vmem_shared>> -> memref<10240x64xf32, #tpu.memory_space<vmem_shared>>
    tpu.enqueue_indirect_dma source(%arg10 : memref<128x64xf32, #tpu.memory_space<vmem>>) target(%dma_start3A_76 : memref<10240x64xf32, #tpu.memory_space<vmem_shared>>) offsets(%dma_start3A_73 : memref<128xi32, #tpu.memory_space<vmem>>) semaphore(%arg20 : memref<!tpu.dma_semaphore, #tpu.memory_space<semaphore_mem>>) {add = true}
    %dma_wait3A_77 = arith.constant 78 : i32
    %dma_wait3A_78 = arith.constant 0 : i32
    %dma_wait3A_79 = tpu.memref_slice %arg7[%dma_wait3A_77, %dma_wait3A_78] : memref<80x128xi32, #tpu.memory_space<vmem>> -> memref<1x128xi32, #tpu.memory_space<vmem>>
    %dma_wait3A_80 = tpu.memref_squeeze %dma_wait3A_79 : memref<1x128xi32, #tpu.memory_space<vmem>> -> memref<128xi32, #tpu.memory_space<vmem>>
    %dma_wait3A_81 = arith.constant 0 : i32
    %dma_wait3A_82 = arith.constant 0 : i32
    %dma_wait3A_83 = tpu.memref_slice %arg2[%dma_wait3A_81, %dma_wait3A_82] : memref<10240x64xf32, #tpu.memory_space<hbm>> -> memref<10240x64xf32, #tpu.memory_space<hbm>>
    tpu.wait_indirect_dma semaphore(%arg17 : memref<!tpu.dma_semaphore, #tpu.memory_space<semaphore_mem>>) src(%dma_wait3A_83 : memref<10240x64xf32, #tpu.memory_space<hbm>>) dst(%arg11 : memref<128x64xf32, #tpu.memory_space<vmem>>)
    %dma_start3A_84 = arith.constant 78 : i32
    %dma_start3A_85 = arith.constant 0 : i32
    %dma_start3A_86 = tpu.memref_slice %arg8[%dma_start3A_84, %dma_start3A_85] : memref<80x128xi32, #tpu.memory_space<vmem>> -> memref<1x128xi32, #tpu.memory_space<vmem>>
    %dma_start3A_87 = tpu.memref_squeeze %dma_start3A_86 : memref<1x128xi32, #tpu.memory_space<vmem>> -> memref<128xi32, #tpu.memory_space<vmem>>
    %dma_start3A_88 = arith.constant 0 : i32
    %dma_start3A_89 = arith.constant 0 : i32
    %dma_start3A_90 = tpu.memref_slice %arg14[%dma_start3A_88, %dma_start3A_89] : memref<10240x64xf32, #tpu.memory_space<vmem_shared>> -> memref<10240x64xf32, #tpu.memory_space<vmem_shared>>
    tpu.enqueue_indirect_dma source(%arg11 : memref<128x64xf32, #tpu.memory_space<vmem>>) target(%dma_start3A_90 : memref<10240x64xf32, #tpu.memory_space<vmem_shared>>) offsets(%dma_start3A_87 : memref<128xi32, #tpu.memory_space<vmem>>) semaphore(%arg21 : memref<!tpu.dma_semaphore, #tpu.memory_space<semaphore_mem>>) {add = true}
    %dma_wait3A_91 = arith.constant 79 : i32
    %dma_wait3A_92 = arith.constant 0 : i32
    %dma_wait3A_93 = tpu.memref_slice %arg7[%dma_wait3A_91, %dma_wait3A_92] : memref<80x128xi32, #tpu.memory_space<vmem>> -> memref<1x128xi32, #tpu.memory_space<vmem>>
    %dma_wait3A_94 = tpu.memref_squeeze %dma_wait3A_93 : memref<1x128xi32, #tpu.memory_space<vmem>> -> memref<128xi32, #tpu.memory_space<vmem>>
    %dma_wait3A_95 = arith.constant 0 : i32
    %dma_wait3A_96 = arith.constant 0 : i32
    %dma_wait3A_97 = tpu.memref_slice %arg2[%dma_wait3A_95, %dma_wait3A_96] : memref<10240x64xf32, #tpu.memory_space<hbm>> -> memref<10240x64xf32, #tpu.memory_space<hbm>>
    tpu.wait_indirect_dma semaphore(%arg18 : memref<!tpu.dma_semaphore, #tpu.memory_space<semaphore_mem>>) src(%dma_wait3A_97 : memref<10240x64xf32, #tpu.memory_space<hbm>>) dst(%arg12 : memref<128x64xf32, #tpu.memory_space<vmem>>)
    %dma_start3A_98 = arith.constant 79 : i32
    %dma_start3A_99 = arith.constant 0 : i32
    %dma_start3A_100 = tpu.memref_slice %arg8[%dma_start3A_98, %dma_start3A_99] : memref<80x128xi32, #tpu.memory_space<vmem>> -> memref<1x128xi32, #tpu.memory_space<vmem>>
    %dma_start3A_101 = tpu.memref_squeeze %dma_start3A_100 : memref<1x128xi32, #tpu.memory_space<vmem>> -> memref<128xi32, #tpu.memory_space<vmem>>
    %dma_start3A_102 = arith.constant 0 : i32
    %dma_start3A_103 = arith.constant 0 : i32
    %dma_start3A_104 = tpu.memref_slice %arg14[%dma_start3A_102, %dma_start3A_103] : memref<10240x64xf32, #tpu.memory_space<vmem_shared>> -> memref<10240x64xf32, #tpu.memory_space<vmem_shared>>
    tpu.enqueue_indirect_dma source(%arg12 : memref<128x64xf32, #tpu.memory_space<vmem>>) target(%dma_start3A_104 : memref<10240x64xf32, #tpu.memory_space<vmem_shared>>) offsets(%dma_start3A_101 : memref<128xi32, #tpu.memory_space<vmem>>) semaphore(%arg22 : memref<!tpu.dma_semaphore, #tpu.memory_space<semaphore_mem>>) {add = true}
    %dma_wait3A_105 = arith.constant 76 : i32
    %dma_wait3A_106 = arith.constant 0 : i32
    %dma_wait3A_107 = tpu.memref_slice %arg8[%dma_wait3A_105, %dma_wait3A_106] : memref<80x128xi32, #tpu.memory_space<vmem>> -> memref<1x128xi32, #tpu.memory_space<vmem>>
    %dma_wait3A_108 = tpu.memref_squeeze %dma_wait3A_107 : memref<1x128xi32, #tpu.memory_space<vmem>> -> memref<128xi32, #tpu.memory_space<vmem>>
    %dma_wait3A_109 = arith.constant 0 : i32
    %dma_wait3A_110 = arith.constant 0 : i32
    %dma_wait3A_111 = tpu.memref_slice %arg14[%dma_wait3A_109, %dma_wait3A_110] : memref<10240x64xf32, #tpu.memory_space<vmem_shared>> -> memref<10240x64xf32, #tpu.memory_space<vmem_shared>>
    tpu.wait_indirect_dma semaphore(%arg19 : memref<!tpu.dma_semaphore, #tpu.memory_space<semaphore_mem>>) src(%arg9 : memref<128x64xf32, #tpu.memory_space<vmem>>) dst(%dma_wait3A_111 : memref<10240x64xf32, #tpu.memory_space<vmem_shared>>)
    %dma_wait3A_112 = arith.constant 77 : i32
    %dma_wait3A_113 = arith.constant 0 : i32
    %dma_wait3A_114 = tpu.memref_slice %arg8[%dma_wait3A_112, %dma_wait3A_113] : memref<80x128xi32, #tpu.memory_space<vmem>> -> memref<1x128xi32, #tpu.memory_space<vmem>>
    %dma_wait3A_115 = tpu.memref_squeeze %dma_wait3A_114 : memref<1x128xi32, #tpu.memory_space<vmem>> -> memref<128xi32, #tpu.memory_space<vmem>>
    %dma_wait3A_116 = arith.constant 0 : i32
    %dma_wait3A_117 = arith.constant 0 : i32
    %dma_wait3A_118 = tpu.memref_slice %arg14[%dma_wait3A_116, %dma_wait3A_117] : memref<10240x64xf32, #tpu.memory_space<vmem_shared>> -> memref<10240x64xf32, #tpu.memory_space<vmem_shared>>
    tpu.wait_indirect_dma semaphore(%arg20 : memref<!tpu.dma_semaphore, #tpu.memory_space<semaphore_mem>>) src(%arg10 : memref<128x64xf32, #tpu.memory_space<vmem>>) dst(%dma_wait3A_118 : memref<10240x64xf32, #tpu.memory_space<vmem_shared>>)
    %dma_wait3A_119 = arith.constant 78 : i32
    %dma_wait3A_120 = arith.constant 0 : i32
    %dma_wait3A_121 = tpu.memref_slice %arg8[%dma_wait3A_119, %dma_wait3A_120] : memref<80x128xi32, #tpu.memory_space<vmem>> -> memref<1x128xi32, #tpu.memory_space<vmem>>
    %dma_wait3A_122 = tpu.memref_squeeze %dma_wait3A_121 : memref<1x128xi32, #tpu.memory_space<vmem>> -> memref<128xi32, #tpu.memory_space<vmem>>
    %dma_wait3A_123 = arith.constant 0 : i32
    %dma_wait3A_124 = arith.constant 0 : i32
    %dma_wait3A_125 = tpu.memref_slice %arg14[%dma_wait3A_123, %dma_wait3A_124] : memref<10240x64xf32, #tpu.memory_space<vmem_shared>> -> memref<10240x64xf32, #tpu.memory_space<vmem_shared>>
    tpu.wait_indirect_dma semaphore(%arg21 : memref<!tpu.dma_semaphore, #tpu.memory_space<semaphore_mem>>) src(%arg11 : memref<128x64xf32, #tpu.memory_space<vmem>>) dst(%dma_wait3A_125 : memref<10240x64xf32, #tpu.memory_space<vmem_shared>>)
    %dma_wait3A_126 = arith.constant 79 : i32
    %dma_wait3A_127 = arith.constant 0 : i32
    %dma_wait3A_128 = tpu.memref_slice %arg8[%dma_wait3A_126, %dma_wait3A_127] : memref<80x128xi32, #tpu.memory_space<vmem>> -> memref<1x128xi32, #tpu.memory_space<vmem>>
    %dma_wait3A_129 = tpu.memref_squeeze %dma_wait3A_128 : memref<1x128xi32, #tpu.memory_space<vmem>> -> memref<128xi32, #tpu.memory_space<vmem>>
    %dma_wait3A_130 = arith.constant 0 : i32
    %dma_wait3A_131 = arith.constant 0 : i32
    %dma_wait3A_132 = tpu.memref_slice %arg14[%dma_wait3A_130, %dma_wait3A_131] : memref<10240x64xf32, #tpu.memory_space<vmem_shared>> -> memref<10240x64xf32, #tpu.memory_space<vmem_shared>>
    tpu.wait_indirect_dma semaphore(%arg22 : memref<!tpu.dma_semaphore, #tpu.memory_space<semaphore_mem>>) src(%arg12 : memref<128x64xf32, #tpu.memory_space<vmem>>) dst(%dma_wait3A_132 : memref<10240x64xf32, #tpu.memory_space<vmem_shared>>)
    %barrier3A_133 = arith.constant 0 : index
    tpu.barrier barrier_id(%barrier3A_133)
    %eq3A_134 = arith.constant 0 : i32
    %eq3A_135 = arith.cmpi eq, %arg0, %eq3A_134 : i32
    %convert_element_type3A_136 = arith.extui %eq3A_135 : i1 to i32
    %cond3A_137 = arith.constant 0 : i32
    %cond3A_138 = arith.cmpi ne, %convert_element_type3A_136, %cond3A_137 : i32
    scf.if %cond3A_138 {
      %mul3A_285 = arith.constant 640 : i32
      %mul3A_286 = arith.muli %arg1, %mul3A_285 : i32
      %mul3A_287 = arith.constant 640 : i32
      %mul3A_288 = arith.muli %arg1, %mul3A_287 : i32
      %run_scoped3A = arith.constant 0 : i32
      "tpu.region"() ({
        %run_scoped3A_289 = tpu.sem_alloc : memref<!tpu.dma_semaphore, #tpu.memory_space<semaphore_mem>>
        %dma_start3A_290 = arith.constant 0 : i32
        %dma_start3A_291 = tpu.memref_slice %arg6[%run_scoped3A, %mul3A_288, %dma_start3A_290] : memref<2x10240x128xf32, #tpu.memory_space<hbm>> -> memref<1x640x64xf32, #tpu.memory_space<hbm>>
        %dma_start3A_292 = tpu.memref_squeeze %dma_start3A_291 : memref<1x640x64xf32, #tpu.memory_space<hbm>> -> memref<640x64xf32, #tpu.memory_space<hbm>>
        %dma_start3A_293 = arith.constant 0 : i32
        %dma_start3A_294 = tpu.memref_slice %arg14[%mul3A_286, %dma_start3A_293] : memref<10240x64xf32, #tpu.memory_space<vmem_shared>> -> memref<640x64xf32, #tpu.memory_space<vmem_shared>>
        tpu.enqueue_dma source(%dma_start3A_294 : memref<640x64xf32, #tpu.memory_space<vmem_shared>>) target(%dma_start3A_292 : memref<640x64xf32, #tpu.memory_space<hbm>>) target_semaphore(%run_scoped3A_289 : memref<!tpu.dma_semaphore, #tpu.memory_space<semaphore_mem>>)
        %dma_wait3A_295 = arith.constant 0 : i32
        %dma_wait3A_296 = tpu.memref_slice %arg6[%run_scoped3A, %mul3A_288, %dma_wait3A_295] : memref<2x10240x128xf32, #tpu.memory_space<hbm>> -> memref<1x640x64xf32, #tpu.memory_space<hbm>>
        %dma_wait3A_297 = tpu.memref_squeeze %dma_wait3A_296 : memref<1x640x64xf32, #tpu.memory_space<hbm>> -> memref<640x64xf32, #tpu.memory_space<hbm>>
        %dma_wait3A_298 = arith.constant 0 : i32
        %dma_wait3A_299 = tpu.memref_slice %arg14[%mul3A_286, %dma_wait3A_298] : memref<10240x64xf32, #tpu.memory_space<vmem_shared>> -> memref<640x64xf32, #tpu.memory_space<vmem_shared>>
        tpu.wait_dma2 semaphore(%run_scoped3A_289 : memref<!tpu.dma_semaphore, #tpu.memory_space<semaphore_mem>>) src(%dma_wait3A_299 : memref<640x64xf32, #tpu.memory_space<vmem_shared>>) dst(%dma_wait3A_297 : memref<640x64xf32, #tpu.memory_space<hbm>>)
        tpu.yield
      }) : () -> ()
    } else {
    }
    %ne3A_139 = arith.constant 0 : i32
    %ne3A_140 = arith.cmpi ne, %arg0, %ne3A_139 : i32
    %convert_element_type3A_141 = arith.extui %ne3A_140 : i1 to i32
    %cond3A_142 = arith.constant 0 : i32
    %cond3A_143 = arith.cmpi ne, %convert_element_type3A_141, %cond3A_142 : i32
    scf.if %cond3A_143 {
      %mul3A_285 = arith.constant 640 : i32
      %mul3A_286 = arith.muli %arg1, %mul3A_285 : i32
      %mul3A_287 = arith.constant 640 : i32
      %mul3A_288 = arith.muli %arg1, %mul3A_287 : i32
      %run_scoped3A = arith.constant 0 : i32
      "tpu.region"() ({
        %run_scoped3A_289 = tpu.sem_alloc : memref<!tpu.dma_semaphore, #tpu.memory_space<semaphore_mem>>
        %dma_start3A_290 = arith.constant 64 : i32
        %dma_start3A_291 = tpu.memref_slice %arg6[%run_scoped3A, %mul3A_288, %dma_start3A_290] : memref<2x10240x128xf32, #tpu.memory_space<hbm>> -> memref<1x640x64xf32, #tpu.memory_space<hbm>>
        %dma_start3A_292 = tpu.memref_squeeze %dma_start3A_291 : memref<1x640x64xf32, #tpu.memory_space<hbm>> -> memref<640x64xf32, #tpu.memory_space<hbm>>
        %dma_start3A_293 = arith.constant 0 : i32
        %dma_start3A_294 = tpu.memref_slice %arg14[%mul3A_286, %dma_start3A_293] : memref<10240x64xf32, #tpu.memory_space<vmem_shared>> -> memref<640x64xf32, #tpu.memory_space<vmem_shared>>
        tpu.enqueue_dma source(%dma_start3A_294 : memref<640x64xf32, #tpu.memory_space<vmem_shared>>) target(%dma_start3A_292 : memref<640x64xf32, #tpu.memory_space<hbm>>) target_semaphore(%run_scoped3A_289 : memref<!tpu.dma_semaphore, #tpu.memory_space<semaphore_mem>>)
        %dma_wait3A_295 = arith.constant 64 : i32
        %dma_wait3A_296 = tpu.memref_slice %arg6[%run_scoped3A, %mul3A_288, %dma_wait3A_295] : memref<2x10240x128xf32, #tpu.memory_space<hbm>> -> memref<1x640x64xf32, #tpu.memory_space<hbm>>
        %dma_wait3A_297 = tpu.memref_squeeze %dma_wait3A_296 : memref<1x640x64xf32, #tpu.memory_space<hbm>> -> memref<640x64xf32, #tpu.memory_space<hbm>>
        %dma_wait3A_298 = arith.constant 0 : i32
        %dma_wait3A_299 = tpu.memref_slice %arg14[%mul3A_286, %dma_wait3A_298] : memref<10240x64xf32, #tpu.memory_space<vmem_shared>> -> memref<640x64xf32, #tpu.memory_space<vmem_shared>>
        tpu.wait_dma2 semaphore(%run_scoped3A_289 : memref<!tpu.dma_semaphore, #tpu.memory_space<semaphore_mem>>) src(%dma_wait3A_299 : memref<640x64xf32, #tpu.memory_space<vmem_shared>>) dst(%dma_wait3A_297 : memref<640x64xf32, #tpu.memory_space<hbm>>)
        tpu.yield
      }) : () -> ()
    } else {
    }
    %eq3A_144 = arith.constant 0 : i32
    %eq3A_145 = arith.cmpi eq, %arg0, %eq3A_144 : i32
    %convert_element_type3A_146 = arith.extui %eq3A_145 : i1 to i32
    %cond3A_147 = arith.constant 0 : i32
    %cond3A_148 = arith.cmpi ne, %convert_element_type3A_146, %cond3A_147 : i32
    scf.if %cond3A_148 {
      %mul3A_285 = arith.constant 640 : i32
      %mul3A_286 = arith.muli %arg1, %mul3A_285 : i32
      %mul3A_287 = arith.constant 640 : i32
      %mul3A_288 = arith.muli %arg1, %mul3A_287 : i32
      "tpu.region"() ({
        %run_scoped3A = tpu.sem_alloc : memref<!tpu.dma_semaphore, #tpu.memory_space<semaphore_mem>>
        %dma_start3A_289 = arith.constant 0 : i32
        %dma_start3A_290 = tpu.memref_slice %arg14[%mul3A_288, %dma_start3A_289] : memref<10240x64xf32, #tpu.memory_space<vmem_shared>> -> memref<640x64xf32, #tpu.memory_space<vmem_shared>>
        %dma_start3A_291 = arith.constant 0 : i32
        %dma_start3A_292 = tpu.memref_slice %arg3[%mul3A_286, %dma_start3A_291] : memref<10240x64xf32, #tpu.memory_space<hbm>> -> memref<640x64xf32, #tpu.memory_space<hbm>>
        tpu.enqueue_dma source(%dma_start3A_292 : memref<640x64xf32, #tpu.memory_space<hbm>>) target(%dma_start3A_290 : memref<640x64xf32, #tpu.memory_space<vmem_shared>>) target_semaphore(%run_scoped3A : memref<!tpu.dma_semaphore, #tpu.memory_space<semaphore_mem>>)
        %dma_wait3A_293 = arith.constant 0 : i32
        %dma_wait3A_294 = tpu.memref_slice %arg14[%mul3A_288, %dma_wait3A_293] : memref<10240x64xf32, #tpu.memory_space<vmem_shared>> -> memref<640x64xf32, #tpu.memory_space<vmem_shared>>
        %dma_wait3A_295 = arith.constant 0 : i32
        %dma_wait3A_296 = tpu.memref_slice %arg3[%mul3A_286, %dma_wait3A_295] : memref<10240x64xf32, #tpu.memory_space<hbm>> -> memref<640x64xf32, #tpu.memory_space<hbm>>
        tpu.wait_dma2 semaphore(%run_scoped3A : memref<!tpu.dma_semaphore, #tpu.memory_space<semaphore_mem>>) src(%dma_wait3A_296 : memref<640x64xf32, #tpu.memory_space<hbm>>) dst(%dma_wait3A_294 : memref<640x64xf32, #tpu.memory_space<vmem_shared>>)
        tpu.yield
      }) : () -> ()
    } else {
    }
    %ne3A_149 = arith.constant 0 : i32
    %ne3A_150 = arith.cmpi ne, %arg0, %ne3A_149 : i32
    %convert_element_type3A_151 = arith.extui %ne3A_150 : i1 to i32
    %cond3A_152 = arith.constant 0 : i32
    %cond3A_153 = arith.cmpi ne, %convert_element_type3A_151, %cond3A_152 : i32
    scf.if %cond3A_153 {
      %mul3A_285 = arith.constant 640 : i32
      %mul3A_286 = arith.muli %arg1, %mul3A_285 : i32
      %add3A_287 = arith.constant 0 : i32
      %add3A_288 = arith.addi %mul3A_286, %add3A_287 : i32
      "tpu.region"() ({
        %run_scoped3A = tpu.sem_alloc : memref<!tpu.dma_semaphore, #tpu.memory_space<semaphore_mem>>
        %dma_start3A_305 = arith.constant 0 : i32
        %dma_start3A_306 = tpu.memref_slice %arg14[%add3A_288, %dma_start3A_305] : memref<10240x64xf32, #tpu.memory_space<vmem_shared>> -> memref<128x64xf32, #tpu.memory_space<vmem_shared>>
        %dma_start3A_307 = arith.constant 0 : i32
        %dma_start3A_308 = tpu.memref_slice %arg14[%add3A_288, %dma_start3A_307] : memref<10240x64xf32, #tpu.memory_space<vmem_shared>> -> memref<128x64xf32, #tpu.memory_space<vmem_shared>>
        tpu.enqueue_dma source(%arg13 : memref<128x64xf32, #tpu.memory_space<vmem>>) target(%dma_start3A_308 : memref<128x64xf32, #tpu.memory_space<vmem_shared>>) target_semaphore(%run_scoped3A : memref<!tpu.dma_semaphore, #tpu.memory_space<semaphore_mem>>)
        %dma_wait3A_309 = arith.constant 0 : i32
        %dma_wait3A_310 = tpu.memref_slice %arg14[%add3A_288, %dma_wait3A_309] : memref<10240x64xf32, #tpu.memory_space<vmem_shared>> -> memref<128x64xf32, #tpu.memory_space<vmem_shared>>
        %dma_wait3A_311 = arith.constant 0 : i32
        %dma_wait3A_312 = tpu.memref_slice %arg14[%add3A_288, %dma_wait3A_311] : memref<10240x64xf32, #tpu.memory_space<vmem_shared>> -> memref<128x64xf32, #tpu.memory_space<vmem_shared>>
        tpu.wait_dma2 semaphore(%run_scoped3A : memref<!tpu.dma_semaphore, #tpu.memory_space<semaphore_mem>>) src(%arg13 : memref<128x64xf32, #tpu.memory_space<vmem>>) dst(%dma_wait3A_312 : memref<128x64xf32, #tpu.memory_space<vmem_shared>>)
        tpu.yield
      }) : () -> ()
      %mul3A_289 = arith.constant 640 : i32
      %mul3A_290 = arith.muli %arg1, %mul3A_289 : i32
      %add3A_291 = arith.constant 128 : i32
      %add3A_292 = arith.addi %mul3A_290, %add3A_291 : i32
      "tpu.region"() ({
        %run_scoped3A = tpu.sem_alloc : memref<!tpu.dma_semaphore, #tpu.memory_space<semaphore_mem>>
        %dma_start3A_305 = arith.constant 0 : i32
        %dma_start3A_306 = tpu.memref_slice %arg14[%add3A_292, %dma_start3A_305] : memref<10240x64xf32, #tpu.memory_space<vmem_shared>> -> memref<128x64xf32, #tpu.memory_space<vmem_shared>>
        %dma_start3A_307 = arith.constant 0 : i32
        %dma_start3A_308 = tpu.memref_slice %arg14[%add3A_292, %dma_start3A_307] : memref<10240x64xf32, #tpu.memory_space<vmem_shared>> -> memref<128x64xf32, #tpu.memory_space<vmem_shared>>
        tpu.enqueue_dma source(%arg13 : memref<128x64xf32, #tpu.memory_space<vmem>>) target(%dma_start3A_308 : memref<128x64xf32, #tpu.memory_space<vmem_shared>>) target_semaphore(%run_scoped3A : memref<!tpu.dma_semaphore, #tpu.memory_space<semaphore_mem>>)
        %dma_wait3A_309 = arith.constant 0 : i32
        %dma_wait3A_310 = tpu.memref_slice %arg14[%add3A_292, %dma_wait3A_309] : memref<10240x64xf32, #tpu.memory_space<vmem_shared>> -> memref<128x64xf32, #tpu.memory_space<vmem_shared>>
        %dma_wait3A_311 = arith.constant 0 : i32
        %dma_wait3A_312 = tpu.memref_slice %arg14[%add3A_292, %dma_wait3A_311] : memref<10240x64xf32, #tpu.memory_space<vmem_shared>> -> memref<128x64xf32, #tpu.memory_space<vmem_shared>>
        tpu.wait_dma2 semaphore(%run_scoped3A : memref<!tpu.dma_semaphore, #tpu.memory_space<semaphore_mem>>) src(%arg13 : memref<128x64xf32, #tpu.memory_space<vmem>>) dst(%dma_wait3A_312 : memref<128x64xf32, #tpu.memory_space<vmem_shared>>)
        tpu.yield
      }) : () -> ()
      %mul3A_293 = arith.constant 640 : i32
      %mul3A_294 = arith.muli %arg1, %mul3A_293 : i32
      %add3A_295 = arith.constant 256 : i32
      %add3A_296 = arith.addi %mul3A_294, %add3A_295 : i32
      "tpu.region"() ({
        %run_scoped3A = tpu.sem_alloc : memref<!tpu.dma_semaphore, #tpu.memory_space<semaphore_mem>>
        %dma_start3A_305 = arith.constant 0 : i32
        %dma_start3A_306 = tpu.memref_slice %arg14[%add3A_296, %dma_start3A_305] : memref<10240x64xf32, #tpu.memory_space<vmem_shared>> -> memref<128x64xf32, #tpu.memory_space<vmem_shared>>
        %dma_start3A_307 = arith.constant 0 : i32
        %dma_start3A_308 = tpu.memref_slice %arg14[%add3A_296, %dma_start3A_307] : memref<10240x64xf32, #tpu.memory_space<vmem_shared>> -> memref<128x64xf32, #tpu.memory_space<vmem_shared>>
        tpu.enqueue_dma source(%arg13 : memref<128x64xf32, #tpu.memory_space<vmem>>) target(%dma_start3A_308 : memref<128x64xf32, #tpu.memory_space<vmem_shared>>) target_semaphore(%run_scoped3A : memref<!tpu.dma_semaphore, #tpu.memory_space<semaphore_mem>>)
        %dma_wait3A_309 = arith.constant 0 : i32
        %dma_wait3A_310 = tpu.memref_slice %arg14[%add3A_296, %dma_wait3A_309] : memref<10240x64xf32, #tpu.memory_space<vmem_shared>> -> memref<128x64xf32, #tpu.memory_space<vmem_shared>>
        %dma_wait3A_311 = arith.constant 0 : i32
        %dma_wait3A_312 = tpu.memref_slice %arg14[%add3A_296, %dma_wait3A_311] : memref<10240x64xf32, #tpu.memory_space<vmem_shared>> -> memref<128x64xf32, #tpu.memory_space<vmem_shared>>
        tpu.wait_dma2 semaphore(%run_scoped3A : memref<!tpu.dma_semaphore, #tpu.memory_space<semaphore_mem>>) src(%arg13 : memref<128x64xf32, #tpu.memory_space<vmem>>) dst(%dma_wait3A_312 : memref<128x64xf32, #tpu.memory_space<vmem_shared>>)
        tpu.yield
      }) : () -> ()
      %mul3A_297 = arith.constant 640 : i32
      %mul3A_298 = arith.muli %arg1, %mul3A_297 : i32
      %add3A_299 = arith.constant 384 : i32
      %add3A_300 = arith.addi %mul3A_298, %add3A_299 : i32
      "tpu.region"() ({
        %run_scoped3A = tpu.sem_alloc : memref<!tpu.dma_semaphore, #tpu.memory_space<semaphore_mem>>
        %dma_start3A_305 = arith.constant 0 : i32
        %dma_start3A_306 = tpu.memref_slice %arg14[%add3A_300, %dma_start3A_305] : memref<10240x64xf32, #tpu.memory_space<vmem_shared>> -> memref<128x64xf32, #tpu.memory_space<vmem_shared>>
        %dma_start3A_307 = arith.constant 0 : i32
        %dma_start3A_308 = tpu.memref_slice %arg14[%add3A_300, %dma_start3A_307] : memref<10240x64xf32, #tpu.memory_space<vmem_shared>> -> memref<128x64xf32, #tpu.memory_space<vmem_shared>>
        tpu.enqueue_dma source(%arg13 : memref<128x64xf32, #tpu.memory_space<vmem>>) target(%dma_start3A_308 : memref<128x64xf32, #tpu.memory_space<vmem_shared>>) target_semaphore(%run_scoped3A : memref<!tpu.dma_semaphore, #tpu.memory_space<semaphore_mem>>)
        %dma_wait3A_309 = arith.constant 0 : i32
        %dma_wait3A_310 = tpu.memref_slice %arg14[%add3A_300, %dma_wait3A_309] : memref<10240x64xf32, #tpu.memory_space<vmem_shared>> -> memref<128x64xf32, #tpu.memory_space<vmem_shared>>
        %dma_wait3A_311 = arith.constant 0 : i32
        %dma_wait3A_312 = tpu.memref_slice %arg14[%add3A_300, %dma_wait3A_311] : memref<10240x64xf32, #tpu.memory_space<vmem_shared>> -> memref<128x64xf32, #tpu.memory_space<vmem_shared>>
        tpu.wait_dma2 semaphore(%run_scoped3A : memref<!tpu.dma_semaphore, #tpu.memory_space<semaphore_mem>>) src(%arg13 : memref<128x64xf32, #tpu.memory_space<vmem>>) dst(%dma_wait3A_312 : memref<128x64xf32, #tpu.memory_space<vmem_shared>>)
        tpu.yield
      }) : () -> ()
      %mul3A_301 = arith.constant 640 : i32
      %mul3A_302 = arith.muli %arg1, %mul3A_301 : i32
      %add3A_303 = arith.constant 512 : i32
      %add3A_304 = arith.addi %mul3A_302, %add3A_303 : i32
      "tpu.region"() ({
        %run_scoped3A = tpu.sem_alloc : memref<!tpu.dma_semaphore, #tpu.memory_space<semaphore_mem>>
        %dma_start3A_305 = arith.constant 0 : i32
        %dma_start3A_306 = tpu.memref_slice %arg14[%add3A_304, %dma_start3A_305] : memref<10240x64xf32, #tpu.memory_space<vmem_shared>> -> memref<128x64xf32, #tpu.memory_space<vmem_shared>>
        %dma_start3A_307 = arith.constant 0 : i32
        %dma_start3A_308 = tpu.memref_slice %arg14[%add3A_304, %dma_start3A_307] : memref<10240x64xf32, #tpu.memory_space<vmem_shared>> -> memref<128x64xf32, #tpu.memory_space<vmem_shared>>
        tpu.enqueue_dma source(%arg13 : memref<128x64xf32, #tpu.memory_space<vmem>>) target(%dma_start3A_308 : memref<128x64xf32, #tpu.memory_space<vmem_shared>>) target_semaphore(%run_scoped3A : memref<!tpu.dma_semaphore, #tpu.memory_space<semaphore_mem>>)
        %dma_wait3A_309 = arith.constant 0 : i32
        %dma_wait3A_310 = tpu.memref_slice %arg14[%add3A_304, %dma_wait3A_309] : memref<10240x64xf32, #tpu.memory_space<vmem_shared>> -> memref<128x64xf32, #tpu.memory_space<vmem_shared>>
        %dma_wait3A_311 = arith.constant 0 : i32
        %dma_wait3A_312 = tpu.memref_slice %arg14[%add3A_304, %dma_wait3A_311] : memref<10240x64xf32, #tpu.memory_space<vmem_shared>> -> memref<128x64xf32, #tpu.memory_space<vmem_shared>>
        tpu.wait_dma2 semaphore(%run_scoped3A : memref<!tpu.dma_semaphore, #tpu.memory_space<semaphore_mem>>) src(%arg13 : memref<128x64xf32, #tpu.memory_space<vmem>>) dst(%dma_wait3A_312 : memref<128x64xf32, #tpu.memory_space<vmem_shared>>)
        tpu.yield
      }) : () -> ()
    } else {
    }
    %barrier3A_154 = arith.constant 0 : index
    tpu.barrier barrier_id(%barrier3A_154)
    %dma_start3A_155 = arith.constant 0 : i32
    %dma_start3A_156 = arith.constant 0 : i32
    %dma_start3A_157 = tpu.memref_slice %arg7[%dma_start3A_155, %dma_start3A_156] : memref<80x128xi32, #tpu.memory_space<vmem>> -> memref<1x128xi32, #tpu.memory_space<vmem>>
    %dma_start3A_158 = tpu.memref_squeeze %dma_start3A_157 : memref<1x128xi32, #tpu.memory_space<vmem>> -> memref<128xi32, #tpu.memory_space<vmem>>
    %dma_start3A_159 = arith.constant 0 : i32
    %dma_start3A_160 = arith.constant 0 : i32
    %dma_start3A_161 = tpu.memref_slice %arg3[%dma_start3A_159, %dma_start3A_160] : memref<10240x64xf32, #tpu.memory_space<hbm>> -> memref<10240x64xf32, #tpu.memory_space<hbm>>
    tpu.enqueue_indirect_dma source(%dma_start3A_161 : memref<10240x64xf32, #tpu.memory_space<hbm>>) target(%arg9 : memref<128x64xf32, #tpu.memory_space<vmem>>) offsets(%dma_start3A_158 : memref<128xi32, #tpu.memory_space<vmem>>) semaphore(%arg15 : memref<!tpu.dma_semaphore, #tpu.memory_space<semaphore_mem>>)
    %dma_start3A_162 = arith.constant 1 : i32
    %dma_start3A_163 = arith.constant 0 : i32
    %dma_start3A_164 = tpu.memref_slice %arg7[%dma_start3A_162, %dma_start3A_163] : memref<80x128xi32, #tpu.memory_space<vmem>> -> memref<1x128xi32, #tpu.memory_space<vmem>>
    %dma_start3A_165 = tpu.memref_squeeze %dma_start3A_164 : memref<1x128xi32, #tpu.memory_space<vmem>> -> memref<128xi32, #tpu.memory_space<vmem>>
    %dma_start3A_166 = arith.constant 0 : i32
    %dma_start3A_167 = arith.constant 0 : i32
    %dma_start3A_168 = tpu.memref_slice %arg3[%dma_start3A_166, %dma_start3A_167] : memref<10240x64xf32, #tpu.memory_space<hbm>> -> memref<10240x64xf32, #tpu.memory_space<hbm>>
    tpu.enqueue_indirect_dma source(%dma_start3A_168 : memref<10240x64xf32, #tpu.memory_space<hbm>>) target(%arg10 : memref<128x64xf32, #tpu.memory_space<vmem>>) offsets(%dma_start3A_165 : memref<128xi32, #tpu.memory_space<vmem>>) semaphore(%arg16 : memref<!tpu.dma_semaphore, #tpu.memory_space<semaphore_mem>>)
    %dma_start3A_169 = arith.constant 2 : i32
    %dma_start3A_170 = arith.constant 0 : i32
    %dma_start3A_171 = tpu.memref_slice %arg7[%dma_start3A_169, %dma_start3A_170] : memref<80x128xi32, #tpu.memory_space<vmem>> -> memref<1x128xi32, #tpu.memory_space<vmem>>
    %dma_start3A_172 = tpu.memref_squeeze %dma_start3A_171 : memref<1x128xi32, #tpu.memory_space<vmem>> -> memref<128xi32, #tpu.memory_space<vmem>>
    %dma_start3A_173 = arith.constant 0 : i32
    %dma_start3A_174 = arith.constant 0 : i32
    %dma_start3A_175 = tpu.memref_slice %arg3[%dma_start3A_173, %dma_start3A_174] : memref<10240x64xf32, #tpu.memory_space<hbm>> -> memref<10240x64xf32, #tpu.memory_space<hbm>>
    tpu.enqueue_indirect_dma source(%dma_start3A_175 : memref<10240x64xf32, #tpu.memory_space<hbm>>) target(%arg11 : memref<128x64xf32, #tpu.memory_space<vmem>>) offsets(%dma_start3A_172 : memref<128xi32, #tpu.memory_space<vmem>>) semaphore(%arg17 : memref<!tpu.dma_semaphore, #tpu.memory_space<semaphore_mem>>)
    %dma_start3A_176 = arith.constant 3 : i32
    %dma_start3A_177 = arith.constant 0 : i32
    %dma_start3A_178 = tpu.memref_slice %arg7[%dma_start3A_176, %dma_start3A_177] : memref<80x128xi32, #tpu.memory_space<vmem>> -> memref<1x128xi32, #tpu.memory_space<vmem>>
    %dma_start3A_179 = tpu.memref_squeeze %dma_start3A_178 : memref<1x128xi32, #tpu.memory_space<vmem>> -> memref<128xi32, #tpu.memory_space<vmem>>
    %dma_start3A_180 = arith.constant 0 : i32
    %dma_start3A_181 = arith.constant 0 : i32
    %dma_start3A_182 = tpu.memref_slice %arg3[%dma_start3A_180, %dma_start3A_181] : memref<10240x64xf32, #tpu.memory_space<hbm>> -> memref<10240x64xf32, #tpu.memory_space<hbm>>
    tpu.enqueue_indirect_dma source(%dma_start3A_182 : memref<10240x64xf32, #tpu.memory_space<hbm>>) target(%arg12 : memref<128x64xf32, #tpu.memory_space<vmem>>) offsets(%dma_start3A_179 : memref<128xi32, #tpu.memory_space<vmem>>) semaphore(%arg18 : memref<!tpu.dma_semaphore, #tpu.memory_space<semaphore_mem>>)
    %scan3A_183 = arith.constant 0 : i32
    %scan3A_184 = arith.constant 0 : i32
    %scan3A_185 = arith.constant 19 : i32
    %scan3A_186 = arith.addi %scan3A_184, %scan3A_185 : i32
    %scan3A_187 = arith.constant 1 : i32
    %scan3A_188 = scf.for %scan3A_285 = %scan3A_184 to %scan3A_186 step %scan3A_187 iter_args(%scan3A_286 = %scan3A_183) -> (i32)  : i32 {
      %mul3A_287 = arith.constant 4 : i32
      %mul3A_288 = arith.muli %scan3A_285, %mul3A_287 : i32
      %add3A_289 = arith.constant 0 : i32
      %add3A_290 = arith.addi %mul3A_288, %add3A_289 : i32
      %dma_wait3A_291 = arith.constant 0 : i32
      %dma_wait3A_292 = tpu.memref_slice %arg7[%add3A_290, %dma_wait3A_291] : memref<80x128xi32, #tpu.memory_space<vmem>> -> memref<1x128xi32, #tpu.memory_space<vmem>>
      %dma_wait3A_293 = tpu.memref_squeeze %dma_wait3A_292 : memref<1x128xi32, #tpu.memory_space<vmem>> -> memref<128xi32, #tpu.memory_space<vmem>>
      %dma_wait3A_294 = arith.constant 0 : i32
      %dma_wait3A_295 = arith.constant 0 : i32
      %dma_wait3A_296 = tpu.memref_slice %arg3[%dma_wait3A_294, %dma_wait3A_295] : memref<10240x64xf32, #tpu.memory_space<hbm>> -> memref<10240x64xf32, #tpu.memory_space<hbm>>
      tpu.wait_indirect_dma semaphore(%arg15 : memref<!tpu.dma_semaphore, #tpu.memory_space<semaphore_mem>>) src(%dma_wait3A_296 : memref<10240x64xf32, #tpu.memory_space<hbm>>) dst(%arg9 : memref<128x64xf32, #tpu.memory_space<vmem>>)
      %dma_start3A_297 = arith.constant 0 : i32
      %dma_start3A_298 = tpu.memref_slice %arg8[%add3A_290, %dma_start3A_297] : memref<80x128xi32, #tpu.memory_space<vmem>> -> memref<1x128xi32, #tpu.memory_space<vmem>>
      %dma_start3A_299 = tpu.memref_squeeze %dma_start3A_298 : memref<1x128xi32, #tpu.memory_space<vmem>> -> memref<128xi32, #tpu.memory_space<vmem>>
      %dma_start3A_300 = arith.constant 0 : i32
      %dma_start3A_301 = arith.constant 0 : i32
      %dma_start3A_302 = tpu.memref_slice %arg14[%dma_start3A_300, %dma_start3A_301] : memref<10240x64xf32, #tpu.memory_space<vmem_shared>> -> memref<10240x64xf32, #tpu.memory_space<vmem_shared>>
      tpu.enqueue_indirect_dma source(%arg9 : memref<128x64xf32, #tpu.memory_space<vmem>>) target(%dma_start3A_302 : memref<10240x64xf32, #tpu.memory_space<vmem_shared>>) offsets(%dma_start3A_299 : memref<128xi32, #tpu.memory_space<vmem>>) semaphore(%arg19 : memref<!tpu.dma_semaphore, #tpu.memory_space<semaphore_mem>>) {add = true}
      %add3A_303 = arith.constant 1 : i32
      %add3A_304 = arith.addi %mul3A_288, %add3A_303 : i32
      %dma_wait3A_305 = arith.constant 0 : i32
      %dma_wait3A_306 = tpu.memref_slice %arg7[%add3A_304, %dma_wait3A_305] : memref<80x128xi32, #tpu.memory_space<vmem>> -> memref<1x128xi32, #tpu.memory_space<vmem>>
      %dma_wait3A_307 = tpu.memref_squeeze %dma_wait3A_306 : memref<1x128xi32, #tpu.memory_space<vmem>> -> memref<128xi32, #tpu.memory_space<vmem>>
      %dma_wait3A_308 = arith.constant 0 : i32
      %dma_wait3A_309 = arith.constant 0 : i32
      %dma_wait3A_310 = tpu.memref_slice %arg3[%dma_wait3A_308, %dma_wait3A_309] : memref<10240x64xf32, #tpu.memory_space<hbm>> -> memref<10240x64xf32, #tpu.memory_space<hbm>>
      tpu.wait_indirect_dma semaphore(%arg16 : memref<!tpu.dma_semaphore, #tpu.memory_space<semaphore_mem>>) src(%dma_wait3A_310 : memref<10240x64xf32, #tpu.memory_space<hbm>>) dst(%arg10 : memref<128x64xf32, #tpu.memory_space<vmem>>)
      %dma_start3A_311 = arith.constant 0 : i32
      %dma_start3A_312 = tpu.memref_slice %arg8[%add3A_304, %dma_start3A_311] : memref<80x128xi32, #tpu.memory_space<vmem>> -> memref<1x128xi32, #tpu.memory_space<vmem>>
      %dma_start3A_313 = tpu.memref_squeeze %dma_start3A_312 : memref<1x128xi32, #tpu.memory_space<vmem>> -> memref<128xi32, #tpu.memory_space<vmem>>
      %dma_start3A_314 = arith.constant 0 : i32
      %dma_start3A_315 = arith.constant 0 : i32
      %dma_start3A_316 = tpu.memref_slice %arg14[%dma_start3A_314, %dma_start3A_315] : memref<10240x64xf32, #tpu.memory_space<vmem_shared>> -> memref<10240x64xf32, #tpu.memory_space<vmem_shared>>
      tpu.enqueue_indirect_dma source(%arg10 : memref<128x64xf32, #tpu.memory_space<vmem>>) target(%dma_start3A_316 : memref<10240x64xf32, #tpu.memory_space<vmem_shared>>) offsets(%dma_start3A_313 : memref<128xi32, #tpu.memory_space<vmem>>) semaphore(%arg20 : memref<!tpu.dma_semaphore, #tpu.memory_space<semaphore_mem>>) {add = true}
      %add3A_317 = arith.constant 2 : i32
      %add3A_318 = arith.addi %mul3A_288, %add3A_317 : i32
      %dma_wait3A_319 = arith.constant 0 : i32
      %dma_wait3A_320 = tpu.memref_slice %arg7[%add3A_318, %dma_wait3A_319] : memref<80x128xi32, #tpu.memory_space<vmem>> -> memref<1x128xi32, #tpu.memory_space<vmem>>
      %dma_wait3A_321 = tpu.memref_squeeze %dma_wait3A_320 : memref<1x128xi32, #tpu.memory_space<vmem>> -> memref<128xi32, #tpu.memory_space<vmem>>
      %dma_wait3A_322 = arith.constant 0 : i32
      %dma_wait3A_323 = arith.constant 0 : i32
      %dma_wait3A_324 = tpu.memref_slice %arg3[%dma_wait3A_322, %dma_wait3A_323] : memref<10240x64xf32, #tpu.memory_space<hbm>> -> memref<10240x64xf32, #tpu.memory_space<hbm>>
      tpu.wait_indirect_dma semaphore(%arg17 : memref<!tpu.dma_semaphore, #tpu.memory_space<semaphore_mem>>) src(%dma_wait3A_324 : memref<10240x64xf32, #tpu.memory_space<hbm>>) dst(%arg11 : memref<128x64xf32, #tpu.memory_space<vmem>>)
      %dma_start3A_325 = arith.constant 0 : i32
      %dma_start3A_326 = tpu.memref_slice %arg8[%add3A_318, %dma_start3A_325] : memref<80x128xi32, #tpu.memory_space<vmem>> -> memref<1x128xi32, #tpu.memory_space<vmem>>
      %dma_start3A_327 = tpu.memref_squeeze %dma_start3A_326 : memref<1x128xi32, #tpu.memory_space<vmem>> -> memref<128xi32, #tpu.memory_space<vmem>>
      %dma_start3A_328 = arith.constant 0 : i32
      %dma_start3A_329 = arith.constant 0 : i32
      %dma_start3A_330 = tpu.memref_slice %arg14[%dma_start3A_328, %dma_start3A_329] : memref<10240x64xf32, #tpu.memory_space<vmem_shared>> -> memref<10240x64xf32, #tpu.memory_space<vmem_shared>>
      tpu.enqueue_indirect_dma source(%arg11 : memref<128x64xf32, #tpu.memory_space<vmem>>) target(%dma_start3A_330 : memref<10240x64xf32, #tpu.memory_space<vmem_shared>>) offsets(%dma_start3A_327 : memref<128xi32, #tpu.memory_space<vmem>>) semaphore(%arg21 : memref<!tpu.dma_semaphore, #tpu.memory_space<semaphore_mem>>) {add = true}
      %add3A_331 = arith.constant 3 : i32
      %add3A_332 = arith.addi %mul3A_288, %add3A_331 : i32
      %dma_wait3A_333 = arith.constant 0 : i32
      %dma_wait3A_334 = tpu.memref_slice %arg7[%add3A_332, %dma_wait3A_333] : memref<80x128xi32, #tpu.memory_space<vmem>> -> memref<1x128xi32, #tpu.memory_space<vmem>>
      %dma_wait3A_335 = tpu.memref_squeeze %dma_wait3A_334 : memref<1x128xi32, #tpu.memory_space<vmem>> -> memref<128xi32, #tpu.memory_space<vmem>>
      %dma_wait3A_336 = arith.constant 0 : i32
      %dma_wait3A_337 = arith.constant 0 : i32
      %dma_wait3A_338 = tpu.memref_slice %arg3[%dma_wait3A_336, %dma_wait3A_337] : memref<10240x64xf32, #tpu.memory_space<hbm>> -> memref<10240x64xf32, #tpu.memory_space<hbm>>
      tpu.wait_indirect_dma semaphore(%arg18 : memref<!tpu.dma_semaphore, #tpu.memory_space<semaphore_mem>>) src(%dma_wait3A_338 : memref<10240x64xf32, #tpu.memory_space<hbm>>) dst(%arg12 : memref<128x64xf32, #tpu.memory_space<vmem>>)
      %dma_start3A_339 = arith.constant 0 : i32
      %dma_start3A_340 = tpu.memref_slice %arg8[%add3A_332, %dma_start3A_339] : memref<80x128xi32, #tpu.memory_space<vmem>> -> memref<1x128xi32, #tpu.memory_space<vmem>>
      %dma_start3A_341 = tpu.memref_squeeze %dma_start3A_340 : memref<1x128xi32, #tpu.memory_space<vmem>> -> memref<128xi32, #tpu.memory_space<vmem>>
      %dma_start3A_342 = arith.constant 0 : i32
      %dma_start3A_343 = arith.constant 0 : i32
      %dma_start3A_344 = tpu.memref_slice %arg14[%dma_start3A_342, %dma_start3A_343] : memref<10240x64xf32, #tpu.memory_space<vmem_shared>> -> memref<10240x64xf32, #tpu.memory_space<vmem_shared>>
      tpu.enqueue_indirect_dma source(%arg12 : memref<128x64xf32, #tpu.memory_space<vmem>>) target(%dma_start3A_344 : memref<10240x64xf32, #tpu.memory_space<vmem_shared>>) offsets(%dma_start3A_341 : memref<128xi32, #tpu.memory_space<vmem>>) semaphore(%arg22 : memref<!tpu.dma_semaphore, #tpu.memory_space<semaphore_mem>>) {add = true}
      %add3A_345 = arith.constant 0 : i32
      %add3A_346 = arith.addi %mul3A_288, %add3A_345 : i32
      %dma_wait3A_347 = arith.constant 0 : i32
      %dma_wait3A_348 = tpu.memref_slice %arg8[%add3A_346, %dma_wait3A_347] : memref<80x128xi32, #tpu.memory_space<vmem>> -> memref<1x128xi32, #tpu.memory_space<vmem>>
      %dma_wait3A_349 = tpu.memref_squeeze %dma_wait3A_348 : memref<1x128xi32, #tpu.memory_space<vmem>> -> memref<128xi32, #tpu.memory_space<vmem>>
      %dma_wait3A_350 = arith.constant 0 : i32
      %dma_wait3A_351 = arith.constant 0 : i32
      %dma_wait3A_352 = tpu.memref_slice %arg14[%dma_wait3A_350, %dma_wait3A_351] : memref<10240x64xf32, #tpu.memory_space<vmem_shared>> -> memref<10240x64xf32, #tpu.memory_space<vmem_shared>>
      tpu.wait_indirect_dma semaphore(%arg19 : memref<!tpu.dma_semaphore, #tpu.memory_space<semaphore_mem>>) src(%arg9 : memref<128x64xf32, #tpu.memory_space<vmem>>) dst(%dma_wait3A_352 : memref<10240x64xf32, #tpu.memory_space<vmem_shared>>)
      %add3A_353 = arith.constant 4 : i32
      %add3A_354 = arith.addi %add3A_346, %add3A_353 : i32
      %dma_start3A_355 = arith.constant 0 : i32
      %dma_start3A_356 = tpu.memref_slice %arg7[%add3A_354, %dma_start3A_355] : memref<80x128xi32, #tpu.memory_space<vmem>> -> memref<1x128xi32, #tpu.memory_space<vmem>>
      %dma_start3A_357 = tpu.memref_squeeze %dma_start3A_356 : memref<1x128xi32, #tpu.memory_space<vmem>> -> memref<128xi32, #tpu.memory_space<vmem>>
      %dma_start3A_358 = arith.constant 0 : i32
      %dma_start3A_359 = arith.constant 0 : i32
      %dma_start3A_360 = tpu.memref_slice %arg3[%dma_start3A_358, %dma_start3A_359] : memref<10240x64xf32, #tpu.memory_space<hbm>> -> memref<10240x64xf32, #tpu.memory_space<hbm>>
      tpu.enqueue_indirect_dma source(%dma_start3A_360 : memref<10240x64xf32, #tpu.memory_space<hbm>>) target(%arg9 : memref<128x64xf32, #tpu.memory_space<vmem>>) offsets(%dma_start3A_357 : memref<128xi32, #tpu.memory_space<vmem>>) semaphore(%arg15 : memref<!tpu.dma_semaphore, #tpu.memory_space<semaphore_mem>>)
      %add3A_361 = arith.constant 1 : i32
      %add3A_362 = arith.addi %mul3A_288, %add3A_361 : i32
      %dma_wait3A_363 = arith.constant 0 : i32
      %dma_wait3A_364 = tpu.memref_slice %arg8[%add3A_362, %dma_wait3A_363] : memref<80x128xi32, #tpu.memory_space<vmem>> -> memref<1x128xi32, #tpu.memory_space<vmem>>
      %dma_wait3A_365 = tpu.memref_squeeze %dma_wait3A_364 : memref<1x128xi32, #tpu.memory_space<vmem>> -> memref<128xi32, #tpu.memory_space<vmem>>
      %dma_wait3A_366 = arith.constant 0 : i32
      %dma_wait3A_367 = arith.constant 0 : i32
      %dma_wait3A_368 = tpu.memref_slice %arg14[%dma_wait3A_366, %dma_wait3A_367] : memref<10240x64xf32, #tpu.memory_space<vmem_shared>> -> memref<10240x64xf32, #tpu.memory_space<vmem_shared>>
      tpu.wait_indirect_dma semaphore(%arg20 : memref<!tpu.dma_semaphore, #tpu.memory_space<semaphore_mem>>) src(%arg10 : memref<128x64xf32, #tpu.memory_space<vmem>>) dst(%dma_wait3A_368 : memref<10240x64xf32, #tpu.memory_space<vmem_shared>>)
      %add3A_369 = arith.constant 4 : i32
      %add3A_370 = arith.addi %add3A_362, %add3A_369 : i32
      %dma_start3A_371 = arith.constant 0 : i32
      %dma_start3A_372 = tpu.memref_slice %arg7[%add3A_370, %dma_start3A_371] : memref<80x128xi32, #tpu.memory_space<vmem>> -> memref<1x128xi32, #tpu.memory_space<vmem>>
      %dma_start3A_373 = tpu.memref_squeeze %dma_start3A_372 : memref<1x128xi32, #tpu.memory_space<vmem>> -> memref<128xi32, #tpu.memory_space<vmem>>
      %dma_start3A_374 = arith.constant 0 : i32
      %dma_start3A_375 = arith.constant 0 : i32
      %dma_start3A_376 = tpu.memref_slice %arg3[%dma_start3A_374, %dma_start3A_375] : memref<10240x64xf32, #tpu.memory_space<hbm>> -> memref<10240x64xf32, #tpu.memory_space<hbm>>
      tpu.enqueue_indirect_dma source(%dma_start3A_376 : memref<10240x64xf32, #tpu.memory_space<hbm>>) target(%arg10 : memref<128x64xf32, #tpu.memory_space<vmem>>) offsets(%dma_start3A_373 : memref<128xi32, #tpu.memory_space<vmem>>) semaphore(%arg16 : memref<!tpu.dma_semaphore, #tpu.memory_space<semaphore_mem>>)
      %add3A_377 = arith.constant 2 : i32
      %add3A_378 = arith.addi %mul3A_288, %add3A_377 : i32
      %dma_wait3A_379 = arith.constant 0 : i32
      %dma_wait3A_380 = tpu.memref_slice %arg8[%add3A_378, %dma_wait3A_379] : memref<80x128xi32, #tpu.memory_space<vmem>> -> memref<1x128xi32, #tpu.memory_space<vmem>>
      %dma_wait3A_381 = tpu.memref_squeeze %dma_wait3A_380 : memref<1x128xi32, #tpu.memory_space<vmem>> -> memref<128xi32, #tpu.memory_space<vmem>>
      %dma_wait3A_382 = arith.constant 0 : i32
      %dma_wait3A_383 = arith.constant 0 : i32
      %dma_wait3A_384 = tpu.memref_slice %arg14[%dma_wait3A_382, %dma_wait3A_383] : memref<10240x64xf32, #tpu.memory_space<vmem_shared>> -> memref<10240x64xf32, #tpu.memory_space<vmem_shared>>
      tpu.wait_indirect_dma semaphore(%arg21 : memref<!tpu.dma_semaphore, #tpu.memory_space<semaphore_mem>>) src(%arg11 : memref<128x64xf32, #tpu.memory_space<vmem>>) dst(%dma_wait3A_384 : memref<10240x64xf32, #tpu.memory_space<vmem_shared>>)
      %add3A_385 = arith.constant 4 : i32
      %add3A_386 = arith.addi %add3A_378, %add3A_385 : i32
      %dma_start3A_387 = arith.constant 0 : i32
      %dma_start3A_388 = tpu.memref_slice %arg7[%add3A_386, %dma_start3A_387] : memref<80x128xi32, #tpu.memory_space<vmem>> -> memref<1x128xi32, #tpu.memory_space<vmem>>
      %dma_start3A_389 = tpu.memref_squeeze %dma_start3A_388 : memref<1x128xi32, #tpu.memory_space<vmem>> -> memref<128xi32, #tpu.memory_space<vmem>>
      %dma_start3A_390 = arith.constant 0 : i32
      %dma_start3A_391 = arith.constant 0 : i32
      %dma_start3A_392 = tpu.memref_slice %arg3[%dma_start3A_390, %dma_start3A_391] : memref<10240x64xf32, #tpu.memory_space<hbm>> -> memref<10240x64xf32, #tpu.memory_space<hbm>>
      tpu.enqueue_indirect_dma source(%dma_start3A_392 : memref<10240x64xf32, #tpu.memory_space<hbm>>) target(%arg11 : memref<128x64xf32, #tpu.memory_space<vmem>>) offsets(%dma_start3A_389 : memref<128xi32, #tpu.memory_space<vmem>>) semaphore(%arg17 : memref<!tpu.dma_semaphore, #tpu.memory_space<semaphore_mem>>)
      %add3A_393 = arith.constant 3 : i32
      %add3A_394 = arith.addi %mul3A_288, %add3A_393 : i32
      %dma_wait3A_395 = arith.constant 0 : i32
      %dma_wait3A_396 = tpu.memref_slice %arg8[%add3A_394, %dma_wait3A_395] : memref<80x128xi32, #tpu.memory_space<vmem>> -> memref<1x128xi32, #tpu.memory_space<vmem>>
      %dma_wait3A_397 = tpu.memref_squeeze %dma_wait3A_396 : memref<1x128xi32, #tpu.memory_space<vmem>> -> memref<128xi32, #tpu.memory_space<vmem>>
      %dma_wait3A_398 = arith.constant 0 : i32
      %dma_wait3A_399 = arith.constant 0 : i32
      %dma_wait3A_400 = tpu.memref_slice %arg14[%dma_wait3A_398, %dma_wait3A_399] : memref<10240x64xf32, #tpu.memory_space<vmem_shared>> -> memref<10240x64xf32, #tpu.memory_space<vmem_shared>>
      tpu.wait_indirect_dma semaphore(%arg22 : memref<!tpu.dma_semaphore, #tpu.memory_space<semaphore_mem>>) src(%arg12 : memref<128x64xf32, #tpu.memory_space<vmem>>) dst(%dma_wait3A_400 : memref<10240x64xf32, #tpu.memory_space<vmem_shared>>)
      %add3A_401 = arith.constant 4 : i32
      %add3A_402 = arith.addi %add3A_394, %add3A_401 : i32
      %dma_start3A_403 = arith.constant 0 : i32
      %dma_start3A_404 = tpu.memref_slice %arg7[%add3A_402, %dma_start3A_403] : memref<80x128xi32, #tpu.memory_space<vmem>> -> memref<1x128xi32, #tpu.memory_space<vmem>>
      %dma_start3A_405 = tpu.memref_squeeze %dma_start3A_404 : memref<1x128xi32, #tpu.memory_space<vmem>> -> memref<128xi32, #tpu.memory_space<vmem>>
      %dma_start3A_406 = arith.constant 0 : i32
      %dma_start3A_407 = arith.constant 0 : i32
      %dma_start3A_408 = tpu.memref_slice %arg3[%dma_start3A_406, %dma_start3A_407] : memref<10240x64xf32, #tpu.memory_space<hbm>> -> memref<10240x64xf32, #tpu.memory_space<hbm>>
      tpu.enqueue_indirect_dma source(%dma_start3A_408 : memref<10240x64xf32, #tpu.memory_space<hbm>>) target(%arg12 : memref<128x64xf32, #tpu.memory_space<vmem>>) offsets(%dma_start3A_405 : memref<128xi32, #tpu.memory_space<vmem>>) semaphore(%arg18 : memref<!tpu.dma_semaphore, #tpu.memory_space<semaphore_mem>>)
      %scan3A_409 = arith.constant 0 : i32
      scf.yield %scan3A_409 : i32
    }
    %scan3A_189 = arith.constant 19 : i32
    %dma_wait3A_190 = arith.constant 76 : i32
    %dma_wait3A_191 = arith.constant 0 : i32
    %dma_wait3A_192 = tpu.memref_slice %arg7[%dma_wait3A_190, %dma_wait3A_191] : memref<80x128xi32, #tpu.memory_space<vmem>> -> memref<1x128xi32, #tpu.memory_space<vmem>>
    %dma_wait3A_193 = tpu.memref_squeeze %dma_wait3A_192 : memref<1x128xi32, #tpu.memory_space<vmem>> -> memref<128xi32, #tpu.memory_space<vmem>>
    %dma_wait3A_194 = arith.constant 0 : i32
    %dma_wait3A_195 = arith.constant 0 : i32
    %dma_wait3A_196 = tpu.memref_slice %arg3[%dma_wait3A_194, %dma_wait3A_195] : memref<10240x64xf32, #tpu.memory_space<hbm>> -> memref<10240x64xf32, #tpu.memory_space<hbm>>
    tpu.wait_indirect_dma semaphore(%arg15 : memref<!tpu.dma_semaphore, #tpu.memory_space<semaphore_mem>>) src(%dma_wait3A_196 : memref<10240x64xf32, #tpu.memory_space<hbm>>) dst(%arg9 : memref<128x64xf32, #tpu.memory_space<vmem>>)
    %dma_start3A_197 = arith.constant 76 : i32
    %dma_start3A_198 = arith.constant 0 : i32
    %dma_start3A_199 = tpu.memref_slice %arg8[%dma_start3A_197, %dma_start3A_198] : memref<80x128xi32, #tpu.memory_space<vmem>> -> memref<1x128xi32, #tpu.memory_space<vmem>>
    %dma_start3A_200 = tpu.memref_squeeze %dma_start3A_199 : memref<1x128xi32, #tpu.memory_space<vmem>> -> memref<128xi32, #tpu.memory_space<vmem>>
    %dma_start3A_201 = arith.constant 0 : i32
    %dma_start3A_202 = arith.constant 0 : i32
    %dma_start3A_203 = tpu.memref_slice %arg14[%dma_start3A_201, %dma_start3A_202] : memref<10240x64xf32, #tpu.memory_space<vmem_shared>> -> memref<10240x64xf32, #tpu.memory_space<vmem_shared>>
    tpu.enqueue_indirect_dma source(%arg9 : memref<128x64xf32, #tpu.memory_space<vmem>>) target(%dma_start3A_203 : memref<10240x64xf32, #tpu.memory_space<vmem_shared>>) offsets(%dma_start3A_200 : memref<128xi32, #tpu.memory_space<vmem>>) semaphore(%arg19 : memref<!tpu.dma_semaphore, #tpu.memory_space<semaphore_mem>>) {add = true}
    %dma_wait3A_204 = arith.constant 77 : i32
    %dma_wait3A_205 = arith.constant 0 : i32
    %dma_wait3A_206 = tpu.memref_slice %arg7[%dma_wait3A_204, %dma_wait3A_205] : memref<80x128xi32, #tpu.memory_space<vmem>> -> memref<1x128xi32, #tpu.memory_space<vmem>>
    %dma_wait3A_207 = tpu.memref_squeeze %dma_wait3A_206 : memref<1x128xi32, #tpu.memory_space<vmem>> -> memref<128xi32, #tpu.memory_space<vmem>>
    %dma_wait3A_208 = arith.constant 0 : i32
    %dma_wait3A_209 = arith.constant 0 : i32
    %dma_wait3A_210 = tpu.memref_slice %arg3[%dma_wait3A_208, %dma_wait3A_209] : memref<10240x64xf32, #tpu.memory_space<hbm>> -> memref<10240x64xf32, #tpu.memory_space<hbm>>
    tpu.wait_indirect_dma semaphore(%arg16 : memref<!tpu.dma_semaphore, #tpu.memory_space<semaphore_mem>>) src(%dma_wait3A_210 : memref<10240x64xf32, #tpu.memory_space<hbm>>) dst(%arg10 : memref<128x64xf32, #tpu.memory_space<vmem>>)
    %dma_start3A_211 = arith.constant 77 : i32
    %dma_start3A_212 = arith.constant 0 : i32
    %dma_start3A_213 = tpu.memref_slice %arg8[%dma_start3A_211, %dma_start3A_212] : memref<80x128xi32, #tpu.memory_space<vmem>> -> memref<1x128xi32, #tpu.memory_space<vmem>>
    %dma_start3A_214 = tpu.memref_squeeze %dma_start3A_213 : memref<1x128xi32, #tpu.memory_space<vmem>> -> memref<128xi32, #tpu.memory_space<vmem>>
    %dma_start3A_215 = arith.constant 0 : i32
    %dma_start3A_216 = arith.constant 0 : i32
    %dma_start3A_217 = tpu.memref_slice %arg14[%dma_start3A_215, %dma_start3A_216] : memref<10240x64xf32, #tpu.memory_space<vmem_shared>> -> memref<10240x64xf32, #tpu.memory_space<vmem_shared>>
    tpu.enqueue_indirect_dma source(%arg10 : memref<128x64xf32, #tpu.memory_space<vmem>>) target(%dma_start3A_217 : memref<10240x64xf32, #tpu.memory_space<vmem_shared>>) offsets(%dma_start3A_214 : memref<128xi32, #tpu.memory_space<vmem>>) semaphore(%arg20 : memref<!tpu.dma_semaphore, #tpu.memory_space<semaphore_mem>>) {add = true}
    %dma_wait3A_218 = arith.constant 78 : i32
    %dma_wait3A_219 = arith.constant 0 : i32
    %dma_wait3A_220 = tpu.memref_slice %arg7[%dma_wait3A_218, %dma_wait3A_219] : memref<80x128xi32, #tpu.memory_space<vmem>> -> memref<1x128xi32, #tpu.memory_space<vmem>>
    %dma_wait3A_221 = tpu.memref_squeeze %dma_wait3A_220 : memref<1x128xi32, #tpu.memory_space<vmem>> -> memref<128xi32, #tpu.memory_space<vmem>>
    %dma_wait3A_222 = arith.constant 0 : i32
    %dma_wait3A_223 = arith.constant 0 : i32
    %dma_wait3A_224 = tpu.memref_slice %arg3[%dma_wait3A_222, %dma_wait3A_223] : memref<10240x64xf32, #tpu.memory_space<hbm>> -> memref<10240x64xf32, #tpu.memory_space<hbm>>
    tpu.wait_indirect_dma semaphore(%arg17 : memref<!tpu.dma_semaphore, #tpu.memory_space<semaphore_mem>>) src(%dma_wait3A_224 : memref<10240x64xf32, #tpu.memory_space<hbm>>) dst(%arg11 : memref<128x64xf32, #tpu.memory_space<vmem>>)
    %dma_start3A_225 = arith.constant 78 : i32
    %dma_start3A_226 = arith.constant 0 : i32
    %dma_start3A_227 = tpu.memref_slice %arg8[%dma_start3A_225, %dma_start3A_226] : memref<80x128xi32, #tpu.memory_space<vmem>> -> memref<1x128xi32, #tpu.memory_space<vmem>>
    %dma_start3A_228 = tpu.memref_squeeze %dma_start3A_227 : memref<1x128xi32, #tpu.memory_space<vmem>> -> memref<128xi32, #tpu.memory_space<vmem>>
    %dma_start3A_229 = arith.constant 0 : i32
    %dma_start3A_230 = arith.constant 0 : i32
    %dma_start3A_231 = tpu.memref_slice %arg14[%dma_start3A_229, %dma_start3A_230] : memref<10240x64xf32, #tpu.memory_space<vmem_shared>> -> memref<10240x64xf32, #tpu.memory_space<vmem_shared>>
    tpu.enqueue_indirect_dma source(%arg11 : memref<128x64xf32, #tpu.memory_space<vmem>>) target(%dma_start3A_231 : memref<10240x64xf32, #tpu.memory_space<vmem_shared>>) offsets(%dma_start3A_228 : memref<128xi32, #tpu.memory_space<vmem>>) semaphore(%arg21 : memref<!tpu.dma_semaphore, #tpu.memory_space<semaphore_mem>>) {add = true}
    %dma_wait3A_232 = arith.constant 79 : i32
    %dma_wait3A_233 = arith.constant 0 : i32
    %dma_wait3A_234 = tpu.memref_slice %arg7[%dma_wait3A_232, %dma_wait3A_233] : memref<80x128xi32, #tpu.memory_space<vmem>> -> memref<1x128xi32, #tpu.memory_space<vmem>>
    %dma_wait3A_235 = tpu.memref_squeeze %dma_wait3A_234 : memref<1x128xi32, #tpu.memory_space<vmem>> -> memref<128xi32, #tpu.memory_space<vmem>>
    %dma_wait3A_236 = arith.constant 0 : i32
    %dma_wait3A_237 = arith.constant 0 : i32
    %dma_wait3A_238 = tpu.memref_slice %arg3[%dma_wait3A_236, %dma_wait3A_237] : memref<10240x64xf32, #tpu.memory_space<hbm>> -> memref<10240x64xf32, #tpu.memory_space<hbm>>
    tpu.wait_indirect_dma semaphore(%arg18 : memref<!tpu.dma_semaphore, #tpu.memory_space<semaphore_mem>>) src(%dma_wait3A_238 : memref<10240x64xf32, #tpu.memory_space<hbm>>) dst(%arg12 : memref<128x64xf32, #tpu.memory_space<vmem>>)
    %dma_start3A_239 = arith.constant 79 : i32
    %dma_start3A_240 = arith.constant 0 : i32
    %dma_start3A_241 = tpu.memref_slice %arg8[%dma_start3A_239, %dma_start3A_240] : memref<80x128xi32, #tpu.memory_space<vmem>> -> memref<1x128xi32, #tpu.memory_space<vmem>>
    %dma_start3A_242 = tpu.memref_squeeze %dma_start3A_241 : memref<1x128xi32, #tpu.memory_space<vmem>> -> memref<128xi32, #tpu.memory_space<vmem>>
    %dma_start3A_243 = arith.constant 0 : i32
    %dma_start3A_244 = arith.constant 0 : i32
    %dma_start3A_245 = tpu.memref_slice %arg14[%dma_start3A_243, %dma_start3A_244] : memref<10240x64xf32, #tpu.memory_space<vmem_shared>> -> memref<10240x64xf32, #tpu.memory_space<vmem_shared>>
    tpu.enqueue_indirect_dma source(%arg12 : memref<128x64xf32, #tpu.memory_space<vmem>>) target(%dma_start3A_245 : memref<10240x64xf32, #tpu.memory_space<vmem_shared>>) offsets(%dma_start3A_242 : memref<128xi32, #tpu.memory_space<vmem>>) semaphore(%arg22 : memref<!tpu.dma_semaphore, #tpu.memory_space<semaphore_mem>>) {add = true}
    %dma_wait3A_246 = arith.constant 76 : i32
    %dma_wait3A_247 = arith.constant 0 : i32
    %dma_wait3A_248 = tpu.memref_slice %arg8[%dma_wait3A_246, %dma_wait3A_247] : memref<80x128xi32, #tpu.memory_space<vmem>> -> memref<1x128xi32, #tpu.memory_space<vmem>>
    %dma_wait3A_249 = tpu.memref_squeeze %dma_wait3A_248 : memref<1x128xi32, #tpu.memory_space<vmem>> -> memref<128xi32, #tpu.memory_space<vmem>>
    %dma_wait3A_250 = arith.constant 0 : i32
    %dma_wait3A_251 = arith.constant 0 : i32
    %dma_wait3A_252 = tpu.memref_slice %arg14[%dma_wait3A_250, %dma_wait3A_251] : memref<10240x64xf32, #tpu.memory_space<vmem_shared>> -> memref<10240x64xf32, #tpu.memory_space<vmem_shared>>
    tpu.wait_indirect_dma semaphore(%arg19 : memref<!tpu.dma_semaphore, #tpu.memory_space<semaphore_mem>>) src(%arg9 : memref<128x64xf32, #tpu.memory_space<vmem>>) dst(%dma_wait3A_252 : memref<10240x64xf32, #tpu.memory_space<vmem_shared>>)
    %dma_wait3A_253 = arith.constant 77 : i32
    %dma_wait3A_254 = arith.constant 0 : i32
    %dma_wait3A_255 = tpu.memref_slice %arg8[%dma_wait3A_253, %dma_wait3A_254] : memref<80x128xi32, #tpu.memory_space<vmem>> -> memref<1x128xi32, #tpu.memory_space<vmem>>
    %dma_wait3A_256 = tpu.memref_squeeze %dma_wait3A_255 : memref<1x128xi32, #tpu.memory_space<vmem>> -> memref<128xi32, #tpu.memory_space<vmem>>
    %dma_wait3A_257 = arith.constant 0 : i32
    %dma_wait3A_258 = arith.constant 0 : i32
    %dma_wait3A_259 = tpu.memref_slice %arg14[%dma_wait3A_257, %dma_wait3A_258] : memref<10240x64xf32, #tpu.memory_space<vmem_shared>> -> memref<10240x64xf32, #tpu.memory_space<vmem_shared>>
    tpu.wait_indirect_dma semaphore(%arg20 : memref<!tpu.dma_semaphore, #tpu.memory_space<semaphore_mem>>) src(%arg10 : memref<128x64xf32, #tpu.memory_space<vmem>>) dst(%dma_wait3A_259 : memref<10240x64xf32, #tpu.memory_space<vmem_shared>>)
    %dma_wait3A_260 = arith.constant 78 : i32
    %dma_wait3A_261 = arith.constant 0 : i32
    %dma_wait3A_262 = tpu.memref_slice %arg8[%dma_wait3A_260, %dma_wait3A_261] : memref<80x128xi32, #tpu.memory_space<vmem>> -> memref<1x128xi32, #tpu.memory_space<vmem>>
    %dma_wait3A_263 = tpu.memref_squeeze %dma_wait3A_262 : memref<1x128xi32, #tpu.memory_space<vmem>> -> memref<128xi32, #tpu.memory_space<vmem>>
    %dma_wait3A_264 = arith.constant 0 : i32
    %dma_wait3A_265 = arith.constant 0 : i32
    %dma_wait3A_266 = tpu.memref_slice %arg14[%dma_wait3A_264, %dma_wait3A_265] : memref<10240x64xf32, #tpu.memory_space<vmem_shared>> -> memref<10240x64xf32, #tpu.memory_space<vmem_shared>>
    tpu.wait_indirect_dma semaphore(%arg21 : memref<!tpu.dma_semaphore, #tpu.memory_space<semaphore_mem>>) src(%arg11 : memref<128x64xf32, #tpu.memory_space<vmem>>) dst(%dma_wait3A_266 : memref<10240x64xf32, #tpu.memory_space<vmem_shared>>)
    %dma_wait3A_267 = arith.constant 79 : i32
    %dma_wait3A_268 = arith.constant 0 : i32
    %dma_wait3A_269 = tpu.memref_slice %arg8[%dma_wait3A_267, %dma_wait3A_268] : memref<80x128xi32, #tpu.memory_space<vmem>> -> memref<1x128xi32, #tpu.memory_space<vmem>>
    %dma_wait3A_270 = tpu.memref_squeeze %dma_wait3A_269 : memref<1x128xi32, #tpu.memory_space<vmem>> -> memref<128xi32, #tpu.memory_space<vmem>>
    %dma_wait3A_271 = arith.constant 0 : i32
    %dma_wait3A_272 = arith.constant 0 : i32
    %dma_wait3A_273 = tpu.memref_slice %arg14[%dma_wait3A_271, %dma_wait3A_272] : memref<10240x64xf32, #tpu.memory_space<vmem_shared>> -> memref<10240x64xf32, #tpu.memory_space<vmem_shared>>
    tpu.wait_indirect_dma semaphore(%arg22 : memref<!tpu.dma_semaphore, #tpu.memory_space<semaphore_mem>>) src(%arg12 : memref<128x64xf32, #tpu.memory_space<vmem>>) dst(%dma_wait3A_273 : memref<10240x64xf32, #tpu.memory_space<vmem_shared>>)
    %barrier3A_274 = arith.constant 0 : index
    tpu.barrier barrier_id(%barrier3A_274)
    %eq3A_275 = arith.constant 0 : i32
    %eq3A_276 = arith.cmpi eq, %arg0, %eq3A_275 : i32
    %convert_element_type3A_277 = arith.extui %eq3A_276 : i1 to i32
    %cond3A_278 = arith.constant 0 : i32
    %cond3A_279 = arith.cmpi ne, %convert_element_type3A_277, %cond3A_278 : i32
    scf.if %cond3A_279 {
      %mul3A_285 = arith.constant 640 : i32
      %mul3A_286 = arith.muli %arg1, %mul3A_285 : i32
      %mul3A_287 = arith.constant 640 : i32
      %mul3A_288 = arith.muli %arg1, %mul3A_287 : i32
      %run_scoped3A = arith.constant 1 : i32
      "tpu.region"() ({
        %run_scoped3A_289 = tpu.sem_alloc : memref<!tpu.dma_semaphore, #tpu.memory_space<semaphore_mem>>
        %dma_start3A_290 = arith.constant 0 : i32
        %dma_start3A_291 = tpu.memref_slice %arg6[%run_scoped3A, %mul3A_288, %dma_start3A_290] : memref<2x10240x128xf32, #tpu.memory_space<hbm>> -> memref<1x640x64xf32, #tpu.memory_space<hbm>>
        %dma_start3A_292 = tpu.memref_squeeze %dma_start3A_291 : memref<1x640x64xf32, #tpu.memory_space<hbm>> -> memref<640x64xf32, #tpu.memory_space<hbm>>
        %dma_start3A_293 = arith.constant 0 : i32
        %dma_start3A_294 = tpu.memref_slice %arg14[%mul3A_286, %dma_start3A_293] : memref<10240x64xf32, #tpu.memory_space<vmem_shared>> -> memref<640x64xf32, #tpu.memory_space<vmem_shared>>
        tpu.enqueue_dma source(%dma_start3A_294 : memref<640x64xf32, #tpu.memory_space<vmem_shared>>) target(%dma_start3A_292 : memref<640x64xf32, #tpu.memory_space<hbm>>) target_semaphore(%run_scoped3A_289 : memref<!tpu.dma_semaphore, #tpu.memory_space<semaphore_mem>>)
        %dma_wait3A_295 = arith.constant 0 : i32
        %dma_wait3A_296 = tpu.memref_slice %arg6[%run_scoped3A, %mul3A_288, %dma_wait3A_295] : memref<2x10240x128xf32, #tpu.memory_space<hbm>> -> memref<1x640x64xf32, #tpu.memory_space<hbm>>
        %dma_wait3A_297 = tpu.memref_squeeze %dma_wait3A_296 : memref<1x640x64xf32, #tpu.memory_space<hbm>> -> memref<640x64xf32, #tpu.memory_space<hbm>>
        %dma_wait3A_298 = arith.constant 0 : i32
        %dma_wait3A_299 = tpu.memref_slice %arg14[%mul3A_286, %dma_wait3A_298] : memref<10240x64xf32, #tpu.memory_space<vmem_shared>> -> memref<640x64xf32, #tpu.memory_space<vmem_shared>>
        tpu.wait_dma2 semaphore(%run_scoped3A_289 : memref<!tpu.dma_semaphore, #tpu.memory_space<semaphore_mem>>) src(%dma_wait3A_299 : memref<640x64xf32, #tpu.memory_space<vmem_shared>>) dst(%dma_wait3A_297 : memref<640x64xf32, #tpu.memory_space<hbm>>)
        tpu.yield
      }) : () -> ()
    } else {
    }
    %ne3A_280 = arith.constant 0 : i32
    %ne3A_281 = arith.cmpi ne, %arg0, %ne3A_280 : i32
    %convert_element_type3A_282 = arith.extui %ne3A_281 : i1 to i32
    %cond3A_283 = arith.constant 0 : i32
    %cond3A_284 = arith.cmpi ne, %convert_element_type3A_282, %cond3A_283 : i32
    scf.if %cond3A_284 {
      %mul3A_285 = arith.constant 640 : i32
      %mul3A_286 = arith.muli %arg1, %mul3A_285 : i32
      %mul3A_287 = arith.constant 640 : i32
      %mul3A_288 = arith.muli %arg1, %mul3A_287 : i32
      %run_scoped3A = arith.constant 1 : i32
      "tpu.region"() ({
        %run_scoped3A_289 = tpu.sem_alloc : memref<!tpu.dma_semaphore, #tpu.memory_space<semaphore_mem>>
        %dma_start3A_290 = arith.constant 64 : i32
        %dma_start3A_291 = tpu.memref_slice %arg6[%run_scoped3A, %mul3A_288, %dma_start3A_290] : memref<2x10240x128xf32, #tpu.memory_space<hbm>> -> memref<1x640x64xf32, #tpu.memory_space<hbm>>
        %dma_start3A_292 = tpu.memref_squeeze %dma_start3A_291 : memref<1x640x64xf32, #tpu.memory_space<hbm>> -> memref<640x64xf32, #tpu.memory_space<hbm>>
        %dma_start3A_293 = arith.constant 0 : i32
        %dma_start3A_294 = tpu.memref_slice %arg14[%mul3A_286, %dma_start3A_293] : memref<10240x64xf32, #tpu.memory_space<vmem_shared>> -> memref<640x64xf32, #tpu.memory_space<vmem_shared>>
        tpu.enqueue_dma source(%dma_start3A_294 : memref<640x64xf32, #tpu.memory_space<vmem_shared>>) target(%dma_start3A_292 : memref<640x64xf32, #tpu.memory_space<hbm>>) target_semaphore(%run_scoped3A_289 : memref<!tpu.dma_semaphore, #tpu.memory_space<semaphore_mem>>)
        %dma_wait3A_295 = arith.constant 64 : i32
        %dma_wait3A_296 = tpu.memref_slice %arg6[%run_scoped3A, %mul3A_288, %dma_wait3A_295] : memref<2x10240x128xf32, #tpu.memory_space<hbm>> -> memref<1x640x64xf32, #tpu.memory_space<hbm>>
        %dma_wait3A_297 = tpu.memref_squeeze %dma_wait3A_296 : memref<1x640x64xf32, #tpu.memory_space<hbm>> -> memref<640x64xf32, #tpu.memory_space<hbm>>
        %dma_wait3A_298 = arith.constant 0 : i32
        %dma_wait3A_299 = tpu.memref_slice %arg14[%mul3A_286, %dma_wait3A_298] : memref<10240x64xf32, #tpu.memory_space<vmem_shared>> -> memref<640x64xf32, #tpu.memory_space<vmem_shared>>
        tpu.wait_dma2 semaphore(%run_scoped3A_289 : memref<!tpu.dma_semaphore, #tpu.memory_space<semaphore_mem>>) src(%dma_wait3A_299 : memref<640x64xf32, #tpu.memory_space<vmem_shared>>) dst(%dma_wait3A_297 : memref<640x64xf32, #tpu.memory_space<hbm>>)
        tpu.yield
      }) : () -> ()
    } else {
    }
    return
  }
}

#map = affine_map<(d0, d1) -> (0, 0)>
#map1 = affine_map<(d0, d1) -> (0, 0, 0)>
module attributes {stable_mosaic.version = 14 : i64} {
  func.func @_agg_body(%arg0: i32, %arg1: i32, %arg2: memref<10240x64xf32, #tpu.memory_space<hbm>>, %arg3: memref<10240x64xf32, #tpu.memory_space<hbm>>, %arg4: memref<32x80x128xi32, #tpu.memory_space<hbm>>, %arg5: memref<32x80x128xi32, #tpu.memory_space<hbm>>, %arg6: memref<2x10240x128xf32, #tpu.memory_space<hbm>>, %arg7: memref<80x128xi32, #tpu.memory_space<vmem>>, %arg8: memref<80x128xi32, #tpu.memory_space<vmem>>, %arg9: memref<128x64xf32, #tpu.memory_space<vmem>>, %arg10: memref<128x64xf32, #tpu.memory_space<vmem>>, %arg11: memref<128x64xf32, #tpu.memory_space<vmem>>, %arg12: memref<128x64xf32, #tpu.memory_space<vmem>>, %arg13: memref<128x64xf32, #tpu.memory_space<vmem>>, %arg14: memref<10240x64xf32, #tpu.memory_space<vmem_shared>>, %arg15: memref<!tpu.dma_semaphore, #tpu.memory_space<semaphore_mem>>, %arg16: memref<!tpu.dma_semaphore, #tpu.memory_space<semaphore_mem>>, %arg17: memref<!tpu.dma_semaphore, #tpu.memory_space<semaphore_mem>>, %arg18: memref<!tpu.dma_semaphore, #tpu.memory_space<semaphore_mem>>, %arg19: memref<!tpu.dma_semaphore, #tpu.memory_space<semaphore_mem>>, %arg20: memref<!tpu.dma_semaphore, #tpu.memory_space<semaphore_mem>>, %arg21: memref<!tpu.dma_semaphore, #tpu.memory_space<semaphore_mem>>, %arg22: memref<!tpu.dma_semaphore, #tpu.memory_space<semaphore_mem>>) attributes {dimension_semantics = [#tpu.dimension_semantics<core_parallel>, #tpu.dimension_semantics<subcore_parallel>], iteration_bounds = array<i64: 2, 16>, scalar_prefetch = 0 : i64, scratch_operands = 16 : i64, tpu.core_type = #tpu.core_type<sc_vector_subcore>, window_params = [{transform_indices = #map}, {transform_indices = #map}, {transform_indices = #map1}, {transform_indices = #map1}, {transform_indices = #map1}]} {
    %mul3A = arith.constant 2 : i32
    %mul3A_0 = arith.muli %arg1, %mul3A : i32
    %add3A = arith.addi %mul3A_0, %arg0 : i32
    "tpu.region"() ({
      %run_scoped3A = tpu.sem_alloc : memref<!tpu.dma_semaphore, #tpu.memory_space<semaphore_mem>>
      %dma_start3A_285 = arith.constant 0 : i32
      %dma_start3A_286 = arith.constant 0 : i32
      %dma_start3A_287 = tpu.memref_slice %arg4[%add3A, %dma_start3A_285, %dma_start3A_286] : memref<32x80x128xi32, #tpu.memory_space<hbm>> -> memref<1x80x128xi32, #tpu.memory_space<hbm>>
      %dma_start3A_288 = tpu.memref_squeeze %dma_start3A_287 : memref<1x80x128xi32, #tpu.memory_space<hbm>> -> memref<80x128xi32, #tpu.memory_space<hbm>>
      %dma_start3A_289 = arith.constant 0 : i32
      %dma_start3A_290 = arith.constant 0 : i32
      %dma_start3A_291 = tpu.memref_slice %arg4[%add3A, %dma_start3A_289, %dma_start3A_290] : memref<32x80x128xi32, #tpu.memory_space<hbm>> -> memref<1x80x128xi32, #tpu.memory_space<hbm>>
      %dma_start3A_292 = tpu.memref_squeeze %dma_start3A_291 : memref<1x80x128xi32, #tpu.memory_space<hbm>> -> memref<80x128xi32, #tpu.memory_space<hbm>>
      tpu.enqueue_dma source(%dma_start3A_292 : memref<80x128xi32, #tpu.memory_space<hbm>>) target(%arg7 : memref<80x128xi32, #tpu.memory_space<vmem>>) target_semaphore(%run_scoped3A : memref<!tpu.dma_semaphore, #tpu.memory_space<semaphore_mem>>)
      %dma_wait3A_293 = arith.constant 0 : i32
      %dma_wait3A_294 = arith.constant 0 : i32
      %dma_wait3A_295 = tpu.memref_slice %arg4[%add3A, %dma_wait3A_293, %dma_wait3A_294] : memref<32x80x128xi32, #tpu.memory_space<hbm>> -> memref<1x80x128xi32, #tpu.memory_space<hbm>>
      %dma_wait3A_296 = tpu.memref_squeeze %dma_wait3A_295 : memref<1x80x128xi32, #tpu.memory_space<hbm>> -> memref<80x128xi32, #tpu.memory_space<hbm>>
      %dma_wait3A_297 = arith.constant 0 : i32
      %dma_wait3A_298 = arith.constant 0 : i32
      %dma_wait3A_299 = tpu.memref_slice %arg4[%add3A, %dma_wait3A_297, %dma_wait3A_298] : memref<32x80x128xi32, #tpu.memory_space<hbm>> -> memref<1x80x128xi32, #tpu.memory_space<hbm>>
      %dma_wait3A_300 = tpu.memref_squeeze %dma_wait3A_299 : memref<1x80x128xi32, #tpu.memory_space<hbm>> -> memref<80x128xi32, #tpu.memory_space<hbm>>
      tpu.wait_dma2 semaphore(%run_scoped3A : memref<!tpu.dma_semaphore, #tpu.memory_space<semaphore_mem>>) src(%dma_wait3A_300 : memref<80x128xi32, #tpu.memory_space<hbm>>) dst(%arg7 : memref<80x128xi32, #tpu.memory_space<vmem>>)
      tpu.yield
    }) : () -> ()
    %mul3A_1 = arith.constant 2 : i32
    %mul3A_2 = arith.muli %arg1, %mul3A_1 : i32
    %add3A_3 = arith.addi %mul3A_2, %arg0 : i32
    "tpu.region"() ({
      %run_scoped3A = tpu.sem_alloc : memref<!tpu.dma_semaphore, #tpu.memory_space<semaphore_mem>>
      %dma_start3A_285 = arith.constant 0 : i32
      %dma_start3A_286 = arith.constant 0 : i32
      %dma_start3A_287 = tpu.memref_slice %arg5[%add3A_3, %dma_start3A_285, %dma_start3A_286] : memref<32x80x128xi32, #tpu.memory_space<hbm>> -> memref<1x80x128xi32, #tpu.memory_space<hbm>>
      %dma_start3A_288 = tpu.memref_squeeze %dma_start3A_287 : memref<1x80x128xi32, #tpu.memory_space<hbm>> -> memref<80x128xi32, #tpu.memory_space<hbm>>
      %dma_start3A_289 = arith.constant 0 : i32
      %dma_start3A_290 = arith.constant 0 : i32
      %dma_start3A_291 = tpu.memref_slice %arg5[%add3A_3, %dma_start3A_289, %dma_start3A_290] : memref<32x80x128xi32, #tpu.memory_space<hbm>> -> memref<1x80x128xi32, #tpu.memory_space<hbm>>
      %dma_start3A_292 = tpu.memref_squeeze %dma_start3A_291 : memref<1x80x128xi32, #tpu.memory_space<hbm>> -> memref<80x128xi32, #tpu.memory_space<hbm>>
      tpu.enqueue_dma source(%dma_start3A_292 : memref<80x128xi32, #tpu.memory_space<hbm>>) target(%arg8 : memref<80x128xi32, #tpu.memory_space<vmem>>) target_semaphore(%run_scoped3A : memref<!tpu.dma_semaphore, #tpu.memory_space<semaphore_mem>>)
      %dma_wait3A_293 = arith.constant 0 : i32
      %dma_wait3A_294 = arith.constant 0 : i32
      %dma_wait3A_295 = tpu.memref_slice %arg5[%add3A_3, %dma_wait3A_293, %dma_wait3A_294] : memref<32x80x128xi32, #tpu.memory_space<hbm>> -> memref<1x80x128xi32, #tpu.memory_space<hbm>>
      %dma_wait3A_296 = tpu.memref_squeeze %dma_wait3A_295 : memref<1x80x128xi32, #tpu.memory_space<hbm>> -> memref<80x128xi32, #tpu.memory_space<hbm>>
      %dma_wait3A_297 = arith.constant 0 : i32
      %dma_wait3A_298 = arith.constant 0 : i32
      %dma_wait3A_299 = tpu.memref_slice %arg5[%add3A_3, %dma_wait3A_297, %dma_wait3A_298] : memref<32x80x128xi32, #tpu.memory_space<hbm>> -> memref<1x80x128xi32, #tpu.memory_space<hbm>>
      %dma_wait3A_300 = tpu.memref_squeeze %dma_wait3A_299 : memref<1x80x128xi32, #tpu.memory_space<hbm>> -> memref<80x128xi32, #tpu.memory_space<hbm>>
      tpu.wait_dma2 semaphore(%run_scoped3A : memref<!tpu.dma_semaphore, #tpu.memory_space<semaphore_mem>>) src(%dma_wait3A_300 : memref<80x128xi32, #tpu.memory_space<hbm>>) dst(%arg8 : memref<80x128xi32, #tpu.memory_space<vmem>>)
      tpu.yield
    }) : () -> ()
    %scan3A = arith.constant 0 : i32
    %scan3A_4 = arith.constant 0 : i32
    %scan3A_5 = arith.constant 128 : i32
    %scan3A_6 = arith.addi %scan3A_4, %scan3A_5 : i32
    %scan3A_7 = arith.constant 1 : i32
    %scan3A_8 = scf.for %scan3A_285 = %scan3A_4 to %scan3A_6 step %scan3A_7 iter_args(%scan3A_286 = %scan3A) -> (i32)  : i32 {
      %broadcast_in_dim3A = arith.constant 0.000000e+00 : f32
      %broadcast_in_dim3A_287 = vector.broadcast %broadcast_in_dim3A : f32 to vector<16xf32>
      %swap3A = arith.index_cast %scan3A_285 : i32 to index
      %swap3A_288 = arith.constant 0 : index
      %swap3A_289 = tpu.vector_load %arg13[%swap3A, %swap3A_288] {strides = array<i32>} : memref<128x64xf32, #tpu.memory_space<vmem>>, vector<1x16xf32>,
      %swap3A_290 = vector.shape_cast %swap3A_289 : vector<1x16xf32> to vector<16xf32>
      %swap3A_291 = vector.shape_cast %broadcast_in_dim3A_287 : vector<16xf32> to vector<1x16xf32>
      tpu.vector_store %arg13[%swap3A, %swap3A_288], %swap3A_291 {strides = array<i32>} : memref<128x64xf32, #tpu.memory_space<vmem>>, vector<1x16xf32>,
      %broadcast_in_dim3A_292 = arith.constant 0.000000e+00 : f32
      %broadcast_in_dim3A_293 = vector.broadcast %broadcast_in_dim3A_292 : f32 to vector<16xf32>
      %swap3A_294 = arith.index_cast %scan3A_285 : i32 to index
      %swap3A_295 = arith.constant 16 : index
      %swap3A_296 = tpu.vector_load %arg13[%swap3A_294, %swap3A_295] {strides = array<i32>} : memref<128x64xf32, #tpu.memory_space<vmem>>, vector<1x16xf32>,
      %swap3A_297 = vector.shape_cast %swap3A_296 : vector<1x16xf32> to vector<16xf32>
      %swap3A_298 = vector.shape_cast %broadcast_in_dim3A_293 : vector<16xf32> to vector<1x16xf32>
      tpu.vector_store %arg13[%swap3A_294, %swap3A_295], %swap3A_298 {strides = array<i32>} : memref<128x64xf32, #tpu.memory_space<vmem>>, vector<1x16xf32>,
      %broadcast_in_dim3A_299 = arith.constant 0.000000e+00 : f32
      %broadcast_in_dim3A_300 = vector.broadcast %broadcast_in_dim3A_299 : f32 to vector<16xf32>
      %swap3A_301 = arith.index_cast %scan3A_285 : i32 to index
      %swap3A_302 = arith.constant 32 : index
      %swap3A_303 = tpu.vector_load %arg13[%swap3A_301, %swap3A_302] {strides = array<i32>} : memref<128x64xf32, #tpu.memory_space<vmem>>, vector<1x16xf32>,
      %swap3A_304 = vector.shape_cast %swap3A_303 : vector<1x16xf32> to vector<16xf32>
      %swap3A_305 = vector.shape_cast %broadcast_in_dim3A_300 : vector<16xf32> to vector<1x16xf32>
      tpu.vector_store %arg13[%swap3A_301, %swap3A_302], %swap3A_305 {strides = array<i32>} : memref<128x64xf32, #tpu.memory_space<vmem>>, vector<1x16xf32>,
      %broadcast_in_dim3A_306 = arith.constant 0.000000e+00 : f32
      %broadcast_in_dim3A_307 = vector.broadcast %broadcast_in_dim3A_306 : f32 to vector<16xf32>
      %swap3A_308 = arith.index_cast %scan3A_285 : i32 to index
      %swap3A_309 = arith.constant 48 : index
      %swap3A_310 = tpu.vector_load %arg13[%swap3A_308, %swap3A_309] {strides = array<i32>} : memref<128x64xf32, #tpu.memory_space<vmem>>, vector<1x16xf32>,
      %swap3A_311 = vector.shape_cast %swap3A_310 : vector<1x16xf32> to vector<16xf32>
      %swap3A_312 = vector.shape_cast %broadcast_in_dim3A_307 : vector<16xf32> to vector<1x16xf32>
      tpu.vector_store %arg13[%swap3A_308, %swap3A_309], %swap3A_312 {strides = array<i32>} : memref<128x64xf32, #tpu.memory_space<vmem>>, vector<1x16xf32>,
      %scan3A_313 = arith.constant 0 : i32
      scf.yield %scan3A_313 : i32
    }
    %scan3A_9 = arith.constant 128 : i32
    %eq3A = arith.constant 0 : i32
    %eq3A_10 = arith.cmpi eq, %arg0, %eq3A : i32
    %convert_element_type3A = arith.extui %eq3A_10 : i1 to i32
    %cond3A = arith.constant 0 : i32
    %cond3A_11 = arith.cmpi ne, %convert_element_type3A, %cond3A : i32
    scf.if %cond3A_11 {
      %mul3A_285 = arith.constant 640 : i32
      %mul3A_286 = arith.muli %arg1, %mul3A_285 : i32
      %mul3A_287 = arith.constant 640 : i32
      %mul3A_288 = arith.muli %arg1, %mul3A_287 : i32
      "tpu.region"() ({
        %run_scoped3A = tpu.sem_alloc : memref<!tpu.dma_semaphore, #tpu.memory_space<semaphore_mem>>
        %dma_start3A_289 = arith.constant 0 : i32
        %dma_start3A_290 = tpu.memref_slice %arg14[%mul3A_288, %dma_start3A_289] : memref<10240x64xf32, #tpu.memory_space<vmem_shared>> -> memref<640x64xf32, #tpu.memory_space<vmem_shared>>
        %dma_start3A_291 = arith.constant 0 : i32
        %dma_start3A_292 = tpu.memref_slice %arg2[%mul3A_286, %dma_start3A_291] : memref<10240x64xf32, #tpu.memory_space<hbm>> -> memref<640x64xf32, #tpu.memory_space<hbm>>
        tpu.enqueue_dma source(%dma_start3A_292 : memref<640x64xf32, #tpu.memory_space<hbm>>) target(%dma_start3A_290 : memref<640x64xf32, #tpu.memory_space<vmem_shared>>) target_semaphore(%run_scoped3A : memref<!tpu.dma_semaphore, #tpu.memory_space<semaphore_mem>>)
        %dma_wait3A_293 = arith.constant 0 : i32
        %dma_wait3A_294 = tpu.memref_slice %arg14[%mul3A_288, %dma_wait3A_293] : memref<10240x64xf32, #tpu.memory_space<vmem_shared>> -> memref<640x64xf32, #tpu.memory_space<vmem_shared>>
        %dma_wait3A_295 = arith.constant 0 : i32
        %dma_wait3A_296 = tpu.memref_slice %arg2[%mul3A_286, %dma_wait3A_295] : memref<10240x64xf32, #tpu.memory_space<hbm>> -> memref<640x64xf32, #tpu.memory_space<hbm>>
        tpu.wait_dma2 semaphore(%run_scoped3A : memref<!tpu.dma_semaphore, #tpu.memory_space<semaphore_mem>>) src(%dma_wait3A_296 : memref<640x64xf32, #tpu.memory_space<hbm>>) dst(%dma_wait3A_294 : memref<640x64xf32, #tpu.memory_space<vmem_shared>>)
        tpu.yield
      }) : () -> ()
    } else {
    }
    %ne3A = arith.constant 0 : i32
    %ne3A_12 = arith.cmpi ne, %arg0, %ne3A : i32
    %convert_element_type3A_13 = arith.extui %ne3A_12 : i1 to i32
    %cond3A_14 = arith.constant 0 : i32
    %cond3A_15 = arith.cmpi ne, %convert_element_type3A_13, %cond3A_14 : i32
    scf.if %cond3A_15 {
      %mul3A_285 = arith.constant 640 : i32
      %mul3A_286 = arith.muli %arg1, %mul3A_285 : i32
      %add3A_287 = arith.constant 0 : i32
      %add3A_288 = arith.addi %mul3A_286, %add3A_287 : i32
      "tpu.region"() ({
        %run_scoped3A = tpu.sem_alloc : memref<!tpu.dma_semaphore, #tpu.memory_space<semaphore_mem>>
        %dma_start3A_305 = arith.constant 0 : i32
        %dma_start3A_306 = tpu.memref_slice %arg14[%add3A_288, %dma_start3A_305] : memref<10240x64xf32, #tpu.memory_space<vmem_shared>> -> memref<128x64xf32, #tpu.memory_space<vmem_shared>>
        %dma_start3A_307 = arith.constant 0 : i32
        %dma_start3A_308 = tpu.memref_slice %arg14[%add3A_288, %dma_start3A_307] : memref<10240x64xf32, #tpu.memory_space<vmem_shared>> -> memref<128x64xf32, #tpu.memory_space<vmem_shared>>
        tpu.enqueue_dma source(%arg13 : memref<128x64xf32, #tpu.memory_space<vmem>>) target(%dma_start3A_308 : memref<128x64xf32, #tpu.memory_space<vmem_shared>>) target_semaphore(%run_scoped3A : memref<!tpu.dma_semaphore, #tpu.memory_space<semaphore_mem>>)
        %dma_wait3A_309 = arith.constant 0 : i32
        %dma_wait3A_310 = tpu.memref_slice %arg14[%add3A_288, %dma_wait3A_309] : memref<10240x64xf32, #tpu.memory_space<vmem_shared>> -> memref<128x64xf32, #tpu.memory_space<vmem_shared>>
        %dma_wait3A_311 = arith.constant 0 : i32
        %dma_wait3A_312 = tpu.memref_slice %arg14[%add3A_288, %dma_wait3A_311] : memref<10240x64xf32, #tpu.memory_space<vmem_shared>> -> memref<128x64xf32, #tpu.memory_space<vmem_shared>>
        tpu.wait_dma2 semaphore(%run_scoped3A : memref<!tpu.dma_semaphore, #tpu.memory_space<semaphore_mem>>) src(%arg13 : memref<128x64xf32, #tpu.memory_space<vmem>>) dst(%dma_wait3A_312 : memref<128x64xf32, #tpu.memory_space<vmem_shared>>)
        tpu.yield
      }) : () -> ()
      %mul3A_289 = arith.constant 640 : i32
      %mul3A_290 = arith.muli %arg1, %mul3A_289 : i32
      %add3A_291 = arith.constant 128 : i32
      %add3A_292 = arith.addi %mul3A_290, %add3A_291 : i32
      "tpu.region"() ({
        %run_scoped3A = tpu.sem_alloc : memref<!tpu.dma_semaphore, #tpu.memory_space<semaphore_mem>>
        %dma_start3A_305 = arith.constant 0 : i32
        %dma_start3A_306 = tpu.memref_slice %arg14[%add3A_292, %dma_start3A_305] : memref<10240x64xf32, #tpu.memory_space<vmem_shared>> -> memref<128x64xf32, #tpu.memory_space<vmem_shared>>
        %dma_start3A_307 = arith.constant 0 : i32
        %dma_start3A_308 = tpu.memref_slice %arg14[%add3A_292, %dma_start3A_307] : memref<10240x64xf32, #tpu.memory_space<vmem_shared>> -> memref<128x64xf32, #tpu.memory_space<vmem_shared>>
        tpu.enqueue_dma source(%arg13 : memref<128x64xf32, #tpu.memory_space<vmem>>) target(%dma_start3A_308 : memref<128x64xf32, #tpu.memory_space<vmem_shared>>) target_semaphore(%run_scoped3A : memref<!tpu.dma_semaphore, #tpu.memory_space<semaphore_mem>>)
        %dma_wait3A_309 = arith.constant 0 : i32
        %dma_wait3A_310 = tpu.memref_slice %arg14[%add3A_292, %dma_wait3A_309] : memref<10240x64xf32, #tpu.memory_space<vmem_shared>> -> memref<128x64xf32, #tpu.memory_space<vmem_shared>>
        %dma_wait3A_311 = arith.constant 0 : i32
        %dma_wait3A_312 = tpu.memref_slice %arg14[%add3A_292, %dma_wait3A_311] : memref<10240x64xf32, #tpu.memory_space<vmem_shared>> -> memref<128x64xf32, #tpu.memory_space<vmem_shared>>
        tpu.wait_dma2 semaphore(%run_scoped3A : memref<!tpu.dma_semaphore, #tpu.memory_space<semaphore_mem>>) src(%arg13 : memref<128x64xf32, #tpu.memory_space<vmem>>) dst(%dma_wait3A_312 : memref<128x64xf32, #tpu.memory_space<vmem_shared>>)
        tpu.yield
      }) : () -> ()
      %mul3A_293 = arith.constant 640 : i32
      %mul3A_294 = arith.muli %arg1, %mul3A_293 : i32
      %add3A_295 = arith.constant 256 : i32
      %add3A_296 = arith.addi %mul3A_294, %add3A_295 : i32
      "tpu.region"() ({
        %run_scoped3A = tpu.sem_alloc : memref<!tpu.dma_semaphore, #tpu.memory_space<semaphore_mem>>
        %dma_start3A_305 = arith.constant 0 : i32
        %dma_start3A_306 = tpu.memref_slice %arg14[%add3A_296, %dma_start3A_305] : memref<10240x64xf32, #tpu.memory_space<vmem_shared>> -> memref<128x64xf32, #tpu.memory_space<vmem_shared>>
        %dma_start3A_307 = arith.constant 0 : i32
        %dma_start3A_308 = tpu.memref_slice %arg14[%add3A_296, %dma_start3A_307] : memref<10240x64xf32, #tpu.memory_space<vmem_shared>> -> memref<128x64xf32, #tpu.memory_space<vmem_shared>>
        tpu.enqueue_dma source(%arg13 : memref<128x64xf32, #tpu.memory_space<vmem>>) target(%dma_start3A_308 : memref<128x64xf32, #tpu.memory_space<vmem_shared>>) target_semaphore(%run_scoped3A : memref<!tpu.dma_semaphore, #tpu.memory_space<semaphore_mem>>)
        %dma_wait3A_309 = arith.constant 0 : i32
        %dma_wait3A_310 = tpu.memref_slice %arg14[%add3A_296, %dma_wait3A_309] : memref<10240x64xf32, #tpu.memory_space<vmem_shared>> -> memref<128x64xf32, #tpu.memory_space<vmem_shared>>
        %dma_wait3A_311 = arith.constant 0 : i32
        %dma_wait3A_312 = tpu.memref_slice %arg14[%add3A_296, %dma_wait3A_311] : memref<10240x64xf32, #tpu.memory_space<vmem_shared>> -> memref<128x64xf32, #tpu.memory_space<vmem_shared>>
        tpu.wait_dma2 semaphore(%run_scoped3A : memref<!tpu.dma_semaphore, #tpu.memory_space<semaphore_mem>>) src(%arg13 : memref<128x64xf32, #tpu.memory_space<vmem>>) dst(%dma_wait3A_312 : memref<128x64xf32, #tpu.memory_space<vmem_shared>>)
        tpu.yield
      }) : () -> ()
      %mul3A_297 = arith.constant 640 : i32
      %mul3A_298 = arith.muli %arg1, %mul3A_297 : i32
      %add3A_299 = arith.constant 384 : i32
      %add3A_300 = arith.addi %mul3A_298, %add3A_299 : i32
      "tpu.region"() ({
        %run_scoped3A = tpu.sem_alloc : memref<!tpu.dma_semaphore, #tpu.memory_space<semaphore_mem>>
        %dma_start3A_305 = arith.constant 0 : i32
        %dma_start3A_306 = tpu.memref_slice %arg14[%add3A_300, %dma_start3A_305] : memref<10240x64xf32, #tpu.memory_space<vmem_shared>> -> memref<128x64xf32, #tpu.memory_space<vmem_shared>>
        %dma_start3A_307 = arith.constant 0 : i32
        %dma_start3A_308 = tpu.memref_slice %arg14[%add3A_300, %dma_start3A_307] : memref<10240x64xf32, #tpu.memory_space<vmem_shared>> -> memref<128x64xf32, #tpu.memory_space<vmem_shared>>
        tpu.enqueue_dma source(%arg13 : memref<128x64xf32, #tpu.memory_space<vmem>>) target(%dma_start3A_308 : memref<128x64xf32, #tpu.memory_space<vmem_shared>>) target_semaphore(%run_scoped3A : memref<!tpu.dma_semaphore, #tpu.memory_space<semaphore_mem>>)
        %dma_wait3A_309 = arith.constant 0 : i32
        %dma_wait3A_310 = tpu.memref_slice %arg14[%add3A_300, %dma_wait3A_309] : memref<10240x64xf32, #tpu.memory_space<vmem_shared>> -> memref<128x64xf32, #tpu.memory_space<vmem_shared>>
        %dma_wait3A_311 = arith.constant 0 : i32
        %dma_wait3A_312 = tpu.memref_slice %arg14[%add3A_300, %dma_wait3A_311] : memref<10240x64xf32, #tpu.memory_space<vmem_shared>> -> memref<128x64xf32, #tpu.memory_space<vmem_shared>>
        tpu.wait_dma2 semaphore(%run_scoped3A : memref<!tpu.dma_semaphore, #tpu.memory_space<semaphore_mem>>) src(%arg13 : memref<128x64xf32, #tpu.memory_space<vmem>>) dst(%dma_wait3A_312 : memref<128x64xf32, #tpu.memory_space<vmem_shared>>)
        tpu.yield
      }) : () -> ()
      %mul3A_301 = arith.constant 640 : i32
      %mul3A_302 = arith.muli %arg1, %mul3A_301 : i32
      %add3A_303 = arith.constant 512 : i32
      %add3A_304 = arith.addi %mul3A_302, %add3A_303 : i32
      "tpu.region"() ({
        %run_scoped3A = tpu.sem_alloc : memref<!tpu.dma_semaphore, #tpu.memory_space<semaphore_mem>>
        %dma_start3A_305 = arith.constant 0 : i32
        %dma_start3A_306 = tpu.memref_slice %arg14[%add3A_304, %dma_start3A_305] : memref<10240x64xf32, #tpu.memory_space<vmem_shared>> -> memref<128x64xf32, #tpu.memory_space<vmem_shared>>
        %dma_start3A_307 = arith.constant 0 : i32
        %dma_start3A_308 = tpu.memref_slice %arg14[%add3A_304, %dma_start3A_307] : memref<10240x64xf32, #tpu.memory_space<vmem_shared>> -> memref<128x64xf32, #tpu.memory_space<vmem_shared>>
        tpu.enqueue_dma source(%arg13 : memref<128x64xf32, #tpu.memory_space<vmem>>) target(%dma_start3A_308 : memref<128x64xf32, #tpu.memory_space<vmem_shared>>) target_semaphore(%run_scoped3A : memref<!tpu.dma_semaphore, #tpu.memory_space<semaphore_mem>>)
        %dma_wait3A_309 = arith.constant 0 : i32
        %dma_wait3A_310 = tpu.memref_slice %arg14[%add3A_304, %dma_wait3A_309] : memref<10240x64xf32, #tpu.memory_space<vmem_shared>> -> memref<128x64xf32, #tpu.memory_space<vmem_shared>>
        %dma_wait3A_311 = arith.constant 0 : i32
        %dma_wait3A_312 = tpu.memref_slice %arg14[%add3A_304, %dma_wait3A_311] : memref<10240x64xf32, #tpu.memory_space<vmem_shared>> -> memref<128x64xf32, #tpu.memory_space<vmem_shared>>
        tpu.wait_dma2 semaphore(%run_scoped3A : memref<!tpu.dma_semaphore, #tpu.memory_space<semaphore_mem>>) src(%arg13 : memref<128x64xf32, #tpu.memory_space<vmem>>) dst(%dma_wait3A_312 : memref<128x64xf32, #tpu.memory_space<vmem_shared>>)
        tpu.yield
      }) : () -> ()
    } else {
    }
    %barrier3A = arith.constant 0 : index
    tpu.barrier barrier_id(%barrier3A)
    %dma_start3A = arith.constant 0 : i32
    %dma_start3A_16 = arith.constant 0 : i32
    %dma_start3A_17 = tpu.memref_slice %arg7[%dma_start3A, %dma_start3A_16] : memref<80x128xi32, #tpu.memory_space<vmem>> -> memref<1x128xi32, #tpu.memory_space<vmem>>
    %dma_start3A_18 = tpu.memref_squeeze %dma_start3A_17 : memref<1x128xi32, #tpu.memory_space<vmem>> -> memref<128xi32, #tpu.memory_space<vmem>>
    %dma_start3A_19 = arith.constant 0 : i32
    %dma_start3A_20 = arith.constant 0 : i32
    %dma_start3A_21 = tpu.memref_slice %arg2[%dma_start3A_19, %dma_start3A_20] : memref<10240x64xf32, #tpu.memory_space<hbm>> -> memref<10240x64xf32, #tpu.memory_space<hbm>>
    tpu.enqueue_indirect_dma source(%dma_start3A_21 : memref<10240x64xf32, #tpu.memory_space<hbm>>) target(%arg9 : memref<128x64xf32, #tpu.memory_space<vmem>>) offsets(%dma_start3A_18 : memref<128xi32, #tpu.memory_space<vmem>>) semaphore(%arg15 : memref<!tpu.dma_semaphore, #tpu.memory_space<semaphore_mem>>)
    %dma_start3A_22 = arith.constant 1 : i32
    %dma_start3A_23 = arith.constant 0 : i32
    %dma_start3A_24 = tpu.memref_slice %arg7[%dma_start3A_22, %dma_start3A_23] : memref<80x128xi32, #tpu.memory_space<vmem>> -> memref<1x128xi32, #tpu.memory_space<vmem>>
    %dma_start3A_25 = tpu.memref_squeeze %dma_start3A_24 : memref<1x128xi32, #tpu.memory_space<vmem>> -> memref<128xi32, #tpu.memory_space<vmem>>
    %dma_start3A_26 = arith.constant 0 : i32
    %dma_start3A_27 = arith.constant 0 : i32
    %dma_start3A_28 = tpu.memref_slice %arg2[%dma_start3A_26, %dma_start3A_27] : memref<10240x64xf32, #tpu.memory_space<hbm>> -> memref<10240x64xf32, #tpu.memory_space<hbm>>
    tpu.enqueue_indirect_dma source(%dma_start3A_28 : memref<10240x64xf32, #tpu.memory_space<hbm>>) target(%arg10 : memref<128x64xf32, #tpu.memory_space<vmem>>) offsets(%dma_start3A_25 : memref<128xi32, #tpu.memory_space<vmem>>) semaphore(%arg16 : memref<!tpu.dma_semaphore, #tpu.memory_space<semaphore_mem>>)
    %dma_start3A_29 = arith.constant 2 : i32
    %dma_start3A_30 = arith.constant 0 : i32
    %dma_start3A_31 = tpu.memref_slice %arg7[%dma_start3A_29, %dma_start3A_30] : memref<80x128xi32, #tpu.memory_space<vmem>> -> memref<1x128xi32, #tpu.memory_space<vmem>>
    %dma_start3A_32 = tpu.memref_squeeze %dma_start3A_31 : memref<1x128xi32, #tpu.memory_space<vmem>> -> memref<128xi32, #tpu.memory_space<vmem>>
    %dma_start3A_33 = arith.constant 0 : i32
    %dma_start3A_34 = arith.constant 0 : i32
    %dma_start3A_35 = tpu.memref_slice %arg2[%dma_start3A_33, %dma_start3A_34] : memref<10240x64xf32, #tpu.memory_space<hbm>> -> memref<10240x64xf32, #tpu.memory_space<hbm>>
    tpu.enqueue_indirect_dma source(%dma_start3A_35 : memref<10240x64xf32, #tpu.memory_space<hbm>>) target(%arg11 : memref<128x64xf32, #tpu.memory_space<vmem>>) offsets(%dma_start3A_32 : memref<128xi32, #tpu.memory_space<vmem>>) semaphore(%arg17 : memref<!tpu.dma_semaphore, #tpu.memory_space<semaphore_mem>>)
    %dma_start3A_36 = arith.constant 3 : i32
    %dma_start3A_37 = arith.constant 0 : i32
    %dma_start3A_38 = tpu.memref_slice %arg7[%dma_start3A_36, %dma_start3A_37] : memref<80x128xi32, #tpu.memory_space<vmem>> -> memref<1x128xi32, #tpu.memory_space<vmem>>
    %dma_start3A_39 = tpu.memref_squeeze %dma_start3A_38 : memref<1x128xi32, #tpu.memory_space<vmem>> -> memref<128xi32, #tpu.memory_space<vmem>>
    %dma_start3A_40 = arith.constant 0 : i32
    %dma_start3A_41 = arith.constant 0 : i32
    %dma_start3A_42 = tpu.memref_slice %arg2[%dma_start3A_40, %dma_start3A_41] : memref<10240x64xf32, #tpu.memory_space<hbm>> -> memref<10240x64xf32, #tpu.memory_space<hbm>>
    tpu.enqueue_indirect_dma source(%dma_start3A_42 : memref<10240x64xf32, #tpu.memory_space<hbm>>) target(%arg12 : memref<128x64xf32, #tpu.memory_space<vmem>>) offsets(%dma_start3A_39 : memref<128xi32, #tpu.memory_space<vmem>>) semaphore(%arg18 : memref<!tpu.dma_semaphore, #tpu.memory_space<semaphore_mem>>)
    %scan3A_43 = arith.constant 0 : i32
    %scan3A_44 = arith.constant 0 : i32
    %scan3A_45 = arith.constant 19 : i32
    %scan3A_46 = arith.addi %scan3A_44, %scan3A_45 : i32
    %scan3A_47 = arith.constant 1 : i32
    %scan3A_48 = scf.for %scan3A_285 = %scan3A_44 to %scan3A_46 step %scan3A_47 iter_args(%scan3A_286 = %scan3A_43) -> (i32)  : i32 {
      %mul3A_287 = arith.constant 4 : i32
      %mul3A_288 = arith.muli %scan3A_285, %mul3A_287 : i32
      %add3A_289 = arith.constant 0 : i32
      %add3A_290 = arith.addi %mul3A_288, %add3A_289 : i32
      %dma_wait3A_291 = arith.constant 0 : i32
      %dma_wait3A_292 = tpu.memref_slice %arg7[%add3A_290, %dma_wait3A_291] : memref<80x128xi32, #tpu.memory_space<vmem>> -> memref<1x128xi32, #tpu.memory_space<vmem>>
      %dma_wait3A_293 = tpu.memref_squeeze %dma_wait3A_292 : memref<1x128xi32, #tpu.memory_space<vmem>> -> memref<128xi32, #tpu.memory_space<vmem>>
      %dma_wait3A_294 = arith.constant 0 : i32
      %dma_wait3A_295 = arith.constant 0 : i32
      %dma_wait3A_296 = tpu.memref_slice %arg2[%dma_wait3A_294, %dma_wait3A_295] : memref<10240x64xf32, #tpu.memory_space<hbm>> -> memref<10240x64xf32, #tpu.memory_space<hbm>>
      tpu.wait_indirect_dma semaphore(%arg15 : memref<!tpu.dma_semaphore, #tpu.memory_space<semaphore_mem>>) src(%dma_wait3A_296 : memref<10240x64xf32, #tpu.memory_space<hbm>>) dst(%arg9 : memref<128x64xf32, #tpu.memory_space<vmem>>)
      %dma_start3A_297 = arith.constant 0 : i32
      %dma_start3A_298 = tpu.memref_slice %arg8[%add3A_290, %dma_start3A_297] : memref<80x128xi32, #tpu.memory_space<vmem>> -> memref<1x128xi32, #tpu.memory_space<vmem>>
      %dma_start3A_299 = tpu.memref_squeeze %dma_start3A_298 : memref<1x128xi32, #tpu.memory_space<vmem>> -> memref<128xi32, #tpu.memory_space<vmem>>
      %dma_start3A_300 = arith.constant 0 : i32
      %dma_start3A_301 = arith.constant 0 : i32
      %dma_start3A_302 = tpu.memref_slice %arg14[%dma_start3A_300, %dma_start3A_301] : memref<10240x64xf32, #tpu.memory_space<vmem_shared>> -> memref<10240x64xf32, #tpu.memory_space<vmem_shared>>
      tpu.enqueue_indirect_dma source(%arg9 : memref<128x64xf32, #tpu.memory_space<vmem>>) target(%dma_start3A_302 : memref<10240x64xf32, #tpu.memory_space<vmem_shared>>) offsets(%dma_start3A_299 : memref<128xi32, #tpu.memory_space<vmem>>) semaphore(%arg19 : memref<!tpu.dma_semaphore, #tpu.memory_space<semaphore_mem>>) {add = true}
      %add3A_303 = arith.constant 1 : i32
      %add3A_304 = arith.addi %mul3A_288, %add3A_303 : i32
      %dma_wait3A_305 = arith.constant 0 : i32
      %dma_wait3A_306 = tpu.memref_slice %arg7[%add3A_304, %dma_wait3A_305] : memref<80x128xi32, #tpu.memory_space<vmem>> -> memref<1x128xi32, #tpu.memory_space<vmem>>
      %dma_wait3A_307 = tpu.memref_squeeze %dma_wait3A_306 : memref<1x128xi32, #tpu.memory_space<vmem>> -> memref<128xi32, #tpu.memory_space<vmem>>
      %dma_wait3A_308 = arith.constant 0 : i32
      %dma_wait3A_309 = arith.constant 0 : i32
      %dma_wait3A_310 = tpu.memref_slice %arg2[%dma_wait3A_308, %dma_wait3A_309] : memref<10240x64xf32, #tpu.memory_space<hbm>> -> memref<10240x64xf32, #tpu.memory_space<hbm>>
      tpu.wait_indirect_dma semaphore(%arg16 : memref<!tpu.dma_semaphore, #tpu.memory_space<semaphore_mem>>) src(%dma_wait3A_310 : memref<10240x64xf32, #tpu.memory_space<hbm>>) dst(%arg10 : memref<128x64xf32, #tpu.memory_space<vmem>>)
      %dma_start3A_311 = arith.constant 0 : i32
      %dma_start3A_312 = tpu.memref_slice %arg8[%add3A_304, %dma_start3A_311] : memref<80x128xi32, #tpu.memory_space<vmem>> -> memref<1x128xi32, #tpu.memory_space<vmem>>
      %dma_start3A_313 = tpu.memref_squeeze %dma_start3A_312 : memref<1x128xi32, #tpu.memory_space<vmem>> -> memref<128xi32, #tpu.memory_space<vmem>>
      %dma_start3A_314 = arith.constant 0 : i32
      %dma_start3A_315 = arith.constant 0 : i32
      %dma_start3A_316 = tpu.memref_slice %arg14[%dma_start3A_314, %dma_start3A_315] : memref<10240x64xf32, #tpu.memory_space<vmem_shared>> -> memref<10240x64xf32, #tpu.memory_space<vmem_shared>>
      tpu.enqueue_indirect_dma source(%arg10 : memref<128x64xf32, #tpu.memory_space<vmem>>) target(%dma_start3A_316 : memref<10240x64xf32, #tpu.memory_space<vmem_shared>>) offsets(%dma_start3A_313 : memref<128xi32, #tpu.memory_space<vmem>>) semaphore(%arg20 : memref<!tpu.dma_semaphore, #tpu.memory_space<semaphore_mem>>) {add = true}
      %add3A_317 = arith.constant 2 : i32
      %add3A_318 = arith.addi %mul3A_288, %add3A_317 : i32
      %dma_wait3A_319 = arith.constant 0 : i32
      %dma_wait3A_320 = tpu.memref_slice %arg7[%add3A_318, %dma_wait3A_319] : memref<80x128xi32, #tpu.memory_space<vmem>> -> memref<1x128xi32, #tpu.memory_space<vmem>>
      %dma_wait3A_321 = tpu.memref_squeeze %dma_wait3A_320 : memref<1x128xi32, #tpu.memory_space<vmem>> -> memref<128xi32, #tpu.memory_space<vmem>>
      %dma_wait3A_322 = arith.constant 0 : i32
      %dma_wait3A_323 = arith.constant 0 : i32
      %dma_wait3A_324 = tpu.memref_slice %arg2[%dma_wait3A_322, %dma_wait3A_323] : memref<10240x64xf32, #tpu.memory_space<hbm>> -> memref<10240x64xf32, #tpu.memory_space<hbm>>
      tpu.wait_indirect_dma semaphore(%arg17 : memref<!tpu.dma_semaphore, #tpu.memory_space<semaphore_mem>>) src(%dma_wait3A_324 : memref<10240x64xf32, #tpu.memory_space<hbm>>) dst(%arg11 : memref<128x64xf32, #tpu.memory_space<vmem>>)
      %dma_start3A_325 = arith.constant 0 : i32
      %dma_start3A_326 = tpu.memref_slice %arg8[%add3A_318, %dma_start3A_325] : memref<80x128xi32, #tpu.memory_space<vmem>> -> memref<1x128xi32, #tpu.memory_space<vmem>>
      %dma_start3A_327 = tpu.memref_squeeze %dma_start3A_326 : memref<1x128xi32, #tpu.memory_space<vmem>> -> memref<128xi32, #tpu.memory_space<vmem>>
      %dma_start3A_328 = arith.constant 0 : i32
      %dma_start3A_329 = arith.constant 0 : i32
      %dma_start3A_330 = tpu.memref_slice %arg14[%dma_start3A_328, %dma_start3A_329] : memref<10240x64xf32, #tpu.memory_space<vmem_shared>> -> memref<10240x64xf32, #tpu.memory_space<vmem_shared>>
      tpu.enqueue_indirect_dma source(%arg11 : memref<128x64xf32, #tpu.memory_space<vmem>>) target(%dma_start3A_330 : memref<10240x64xf32, #tpu.memory_space<vmem_shared>>) offsets(%dma_start3A_327 : memref<128xi32, #tpu.memory_space<vmem>>) semaphore(%arg21 : memref<!tpu.dma_semaphore, #tpu.memory_space<semaphore_mem>>) {add = true}
      %add3A_331 = arith.constant 3 : i32
      %add3A_332 = arith.addi %mul3A_288, %add3A_331 : i32
      %dma_wait3A_333 = arith.constant 0 : i32
      %dma_wait3A_334 = tpu.memref_slice %arg7[%add3A_332, %dma_wait3A_333] : memref<80x128xi32, #tpu.memory_space<vmem>> -> memref<1x128xi32, #tpu.memory_space<vmem>>
      %dma_wait3A_335 = tpu.memref_squeeze %dma_wait3A_334 : memref<1x128xi32, #tpu.memory_space<vmem>> -> memref<128xi32, #tpu.memory_space<vmem>>
      %dma_wait3A_336 = arith.constant 0 : i32
      %dma_wait3A_337 = arith.constant 0 : i32
      %dma_wait3A_338 = tpu.memref_slice %arg2[%dma_wait3A_336, %dma_wait3A_337] : memref<10240x64xf32, #tpu.memory_space<hbm>> -> memref<10240x64xf32, #tpu.memory_space<hbm>>
      tpu.wait_indirect_dma semaphore(%arg18 : memref<!tpu.dma_semaphore, #tpu.memory_space<semaphore_mem>>) src(%dma_wait3A_338 : memref<10240x64xf32, #tpu.memory_space<hbm>>) dst(%arg12 : memref<128x64xf32, #tpu.memory_space<vmem>>)
      %dma_start3A_339 = arith.constant 0 : i32
      %dma_start3A_340 = tpu.memref_slice %arg8[%add3A_332, %dma_start3A_339] : memref<80x128xi32, #tpu.memory_space<vmem>> -> memref<1x128xi32, #tpu.memory_space<vmem>>
      %dma_start3A_341 = tpu.memref_squeeze %dma_start3A_340 : memref<1x128xi32, #tpu.memory_space<vmem>> -> memref<128xi32, #tpu.memory_space<vmem>>
      %dma_start3A_342 = arith.constant 0 : i32
      %dma_start3A_343 = arith.constant 0 : i32
      %dma_start3A_344 = tpu.memref_slice %arg14[%dma_start3A_342, %dma_start3A_343] : memref<10240x64xf32, #tpu.memory_space<vmem_shared>> -> memref<10240x64xf32, #tpu.memory_space<vmem_shared>>
      tpu.enqueue_indirect_dma source(%arg12 : memref<128x64xf32, #tpu.memory_space<vmem>>) target(%dma_start3A_344 : memref<10240x64xf32, #tpu.memory_space<vmem_shared>>) offsets(%dma_start3A_341 : memref<128xi32, #tpu.memory_space<vmem>>) semaphore(%arg22 : memref<!tpu.dma_semaphore, #tpu.memory_space<semaphore_mem>>) {add = true}
      %add3A_345 = arith.constant 0 : i32
      %add3A_346 = arith.addi %mul3A_288, %add3A_345 : i32
      %dma_wait3A_347 = arith.constant 0 : i32
      %dma_wait3A_348 = tpu.memref_slice %arg8[%add3A_346, %dma_wait3A_347] : memref<80x128xi32, #tpu.memory_space<vmem>> -> memref<1x128xi32, #tpu.memory_space<vmem>>
      %dma_wait3A_349 = tpu.memref_squeeze %dma_wait3A_348 : memref<1x128xi32, #tpu.memory_space<vmem>> -> memref<128xi32, #tpu.memory_space<vmem>>
      %dma_wait3A_350 = arith.constant 0 : i32
      %dma_wait3A_351 = arith.constant 0 : i32
      %dma_wait3A_352 = tpu.memref_slice %arg14[%dma_wait3A_350, %dma_wait3A_351] : memref<10240x64xf32, #tpu.memory_space<vmem_shared>> -> memref<10240x64xf32, #tpu.memory_space<vmem_shared>>
      tpu.wait_indirect_dma semaphore(%arg19 : memref<!tpu.dma_semaphore, #tpu.memory_space<semaphore_mem>>) src(%arg9 : memref<128x64xf32, #tpu.memory_space<vmem>>) dst(%dma_wait3A_352 : memref<10240x64xf32, #tpu.memory_space<vmem_shared>>)
      %add3A_353 = arith.constant 4 : i32
      %add3A_354 = arith.addi %add3A_346, %add3A_353 : i32
      %dma_start3A_355 = arith.constant 0 : i32
      %dma_start3A_356 = tpu.memref_slice %arg7[%add3A_354, %dma_start3A_355] : memref<80x128xi32, #tpu.memory_space<vmem>> -> memref<1x128xi32, #tpu.memory_space<vmem>>
      %dma_start3A_357 = tpu.memref_squeeze %dma_start3A_356 : memref<1x128xi32, #tpu.memory_space<vmem>> -> memref<128xi32, #tpu.memory_space<vmem>>
      %dma_start3A_358 = arith.constant 0 : i32
      %dma_start3A_359 = arith.constant 0 : i32
      %dma_start3A_360 = tpu.memref_slice %arg2[%dma_start3A_358, %dma_start3A_359] : memref<10240x64xf32, #tpu.memory_space<hbm>> -> memref<10240x64xf32, #tpu.memory_space<hbm>>
      tpu.enqueue_indirect_dma source(%dma_start3A_360 : memref<10240x64xf32, #tpu.memory_space<hbm>>) target(%arg9 : memref<128x64xf32, #tpu.memory_space<vmem>>) offsets(%dma_start3A_357 : memref<128xi32, #tpu.memory_space<vmem>>) semaphore(%arg15 : memref<!tpu.dma_semaphore, #tpu.memory_space<semaphore_mem>>)
      %add3A_361 = arith.constant 1 : i32
      %add3A_362 = arith.addi %mul3A_288, %add3A_361 : i32
      %dma_wait3A_363 = arith.constant 0 : i32
      %dma_wait3A_364 = tpu.memref_slice %arg8[%add3A_362, %dma_wait3A_363] : memref<80x128xi32, #tpu.memory_space<vmem>> -> memref<1x128xi32, #tpu.memory_space<vmem>>
      %dma_wait3A_365 = tpu.memref_squeeze %dma_wait3A_364 : memref<1x128xi32, #tpu.memory_space<vmem>> -> memref<128xi32, #tpu.memory_space<vmem>>
      %dma_wait3A_366 = arith.constant 0 : i32
      %dma_wait3A_367 = arith.constant 0 : i32
      %dma_wait3A_368 = tpu.memref_slice %arg14[%dma_wait3A_366, %dma_wait3A_367] : memref<10240x64xf32, #tpu.memory_space<vmem_shared>> -> memref<10240x64xf32, #tpu.memory_space<vmem_shared>>
      tpu.wait_indirect_dma semaphore(%arg20 : memref<!tpu.dma_semaphore, #tpu.memory_space<semaphore_mem>>) src(%arg10 : memref<128x64xf32, #tpu.memory_space<vmem>>) dst(%dma_wait3A_368 : memref<10240x64xf32, #tpu.memory_space<vmem_shared>>)
      %add3A_369 = arith.constant 4 : i32
      %add3A_370 = arith.addi %add3A_362, %add3A_369 : i32
      %dma_start3A_371 = arith.constant 0 : i32
      %dma_start3A_372 = tpu.memref_slice %arg7[%add3A_370, %dma_start3A_371] : memref<80x128xi32, #tpu.memory_space<vmem>> -> memref<1x128xi32, #tpu.memory_space<vmem>>
      %dma_start3A_373 = tpu.memref_squeeze %dma_start3A_372 : memref<1x128xi32, #tpu.memory_space<vmem>> -> memref<128xi32, #tpu.memory_space<vmem>>
      %dma_start3A_374 = arith.constant 0 : i32
      %dma_start3A_375 = arith.constant 0 : i32
      %dma_start3A_376 = tpu.memref_slice %arg2[%dma_start3A_374, %dma_start3A_375] : memref<10240x64xf32, #tpu.memory_space<hbm>> -> memref<10240x64xf32, #tpu.memory_space<hbm>>
      tpu.enqueue_indirect_dma source(%dma_start3A_376 : memref<10240x64xf32, #tpu.memory_space<hbm>>) target(%arg10 : memref<128x64xf32, #tpu.memory_space<vmem>>) offsets(%dma_start3A_373 : memref<128xi32, #tpu.memory_space<vmem>>) semaphore(%arg16 : memref<!tpu.dma_semaphore, #tpu.memory_space<semaphore_mem>>)
      %add3A_377 = arith.constant 2 : i32
      %add3A_378 = arith.addi %mul3A_288, %add3A_377 : i32
      %dma_wait3A_379 = arith.constant 0 : i32
      %dma_wait3A_380 = tpu.memref_slice %arg8[%add3A_378, %dma_wait3A_379] : memref<80x128xi32, #tpu.memory_space<vmem>> -> memref<1x128xi32, #tpu.memory_space<vmem>>
      %dma_wait3A_381 = tpu.memref_squeeze %dma_wait3A_380 : memref<1x128xi32, #tpu.memory_space<vmem>> -> memref<128xi32, #tpu.memory_space<vmem>>
      %dma_wait3A_382 = arith.constant 0 : i32
      %dma_wait3A_383 = arith.constant 0 : i32
      %dma_wait3A_384 = tpu.memref_slice %arg14[%dma_wait3A_382, %dma_wait3A_383] : memref<10240x64xf32, #tpu.memory_space<vmem_shared>> -> memref<10240x64xf32, #tpu.memory_space<vmem_shared>>
      tpu.wait_indirect_dma semaphore(%arg21 : memref<!tpu.dma_semaphore, #tpu.memory_space<semaphore_mem>>) src(%arg11 : memref<128x64xf32, #tpu.memory_space<vmem>>) dst(%dma_wait3A_384 : memref<10240x64xf32, #tpu.memory_space<vmem_shared>>)
      %add3A_385 = arith.constant 4 : i32
      %add3A_386 = arith.addi %add3A_378, %add3A_385 : i32
      %dma_start3A_387 = arith.constant 0 : i32
      %dma_start3A_388 = tpu.memref_slice %arg7[%add3A_386, %dma_start3A_387] : memref<80x128xi32, #tpu.memory_space<vmem>> -> memref<1x128xi32, #tpu.memory_space<vmem>>
      %dma_start3A_389 = tpu.memref_squeeze %dma_start3A_388 : memref<1x128xi32, #tpu.memory_space<vmem>> -> memref<128xi32, #tpu.memory_space<vmem>>
      %dma_start3A_390 = arith.constant 0 : i32
      %dma_start3A_391 = arith.constant 0 : i32
      %dma_start3A_392 = tpu.memref_slice %arg2[%dma_start3A_390, %dma_start3A_391] : memref<10240x64xf32, #tpu.memory_space<hbm>> -> memref<10240x64xf32, #tpu.memory_space<hbm>>
      tpu.enqueue_indirect_dma source(%dma_start3A_392 : memref<10240x64xf32, #tpu.memory_space<hbm>>) target(%arg11 : memref<128x64xf32, #tpu.memory_space<vmem>>) offsets(%dma_start3A_389 : memref<128xi32, #tpu.memory_space<vmem>>) semaphore(%arg17 : memref<!tpu.dma_semaphore, #tpu.memory_space<semaphore_mem>>)
      %add3A_393 = arith.constant 3 : i32
      %add3A_394 = arith.addi %mul3A_288, %add3A_393 : i32
      %dma_wait3A_395 = arith.constant 0 : i32
      %dma_wait3A_396 = tpu.memref_slice %arg8[%add3A_394, %dma_wait3A_395] : memref<80x128xi32, #tpu.memory_space<vmem>> -> memref<1x128xi32, #tpu.memory_space<vmem>>
      %dma_wait3A_397 = tpu.memref_squeeze %dma_wait3A_396 : memref<1x128xi32, #tpu.memory_space<vmem>> -> memref<128xi32, #tpu.memory_space<vmem>>
      %dma_wait3A_398 = arith.constant 0 : i32
      %dma_wait3A_399 = arith.constant 0 : i32
      %dma_wait3A_400 = tpu.memref_slice %arg14[%dma_wait3A_398, %dma_wait3A_399] : memref<10240x64xf32, #tpu.memory_space<vmem_shared>> -> memref<10240x64xf32, #tpu.memory_space<vmem_shared>>
      tpu.wait_indirect_dma semaphore(%arg22 : memref<!tpu.dma_semaphore, #tpu.memory_space<semaphore_mem>>) src(%arg12 : memref<128x64xf32, #tpu.memory_space<vmem>>) dst(%dma_wait3A_400 : memref<10240x64xf32, #tpu.memory_space<vmem_shared>>)
      %add3A_401 = arith.constant 4 : i32
      %add3A_402 = arith.addi %add3A_394, %add3A_401 : i32
      %dma_start3A_403 = arith.constant 0 : i32
      %dma_start3A_404 = tpu.memref_slice %arg7[%add3A_402, %dma_start3A_403] : memref<80x128xi32, #tpu.memory_space<vmem>> -> memref<1x128xi32, #tpu.memory_space<vmem>>
      %dma_start3A_405 = tpu.memref_squeeze %dma_start3A_404 : memref<1x128xi32, #tpu.memory_space<vmem>> -> memref<128xi32, #tpu.memory_space<vmem>>
      %dma_start3A_406 = arith.constant 0 : i32
      %dma_start3A_407 = arith.constant 0 : i32
      %dma_start3A_408 = tpu.memref_slice %arg2[%dma_start3A_406, %dma_start3A_407] : memref<10240x64xf32, #tpu.memory_space<hbm>> -> memref<10240x64xf32, #tpu.memory_space<hbm>>
      tpu.enqueue_indirect_dma source(%dma_start3A_408 : memref<10240x64xf32, #tpu.memory_space<hbm>>) target(%arg12 : memref<128x64xf32, #tpu.memory_space<vmem>>) offsets(%dma_start3A_405 : memref<128xi32, #tpu.memory_space<vmem>>) semaphore(%arg18 : memref<!tpu.dma_semaphore, #tpu.memory_space<semaphore_mem>>)
      %scan3A_409 = arith.constant 0 : i32
      scf.yield %scan3A_409 : i32
    }
    %scan3A_49 = arith.constant 19 : i32
    %dma_wait3A = arith.constant 76 : i32
    %dma_wait3A_50 = arith.constant 0 : i32
    %dma_wait3A_51 = tpu.memref_slice %arg7[%dma_wait3A, %dma_wait3A_50] : memref<80x128xi32, #tpu.memory_space<vmem>> -> memref<1x128xi32, #tpu.memory_space<vmem>>
    %dma_wait3A_52 = tpu.memref_squeeze %dma_wait3A_51 : memref<1x128xi32, #tpu.memory_space<vmem>> -> memref<128xi32, #tpu.memory_space<vmem>>
    %dma_wait3A_53 = arith.constant 0 : i32
    %dma_wait3A_54 = arith.constant 0 : i32
    %dma_wait3A_55 = tpu.memref_slice %arg2[%dma_wait3A_53, %dma_wait3A_54] : memref<10240x64xf32, #tpu.memory_space<hbm>> -> memref<10240x64xf32, #tpu.memory_space<hbm>>
    tpu.wait_indirect_dma semaphore(%arg15 : memref<!tpu.dma_semaphore, #tpu.memory_space<semaphore_mem>>) src(%dma_wait3A_55 : memref<10240x64xf32, #tpu.memory_space<hbm>>) dst(%arg9 : memref<128x64xf32, #tpu.memory_space<vmem>>)
    %dma_start3A_56 = arith.constant 76 : i32
    %dma_start3A_57 = arith.constant 0 : i32
    %dma_start3A_58 = tpu.memref_slice %arg8[%dma_start3A_56, %dma_start3A_57] : memref<80x128xi32, #tpu.memory_space<vmem>> -> memref<1x128xi32, #tpu.memory_space<vmem>>
    %dma_start3A_59 = tpu.memref_squeeze %dma_start3A_58 : memref<1x128xi32, #tpu.memory_space<vmem>> -> memref<128xi32, #tpu.memory_space<vmem>>
    %dma_start3A_60 = arith.constant 0 : i32
    %dma_start3A_61 = arith.constant 0 : i32
    %dma_start3A_62 = tpu.memref_slice %arg14[%dma_start3A_60, %dma_start3A_61] : memref<10240x64xf32, #tpu.memory_space<vmem_shared>> -> memref<10240x64xf32, #tpu.memory_space<vmem_shared>>
    tpu.enqueue_indirect_dma source(%arg9 : memref<128x64xf32, #tpu.memory_space<vmem>>) target(%dma_start3A_62 : memref<10240x64xf32, #tpu.memory_space<vmem_shared>>) offsets(%dma_start3A_59 : memref<128xi32, #tpu.memory_space<vmem>>) semaphore(%arg19 : memref<!tpu.dma_semaphore, #tpu.memory_space<semaphore_mem>>) {add = true}
    %dma_wait3A_63 = arith.constant 77 : i32
    %dma_wait3A_64 = arith.constant 0 : i32
    %dma_wait3A_65 = tpu.memref_slice %arg7[%dma_wait3A_63, %dma_wait3A_64] : memref<80x128xi32, #tpu.memory_space<vmem>> -> memref<1x128xi32, #tpu.memory_space<vmem>>
    %dma_wait3A_66 = tpu.memref_squeeze %dma_wait3A_65 : memref<1x128xi32, #tpu.memory_space<vmem>> -> memref<128xi32, #tpu.memory_space<vmem>>
    %dma_wait3A_67 = arith.constant 0 : i32
    %dma_wait3A_68 = arith.constant 0 : i32
    %dma_wait3A_69 = tpu.memref_slice %arg2[%dma_wait3A_67, %dma_wait3A_68] : memref<10240x64xf32, #tpu.memory_space<hbm>> -> memref<10240x64xf32, #tpu.memory_space<hbm>>
    tpu.wait_indirect_dma semaphore(%arg16 : memref<!tpu.dma_semaphore, #tpu.memory_space<semaphore_mem>>) src(%dma_wait3A_69 : memref<10240x64xf32, #tpu.memory_space<hbm>>) dst(%arg10 : memref<128x64xf32, #tpu.memory_space<vmem>>)
    %dma_start3A_70 = arith.constant 77 : i32
    %dma_start3A_71 = arith.constant 0 : i32
    %dma_start3A_72 = tpu.memref_slice %arg8[%dma_start3A_70, %dma_start3A_71] : memref<80x128xi32, #tpu.memory_space<vmem>> -> memref<1x128xi32, #tpu.memory_space<vmem>>
    %dma_start3A_73 = tpu.memref_squeeze %dma_start3A_72 : memref<1x128xi32, #tpu.memory_space<vmem>> -> memref<128xi32, #tpu.memory_space<vmem>>
    %dma_start3A_74 = arith.constant 0 : i32
    %dma_start3A_75 = arith.constant 0 : i32
    %dma_start3A_76 = tpu.memref_slice %arg14[%dma_start3A_74, %dma_start3A_75] : memref<10240x64xf32, #tpu.memory_space<vmem_shared>> -> memref<10240x64xf32, #tpu.memory_space<vmem_shared>>
    tpu.enqueue_indirect_dma source(%arg10 : memref<128x64xf32, #tpu.memory_space<vmem>>) target(%dma_start3A_76 : memref<10240x64xf32, #tpu.memory_space<vmem_shared>>) offsets(%dma_start3A_73 : memref<128xi32, #tpu.memory_space<vmem>>) semaphore(%arg20 : memref<!tpu.dma_semaphore, #tpu.memory_space<semaphore_mem>>) {add = true}
    %dma_wait3A_77 = arith.constant 78 : i32
    %dma_wait3A_78 = arith.constant 0 : i32
    %dma_wait3A_79 = tpu.memref_slice %arg7[%dma_wait3A_77, %dma_wait3A_78] : memref<80x128xi32, #tpu.memory_space<vmem>> -> memref<1x128xi32, #tpu.memory_space<vmem>>
    %dma_wait3A_80 = tpu.memref_squeeze %dma_wait3A_79 : memref<1x128xi32, #tpu.memory_space<vmem>> -> memref<128xi32, #tpu.memory_space<vmem>>
    %dma_wait3A_81 = arith.constant 0 : i32
    %dma_wait3A_82 = arith.constant 0 : i32
    %dma_wait3A_83 = tpu.memref_slice %arg2[%dma_wait3A_81, %dma_wait3A_82] : memref<10240x64xf32, #tpu.memory_space<hbm>> -> memref<10240x64xf32, #tpu.memory_space<hbm>>
    tpu.wait_indirect_dma semaphore(%arg17 : memref<!tpu.dma_semaphore, #tpu.memory_space<semaphore_mem>>) src(%dma_wait3A_83 : memref<10240x64xf32, #tpu.memory_space<hbm>>) dst(%arg11 : memref<128x64xf32, #tpu.memory_space<vmem>>)
    %dma_start3A_84 = arith.constant 78 : i32
    %dma_start3A_85 = arith.constant 0 : i32
    %dma_start3A_86 = tpu.memref_slice %arg8[%dma_start3A_84, %dma_start3A_85] : memref<80x128xi32, #tpu.memory_space<vmem>> -> memref<1x128xi32, #tpu.memory_space<vmem>>
    %dma_start3A_87 = tpu.memref_squeeze %dma_start3A_86 : memref<1x128xi32, #tpu.memory_space<vmem>> -> memref<128xi32, #tpu.memory_space<vmem>>
    %dma_start3A_88 = arith.constant 0 : i32
    %dma_start3A_89 = arith.constant 0 : i32
    %dma_start3A_90 = tpu.memref_slice %arg14[%dma_start3A_88, %dma_start3A_89] : memref<10240x64xf32, #tpu.memory_space<vmem_shared>> -> memref<10240x64xf32, #tpu.memory_space<vmem_shared>>
    tpu.enqueue_indirect_dma source(%arg11 : memref<128x64xf32, #tpu.memory_space<vmem>>) target(%dma_start3A_90 : memref<10240x64xf32, #tpu.memory_space<vmem_shared>>) offsets(%dma_start3A_87 : memref<128xi32, #tpu.memory_space<vmem>>) semaphore(%arg21 : memref<!tpu.dma_semaphore, #tpu.memory_space<semaphore_mem>>) {add = true}
    %dma_wait3A_91 = arith.constant 79 : i32
    %dma_wait3A_92 = arith.constant 0 : i32
    %dma_wait3A_93 = tpu.memref_slice %arg7[%dma_wait3A_91, %dma_wait3A_92] : memref<80x128xi32, #tpu.memory_space<vmem>> -> memref<1x128xi32, #tpu.memory_space<vmem>>
    %dma_wait3A_94 = tpu.memref_squeeze %dma_wait3A_93 : memref<1x128xi32, #tpu.memory_space<vmem>> -> memref<128xi32, #tpu.memory_space<vmem>>
    %dma_wait3A_95 = arith.constant 0 : i32
    %dma_wait3A_96 = arith.constant 0 : i32
    %dma_wait3A_97 = tpu.memref_slice %arg2[%dma_wait3A_95, %dma_wait3A_96] : memref<10240x64xf32, #tpu.memory_space<hbm>> -> memref<10240x64xf32, #tpu.memory_space<hbm>>
    tpu.wait_indirect_dma semaphore(%arg18 : memref<!tpu.dma_semaphore, #tpu.memory_space<semaphore_mem>>) src(%dma_wait3A_97 : memref<10240x64xf32, #tpu.memory_space<hbm>>) dst(%arg12 : memref<128x64xf32, #tpu.memory_space<vmem>>)
    %dma_start3A_98 = arith.constant 79 : i32
    %dma_start3A_99 = arith.constant 0 : i32
    %dma_start3A_100 = tpu.memref_slice %arg8[%dma_start3A_98, %dma_start3A_99] : memref<80x128xi32, #tpu.memory_space<vmem>> -> memref<1x128xi32, #tpu.memory_space<vmem>>
    %dma_start3A_101 = tpu.memref_squeeze %dma_start3A_100 : memref<1x128xi32, #tpu.memory_space<vmem>> -> memref<128xi32, #tpu.memory_space<vmem>>
    %dma_start3A_102 = arith.constant 0 : i32
    %dma_start3A_103 = arith.constant 0 : i32
    %dma_start3A_104 = tpu.memref_slice %arg14[%dma_start3A_102, %dma_start3A_103] : memref<10240x64xf32, #tpu.memory_space<vmem_shared>> -> memref<10240x64xf32, #tpu.memory_space<vmem_shared>>
    tpu.enqueue_indirect_dma source(%arg12 : memref<128x64xf32, #tpu.memory_space<vmem>>) target(%dma_start3A_104 : memref<10240x64xf32, #tpu.memory_space<vmem_shared>>) offsets(%dma_start3A_101 : memref<128xi32, #tpu.memory_space<vmem>>) semaphore(%arg22 : memref<!tpu.dma_semaphore, #tpu.memory_space<semaphore_mem>>) {add = true}
    %dma_wait3A_105 = arith.constant 76 : i32
    %dma_wait3A_106 = arith.constant 0 : i32
    %dma_wait3A_107 = tpu.memref_slice %arg8[%dma_wait3A_105, %dma_wait3A_106] : memref<80x128xi32, #tpu.memory_space<vmem>> -> memref<1x128xi32, #tpu.memory_space<vmem>>
    %dma_wait3A_108 = tpu.memref_squeeze %dma_wait3A_107 : memref<1x128xi32, #tpu.memory_space<vmem>> -> memref<128xi32, #tpu.memory_space<vmem>>
    %dma_wait3A_109 = arith.constant 0 : i32
    %dma_wait3A_110 = arith.constant 0 : i32
    %dma_wait3A_111 = tpu.memref_slice %arg14[%dma_wait3A_109, %dma_wait3A_110] : memref<10240x64xf32, #tpu.memory_space<vmem_shared>> -> memref<10240x64xf32, #tpu.memory_space<vmem_shared>>
    tpu.wait_indirect_dma semaphore(%arg19 : memref<!tpu.dma_semaphore, #tpu.memory_space<semaphore_mem>>) src(%arg9 : memref<128x64xf32, #tpu.memory_space<vmem>>) dst(%dma_wait3A_111 : memref<10240x64xf32, #tpu.memory_space<vmem_shared>>)
    %dma_wait3A_112 = arith.constant 77 : i32
    %dma_wait3A_113 = arith.constant 0 : i32
    %dma_wait3A_114 = tpu.memref_slice %arg8[%dma_wait3A_112, %dma_wait3A_113] : memref<80x128xi32, #tpu.memory_space<vmem>> -> memref<1x128xi32, #tpu.memory_space<vmem>>
    %dma_wait3A_115 = tpu.memref_squeeze %dma_wait3A_114 : memref<1x128xi32, #tpu.memory_space<vmem>> -> memref<128xi32, #tpu.memory_space<vmem>>
    %dma_wait3A_116 = arith.constant 0 : i32
    %dma_wait3A_117 = arith.constant 0 : i32
    %dma_wait3A_118 = tpu.memref_slice %arg14[%dma_wait3A_116, %dma_wait3A_117] : memref<10240x64xf32, #tpu.memory_space<vmem_shared>> -> memref<10240x64xf32, #tpu.memory_space<vmem_shared>>
    tpu.wait_indirect_dma semaphore(%arg20 : memref<!tpu.dma_semaphore, #tpu.memory_space<semaphore_mem>>) src(%arg10 : memref<128x64xf32, #tpu.memory_space<vmem>>) dst(%dma_wait3A_118 : memref<10240x64xf32, #tpu.memory_space<vmem_shared>>)
    %dma_wait3A_119 = arith.constant 78 : i32
    %dma_wait3A_120 = arith.constant 0 : i32
    %dma_wait3A_121 = tpu.memref_slice %arg8[%dma_wait3A_119, %dma_wait3A_120] : memref<80x128xi32, #tpu.memory_space<vmem>> -> memref<1x128xi32, #tpu.memory_space<vmem>>
    %dma_wait3A_122 = tpu.memref_squeeze %dma_wait3A_121 : memref<1x128xi32, #tpu.memory_space<vmem>> -> memref<128xi32, #tpu.memory_space<vmem>>
    %dma_wait3A_123 = arith.constant 0 : i32
    %dma_wait3A_124 = arith.constant 0 : i32
    %dma_wait3A_125 = tpu.memref_slice %arg14[%dma_wait3A_123, %dma_wait3A_124] : memref<10240x64xf32, #tpu.memory_space<vmem_shared>> -> memref<10240x64xf32, #tpu.memory_space<vmem_shared>>
    tpu.wait_indirect_dma semaphore(%arg21 : memref<!tpu.dma_semaphore, #tpu.memory_space<semaphore_mem>>) src(%arg11 : memref<128x64xf32, #tpu.memory_space<vmem>>) dst(%dma_wait3A_125 : memref<10240x64xf32, #tpu.memory_space<vmem_shared>>)
    %dma_wait3A_126 = arith.constant 79 : i32
    %dma_wait3A_127 = arith.constant 0 : i32
    %dma_wait3A_128 = tpu.memref_slice %arg8[%dma_wait3A_126, %dma_wait3A_127] : memref<80x128xi32, #tpu.memory_space<vmem>> -> memref<1x128xi32, #tpu.memory_space<vmem>>
    %dma_wait3A_129 = tpu.memref_squeeze %dma_wait3A_128 : memref<1x128xi32, #tpu.memory_space<vmem>> -> memref<128xi32, #tpu.memory_space<vmem>>
    %dma_wait3A_130 = arith.constant 0 : i32
    %dma_wait3A_131 = arith.constant 0 : i32
    %dma_wait3A_132 = tpu.memref_slice %arg14[%dma_wait3A_130, %dma_wait3A_131] : memref<10240x64xf32, #tpu.memory_space<vmem_shared>> -> memref<10240x64xf32, #tpu.memory_space<vmem_shared>>
    tpu.wait_indirect_dma semaphore(%arg22 : memref<!tpu.dma_semaphore, #tpu.memory_space<semaphore_mem>>) src(%arg12 : memref<128x64xf32, #tpu.memory_space<vmem>>) dst(%dma_wait3A_132 : memref<10240x64xf32, #tpu.memory_space<vmem_shared>>)
    %barrier3A_133 = arith.constant 0 : index
    tpu.barrier barrier_id(%barrier3A_133)
    %eq3A_134 = arith.constant 0 : i32
    %eq3A_135 = arith.cmpi eq, %arg0, %eq3A_134 : i32
    %convert_element_type3A_136 = arith.extui %eq3A_135 : i1 to i32
    %cond3A_137 = arith.constant 0 : i32
    %cond3A_138 = arith.cmpi ne, %convert_element_type3A_136, %cond3A_137 : i32
    scf.if %cond3A_138 {
      %mul3A_285 = arith.constant 640 : i32
      %mul3A_286 = arith.muli %arg1, %mul3A_285 : i32
      %mul3A_287 = arith.constant 640 : i32
      %mul3A_288 = arith.muli %arg1, %mul3A_287 : i32
      %run_scoped3A = arith.constant 0 : i32
      "tpu.region"() ({
        %run_scoped3A_289 = tpu.sem_alloc : memref<!tpu.dma_semaphore, #tpu.memory_space<semaphore_mem>>
        %dma_start3A_290 = arith.constant 0 : i32
        %dma_start3A_291 = tpu.memref_slice %arg6[%run_scoped3A, %mul3A_288, %dma_start3A_290] : memref<2x10240x128xf32, #tpu.memory_space<hbm>> -> memref<1x640x64xf32, #tpu.memory_space<hbm>>
        %dma_start3A_292 = tpu.memref_squeeze %dma_start3A_291 : memref<1x640x64xf32, #tpu.memory_space<hbm>> -> memref<640x64xf32, #tpu.memory_space<hbm>>
        %dma_start3A_293 = arith.constant 0 : i32
        %dma_start3A_294 = tpu.memref_slice %arg14[%mul3A_286, %dma_start3A_293] : memref<10240x64xf32, #tpu.memory_space<vmem_shared>> -> memref<640x64xf32, #tpu.memory_space<vmem_shared>>
        tpu.enqueue_dma source(%dma_start3A_294 : memref<640x64xf32, #tpu.memory_space<vmem_shared>>) target(%dma_start3A_292 : memref<640x64xf32, #tpu.memory_space<hbm>>) target_semaphore(%run_scoped3A_289 : memref<!tpu.dma_semaphore, #tpu.memory_space<semaphore_mem>>)
        %dma_wait3A_295 = arith.constant 0 : i32
        %dma_wait3A_296 = tpu.memref_slice %arg6[%run_scoped3A, %mul3A_288, %dma_wait3A_295] : memref<2x10240x128xf32, #tpu.memory_space<hbm>> -> memref<1x640x64xf32, #tpu.memory_space<hbm>>
        %dma_wait3A_297 = tpu.memref_squeeze %dma_wait3A_296 : memref<1x640x64xf32, #tpu.memory_space<hbm>> -> memref<640x64xf32, #tpu.memory_space<hbm>>
        %dma_wait3A_298 = arith.constant 0 : i32
        %dma_wait3A_299 = tpu.memref_slice %arg14[%mul3A_286, %dma_wait3A_298] : memref<10240x64xf32, #tpu.memory_space<vmem_shared>> -> memref<640x64xf32, #tpu.memory_space<vmem_shared>>
        tpu.wait_dma2 semaphore(%run_scoped3A_289 : memref<!tpu.dma_semaphore, #tpu.memory_space<semaphore_mem>>) src(%dma_wait3A_299 : memref<640x64xf32, #tpu.memory_space<vmem_shared>>) dst(%dma_wait3A_297 : memref<640x64xf32, #tpu.memory_space<hbm>>)
        tpu.yield
      }) : () -> ()
    } else {
    }
    %ne3A_139 = arith.constant 0 : i32
    %ne3A_140 = arith.cmpi ne, %arg0, %ne3A_139 : i32
    %convert_element_type3A_141 = arith.extui %ne3A_140 : i1 to i32
    %cond3A_142 = arith.constant 0 : i32
    %cond3A_143 = arith.cmpi ne, %convert_element_type3A_141, %cond3A_142 : i32
    scf.if %cond3A_143 {
      %mul3A_285 = arith.constant 640 : i32
      %mul3A_286 = arith.muli %arg1, %mul3A_285 : i32
      %mul3A_287 = arith.constant 640 : i32
      %mul3A_288 = arith.muli %arg1, %mul3A_287 : i32
      %run_scoped3A = arith.constant 0 : i32
      "tpu.region"() ({
        %run_scoped3A_289 = tpu.sem_alloc : memref<!tpu.dma_semaphore, #tpu.memory_space<semaphore_mem>>
        %dma_start3A_290 = arith.constant 64 : i32
        %dma_start3A_291 = tpu.memref_slice %arg6[%run_scoped3A, %mul3A_288, %dma_start3A_290] : memref<2x10240x128xf32, #tpu.memory_space<hbm>> -> memref<1x640x64xf32, #tpu.memory_space<hbm>>
        %dma_start3A_292 = tpu.memref_squeeze %dma_start3A_291 : memref<1x640x64xf32, #tpu.memory_space<hbm>> -> memref<640x64xf32, #tpu.memory_space<hbm>>
        %dma_start3A_293 = arith.constant 0 : i32
        %dma_start3A_294 = tpu.memref_slice %arg14[%mul3A_286, %dma_start3A_293] : memref<10240x64xf32, #tpu.memory_space<vmem_shared>> -> memref<640x64xf32, #tpu.memory_space<vmem_shared>>
        tpu.enqueue_dma source(%dma_start3A_294 : memref<640x64xf32, #tpu.memory_space<vmem_shared>>) target(%dma_start3A_292 : memref<640x64xf32, #tpu.memory_space<hbm>>) target_semaphore(%run_scoped3A_289 : memref<!tpu.dma_semaphore, #tpu.memory_space<semaphore_mem>>)
        %dma_wait3A_295 = arith.constant 64 : i32
        %dma_wait3A_296 = tpu.memref_slice %arg6[%run_scoped3A, %mul3A_288, %dma_wait3A_295] : memref<2x10240x128xf32, #tpu.memory_space<hbm>> -> memref<1x640x64xf32, #tpu.memory_space<hbm>>
        %dma_wait3A_297 = tpu.memref_squeeze %dma_wait3A_296 : memref<1x640x64xf32, #tpu.memory_space<hbm>> -> memref<640x64xf32, #tpu.memory_space<hbm>>
        %dma_wait3A_298 = arith.constant 0 : i32
        %dma_wait3A_299 = tpu.memref_slice %arg14[%mul3A_286, %dma_wait3A_298] : memref<10240x64xf32, #tpu.memory_space<vmem_shared>> -> memref<640x64xf32, #tpu.memory_space<vmem_shared>>
        tpu.wait_dma2 semaphore(%run_scoped3A_289 : memref<!tpu.dma_semaphore, #tpu.memory_space<semaphore_mem>>) src(%dma_wait3A_299 : memref<640x64xf32, #tpu.memory_space<vmem_shared>>) dst(%dma_wait3A_297 : memref<640x64xf32, #tpu.memory_space<hbm>>)
        tpu.yield
      }) : () -> ()
    } else {
    }
    %eq3A_144 = arith.constant 0 : i32
    %eq3A_145 = arith.cmpi eq, %arg0, %eq3A_144 : i32
    %convert_element_type3A_146 = arith.extui %eq3A_145 : i1 to i32
    %cond3A_147 = arith.constant 0 : i32
    %cond3A_148 = arith.cmpi ne, %convert_element_type3A_146, %cond3A_147 : i32
    scf.if %cond3A_148 {
      %mul3A_285 = arith.constant 640 : i32
      %mul3A_286 = arith.muli %arg1, %mul3A_285 : i32
      %mul3A_287 = arith.constant 640 : i32
      %mul3A_288 = arith.muli %arg1, %mul3A_287 : i32
      "tpu.region"() ({
        %run_scoped3A = tpu.sem_alloc : memref<!tpu.dma_semaphore, #tpu.memory_space<semaphore_mem>>
        %dma_start3A_289 = arith.constant 0 : i32
        %dma_start3A_290 = tpu.memref_slice %arg14[%mul3A_288, %dma_start3A_289] : memref<10240x64xf32, #tpu.memory_space<vmem_shared>> -> memref<640x64xf32, #tpu.memory_space<vmem_shared>>
        %dma_start3A_291 = arith.constant 0 : i32
        %dma_start3A_292 = tpu.memref_slice %arg3[%mul3A_286, %dma_start3A_291] : memref<10240x64xf32, #tpu.memory_space<hbm>> -> memref<640x64xf32, #tpu.memory_space<hbm>>
        tpu.enqueue_dma source(%dma_start3A_292 : memref<640x64xf32, #tpu.memory_space<hbm>>) target(%dma_start3A_290 : memref<640x64xf32, #tpu.memory_space<vmem_shared>>) target_semaphore(%run_scoped3A : memref<!tpu.dma_semaphore, #tpu.memory_space<semaphore_mem>>)
        %dma_wait3A_293 = arith.constant 0 : i32
        %dma_wait3A_294 = tpu.memref_slice %arg14[%mul3A_288, %dma_wait3A_293] : memref<10240x64xf32, #tpu.memory_space<vmem_shared>> -> memref<640x64xf32, #tpu.memory_space<vmem_shared>>
        %dma_wait3A_295 = arith.constant 0 : i32
        %dma_wait3A_296 = tpu.memref_slice %arg3[%mul3A_286, %dma_wait3A_295] : memref<10240x64xf32, #tpu.memory_space<hbm>> -> memref<640x64xf32, #tpu.memory_space<hbm>>
        tpu.wait_dma2 semaphore(%run_scoped3A : memref<!tpu.dma_semaphore, #tpu.memory_space<semaphore_mem>>) src(%dma_wait3A_296 : memref<640x64xf32, #tpu.memory_space<hbm>>) dst(%dma_wait3A_294 : memref<640x64xf32, #tpu.memory_space<vmem_shared>>)
        tpu.yield
      }) : () -> ()
    } else {
    }
    %ne3A_149 = arith.constant 0 : i32
    %ne3A_150 = arith.cmpi ne, %arg0, %ne3A_149 : i32
    %convert_element_type3A_151 = arith.extui %ne3A_150 : i1 to i32
    %cond3A_152 = arith.constant 0 : i32
    %cond3A_153 = arith.cmpi ne, %convert_element_type3A_151, %cond3A_152 : i32
    scf.if %cond3A_153 {
      %mul3A_285 = arith.constant 640 : i32
      %mul3A_286 = arith.muli %arg1, %mul3A_285 : i32
      %add3A_287 = arith.constant 0 : i32
      %add3A_288 = arith.addi %mul3A_286, %add3A_287 : i32
      "tpu.region"() ({
        %run_scoped3A = tpu.sem_alloc : memref<!tpu.dma_semaphore, #tpu.memory_space<semaphore_mem>>
        %dma_start3A_305 = arith.constant 0 : i32
        %dma_start3A_306 = tpu.memref_slice %arg14[%add3A_288, %dma_start3A_305] : memref<10240x64xf32, #tpu.memory_space<vmem_shared>> -> memref<128x64xf32, #tpu.memory_space<vmem_shared>>
        %dma_start3A_307 = arith.constant 0 : i32
        %dma_start3A_308 = tpu.memref_slice %arg14[%add3A_288, %dma_start3A_307] : memref<10240x64xf32, #tpu.memory_space<vmem_shared>> -> memref<128x64xf32, #tpu.memory_space<vmem_shared>>
        tpu.enqueue_dma source(%arg13 : memref<128x64xf32, #tpu.memory_space<vmem>>) target(%dma_start3A_308 : memref<128x64xf32, #tpu.memory_space<vmem_shared>>) target_semaphore(%run_scoped3A : memref<!tpu.dma_semaphore, #tpu.memory_space<semaphore_mem>>)
        %dma_wait3A_309 = arith.constant 0 : i32
        %dma_wait3A_310 = tpu.memref_slice %arg14[%add3A_288, %dma_wait3A_309] : memref<10240x64xf32, #tpu.memory_space<vmem_shared>> -> memref<128x64xf32, #tpu.memory_space<vmem_shared>>
        %dma_wait3A_311 = arith.constant 0 : i32
        %dma_wait3A_312 = tpu.memref_slice %arg14[%add3A_288, %dma_wait3A_311] : memref<10240x64xf32, #tpu.memory_space<vmem_shared>> -> memref<128x64xf32, #tpu.memory_space<vmem_shared>>
        tpu.wait_dma2 semaphore(%run_scoped3A : memref<!tpu.dma_semaphore, #tpu.memory_space<semaphore_mem>>) src(%arg13 : memref<128x64xf32, #tpu.memory_space<vmem>>) dst(%dma_wait3A_312 : memref<128x64xf32, #tpu.memory_space<vmem_shared>>)
        tpu.yield
      }) : () -> ()
      %mul3A_289 = arith.constant 640 : i32
      %mul3A_290 = arith.muli %arg1, %mul3A_289 : i32
      %add3A_291 = arith.constant 128 : i32
      %add3A_292 = arith.addi %mul3A_290, %add3A_291 : i32
      "tpu.region"() ({
        %run_scoped3A = tpu.sem_alloc : memref<!tpu.dma_semaphore, #tpu.memory_space<semaphore_mem>>
        %dma_start3A_305 = arith.constant 0 : i32
        %dma_start3A_306 = tpu.memref_slice %arg14[%add3A_292, %dma_start3A_305] : memref<10240x64xf32, #tpu.memory_space<vmem_shared>> -> memref<128x64xf32, #tpu.memory_space<vmem_shared>>
        %dma_start3A_307 = arith.constant 0 : i32
        %dma_start3A_308 = tpu.memref_slice %arg14[%add3A_292, %dma_start3A_307] : memref<10240x64xf32, #tpu.memory_space<vmem_shared>> -> memref<128x64xf32, #tpu.memory_space<vmem_shared>>
        tpu.enqueue_dma source(%arg13 : memref<128x64xf32, #tpu.memory_space<vmem>>) target(%dma_start3A_308 : memref<128x64xf32, #tpu.memory_space<vmem_shared>>) target_semaphore(%run_scoped3A : memref<!tpu.dma_semaphore, #tpu.memory_space<semaphore_mem>>)
        %dma_wait3A_309 = arith.constant 0 : i32
        %dma_wait3A_310 = tpu.memref_slice %arg14[%add3A_292, %dma_wait3A_309] : memref<10240x64xf32, #tpu.memory_space<vmem_shared>> -> memref<128x64xf32, #tpu.memory_space<vmem_shared>>
        %dma_wait3A_311 = arith.constant 0 : i32
        %dma_wait3A_312 = tpu.memref_slice %arg14[%add3A_292, %dma_wait3A_311] : memref<10240x64xf32, #tpu.memory_space<vmem_shared>> -> memref<128x64xf32, #tpu.memory_space<vmem_shared>>
        tpu.wait_dma2 semaphore(%run_scoped3A : memref<!tpu.dma_semaphore, #tpu.memory_space<semaphore_mem>>) src(%arg13 : memref<128x64xf32, #tpu.memory_space<vmem>>) dst(%dma_wait3A_312 : memref<128x64xf32, #tpu.memory_space<vmem_shared>>)
        tpu.yield
      }) : () -> ()
      %mul3A_293 = arith.constant 640 : i32
      %mul3A_294 = arith.muli %arg1, %mul3A_293 : i32
      %add3A_295 = arith.constant 256 : i32
      %add3A_296 = arith.addi %mul3A_294, %add3A_295 : i32
      "tpu.region"() ({
        %run_scoped3A = tpu.sem_alloc : memref<!tpu.dma_semaphore, #tpu.memory_space<semaphore_mem>>
        %dma_start3A_305 = arith.constant 0 : i32
        %dma_start3A_306 = tpu.memref_slice %arg14[%add3A_296, %dma_start3A_305] : memref<10240x64xf32, #tpu.memory_space<vmem_shared>> -> memref<128x64xf32, #tpu.memory_space<vmem_shared>>
        %dma_start3A_307 = arith.constant 0 : i32
        %dma_start3A_308 = tpu.memref_slice %arg14[%add3A_296, %dma_start3A_307] : memref<10240x64xf32, #tpu.memory_space<vmem_shared>> -> memref<128x64xf32, #tpu.memory_space<vmem_shared>>
        tpu.enqueue_dma source(%arg13 : memref<128x64xf32, #tpu.memory_space<vmem>>) target(%dma_start3A_308 : memref<128x64xf32, #tpu.memory_space<vmem_shared>>) target_semaphore(%run_scoped3A : memref<!tpu.dma_semaphore, #tpu.memory_space<semaphore_mem>>)
        %dma_wait3A_309 = arith.constant 0 : i32
        %dma_wait3A_310 = tpu.memref_slice %arg14[%add3A_296, %dma_wait3A_309] : memref<10240x64xf32, #tpu.memory_space<vmem_shared>> -> memref<128x64xf32, #tpu.memory_space<vmem_shared>>
        %dma_wait3A_311 = arith.constant 0 : i32
        %dma_wait3A_312 = tpu.memref_slice %arg14[%add3A_296, %dma_wait3A_311] : memref<10240x64xf32, #tpu.memory_space<vmem_shared>> -> memref<128x64xf32, #tpu.memory_space<vmem_shared>>
        tpu.wait_dma2 semaphore(%run_scoped3A : memref<!tpu.dma_semaphore, #tpu.memory_space<semaphore_mem>>) src(%arg13 : memref<128x64xf32, #tpu.memory_space<vmem>>) dst(%dma_wait3A_312 : memref<128x64xf32, #tpu.memory_space<vmem_shared>>)
        tpu.yield
      }) : () -> ()
      %mul3A_297 = arith.constant 640 : i32
      %mul3A_298 = arith.muli %arg1, %mul3A_297 : i32
      %add3A_299 = arith.constant 384 : i32
      %add3A_300 = arith.addi %mul3A_298, %add3A_299 : i32
      "tpu.region"() ({
        %run_scoped3A = tpu.sem_alloc : memref<!tpu.dma_semaphore, #tpu.memory_space<semaphore_mem>>
        %dma_start3A_305 = arith.constant 0 : i32
        %dma_start3A_306 = tpu.memref_slice %arg14[%add3A_300, %dma_start3A_305] : memref<10240x64xf32, #tpu.memory_space<vmem_shared>> -> memref<128x64xf32, #tpu.memory_space<vmem_shared>>
        %dma_start3A_307 = arith.constant 0 : i32
        %dma_start3A_308 = tpu.memref_slice %arg14[%add3A_300, %dma_start3A_307] : memref<10240x64xf32, #tpu.memory_space<vmem_shared>> -> memref<128x64xf32, #tpu.memory_space<vmem_shared>>
        tpu.enqueue_dma source(%arg13 : memref<128x64xf32, #tpu.memory_space<vmem>>) target(%dma_start3A_308 : memref<128x64xf32, #tpu.memory_space<vmem_shared>>) target_semaphore(%run_scoped3A : memref<!tpu.dma_semaphore, #tpu.memory_space<semaphore_mem>>)
        %dma_wait3A_309 = arith.constant 0 : i32
        %dma_wait3A_310 = tpu.memref_slice %arg14[%add3A_300, %dma_wait3A_309] : memref<10240x64xf32, #tpu.memory_space<vmem_shared>> -> memref<128x64xf32, #tpu.memory_space<vmem_shared>>
        %dma_wait3A_311 = arith.constant 0 : i32
        %dma_wait3A_312 = tpu.memref_slice %arg14[%add3A_300, %dma_wait3A_311] : memref<10240x64xf32, #tpu.memory_space<vmem_shared>> -> memref<128x64xf32, #tpu.memory_space<vmem_shared>>
        tpu.wait_dma2 semaphore(%run_scoped3A : memref<!tpu.dma_semaphore, #tpu.memory_space<semaphore_mem>>) src(%arg13 : memref<128x64xf32, #tpu.memory_space<vmem>>) dst(%dma_wait3A_312 : memref<128x64xf32, #tpu.memory_space<vmem_shared>>)
        tpu.yield
      }) : () -> ()
      %mul3A_301 = arith.constant 640 : i32
      %mul3A_302 = arith.muli %arg1, %mul3A_301 : i32
      %add3A_303 = arith.constant 512 : i32
      %add3A_304 = arith.addi %mul3A_302, %add3A_303 : i32
      "tpu.region"() ({
        %run_scoped3A = tpu.sem_alloc : memref<!tpu.dma_semaphore, #tpu.memory_space<semaphore_mem>>
        %dma_start3A_305 = arith.constant 0 : i32
        %dma_start3A_306 = tpu.memref_slice %arg14[%add3A_304, %dma_start3A_305] : memref<10240x64xf32, #tpu.memory_space<vmem_shared>> -> memref<128x64xf32, #tpu.memory_space<vmem_shared>>
        %dma_start3A_307 = arith.constant 0 : i32
        %dma_start3A_308 = tpu.memref_slice %arg14[%add3A_304, %dma_start3A_307] : memref<10240x64xf32, #tpu.memory_space<vmem_shared>> -> memref<128x64xf32, #tpu.memory_space<vmem_shared>>
        tpu.enqueue_dma source(%arg13 : memref<128x64xf32, #tpu.memory_space<vmem>>) target(%dma_start3A_308 : memref<128x64xf32, #tpu.memory_space<vmem_shared>>) target_semaphore(%run_scoped3A : memref<!tpu.dma_semaphore, #tpu.memory_space<semaphore_mem>>)
        %dma_wait3A_309 = arith.constant 0 : i32
        %dma_wait3A_310 = tpu.memref_slice %arg14[%add3A_304, %dma_wait3A_309] : memref<10240x64xf32, #tpu.memory_space<vmem_shared>> -> memref<128x64xf32, #tpu.memory_space<vmem_shared>>
        %dma_wait3A_311 = arith.constant 0 : i32
        %dma_wait3A_312 = tpu.memref_slice %arg14[%add3A_304, %dma_wait3A_311] : memref<10240x64xf32, #tpu.memory_space<vmem_shared>> -> memref<128x64xf32, #tpu.memory_space<vmem_shared>>
        tpu.wait_dma2 semaphore(%run_scoped3A : memref<!tpu.dma_semaphore, #tpu.memory_space<semaphore_mem>>) src(%arg13 : memref<128x64xf32, #tpu.memory_space<vmem>>) dst(%dma_wait3A_312 : memref<128x64xf32, #tpu.memory_space<vmem_shared>>)
        tpu.yield
      }) : () -> ()
    } else {
    }
    %barrier3A_154 = arith.constant 0 : index
    tpu.barrier barrier_id(%barrier3A_154)
    %dma_start3A_155 = arith.constant 0 : i32
    %dma_start3A_156 = arith.constant 0 : i32
    %dma_start3A_157 = tpu.memref_slice %arg7[%dma_start3A_155, %dma_start3A_156] : memref<80x128xi32, #tpu.memory_space<vmem>> -> memref<1x128xi32, #tpu.memory_space<vmem>>
    %dma_start3A_158 = tpu.memref_squeeze %dma_start3A_157 : memref<1x128xi32, #tpu.memory_space<vmem>> -> memref<128xi32, #tpu.memory_space<vmem>>
    %dma_start3A_159 = arith.constant 0 : i32
    %dma_start3A_160 = arith.constant 0 : i32
    %dma_start3A_161 = tpu.memref_slice %arg3[%dma_start3A_159, %dma_start3A_160] : memref<10240x64xf32, #tpu.memory_space<hbm>> -> memref<10240x64xf32, #tpu.memory_space<hbm>>
    tpu.enqueue_indirect_dma source(%dma_start3A_161 : memref<10240x64xf32, #tpu.memory_space<hbm>>) target(%arg9 : memref<128x64xf32, #tpu.memory_space<vmem>>) offsets(%dma_start3A_158 : memref<128xi32, #tpu.memory_space<vmem>>) semaphore(%arg15 : memref<!tpu.dma_semaphore, #tpu.memory_space<semaphore_mem>>)
    %dma_start3A_162 = arith.constant 1 : i32
    %dma_start3A_163 = arith.constant 0 : i32
    %dma_start3A_164 = tpu.memref_slice %arg7[%dma_start3A_162, %dma_start3A_163] : memref<80x128xi32, #tpu.memory_space<vmem>> -> memref<1x128xi32, #tpu.memory_space<vmem>>
    %dma_start3A_165 = tpu.memref_squeeze %dma_start3A_164 : memref<1x128xi32, #tpu.memory_space<vmem>> -> memref<128xi32, #tpu.memory_space<vmem>>
    %dma_start3A_166 = arith.constant 0 : i32
    %dma_start3A_167 = arith.constant 0 : i32
    %dma_start3A_168 = tpu.memref_slice %arg3[%dma_start3A_166, %dma_start3A_167] : memref<10240x64xf32, #tpu.memory_space<hbm>> -> memref<10240x64xf32, #tpu.memory_space<hbm>>
    tpu.enqueue_indirect_dma source(%dma_start3A_168 : memref<10240x64xf32, #tpu.memory_space<hbm>>) target(%arg10 : memref<128x64xf32, #tpu.memory_space<vmem>>) offsets(%dma_start3A_165 : memref<128xi32, #tpu.memory_space<vmem>>) semaphore(%arg16 : memref<!tpu.dma_semaphore, #tpu.memory_space<semaphore_mem>>)
    %dma_start3A_169 = arith.constant 2 : i32
    %dma_start3A_170 = arith.constant 0 : i32
    %dma_start3A_171 = tpu.memref_slice %arg7[%dma_start3A_169, %dma_start3A_170] : memref<80x128xi32, #tpu.memory_space<vmem>> -> memref<1x128xi32, #tpu.memory_space<vmem>>
    %dma_start3A_172 = tpu.memref_squeeze %dma_start3A_171 : memref<1x128xi32, #tpu.memory_space<vmem>> -> memref<128xi32, #tpu.memory_space<vmem>>
    %dma_start3A_173 = arith.constant 0 : i32
    %dma_start3A_174 = arith.constant 0 : i32
    %dma_start3A_175 = tpu.memref_slice %arg3[%dma_start3A_173, %dma_start3A_174] : memref<10240x64xf32, #tpu.memory_space<hbm>> -> memref<10240x64xf32, #tpu.memory_space<hbm>>
    tpu.enqueue_indirect_dma source(%dma_start3A_175 : memref<10240x64xf32, #tpu.memory_space<hbm>>) target(%arg11 : memref<128x64xf32, #tpu.memory_space<vmem>>) offsets(%dma_start3A_172 : memref<128xi32, #tpu.memory_space<vmem>>) semaphore(%arg17 : memref<!tpu.dma_semaphore, #tpu.memory_space<semaphore_mem>>)
    %dma_start3A_176 = arith.constant 3 : i32
    %dma_start3A_177 = arith.constant 0 : i32
    %dma_start3A_178 = tpu.memref_slice %arg7[%dma_start3A_176, %dma_start3A_177] : memref<80x128xi32, #tpu.memory_space<vmem>> -> memref<1x128xi32, #tpu.memory_space<vmem>>
    %dma_start3A_179 = tpu.memref_squeeze %dma_start3A_178 : memref<1x128xi32, #tpu.memory_space<vmem>> -> memref<128xi32, #tpu.memory_space<vmem>>
    %dma_start3A_180 = arith.constant 0 : i32
    %dma_start3A_181 = arith.constant 0 : i32
    %dma_start3A_182 = tpu.memref_slice %arg3[%dma_start3A_180, %dma_start3A_181] : memref<10240x64xf32, #tpu.memory_space<hbm>> -> memref<10240x64xf32, #tpu.memory_space<hbm>>
    tpu.enqueue_indirect_dma source(%dma_start3A_182 : memref<10240x64xf32, #tpu.memory_space<hbm>>) target(%arg12 : memref<128x64xf32, #tpu.memory_space<vmem>>) offsets(%dma_start3A_179 : memref<128xi32, #tpu.memory_space<vmem>>) semaphore(%arg18 : memref<!tpu.dma_semaphore, #tpu.memory_space<semaphore_mem>>)
    %scan3A_183 = arith.constant 0 : i32
    %scan3A_184 = arith.constant 0 : i32
    %scan3A_185 = arith.constant 19 : i32
    %scan3A_186 = arith.addi %scan3A_184, %scan3A_185 : i32
    %scan3A_187 = arith.constant 1 : i32
    %scan3A_188 = scf.for %scan3A_285 = %scan3A_184 to %scan3A_186 step %scan3A_187 iter_args(%scan3A_286 = %scan3A_183) -> (i32)  : i32 {
      %mul3A_287 = arith.constant 4 : i32
      %mul3A_288 = arith.muli %scan3A_285, %mul3A_287 : i32
      %add3A_289 = arith.constant 0 : i32
      %add3A_290 = arith.addi %mul3A_288, %add3A_289 : i32
      %dma_wait3A_291 = arith.constant 0 : i32
      %dma_wait3A_292 = tpu.memref_slice %arg7[%add3A_290, %dma_wait3A_291] : memref<80x128xi32, #tpu.memory_space<vmem>> -> memref<1x128xi32, #tpu.memory_space<vmem>>
      %dma_wait3A_293 = tpu.memref_squeeze %dma_wait3A_292 : memref<1x128xi32, #tpu.memory_space<vmem>> -> memref<128xi32, #tpu.memory_space<vmem>>
      %dma_wait3A_294 = arith.constant 0 : i32
      %dma_wait3A_295 = arith.constant 0 : i32
      %dma_wait3A_296 = tpu.memref_slice %arg3[%dma_wait3A_294, %dma_wait3A_295] : memref<10240x64xf32, #tpu.memory_space<hbm>> -> memref<10240x64xf32, #tpu.memory_space<hbm>>
      tpu.wait_indirect_dma semaphore(%arg15 : memref<!tpu.dma_semaphore, #tpu.memory_space<semaphore_mem>>) src(%dma_wait3A_296 : memref<10240x64xf32, #tpu.memory_space<hbm>>) dst(%arg9 : memref<128x64xf32, #tpu.memory_space<vmem>>)
      %dma_start3A_297 = arith.constant 0 : i32
      %dma_start3A_298 = tpu.memref_slice %arg8[%add3A_290, %dma_start3A_297] : memref<80x128xi32, #tpu.memory_space<vmem>> -> memref<1x128xi32, #tpu.memory_space<vmem>>
      %dma_start3A_299 = tpu.memref_squeeze %dma_start3A_298 : memref<1x128xi32, #tpu.memory_space<vmem>> -> memref<128xi32, #tpu.memory_space<vmem>>
      %dma_start3A_300 = arith.constant 0 : i32
      %dma_start3A_301 = arith.constant 0 : i32
      %dma_start3A_302 = tpu.memref_slice %arg14[%dma_start3A_300, %dma_start3A_301] : memref<10240x64xf32, #tpu.memory_space<vmem_shared>> -> memref<10240x64xf32, #tpu.memory_space<vmem_shared>>
      tpu.enqueue_indirect_dma source(%arg9 : memref<128x64xf32, #tpu.memory_space<vmem>>) target(%dma_start3A_302 : memref<10240x64xf32, #tpu.memory_space<vmem_shared>>) offsets(%dma_start3A_299 : memref<128xi32, #tpu.memory_space<vmem>>) semaphore(%arg19 : memref<!tpu.dma_semaphore, #tpu.memory_space<semaphore_mem>>) {add = true}
      %add3A_303 = arith.constant 1 : i32
      %add3A_304 = arith.addi %mul3A_288, %add3A_303 : i32
      %dma_wait3A_305 = arith.constant 0 : i32
      %dma_wait3A_306 = tpu.memref_slice %arg7[%add3A_304, %dma_wait3A_305] : memref<80x128xi32, #tpu.memory_space<vmem>> -> memref<1x128xi32, #tpu.memory_space<vmem>>
      %dma_wait3A_307 = tpu.memref_squeeze %dma_wait3A_306 : memref<1x128xi32, #tpu.memory_space<vmem>> -> memref<128xi32, #tpu.memory_space<vmem>>
      %dma_wait3A_308 = arith.constant 0 : i32
      %dma_wait3A_309 = arith.constant 0 : i32
      %dma_wait3A_310 = tpu.memref_slice %arg3[%dma_wait3A_308, %dma_wait3A_309] : memref<10240x64xf32, #tpu.memory_space<hbm>> -> memref<10240x64xf32, #tpu.memory_space<hbm>>
      tpu.wait_indirect_dma semaphore(%arg16 : memref<!tpu.dma_semaphore, #tpu.memory_space<semaphore_mem>>) src(%dma_wait3A_310 : memref<10240x64xf32, #tpu.memory_space<hbm>>) dst(%arg10 : memref<128x64xf32, #tpu.memory_space<vmem>>)
      %dma_start3A_311 = arith.constant 0 : i32
      %dma_start3A_312 = tpu.memref_slice %arg8[%add3A_304, %dma_start3A_311] : memref<80x128xi32, #tpu.memory_space<vmem>> -> memref<1x128xi32, #tpu.memory_space<vmem>>
      %dma_start3A_313 = tpu.memref_squeeze %dma_start3A_312 : memref<1x128xi32, #tpu.memory_space<vmem>> -> memref<128xi32, #tpu.memory_space<vmem>>
      %dma_start3A_314 = arith.constant 0 : i32
      %dma_start3A_315 = arith.constant 0 : i32
      %dma_start3A_316 = tpu.memref_slice %arg14[%dma_start3A_314, %dma_start3A_315] : memref<10240x64xf32, #tpu.memory_space<vmem_shared>> -> memref<10240x64xf32, #tpu.memory_space<vmem_shared>>
      tpu.enqueue_indirect_dma source(%arg10 : memref<128x64xf32, #tpu.memory_space<vmem>>) target(%dma_start3A_316 : memref<10240x64xf32, #tpu.memory_space<vmem_shared>>) offsets(%dma_start3A_313 : memref<128xi32, #tpu.memory_space<vmem>>) semaphore(%arg20 : memref<!tpu.dma_semaphore, #tpu.memory_space<semaphore_mem>>) {add = true}
      %add3A_317 = arith.constant 2 : i32
      %add3A_318 = arith.addi %mul3A_288, %add3A_317 : i32
      %dma_wait3A_319 = arith.constant 0 : i32
      %dma_wait3A_320 = tpu.memref_slice %arg7[%add3A_318, %dma_wait3A_319] : memref<80x128xi32, #tpu.memory_space<vmem>> -> memref<1x128xi32, #tpu.memory_space<vmem>>
      %dma_wait3A_321 = tpu.memref_squeeze %dma_wait3A_320 : memref<1x128xi32, #tpu.memory_space<vmem>> -> memref<128xi32, #tpu.memory_space<vmem>>
      %dma_wait3A_322 = arith.constant 0 : i32
      %dma_wait3A_323 = arith.constant 0 : i32
      %dma_wait3A_324 = tpu.memref_slice %arg3[%dma_wait3A_322, %dma_wait3A_323] : memref<10240x64xf32, #tpu.memory_space<hbm>> -> memref<10240x64xf32, #tpu.memory_space<hbm>>
      tpu.wait_indirect_dma semaphore(%arg17 : memref<!tpu.dma_semaphore, #tpu.memory_space<semaphore_mem>>) src(%dma_wait3A_324 : memref<10240x64xf32, #tpu.memory_space<hbm>>) dst(%arg11 : memref<128x64xf32, #tpu.memory_space<vmem>>)
      %dma_start3A_325 = arith.constant 0 : i32
      %dma_start3A_326 = tpu.memref_slice %arg8[%add3A_318, %dma_start3A_325] : memref<80x128xi32, #tpu.memory_space<vmem>> -> memref<1x128xi32, #tpu.memory_space<vmem>>
      %dma_start3A_327 = tpu.memref_squeeze %dma_start3A_326 : memref<1x128xi32, #tpu.memory_space<vmem>> -> memref<128xi32, #tpu.memory_space<vmem>>
      %dma_start3A_328 = arith.constant 0 : i32
      %dma_start3A_329 = arith.constant 0 : i32
      %dma_start3A_330 = tpu.memref_slice %arg14[%dma_start3A_328, %dma_start3A_329] : memref<10240x64xf32, #tpu.memory_space<vmem_shared>> -> memref<10240x64xf32, #tpu.memory_space<vmem_shared>>
      tpu.enqueue_indirect_dma source(%arg11 : memref<128x64xf32, #tpu.memory_space<vmem>>) target(%dma_start3A_330 : memref<10240x64xf32, #tpu.memory_space<vmem_shared>>) offsets(%dma_start3A_327 : memref<128xi32, #tpu.memory_space<vmem>>) semaphore(%arg21 : memref<!tpu.dma_semaphore, #tpu.memory_space<semaphore_mem>>) {add = true}
      %add3A_331 = arith.constant 3 : i32
      %add3A_332 = arith.addi %mul3A_288, %add3A_331 : i32
      %dma_wait3A_333 = arith.constant 0 : i32
      %dma_wait3A_334 = tpu.memref_slice %arg7[%add3A_332, %dma_wait3A_333] : memref<80x128xi32, #tpu.memory_space<vmem>> -> memref<1x128xi32, #tpu.memory_space<vmem>>
      %dma_wait3A_335 = tpu.memref_squeeze %dma_wait3A_334 : memref<1x128xi32, #tpu.memory_space<vmem>> -> memref<128xi32, #tpu.memory_space<vmem>>
      %dma_wait3A_336 = arith.constant 0 : i32
      %dma_wait3A_337 = arith.constant 0 : i32
      %dma_wait3A_338 = tpu.memref_slice %arg3[%dma_wait3A_336, %dma_wait3A_337] : memref<10240x64xf32, #tpu.memory_space<hbm>> -> memref<10240x64xf32, #tpu.memory_space<hbm>>
      tpu.wait_indirect_dma semaphore(%arg18 : memref<!tpu.dma_semaphore, #tpu.memory_space<semaphore_mem>>) src(%dma_wait3A_338 : memref<10240x64xf32, #tpu.memory_space<hbm>>) dst(%arg12 : memref<128x64xf32, #tpu.memory_space<vmem>>)
      %dma_start3A_339 = arith.constant 0 : i32
      %dma_start3A_340 = tpu.memref_slice %arg8[%add3A_332, %dma_start3A_339] : memref<80x128xi32, #tpu.memory_space<vmem>> -> memref<1x128xi32, #tpu.memory_space<vmem>>
      %dma_start3A_341 = tpu.memref_squeeze %dma_start3A_340 : memref<1x128xi32, #tpu.memory_space<vmem>> -> memref<128xi32, #tpu.memory_space<vmem>>
      %dma_start3A_342 = arith.constant 0 : i32
      %dma_start3A_343 = arith.constant 0 : i32
      %dma_start3A_344 = tpu.memref_slice %arg14[%dma_start3A_342, %dma_start3A_343] : memref<10240x64xf32, #tpu.memory_space<vmem_shared>> -> memref<10240x64xf32, #tpu.memory_space<vmem_shared>>
      tpu.enqueue_indirect_dma source(%arg12 : memref<128x64xf32, #tpu.memory_space<vmem>>) target(%dma_start3A_344 : memref<10240x64xf32, #tpu.memory_space<vmem_shared>>) offsets(%dma_start3A_341 : memref<128xi32, #tpu.memory_space<vmem>>) semaphore(%arg22 : memref<!tpu.dma_semaphore, #tpu.memory_space<semaphore_mem>>) {add = true}
      %add3A_345 = arith.constant 0 : i32
      %add3A_346 = arith.addi %mul3A_288, %add3A_345 : i32
      %dma_wait3A_347 = arith.constant 0 : i32
      %dma_wait3A_348 = tpu.memref_slice %arg8[%add3A_346, %dma_wait3A_347] : memref<80x128xi32, #tpu.memory_space<vmem>> -> memref<1x128xi32, #tpu.memory_space<vmem>>
      %dma_wait3A_349 = tpu.memref_squeeze %dma_wait3A_348 : memref<1x128xi32, #tpu.memory_space<vmem>> -> memref<128xi32, #tpu.memory_space<vmem>>
      %dma_wait3A_350 = arith.constant 0 : i32
      %dma_wait3A_351 = arith.constant 0 : i32
      %dma_wait3A_352 = tpu.memref_slice %arg14[%dma_wait3A_350, %dma_wait3A_351] : memref<10240x64xf32, #tpu.memory_space<vmem_shared>> -> memref<10240x64xf32, #tpu.memory_space<vmem_shared>>
      tpu.wait_indirect_dma semaphore(%arg19 : memref<!tpu.dma_semaphore, #tpu.memory_space<semaphore_mem>>) src(%arg9 : memref<128x64xf32, #tpu.memory_space<vmem>>) dst(%dma_wait3A_352 : memref<10240x64xf32, #tpu.memory_space<vmem_shared>>)
      %add3A_353 = arith.constant 4 : i32
      %add3A_354 = arith.addi %add3A_346, %add3A_353 : i32
      %dma_start3A_355 = arith.constant 0 : i32
      %dma_start3A_356 = tpu.memref_slice %arg7[%add3A_354, %dma_start3A_355] : memref<80x128xi32, #tpu.memory_space<vmem>> -> memref<1x128xi32, #tpu.memory_space<vmem>>
      %dma_start3A_357 = tpu.memref_squeeze %dma_start3A_356 : memref<1x128xi32, #tpu.memory_space<vmem>> -> memref<128xi32, #tpu.memory_space<vmem>>
      %dma_start3A_358 = arith.constant 0 : i32
      %dma_start3A_359 = arith.constant 0 : i32
      %dma_start3A_360 = tpu.memref_slice %arg3[%dma_start3A_358, %dma_start3A_359] : memref<10240x64xf32, #tpu.memory_space<hbm>> -> memref<10240x64xf32, #tpu.memory_space<hbm>>
      tpu.enqueue_indirect_dma source(%dma_start3A_360 : memref<10240x64xf32, #tpu.memory_space<hbm>>) target(%arg9 : memref<128x64xf32, #tpu.memory_space<vmem>>) offsets(%dma_start3A_357 : memref<128xi32, #tpu.memory_space<vmem>>) semaphore(%arg15 : memref<!tpu.dma_semaphore, #tpu.memory_space<semaphore_mem>>)
      %add3A_361 = arith.constant 1 : i32
      %add3A_362 = arith.addi %mul3A_288, %add3A_361 : i32
      %dma_wait3A_363 = arith.constant 0 : i32
      %dma_wait3A_364 = tpu.memref_slice %arg8[%add3A_362, %dma_wait3A_363] : memref<80x128xi32, #tpu.memory_space<vmem>> -> memref<1x128xi32, #tpu.memory_space<vmem>>
      %dma_wait3A_365 = tpu.memref_squeeze %dma_wait3A_364 : memref<1x128xi32, #tpu.memory_space<vmem>> -> memref<128xi32, #tpu.memory_space<vmem>>
      %dma_wait3A_366 = arith.constant 0 : i32
      %dma_wait3A_367 = arith.constant 0 : i32
      %dma_wait3A_368 = tpu.memref_slice %arg14[%dma_wait3A_366, %dma_wait3A_367] : memref<10240x64xf32, #tpu.memory_space<vmem_shared>> -> memref<10240x64xf32, #tpu.memory_space<vmem_shared>>
      tpu.wait_indirect_dma semaphore(%arg20 : memref<!tpu.dma_semaphore, #tpu.memory_space<semaphore_mem>>) src(%arg10 : memref<128x64xf32, #tpu.memory_space<vmem>>) dst(%dma_wait3A_368 : memref<10240x64xf32, #tpu.memory_space<vmem_shared>>)
      %add3A_369 = arith.constant 4 : i32
      %add3A_370 = arith.addi %add3A_362, %add3A_369 : i32
      %dma_start3A_371 = arith.constant 0 : i32
      %dma_start3A_372 = tpu.memref_slice %arg7[%add3A_370, %dma_start3A_371] : memref<80x128xi32, #tpu.memory_space<vmem>> -> memref<1x128xi32, #tpu.memory_space<vmem>>
      %dma_start3A_373 = tpu.memref_squeeze %dma_start3A_372 : memref<1x128xi32, #tpu.memory_space<vmem>> -> memref<128xi32, #tpu.memory_space<vmem>>
      %dma_start3A_374 = arith.constant 0 : i32
      %dma_start3A_375 = arith.constant 0 : i32
      %dma_start3A_376 = tpu.memref_slice %arg3[%dma_start3A_374, %dma_start3A_375] : memref<10240x64xf32, #tpu.memory_space<hbm>> -> memref<10240x64xf32, #tpu.memory_space<hbm>>
      tpu.enqueue_indirect_dma source(%dma_start3A_376 : memref<10240x64xf32, #tpu.memory_space<hbm>>) target(%arg10 : memref<128x64xf32, #tpu.memory_space<vmem>>) offsets(%dma_start3A_373 : memref<128xi32, #tpu.memory_space<vmem>>) semaphore(%arg16 : memref<!tpu.dma_semaphore, #tpu.memory_space<semaphore_mem>>)
      %add3A_377 = arith.constant 2 : i32
      %add3A_378 = arith.addi %mul3A_288, %add3A_377 : i32
      %dma_wait3A_379 = arith.constant 0 : i32
      %dma_wait3A_380 = tpu.memref_slice %arg8[%add3A_378, %dma_wait3A_379] : memref<80x128xi32, #tpu.memory_space<vmem>> -> memref<1x128xi32, #tpu.memory_space<vmem>>
      %dma_wait3A_381 = tpu.memref_squeeze %dma_wait3A_380 : memref<1x128xi32, #tpu.memory_space<vmem>> -> memref<128xi32, #tpu.memory_space<vmem>>
      %dma_wait3A_382 = arith.constant 0 : i32
      %dma_wait3A_383 = arith.constant 0 : i32
      %dma_wait3A_384 = tpu.memref_slice %arg14[%dma_wait3A_382, %dma_wait3A_383] : memref<10240x64xf32, #tpu.memory_space<vmem_shared>> -> memref<10240x64xf32, #tpu.memory_space<vmem_shared>>
      tpu.wait_indirect_dma semaphore(%arg21 : memref<!tpu.dma_semaphore, #tpu.memory_space<semaphore_mem>>) src(%arg11 : memref<128x64xf32, #tpu.memory_space<vmem>>) dst(%dma_wait3A_384 : memref<10240x64xf32, #tpu.memory_space<vmem_shared>>)
      %add3A_385 = arith.constant 4 : i32
      %add3A_386 = arith.addi %add3A_378, %add3A_385 : i32
      %dma_start3A_387 = arith.constant 0 : i32
      %dma_start3A_388 = tpu.memref_slice %arg7[%add3A_386, %dma_start3A_387] : memref<80x128xi32, #tpu.memory_space<vmem>> -> memref<1x128xi32, #tpu.memory_space<vmem>>
      %dma_start3A_389 = tpu.memref_squeeze %dma_start3A_388 : memref<1x128xi32, #tpu.memory_space<vmem>> -> memref<128xi32, #tpu.memory_space<vmem>>
      %dma_start3A_390 = arith.constant 0 : i32
      %dma_start3A_391 = arith.constant 0 : i32
      %dma_start3A_392 = tpu.memref_slice %arg3[%dma_start3A_390, %dma_start3A_391] : memref<10240x64xf32, #tpu.memory_space<hbm>> -> memref<10240x64xf32, #tpu.memory_space<hbm>>
      tpu.enqueue_indirect_dma source(%dma_start3A_392 : memref<10240x64xf32, #tpu.memory_space<hbm>>) target(%arg11 : memref<128x64xf32, #tpu.memory_space<vmem>>) offsets(%dma_start3A_389 : memref<128xi32, #tpu.memory_space<vmem>>) semaphore(%arg17 : memref<!tpu.dma_semaphore, #tpu.memory_space<semaphore_mem>>)
      %add3A_393 = arith.constant 3 : i32
      %add3A_394 = arith.addi %mul3A_288, %add3A_393 : i32
      %dma_wait3A_395 = arith.constant 0 : i32
      %dma_wait3A_396 = tpu.memref_slice %arg8[%add3A_394, %dma_wait3A_395] : memref<80x128xi32, #tpu.memory_space<vmem>> -> memref<1x128xi32, #tpu.memory_space<vmem>>
      %dma_wait3A_397 = tpu.memref_squeeze %dma_wait3A_396 : memref<1x128xi32, #tpu.memory_space<vmem>> -> memref<128xi32, #tpu.memory_space<vmem>>
      %dma_wait3A_398 = arith.constant 0 : i32
      %dma_wait3A_399 = arith.constant 0 : i32
      %dma_wait3A_400 = tpu.memref_slice %arg14[%dma_wait3A_398, %dma_wait3A_399] : memref<10240x64xf32, #tpu.memory_space<vmem_shared>> -> memref<10240x64xf32, #tpu.memory_space<vmem_shared>>
      tpu.wait_indirect_dma semaphore(%arg22 : memref<!tpu.dma_semaphore, #tpu.memory_space<semaphore_mem>>) src(%arg12 : memref<128x64xf32, #tpu.memory_space<vmem>>) dst(%dma_wait3A_400 : memref<10240x64xf32, #tpu.memory_space<vmem_shared>>)
      %add3A_401 = arith.constant 4 : i32
      %add3A_402 = arith.addi %add3A_394, %add3A_401 : i32
      %dma_start3A_403 = arith.constant 0 : i32
      %dma_start3A_404 = tpu.memref_slice %arg7[%add3A_402, %dma_start3A_403] : memref<80x128xi32, #tpu.memory_space<vmem>> -> memref<1x128xi32, #tpu.memory_space<vmem>>
      %dma_start3A_405 = tpu.memref_squeeze %dma_start3A_404 : memref<1x128xi32, #tpu.memory_space<vmem>> -> memref<128xi32, #tpu.memory_space<vmem>>
      %dma_start3A_406 = arith.constant 0 : i32
      %dma_start3A_407 = arith.constant 0 : i32
      %dma_start3A_408 = tpu.memref_slice %arg3[%dma_start3A_406, %dma_start3A_407] : memref<10240x64xf32, #tpu.memory_space<hbm>> -> memref<10240x64xf32, #tpu.memory_space<hbm>>
      tpu.enqueue_indirect_dma source(%dma_start3A_408 : memref<10240x64xf32, #tpu.memory_space<hbm>>) target(%arg12 : memref<128x64xf32, #tpu.memory_space<vmem>>) offsets(%dma_start3A_405 : memref<128xi32, #tpu.memory_space<vmem>>) semaphore(%arg18 : memref<!tpu.dma_semaphore, #tpu.memory_space<semaphore_mem>>)
      %scan3A_409 = arith.constant 0 : i32
      scf.yield %scan3A_409 : i32
    }
    %scan3A_189 = arith.constant 19 : i32
    %dma_wait3A_190 = arith.constant 76 : i32
    %dma_wait3A_191 = arith.constant 0 : i32
    %dma_wait3A_192 = tpu.memref_slice %arg7[%dma_wait3A_190, %dma_wait3A_191] : memref<80x128xi32, #tpu.memory_space<vmem>> -> memref<1x128xi32, #tpu.memory_space<vmem>>
    %dma_wait3A_193 = tpu.memref_squeeze %dma_wait3A_192 : memref<1x128xi32, #tpu.memory_space<vmem>> -> memref<128xi32, #tpu.memory_space<vmem>>
    %dma_wait3A_194 = arith.constant 0 : i32
    %dma_wait3A_195 = arith.constant 0 : i32
    %dma_wait3A_196 = tpu.memref_slice %arg3[%dma_wait3A_194, %dma_wait3A_195] : memref<10240x64xf32, #tpu.memory_space<hbm>> -> memref<10240x64xf32, #tpu.memory_space<hbm>>
    tpu.wait_indirect_dma semaphore(%arg15 : memref<!tpu.dma_semaphore, #tpu.memory_space<semaphore_mem>>) src(%dma_wait3A_196 : memref<10240x64xf32, #tpu.memory_space<hbm>>) dst(%arg9 : memref<128x64xf32, #tpu.memory_space<vmem>>)
    %dma_start3A_197 = arith.constant 76 : i32
    %dma_start3A_198 = arith.constant 0 : i32
    %dma_start3A_199 = tpu.memref_slice %arg8[%dma_start3A_197, %dma_start3A_198] : memref<80x128xi32, #tpu.memory_space<vmem>> -> memref<1x128xi32, #tpu.memory_space<vmem>>
    %dma_start3A_200 = tpu.memref_squeeze %dma_start3A_199 : memref<1x128xi32, #tpu.memory_space<vmem>> -> memref<128xi32, #tpu.memory_space<vmem>>
    %dma_start3A_201 = arith.constant 0 : i32
    %dma_start3A_202 = arith.constant 0 : i32
    %dma_start3A_203 = tpu.memref_slice %arg14[%dma_start3A_201, %dma_start3A_202] : memref<10240x64xf32, #tpu.memory_space<vmem_shared>> -> memref<10240x64xf32, #tpu.memory_space<vmem_shared>>
    tpu.enqueue_indirect_dma source(%arg9 : memref<128x64xf32, #tpu.memory_space<vmem>>) target(%dma_start3A_203 : memref<10240x64xf32, #tpu.memory_space<vmem_shared>>) offsets(%dma_start3A_200 : memref<128xi32, #tpu.memory_space<vmem>>) semaphore(%arg19 : memref<!tpu.dma_semaphore, #tpu.memory_space<semaphore_mem>>) {add = true}
    %dma_wait3A_204 = arith.constant 77 : i32
    %dma_wait3A_205 = arith.constant 0 : i32
    %dma_wait3A_206 = tpu.memref_slice %arg7[%dma_wait3A_204, %dma_wait3A_205] : memref<80x128xi32, #tpu.memory_space<vmem>> -> memref<1x128xi32, #tpu.memory_space<vmem>>
    %dma_wait3A_207 = tpu.memref_squeeze %dma_wait3A_206 : memref<1x128xi32, #tpu.memory_space<vmem>> -> memref<128xi32, #tpu.memory_space<vmem>>
    %dma_wait3A_208 = arith.constant 0 : i32
    %dma_wait3A_209 = arith.constant 0 : i32
    %dma_wait3A_210 = tpu.memref_slice %arg3[%dma_wait3A_208, %dma_wait3A_209] : memref<10240x64xf32, #tpu.memory_space<hbm>> -> memref<10240x64xf32, #tpu.memory_space<hbm>>
    tpu.wait_indirect_dma semaphore(%arg16 : memref<!tpu.dma_semaphore, #tpu.memory_space<semaphore_mem>>) src(%dma_wait3A_210 : memref<10240x64xf32, #tpu.memory_space<hbm>>) dst(%arg10 : memref<128x64xf32, #tpu.memory_space<vmem>>)
    %dma_start3A_211 = arith.constant 77 : i32
    %dma_start3A_212 = arith.constant 0 : i32
    %dma_start3A_213 = tpu.memref_slice %arg8[%dma_start3A_211, %dma_start3A_212] : memref<80x128xi32, #tpu.memory_space<vmem>> -> memref<1x128xi32, #tpu.memory_space<vmem>>
    %dma_start3A_214 = tpu.memref_squeeze %dma_start3A_213 : memref<1x128xi32, #tpu.memory_space<vmem>> -> memref<128xi32, #tpu.memory_space<vmem>>
    %dma_start3A_215 = arith.constant 0 : i32
    %dma_start3A_216 = arith.constant 0 : i32
    %dma_start3A_217 = tpu.memref_slice %arg14[%dma_start3A_215, %dma_start3A_216] : memref<10240x64xf32, #tpu.memory_space<vmem_shared>> -> memref<10240x64xf32, #tpu.memory_space<vmem_shared>>
    tpu.enqueue_indirect_dma source(%arg10 : memref<128x64xf32, #tpu.memory_space<vmem>>) target(%dma_start3A_217 : memref<10240x64xf32, #tpu.memory_space<vmem_shared>>) offsets(%dma_start3A_214 : memref<128xi32, #tpu.memory_space<vmem>>) semaphore(%arg20 : memref<!tpu.dma_semaphore, #tpu.memory_space<semaphore_mem>>) {add = true}
    %dma_wait3A_218 = arith.constant 78 : i32
    %dma_wait3A_219 = arith.constant 0 : i32
    %dma_wait3A_220 = tpu.memref_slice %arg7[%dma_wait3A_218, %dma_wait3A_219] : memref<80x128xi32, #tpu.memory_space<vmem>> -> memref<1x128xi32, #tpu.memory_space<vmem>>
    %dma_wait3A_221 = tpu.memref_squeeze %dma_wait3A_220 : memref<1x128xi32, #tpu.memory_space<vmem>> -> memref<128xi32, #tpu.memory_space<vmem>>
    %dma_wait3A_222 = arith.constant 0 : i32
    %dma_wait3A_223 = arith.constant 0 : i32
    %dma_wait3A_224 = tpu.memref_slice %arg3[%dma_wait3A_222, %dma_wait3A_223] : memref<10240x64xf32, #tpu.memory_space<hbm>> -> memref<10240x64xf32, #tpu.memory_space<hbm>>
    tpu.wait_indirect_dma semaphore(%arg17 : memref<!tpu.dma_semaphore, #tpu.memory_space<semaphore_mem>>) src(%dma_wait3A_224 : memref<10240x64xf32, #tpu.memory_space<hbm>>) dst(%arg11 : memref<128x64xf32, #tpu.memory_space<vmem>>)
    %dma_start3A_225 = arith.constant 78 : i32
    %dma_start3A_226 = arith.constant 0 : i32
    %dma_start3A_227 = tpu.memref_slice %arg8[%dma_start3A_225, %dma_start3A_226] : memref<80x128xi32, #tpu.memory_space<vmem>> -> memref<1x128xi32, #tpu.memory_space<vmem>>
    %dma_start3A_228 = tpu.memref_squeeze %dma_start3A_227 : memref<1x128xi32, #tpu.memory_space<vmem>> -> memref<128xi32, #tpu.memory_space<vmem>>
    %dma_start3A_229 = arith.constant 0 : i32
    %dma_start3A_230 = arith.constant 0 : i32
    %dma_start3A_231 = tpu.memref_slice %arg14[%dma_start3A_229, %dma_start3A_230] : memref<10240x64xf32, #tpu.memory_space<vmem_shared>> -> memref<10240x64xf32, #tpu.memory_space<vmem_shared>>
    tpu.enqueue_indirect_dma source(%arg11 : memref<128x64xf32, #tpu.memory_space<vmem>>) target(%dma_start3A_231 : memref<10240x64xf32, #tpu.memory_space<vmem_shared>>) offsets(%dma_start3A_228 : memref<128xi32, #tpu.memory_space<vmem>>) semaphore(%arg21 : memref<!tpu.dma_semaphore, #tpu.memory_space<semaphore_mem>>) {add = true}
    %dma_wait3A_232 = arith.constant 79 : i32
    %dma_wait3A_233 = arith.constant 0 : i32
    %dma_wait3A_234 = tpu.memref_slice %arg7[%dma_wait3A_232, %dma_wait3A_233] : memref<80x128xi32, #tpu.memory_space<vmem>> -> memref<1x128xi32, #tpu.memory_space<vmem>>
    %dma_wait3A_235 = tpu.memref_squeeze %dma_wait3A_234 : memref<1x128xi32, #tpu.memory_space<vmem>> -> memref<128xi32, #tpu.memory_space<vmem>>
    %dma_wait3A_236 = arith.constant 0 : i32
    %dma_wait3A_237 = arith.constant 0 : i32
    %dma_wait3A_238 = tpu.memref_slice %arg3[%dma_wait3A_236, %dma_wait3A_237] : memref<10240x64xf32, #tpu.memory_space<hbm>> -> memref<10240x64xf32, #tpu.memory_space<hbm>>
    tpu.wait_indirect_dma semaphore(%arg18 : memref<!tpu.dma_semaphore, #tpu.memory_space<semaphore_mem>>) src(%dma_wait3A_238 : memref<10240x64xf32, #tpu.memory_space<hbm>>) dst(%arg12 : memref<128x64xf32, #tpu.memory_space<vmem>>)
    %dma_start3A_239 = arith.constant 79 : i32
    %dma_start3A_240 = arith.constant 0 : i32
    %dma_start3A_241 = tpu.memref_slice %arg8[%dma_start3A_239, %dma_start3A_240] : memref<80x128xi32, #tpu.memory_space<vmem>> -> memref<1x128xi32, #tpu.memory_space<vmem>>
    %dma_start3A_242 = tpu.memref_squeeze %dma_start3A_241 : memref<1x128xi32, #tpu.memory_space<vmem>> -> memref<128xi32, #tpu.memory_space<vmem>>
    %dma_start3A_243 = arith.constant 0 : i32
    %dma_start3A_244 = arith.constant 0 : i32
    %dma_start3A_245 = tpu.memref_slice %arg14[%dma_start3A_243, %dma_start3A_244] : memref<10240x64xf32, #tpu.memory_space<vmem_shared>> -> memref<10240x64xf32, #tpu.memory_space<vmem_shared>>
    tpu.enqueue_indirect_dma source(%arg12 : memref<128x64xf32, #tpu.memory_space<vmem>>) target(%dma_start3A_245 : memref<10240x64xf32, #tpu.memory_space<vmem_shared>>) offsets(%dma_start3A_242 : memref<128xi32, #tpu.memory_space<vmem>>) semaphore(%arg22 : memref<!tpu.dma_semaphore, #tpu.memory_space<semaphore_mem>>) {add = true}
    %dma_wait3A_246 = arith.constant 76 : i32
    %dma_wait3A_247 = arith.constant 0 : i32
    %dma_wait3A_248 = tpu.memref_slice %arg8[%dma_wait3A_246, %dma_wait3A_247] : memref<80x128xi32, #tpu.memory_space<vmem>> -> memref<1x128xi32, #tpu.memory_space<vmem>>
    %dma_wait3A_249 = tpu.memref_squeeze %dma_wait3A_248 : memref<1x128xi32, #tpu.memory_space<vmem>> -> memref<128xi32, #tpu.memory_space<vmem>>
    %dma_wait3A_250 = arith.constant 0 : i32
    %dma_wait3A_251 = arith.constant 0 : i32
    %dma_wait3A_252 = tpu.memref_slice %arg14[%dma_wait3A_250, %dma_wait3A_251] : memref<10240x64xf32, #tpu.memory_space<vmem_shared>> -> memref<10240x64xf32, #tpu.memory_space<vmem_shared>>
    tpu.wait_indirect_dma semaphore(%arg19 : memref<!tpu.dma_semaphore, #tpu.memory_space<semaphore_mem>>) src(%arg9 : memref<128x64xf32, #tpu.memory_space<vmem>>) dst(%dma_wait3A_252 : memref<10240x64xf32, #tpu.memory_space<vmem_shared>>)
    %dma_wait3A_253 = arith.constant 77 : i32
    %dma_wait3A_254 = arith.constant 0 : i32
    %dma_wait3A_255 = tpu.memref_slice %arg8[%dma_wait3A_253, %dma_wait3A_254] : memref<80x128xi32, #tpu.memory_space<vmem>> -> memref<1x128xi32, #tpu.memory_space<vmem>>
    %dma_wait3A_256 = tpu.memref_squeeze %dma_wait3A_255 : memref<1x128xi32, #tpu.memory_space<vmem>> -> memref<128xi32, #tpu.memory_space<vmem>>
    %dma_wait3A_257 = arith.constant 0 : i32
    %dma_wait3A_258 = arith.constant 0 : i32
    %dma_wait3A_259 = tpu.memref_slice %arg14[%dma_wait3A_257, %dma_wait3A_258] : memref<10240x64xf32, #tpu.memory_space<vmem_shared>> -> memref<10240x64xf32, #tpu.memory_space<vmem_shared>>
    tpu.wait_indirect_dma semaphore(%arg20 : memref<!tpu.dma_semaphore, #tpu.memory_space<semaphore_mem>>) src(%arg10 : memref<128x64xf32, #tpu.memory_space<vmem>>) dst(%dma_wait3A_259 : memref<10240x64xf32, #tpu.memory_space<vmem_shared>>)
    %dma_wait3A_260 = arith.constant 78 : i32
    %dma_wait3A_261 = arith.constant 0 : i32
    %dma_wait3A_262 = tpu.memref_slice %arg8[%dma_wait3A_260, %dma_wait3A_261] : memref<80x128xi32, #tpu.memory_space<vmem>> -> memref<1x128xi32, #tpu.memory_space<vmem>>
    %dma_wait3A_263 = tpu.memref_squeeze %dma_wait3A_262 : memref<1x128xi32, #tpu.memory_space<vmem>> -> memref<128xi32, #tpu.memory_space<vmem>>
    %dma_wait3A_264 = arith.constant 0 : i32
    %dma_wait3A_265 = arith.constant 0 : i32
    %dma_wait3A_266 = tpu.memref_slice %arg14[%dma_wait3A_264, %dma_wait3A_265] : memref<10240x64xf32, #tpu.memory_space<vmem_shared>> -> memref<10240x64xf32, #tpu.memory_space<vmem_shared>>
    tpu.wait_indirect_dma semaphore(%arg21 : memref<!tpu.dma_semaphore, #tpu.memory_space<semaphore_mem>>) src(%arg11 : memref<128x64xf32, #tpu.memory_space<vmem>>) dst(%dma_wait3A_266 : memref<10240x64xf32, #tpu.memory_space<vmem_shared>>)
    %dma_wait3A_267 = arith.constant 79 : i32
    %dma_wait3A_268 = arith.constant 0 : i32
    %dma_wait3A_269 = tpu.memref_slice %arg8[%dma_wait3A_267, %dma_wait3A_268] : memref<80x128xi32, #tpu.memory_space<vmem>> -> memref<1x128xi32, #tpu.memory_space<vmem>>
    %dma_wait3A_270 = tpu.memref_squeeze %dma_wait3A_269 : memref<1x128xi32, #tpu.memory_space<vmem>> -> memref<128xi32, #tpu.memory_space<vmem>>
    %dma_wait3A_271 = arith.constant 0 : i32
    %dma_wait3A_272 = arith.constant 0 : i32
    %dma_wait3A_273 = tpu.memref_slice %arg14[%dma_wait3A_271, %dma_wait3A_272] : memref<10240x64xf32, #tpu.memory_space<vmem_shared>> -> memref<10240x64xf32, #tpu.memory_space<vmem_shared>>
    tpu.wait_indirect_dma semaphore(%arg22 : memref<!tpu.dma_semaphore, #tpu.memory_space<semaphore_mem>>) src(%arg12 : memref<128x64xf32, #tpu.memory_space<vmem>>) dst(%dma_wait3A_273 : memref<10240x64xf32, #tpu.memory_space<vmem_shared>>)
    %barrier3A_274 = arith.constant 0 : index
    tpu.barrier barrier_id(%barrier3A_274)
    %eq3A_275 = arith.constant 0 : i32
    %eq3A_276 = arith.cmpi eq, %arg0, %eq3A_275 : i32
    %convert_element_type3A_277 = arith.extui %eq3A_276 : i1 to i32
    %cond3A_278 = arith.constant 0 : i32
    %cond3A_279 = arith.cmpi ne, %convert_element_type3A_277, %cond3A_278 : i32
    scf.if %cond3A_279 {
      %mul3A_285 = arith.constant 640 : i32
      %mul3A_286 = arith.muli %arg1, %mul3A_285 : i32
      %mul3A_287 = arith.constant 640 : i32
      %mul3A_288 = arith.muli %arg1, %mul3A_287 : i32
      %run_scoped3A = arith.constant 1 : i32
      "tpu.region"() ({
        %run_scoped3A_289 = tpu.sem_alloc : memref<!tpu.dma_semaphore, #tpu.memory_space<semaphore_mem>>
        %dma_start3A_290 = arith.constant 0 : i32
        %dma_start3A_291 = tpu.memref_slice %arg6[%run_scoped3A, %mul3A_288, %dma_start3A_290] : memref<2x10240x128xf32, #tpu.memory_space<hbm>> -> memref<1x640x64xf32, #tpu.memory_space<hbm>>
        %dma_start3A_292 = tpu.memref_squeeze %dma_start3A_291 : memref<1x640x64xf32, #tpu.memory_space<hbm>> -> memref<640x64xf32, #tpu.memory_space<hbm>>
        %dma_start3A_293 = arith.constant 0 : i32
        %dma_start3A_294 = tpu.memref_slice %arg14[%mul3A_286, %dma_start3A_293] : memref<10240x64xf32, #tpu.memory_space<vmem_shared>> -> memref<640x64xf32, #tpu.memory_space<vmem_shared>>
        tpu.enqueue_dma source(%dma_start3A_294 : memref<640x64xf32, #tpu.memory_space<vmem_shared>>) target(%dma_start3A_292 : memref<640x64xf32, #tpu.memory_space<hbm>>) target_semaphore(%run_scoped3A_289 : memref<!tpu.dma_semaphore, #tpu.memory_space<semaphore_mem>>)
        %dma_wait3A_295 = arith.constant 0 : i32
        %dma_wait3A_296 = tpu.memref_slice %arg6[%run_scoped3A, %mul3A_288, %dma_wait3A_295] : memref<2x10240x128xf32, #tpu.memory_space<hbm>> -> memref<1x640x64xf32, #tpu.memory_space<hbm>>
        %dma_wait3A_297 = tpu.memref_squeeze %dma_wait3A_296 : memref<1x640x64xf32, #tpu.memory_space<hbm>> -> memref<640x64xf32, #tpu.memory_space<hbm>>
        %dma_wait3A_298 = arith.constant 0 : i32
        %dma_wait3A_299 = tpu.memref_slice %arg14[%mul3A_286, %dma_wait3A_298] : memref<10240x64xf32, #tpu.memory_space<vmem_shared>> -> memref<640x64xf32, #tpu.memory_space<vmem_shared>>
        tpu.wait_dma2 semaphore(%run_scoped3A_289 : memref<!tpu.dma_semaphore, #tpu.memory_space<semaphore_mem>>) src(%dma_wait3A_299 : memref<640x64xf32, #tpu.memory_space<vmem_shared>>) dst(%dma_wait3A_297 : memref<640x64xf32, #tpu.memory_space<hbm>>)
        tpu.yield
      }) : () -> ()
    } else {
    }
    %ne3A_280 = arith.constant 0 : i32
    %ne3A_281 = arith.cmpi ne, %arg0, %ne3A_280 : i32
    %convert_element_type3A_282 = arith.extui %ne3A_281 : i1 to i32
    %cond3A_283 = arith.constant 0 : i32
    %cond3A_284 = arith.cmpi ne, %convert_element_type3A_282, %cond3A_283 : i32
    scf.if %cond3A_284 {
      %mul3A_285 = arith.constant 640 : i32
      %mul3A_286 = arith.muli %arg1, %mul3A_285 : i32
      %mul3A_287 = arith.constant 640 : i32
      %mul3A_288 = arith.muli %arg1, %mul3A_287 : i32
      %run_scoped3A = arith.constant 1 : i32
      "tpu.region"() ({
        %run_scoped3A_289 = tpu.sem_alloc : memref<!tpu.dma_semaphore, #tpu.memory_space<semaphore_mem>>
        %dma_start3A_290 = arith.constant 64 : i32
        %dma_start3A_291 = tpu.memref_slice %arg6[%run_scoped3A, %mul3A_288, %dma_start3A_290] : memref<2x10240x128xf32, #tpu.memory_space<hbm>> -> memref<1x640x64xf32, #tpu.memory_space<hbm>>
        %dma_start3A_292 = tpu.memref_squeeze %dma_start3A_291 : memref<1x640x64xf32, #tpu.memory_space<hbm>> -> memref<640x64xf32, #tpu.memory_space<hbm>>
        %dma_start3A_293 = arith.constant 0 : i32
        %dma_start3A_294 = tpu.memref_slice %arg14[%mul3A_286, %dma_start3A_293] : memref<10240x64xf32, #tpu.memory_space<vmem_shared>> -> memref<640x64xf32, #tpu.memory_space<vmem_shared>>
        tpu.enqueue_dma source(%dma_start3A_294 : memref<640x64xf32, #tpu.memory_space<vmem_shared>>) target(%dma_start3A_292 : memref<640x64xf32, #tpu.memory_space<hbm>>) target_semaphore(%run_scoped3A_289 : memref<!tpu.dma_semaphore, #tpu.memory_space<semaphore_mem>>)
        %dma_wait3A_295 = arith.constant 64 : i32
        %dma_wait3A_296 = tpu.memref_slice %arg6[%run_scoped3A, %mul3A_288, %dma_wait3A_295] : memref<2x10240x128xf32, #tpu.memory_space<hbm>> -> memref<1x640x64xf32, #tpu.memory_space<hbm>>
        %dma_wait3A_297 = tpu.memref_squeeze %dma_wait3A_296 : memref<1x640x64xf32, #tpu.memory_space<hbm>> -> memref<640x64xf32, #tpu.memory_space<hbm>>
        %dma_wait3A_298 = arith.constant 0 : i32
        %dma_wait3A_299 = tpu.memref_slice %arg14[%mul3A_286, %dma_wait3A_298] : memref<10240x64xf32, #tpu.memory_space<vmem_shared>> -> memref<640x64xf32, #tpu.memory_space<vmem_shared>>
        tpu.wait_dma2 semaphore(%run_scoped3A_289 : memref<!tpu.dma_semaphore, #tpu.memory_space<semaphore_mem>>) src(%dma_wait3A_299 : memref<640x64xf32, #tpu.memory_space<vmem_shared>>) dst(%dma_wait3A_297 : memref<640x64xf32, #tpu.memory_space<hbm>>)
        tpu.yield
      }) : () -> ()
    } else {
    }
    return
  }
}

module attributes {stable_mosaic.version = 14 : i64} {
  func.func @_dinv_body(%arg0: memref<2x80x128xf32, #tpu.memory_space<vmem>>, %arg1: memref<80x128xf32, #tpu.memory_space<vmem>>) attributes {dimension_semantics = [], scalar_prefetch = 0 : i64, scratch_operands = 0 : i64, tpu.core_type = #tpu.core_type<tc>} {
    %get3A = arith.constant 0 : index
    %get3A_0 = arith.constant 0 : index
    %get3A_1 = arith.constant 0 : index
    %get3A_2 = vector.load %arg0[%get3A, %get3A_0, %get3A_1] : memref<2x80x128xf32, #tpu.memory_space<vmem>>, vector<1x80x128xf32>
    %get3A_3 = vector.shape_cast %get3A_2 : vector<1x80x128xf32> to vector<80x128xf32>
    %get3A_4 = arith.constant 1 : index
    %get3A_5 = arith.constant 0 : index
    %get3A_6 = arith.constant 0 : index
    %get3A_7 = vector.load %arg0[%get3A_4, %get3A_5, %get3A_6] : memref<2x80x128xf32, #tpu.memory_space<vmem>>, vector<1x80x128xf32>
    %get3A_8 = vector.shape_cast %get3A_7 : vector<1x80x128xf32> to vector<80x128xf32>
    %add3A = arith.addf %get3A_3, %get3A_8 : vector<80x128xf32>
    %add3A_9 = arith.constant 1.000000e+00 : f32
    %add3A_10 = vector.broadcast %add3A_9 : f32 to vector<80x128xf32>
    %add3A_11 = arith.addf %add3A, %add3A_10 : vector<80x128xf32>
    %rsqrt3A = math.rsqrt %add3A_11 : vector<80x128xf32>
    %swap3A = arith.constant 0 : index
    %swap3A_12 = arith.constant 0 : index
    %swap3A_13 = vector.load %arg1[%swap3A, %swap3A_12] : memref<80x128xf32, #tpu.memory_space<vmem>>, vector<80x128xf32>
    tpu.vector_store %arg1[%swap3A, %swap3A_12], %rsqrt3A {strides = array<i32>} : memref<80x128xf32, #tpu.memory_space<vmem>>, vector<80x128xf32>,
    return
  }
}

module attributes {stable_mosaic.version = 14 : i64} {
  func.func @_k1_body(%arg0: i32, %arg1: memref<512x128xf32, #tpu.memory_space<vmem>>, %arg2: memref<512x128xf32, #tpu.memory_space<vmem>>, %arg3: memref<128x128xf32, #tpu.memory_space<vmem>>, %arg4: memref<512x64xf32, #tpu.memory_space<vmem>>, %arg5: memref<512x64xf32, #tpu.memory_space<vmem>>) attributes {dimension_semantics = [#tpu.dimension_semantics<arbitrary>], iteration_bounds = array<i64: 20>, scalar_prefetch = 0 : i64, scratch_operands = 0 : i64, tpu.core_type = #tpu.core_type<tc>, window_params = [{transform_indices = @transform_0, window_bounds = array<i64: 512, 128>}, {transform_indices = @transform_1, window_bounds = array<i64: 512, 128>}, {pipeline_mode = #tpu.pipeline_mode<synchronous>, transform_indices = @transform_2, window_bounds = array<i64: 128, 128>}, {transform_indices = @transform_3, window_bounds = array<i64: 512, 64>}, {transform_indices = @transform_4, window_bounds = array<i64: 512, 64>}]} {
    %get3A = arith.constant 0 : index
    %get3A_0 = arith.constant 0 : index
    %get3A_1 = vector.load %arg1[%get3A, %get3A_0] : memref<512x128xf32, #tpu.memory_space<vmem>>, vector<512x128xf32>
    %get3A_2 = arith.constant 0 : index
    %get3A_3 = arith.constant 0 : index
    %get3A_4 = vector.load %arg2[%get3A_2, %get3A_3] : memref<512x128xf32, #tpu.memory_space<vmem>>, vector<512x128xf32>
    %mul3A = arith.mulf %get3A_1, %get3A_4 : vector<512x128xf32>
    %get3A_5 = arith.constant 0 : index
    %get3A_6 = arith.constant 0 : index
    %get3A_7 = vector.load %arg3[%get3A_5, %get3A_6] : memref<128x128xf32, #tpu.memory_space<vmem>>, vector<128x128xf32>
    %dot_general3A = arith.constant dense<0.000000e+00> : vector<512x128xf32>
    %dot_general3A_8 = tpu.matmul %mul3A, %get3A_7, %dot_general3A {dimension_numbers = #tpu.dot_dimension_numbers<[1], [1], [0], [0], [0, 0, 1, 0], [], []>, precision = #tpu.contract_precision<fp32>, transpose_lhs_hint = false} : vector<512x128xf32>, vector<128x128xf32>, vector<512x128xf32> -> vector<512x128xf32>
    %slice3A = vector.extract_strided_slice %dot_general3A_8 {offsets = [0, 0], sizes = [512, 64], strides = [1, 1]} : vector<512x128xf32> to vector<512x64xf32>
    %swap3A = arith.constant 0 : index
    %swap3A_9 = arith.constant 0 : index
    %swap3A_10 = vector.load %arg4[%swap3A, %swap3A_9] : memref<512x64xf32, #tpu.memory_space<vmem>>, vector<512x64xf32>
    tpu.vector_store %arg4[%swap3A, %swap3A_9], %slice3A {strides = array<i32>} : memref<512x64xf32, #tpu.memory_space<vmem>>, vector<512x64xf32>,
    %slice3A_11 = vector.extract_strided_slice %dot_general3A_8 {offsets = [0, 64], sizes = [512, 64], strides = [1, 1]} : vector<512x128xf32> to vector<512x64xf32>
    %swap3A_12 = arith.constant 0 : index
    %swap3A_13 = arith.constant 0 : index
    %swap3A_14 = vector.load %arg5[%swap3A_12, %swap3A_13] : memref<512x64xf32, #tpu.memory_space<vmem>>, vector<512x64xf32>
    tpu.vector_store %arg5[%swap3A_12, %swap3A_13], %slice3A_11 {strides = array<i32>} : memref<512x64xf32, #tpu.memory_space<vmem>>, vector<512x64xf32>,
    return
  }
  func.func @transform_0(%arg0: i32) -> (i32, i32) {
    %c0_i32 = arith.constant 0 : i32
    %c0_i32_0 = arith.constant 0 : i32
    return %arg0, %c0_i32 : i32, i32
  }
  func.func @transform_1(%arg0: i32) -> (i32, i32) {
    %c0_i32 = arith.constant 0 : i32
    %c0_i32_0 = arith.constant 0 : i32
    return %arg0, %c0_i32 : i32, i32
  }
  func.func @transform_2(%arg0: i32) -> (i32, i32) {
    %c0_i32 = arith.constant 0 : i32
    %c0_i32_0 = arith.constant 0 : i32
    %c0_i32_1 = arith.constant 0 : i32
    return %c0_i32, %c0_i32_0 : i32, i32
  }
  func.func @transform_3(%arg0: i32) -> (i32, i32) {
    %c0_i32 = arith.constant 0 : i32
    %c0_i32_0 = arith.constant 0 : i32
    return %arg0, %c0_i32 : i32, i32
  }
  func.func @transform_4(%arg0: i32) -> (i32, i32) {
    %c0_i32 = arith.constant 0 : i32
    %c0_i32_0 = arith.constant 0 : i32
    return %arg0, %c0_i32 : i32, i32
  }
}

module attributes {stable_mosaic.version = 14 : i64} {
  func.func @_k3_body(%arg0: i32, %arg1: memref<256x128xf32, #tpu.memory_space<vmem>>, %arg2: memref<1x256x128xf32, #tpu.memory_space<vmem>>, %arg3: memref<1x256x128xf32, #tpu.memory_space<vmem>>, %arg4: memref<1x128xf32, #tpu.memory_space<vmem>>, %arg5: memref<256x128xf32, #tpu.memory_space<vmem>>) attributes {dimension_semantics = [#tpu.dimension_semantics<arbitrary>], iteration_bounds = array<i64: 40>, scalar_prefetch = 0 : i64, scratch_operands = 0 : i64, tpu.core_type = #tpu.core_type<tc>, window_params = [{transform_indices = @transform_0, window_bounds = array<i64: 256, 128>}, {transform_indices = @transform_1, window_bounds = array<i64: 1, 256, 128>}, {transform_indices = @transform_2, window_bounds = array<i64: 1, 256, 128>}, {pipeline_mode = #tpu.pipeline_mode<synchronous>, transform_indices = @transform_3, window_bounds = array<i64: 1, 128>}, {transform_indices = @transform_4, window_bounds = array<i64: 256, 128>}]} {
    %get3A = arith.constant 0 : index
    %get3A_0 = arith.constant 0 : index
    %get3A_1 = vector.load %arg1[%get3A, %get3A_0] : memref<256x128xf32, #tpu.memory_space<vmem>>, vector<256x64xf32>
    %get3A_2 = arith.constant 0 : index
    %get3A_3 = arith.constant 0 : index
    %get3A_4 = arith.constant 0 : index
    %get3A_5 = vector.load %arg2[%get3A_2, %get3A_3, %get3A_4] : memref<1x256x128xf32, #tpu.memory_space<vmem>>, vector<1x256x64xf32>
    %get3A_6 = vector.shape_cast %get3A_5 : vector<1x256x64xf32> to vector<256x64xf32>
    %get3A_7 = arith.constant 0 : index
    %get3A_8 = arith.constant 0 : index
    %get3A_9 = arith.constant 64 : index
    %get3A_10 = vector.load %arg2[%get3A_7, %get3A_8, %get3A_9] : memref<1x256x128xf32, #tpu.memory_space<vmem>>, vector<1x256x64xf32>
    %get3A_11 = vector.shape_cast %get3A_10 : vector<1x256x64xf32> to vector<256x64xf32>
    %add3A = arith.addf %get3A_6, %get3A_11 : vector<256x64xf32>
    %mul3A = arith.mulf %get3A_1, %add3A : vector<256x64xf32>
    %get3A_12 = arith.constant 0 : index
    %get3A_13 = arith.constant 0 : index
    %get3A_14 = vector.load %arg4[%get3A_12, %get3A_13] : memref<1x128xf32, #tpu.memory_space<vmem>>, vector<1x64xf32>
    %add3A_15 = vector.broadcast %get3A_14 : vector<1x64xf32> to vector<256x64xf32>
    %add3A_16 = arith.addf %mul3A, %add3A_15 : vector<256x64xf32>
    %swap3A = arith.constant 0 : index
    %swap3A_17 = arith.constant 0 : index
    %swap3A_18 = vector.load %arg5[%swap3A, %swap3A_17] : memref<256x128xf32, #tpu.memory_space<vmem>>, vector<256x64xf32>
    tpu.vector_store %arg5[%swap3A, %swap3A_17], %add3A_16 {strides = array<i32>} : memref<256x128xf32, #tpu.memory_space<vmem>>, vector<256x64xf32>,
    %get3A_19 = arith.constant 0 : index
    %get3A_20 = arith.constant 64 : index
    %get3A_21 = vector.load %arg1[%get3A_19, %get3A_20] : memref<256x128xf32, #tpu.memory_space<vmem>>, vector<256x64xf32>
    %get3A_22 = arith.constant 0 : index
    %get3A_23 = arith.constant 0 : index
    %get3A_24 = arith.constant 0 : index
    %get3A_25 = vector.load %arg3[%get3A_22, %get3A_23, %get3A_24] : memref<1x256x128xf32, #tpu.memory_space<vmem>>, vector<1x256x64xf32>
    %get3A_26 = vector.shape_cast %get3A_25 : vector<1x256x64xf32> to vector<256x64xf32>
    %get3A_27 = arith.constant 0 : index
    %get3A_28 = arith.constant 0 : index
    %get3A_29 = arith.constant 64 : index
    %get3A_30 = vector.load %arg3[%get3A_27, %get3A_28, %get3A_29] : memref<1x256x128xf32, #tpu.memory_space<vmem>>, vector<1x256x64xf32>
    %get3A_31 = vector.shape_cast %get3A_30 : vector<1x256x64xf32> to vector<256x64xf32>
    %add3A_32 = arith.addf %get3A_26, %get3A_31 : vector<256x64xf32>
    %mul3A_33 = arith.mulf %get3A_21, %add3A_32 : vector<256x64xf32>
    %get3A_34 = arith.constant 0 : index
    %get3A_35 = arith.constant 64 : index
    %get3A_36 = vector.load %arg4[%get3A_34, %get3A_35] : memref<1x128xf32, #tpu.memory_space<vmem>>, vector<1x64xf32>
    %add3A_37 = vector.broadcast %get3A_36 : vector<1x64xf32> to vector<256x64xf32>
    %add3A_38 = arith.addf %mul3A_33, %add3A_37 : vector<256x64xf32>
    %swap3A_39 = arith.constant 0 : index
    %swap3A_40 = arith.constant 64 : index
    %swap3A_41 = vector.load %arg5[%swap3A_39, %swap3A_40] : memref<256x128xf32, #tpu.memory_space<vmem>>, vector<256x64xf32>
    tpu.vector_store %arg5[%swap3A_39, %swap3A_40], %add3A_38 {strides = array<i32>} : memref<256x128xf32, #tpu.memory_space<vmem>>, vector<256x64xf32>,
    return
  }
  func.func @transform_0(%arg0: i32) -> (i32, i32) {
    %c0_i32 = arith.constant 0 : i32
    %c0_i32_0 = arith.constant 0 : i32
    return %arg0, %c0_i32 : i32, i32
  }
  func.func @transform_1(%arg0: i32) -> (i32, i32, i32) {
    %c0_i32 = arith.constant 0 : i32
    %c0_i32_0 = arith.constant 0 : i32
    %c0_i32_1 = arith.constant 0 : i32
    return %c0_i32, %arg0, %c0_i32_0 : i32, i32, i32
  }
  func.func @transform_2(%arg0: i32) -> (i32, i32, i32) {
    %c1_i32 = arith.constant 1 : i32
    %c0_i32 = arith.constant 0 : i32
    %c0_i32_0 = arith.constant 0 : i32
    return %c1_i32, %arg0, %c0_i32 : i32, i32, i32
  }
  func.func @transform_3(%arg0: i32) -> (i32, i32) {
    %c0_i32 = arith.constant 0 : i32
    %c0_i32_0 = arith.constant 0 : i32
    %c0_i32_1 = arith.constant 0 : i32
    return %c0_i32, %c0_i32_0 : i32, i32
  }
  func.func @transform_4(%arg0: i32) -> (i32, i32) {
    %c0_i32 = arith.constant 0 : i32
    %c0_i32_0 = arith.constant 0 : i32
    return %arg0, %c0_i32 : i32, i32
  }
}

module attributes {stable_mosaic.version = 14 : i64} {
  func.func @_k2_body(%arg0: i32, %arg1: memref<512x128xf32, #tpu.memory_space<vmem>>, %arg2: memref<1x512x128xf32, #tpu.memory_space<vmem>>, %arg3: memref<1x512x128xf32, #tpu.memory_space<vmem>>, %arg4: memref<1x128xf32, #tpu.memory_space<vmem>>, %arg5: memref<128x128xf32, #tpu.memory_space<vmem>>, %arg6: memref<512x64xf32, #tpu.memory_space<vmem>>, %arg7: memref<512x64xf32, #tpu.memory_space<vmem>>) attributes {dimension_semantics = [#tpu.dimension_semantics<arbitrary>], iteration_bounds = array<i64: 20>, scalar_prefetch = 0 : i64, scratch_operands = 0 : i64, tpu.core_type = #tpu.core_type<tc>, window_params = [{transform_indices = @transform_0, window_bounds = array<i64: 512, 128>}, {transform_indices = @transform_1, window_bounds = array<i64: 1, 512, 128>}, {transform_indices = @transform_2, window_bounds = array<i64: 1, 512, 128>}, {pipeline_mode = #tpu.pipeline_mode<synchronous>, transform_indices = @transform_3, window_bounds = array<i64: 1, 128>}, {pipeline_mode = #tpu.pipeline_mode<synchronous>, transform_indices = @transform_4, window_bounds = array<i64: 128, 128>}, {transform_indices = @transform_5, window_bounds = array<i64: 512, 64>}, {transform_indices = @transform_6, window_bounds = array<i64: 512, 64>}]} {
    %get3A = arith.constant 0 : index
    %get3A_0 = arith.constant 0 : index
    %get3A_1 = vector.load %arg1[%get3A, %get3A_0] : memref<512x128xf32, #tpu.memory_space<vmem>>, vector<512x64xf32>
    %get3A_2 = arith.constant 0 : index
    %get3A_3 = arith.constant 64 : index
    %get3A_4 = vector.load %arg1[%get3A_2, %get3A_3] : memref<512x128xf32, #tpu.memory_space<vmem>>, vector<512x64xf32>
    %get3A_5 = arith.constant 0 : index
    %get3A_6 = arith.constant 0 : index
    %get3A_7 = arith.constant 0 : index
    %get3A_8 = vector.load %arg2[%get3A_5, %get3A_6, %get3A_7] : memref<1x512x128xf32, #tpu.memory_space<vmem>>, vector<1x512x64xf32>
    %get3A_9 = vector.shape_cast %get3A_8 : vector<1x512x64xf32> to vector<512x64xf32>
    %get3A_10 = arith.constant 0 : index
    %get3A_11 = arith.constant 0 : index
    %get3A_12 = arith.constant 64 : index
    %get3A_13 = vector.load %arg2[%get3A_10, %get3A_11, %get3A_12] : memref<1x512x128xf32, #tpu.memory_space<vmem>>, vector<1x512x64xf32>
    %get3A_14 = vector.shape_cast %get3A_13 : vector<1x512x64xf32> to vector<512x64xf32>
    %add3A = arith.addf %get3A_9, %get3A_14 : vector<512x64xf32>
    %mul3A = arith.mulf %get3A_1, %add3A : vector<512x64xf32>
    %get3A_15 = arith.constant 0 : index
    %get3A_16 = arith.constant 0 : index
    %get3A_17 = vector.load %arg4[%get3A_15, %get3A_16] : memref<1x128xf32, #tpu.memory_space<vmem>>, vector<1x64xf32>
    %add3A_18 = vector.broadcast %get3A_17 : vector<1x64xf32> to vector<512x64xf32>
    %add3A_19 = arith.addf %mul3A, %add3A_18 : vector<512x64xf32>
    %get3A_20 = arith.constant 0 : index
    %get3A_21 = arith.constant 0 : index
    %get3A_22 = arith.constant 0 : index
    %get3A_23 = vector.load %arg3[%get3A_20, %get3A_21, %get3A_22] : memref<1x512x128xf32, #tpu.memory_space<vmem>>, vector<1x512x64xf32>
    %get3A_24 = vector.shape_cast %get3A_23 : vector<1x512x64xf32> to vector<512x64xf32>
    %get3A_25 = arith.constant 0 : index
    %get3A_26 = arith.constant 0 : index
    %get3A_27 = arith.constant 64 : index
    %get3A_28 = vector.load %arg3[%get3A_25, %get3A_26, %get3A_27] : memref<1x512x128xf32, #tpu.memory_space<vmem>>, vector<1x512x64xf32>
    %get3A_29 = vector.shape_cast %get3A_28 : vector<1x512x64xf32> to vector<512x64xf32>
    %add3A_30 = arith.addf %get3A_24, %get3A_29 : vector<512x64xf32>
    %mul3A_31 = arith.mulf %get3A_4, %add3A_30 : vector<512x64xf32>
    %get3A_32 = arith.constant 0 : index
    %get3A_33 = arith.constant 64 : index
    %get3A_34 = vector.load %arg4[%get3A_32, %get3A_33] : memref<1x128xf32, #tpu.memory_space<vmem>>, vector<1x64xf32>
    %add3A_35 = vector.broadcast %get3A_34 : vector<1x64xf32> to vector<512x64xf32>
    %add3A_36 = arith.addf %mul3A_31, %add3A_35 : vector<512x64xf32>
    %max3A = arith.constant 0.000000e+00 : f32
    %max3A_37 = vector.broadcast %max3A : f32 to vector<512x64xf32>
    %max3A_38 = arith.maximumf %add3A_19, %max3A_37 : vector<512x64xf32>
    %mul3A_39 = arith.mulf %get3A_1, %max3A_38 : vector<512x64xf32>
    %max3A_40 = arith.constant 0.000000e+00 : f32
    %max3A_41 = vector.broadcast %max3A_40 : f32 to vector<512x64xf32>
    %max3A_42 = arith.maximumf %add3A_36, %max3A_41 : vector<512x64xf32>
    %mul3A_43 = arith.mulf %get3A_4, %max3A_42 : vector<512x64xf32>
    %get3A_44 = arith.constant 0 : index
    %get3A_45 = arith.constant 0 : index
    %get3A_46 = vector.load %arg5[%get3A_44, %get3A_45] : memref<128x128xf32, #tpu.memory_space<vmem>>, vector<128x64xf32>
    %dot_general3A = arith.constant dense<0.000000e+00> : vector<512x128xf32>
    %dot_general3A_47 = tpu.matmul %mul3A_39, %get3A_46, %dot_general3A {dimension_numbers = #tpu.dot_dimension_numbers<[1], [1], [0], [0], [0, 0, 1, 0], [], []>, precision = #tpu.contract_precision<fp32>, transpose_lhs_hint = false} : vector<512x64xf32>, vector<128x64xf32>, vector<512x128xf32> -> vector<512x128xf32>
    %get3A_48 = arith.constant 0 : index
    %get3A_49 = arith.constant 64 : index
    %get3A_50 = vector.load %arg5[%get3A_48, %get3A_49] : memref<128x128xf32, #tpu.memory_space<vmem>>, vector<128x64xf32>
    %dot_general3A_51 = arith.constant dense<0.000000e+00> : vector<512x128xf32>
    %dot_general3A_52 = tpu.matmul %mul3A_43, %get3A_50, %dot_general3A_51 {dimension_numbers = #tpu.dot_dimension_numbers<[1], [1], [0], [0], [0, 0, 1, 0], [], []>, precision = #tpu.contract_precision<fp32>, transpose_lhs_hint = false} : vector<512x64xf32>, vector<128x64xf32>, vector<512x128xf32> -> vector<512x128xf32>
    %add3A_53 = arith.addf %dot_general3A_47, %dot_general3A_52 : vector<512x128xf32>
    %slice3A = vector.extract_strided_slice %add3A_53 {offsets = [0, 0], sizes = [512, 64], strides = [1, 1]} : vector<512x128xf32> to vector<512x64xf32>
    %swap3A = arith.constant 0 : index
    %swap3A_54 = arith.constant 0 : index
    %swap3A_55 = vector.load %arg6[%swap3A, %swap3A_54] : memref<512x64xf32, #tpu.memory_space<vmem>>, vector<512x64xf32>
    tpu.vector_store %arg6[%swap3A, %swap3A_54], %slice3A {strides = array<i32>} : memref<512x64xf32, #tpu.memory_space<vmem>>, vector<512x64xf32>,
    %slice3A_56 = vector.extract_strided_slice %add3A_53 {offsets = [0, 64], sizes = [512, 64], strides = [1, 1]} : vector<512x128xf32> to vector<512x64xf32>
    %swap3A_57 = arith.constant 0 : index
    %swap3A_58 = arith.constant 0 : index
    %swap3A_59 = vector.load %arg7[%swap3A_57, %swap3A_58] : memref<512x64xf32, #tpu.memory_space<vmem>>, vector<512x64xf32>
    tpu.vector_store %arg7[%swap3A_57, %swap3A_58], %slice3A_56 {strides = array<i32>} : memref<512x64xf32, #tpu.memory_space<vmem>>, vector<512x64xf32>,
    return
  }
  func.func @transform_0(%arg0: i32) -> (i32, i32) {
    %c0_i32 = arith.constant 0 : i32
    %c0_i32_0 = arith.constant 0 : i32
    return %arg0, %c0_i32 : i32, i32
  }
  func.func @transform_1(%arg0: i32) -> (i32, i32, i32) {
    %c0_i32 = arith.constant 0 : i32
    %c0_i32_0 = arith.constant 0 : i32
    %c0_i32_1 = arith.constant 0 : i32
    return %c0_i32, %arg0, %c0_i32_0 : i32, i32, i32
  }
  func.func @transform_2(%arg0: i32) -> (i32, i32, i32) {
    %c1_i32 = arith.constant 1 : i32
    %c0_i32 = arith.constant 0 : i32
    %c0_i32_0 = arith.constant 0 : i32
    return %c1_i32, %arg0, %c0_i32 : i32, i32, i32
  }
  func.func @transform_3(%arg0: i32) -> (i32, i32) {
    %c0_i32 = arith.constant 0 : i32
    %c0_i32_0 = arith.constant 0 : i32
    %c0_i32_1 = arith.constant 0 : i32
    return %c0_i32, %c0_i32_0 : i32, i32
  }
  func.func @transform_4(%arg0: i32) -> (i32, i32) {
    %c0_i32 = arith.constant 0 : i32
    %c0_i32_0 = arith.constant 0 : i32
    %c0_i32_1 = arith.constant 0 : i32
    return %c0_i32, %c0_i32_0 : i32, i32
  }
  func.func @transform_5(%arg0: i32) -> (i32, i32) {
    %c0_i32 = arith.constant 0 : i32
    %c0_i32_0 = arith.constant 0 : i32
    return %arg0, %c0_i32 : i32, i32
  }
  func.func @transform_6(%arg0: i32) -> (i32, i32) {
    %c0_i32 = arith.constant 0 : i32
    %c0_i32_0 = arith.constant 0 : i32
    return %arg0, %c0_i32 : i32, i32
  }
}

</mosaic_0001>

<sc_bundles>
// kernel: kernel.12.cloned.1.call-start
scs
__scs_entry_jumppad:
0x0: {  	(pc) =	sbr.rel $0x88, $3  }
0x1: {  	(tag) =	ssettag $0x0;
	lr =	simm.s32 $0x1  }
0x2: {  	[smem:$0x3F9B] =	sst lr;
	_ =	strace $0xD0000000  }
0x3: {  	_ = 	snop  }
0x4: {  	_ = 	snop  }
0x5: {  	_ = 	snop  }
0x6: {  	_ = 	snop  }
0x7: {  	_ = 	snop  }
__scs_overlays_trampoline_lowered:
0x8: {  	[smem:$0x3FAA] =	sst s0  }
0x9: {  	[smem:$0x3FAB] =	sst s1  }
0xa: {  	[smem:$0x3FAC] =	sst s2  }
0xb: {  	[smem:$0x3FAD] =	sst s3  }
0xc: {  	[smem:$0x3FAE] =	sst s4  }
0xd: {  	[smem:$0x3FAF] =	sst s5  }
0xe: {  	[smem:$0x3FB0] =	sst s6  }
0xf: {  	[smem:$0x3FB1] =	sst s7  }
0x10: {  	[smem:$0x3FB2] =	sst s8  }
0x11: {  	[smem:$0x3FB3] =	sst s9;
	s0 =	simm.s32 @!p0 $0x0  }
0x12: {  	s1 =	sld [smem:$0x3F99];
	s0 =	simm.s32 @p0 $0x1  }
0x13: {  	[smem:$0x3FB4] =	sst s0;
	s0 =	simm.s32 @!p1 $0x0  }
0x14: {  	s2 =	sld [smem:$0x3F98];
	s0 =	simm.s32 @p1 $0x1  }
0x15: {  	[smem:$0x3FB5] =	sst s0;
	s0 =	simm.s32 @!p2 $0x0  }
0x16: {  	s3 =	sld [smem:$0x3FDB];
	s0 =	simm.s32 @p2 $0x1  }
0x17: {  	s4 =	simm.s32 $0x1BF5;
	[smem:$0x3FB7] =	sst s0  }
0x18: {  	s0 =	sld [smem:$0x3F9A];
	_ =	swait.ge [sflag:s4], $0x0  }
0x19: {  	s7 =	sld [smem:$0x3F9B]  }
0x1a: {  	s8 =	sadd.s32 $0xFFFFE003, lr  }
0x1b: {  	s9 =	sadd.s32 $0xFFFFFEF7, lr;
	s5 =	simm.s32 $0xFFFFFFFF;
	p2 =	slt.u32 s8, $0xFFFFF086  }
0x1c: {  	p1 =	slt.u32 s9, $0xF7A;
	s5 =	simm.s32 @!p2 $0x0  }
0x1d: {  	s5 =	simm.s32 @p1 $0x1;
	p0 =	seq.s32 s7, s2  }
0x1e: {  	s7 =	smul.u32 @!p0 $0xF7A, s2;
	p2 =	seq.s32 @!p0 s5, $0x0  }
0x1f: {  	s9 =	smul.u32 $0xF7A, s1;
	s8 =	simm.s32 @!p0 $0x1BF5;
	p2 =	por !p2, p0  }
0x20: {  	[sflag:s8] =	ssyncset.s32 @!p0 $0xFFFFF086;
	s6 =	sadd.s32 @!p0 s3, s7;
	s7 =	simm.s32 @!p0 $0x108  }
0x21: {  	s3 =	sadd.s32 s3, s9;
	s6 =	sadd.s32 @!p0 $0x88, s6;
	s7 =	simm.s32 @p2 $0x1082  }
0x22: {  	[simem:s7], [sflag:s8] =	dma.local @!p0 [hbm:s6], $0xF7A  }
0x23: {  	s9 =	sor.u32 $0xD0000000, s2;
	s6 =	simm.s32 $0x108;
	_ =	swait.ge @!p0 [sflag:s8], $0x0  }
0x24: {  	s3 =	sadd.s32 $0x88, s3;
	s6 =	simm.s32 @!p1 $0x1082;
	[sflag:s4] =	ssyncset.s32 $0xFFFFF086  }
0x25: {  	[simem:s6], [sflag:s4] =	dma.local [hbm:s3], $0xF7A  }
0x26: {  	[smem:$0x3F9B] =	sst s1;
	(tag) =	ssettag s2;
	_ =	strace s9  }
0x27: {  	s1 =	sld [smem:$0x3FAB]  }
0x28: {  	s2 =	sld [smem:$0x3FAC]  }
0x29: {  	s4 =	sld [smem:$0x3FAE]  }
0x2a: {  	p0 =	seq.s32 s5, $0x0;
	s5 =	sld [smem:$0x3FAF]  }
0x2b: {  	s6 =	sld [smem:$0x3FB0]  }
0x2c: {  	s7 =	sld [smem:$0x3FB1]  }
0x2d: {  	s3 =	simm.s32 $0x108;
	s8 =	sld [smem:$0x3FB2]  }
0x2e: {  	s3 =	simm.s32 @!p0 $0x1082;
	s9 =	sld [smem:$0x3FB3]  }
0x2f: {  	lr =	sadd.s32 s0, s3;
	s0 =	sld [smem:$0x3FAA]  }
0x30: {  	s3 =	sld [smem:$0x3FAD]  }
0x31: {  	[smem:$0x3FB6] =	sst s10  }
0x32: {  	s10 =	sld [smem:$0x3FB4];
	_ =	sdelay $0x3  }
0x33: {  	p0 =	seq.s32 s10, $0x1;
	s10 =	sld [smem:$0x3FB6];
	_ =	sdelay $0x3  }
0x34: {  	[smem:$0x3FB6] =	sst s10  }
0x35: {  	s10 =	sld [smem:$0x3FB5];
	_ =	sdelay $0x3  }
0x36: {  	p1 =	seq.s32 s10, $0x1;
	s10 =	sld [smem:$0x3FB6];
	_ =	sdelay $0x3  }
0x37: {  	[smem:$0x3FB6] =	sst s10  }
0x38: {  	s10 =	sld [smem:$0x3FB7]  }
0x39: {  	_ = 	snop;
	(pc) =	sbr.ind lr, $3  }
0x3a: {  	_ = 	snop  }
0x3b: {  	_ = 	snop  }
0x3c: {  	p2 =	seq.s32 s10, $0x1;
	s10 =	sld [smem:$0x3FB6]  }
0x3d: {  	_ =	shalt  }
0x3e: {  	_ =	shalt  }
0x3f: {  	_ =	shalt  }
0x40: {  	_ =	shalt  }
0x41: {  	_ =	shalt  }
0x42: {  	_ =	shalt  }
0x43: {  	_ =	shalt  }
0x44: {  	_ =	shalt  }
0x45: {  	_ =	shalt  }
0x46: {  	_ =	shalt  }
0x47: {  	_ =	shalt  }
0x48: {  	_ =	shalt  }
0x49: {  	_ =	shalt  }
0x4a: {  	_ =	shalt  }
0x4b: {  	_ =	shalt  }
0x4c: {  	_ =	shalt  }
0x4d: {  	_ =	shalt  }
0x4e: {  	_ =	shalt  }
0x4f: {  	_ =	shalt  }
0x50: {  	_ =	shalt  }
0x51: {  	_ =	shalt  }
0x52: {  	_ =	shalt  }
0x53: {  	_ =	shalt  }
0x54: {  	_ =	shalt  }
0x55: {  	_ =	shalt  }
0x56: {  	_ =	shalt  }
0x57: {  	_ =	shalt  }
0x58: {  	_ =	shalt  }
0x59: {  	_ =	shalt  }
0x5a: {  	_ =	shalt  }
0x5b: {  	_ =	shalt  }
0x5c: {  	_ =	shalt  }
0x5d: {  	_ =	shalt  }
0x5e: {  	_ =	shalt  }
0x5f: {  	_ =	shalt  }
0x60: {  	_ =	shalt  }
0x61: {  	_ =	shalt  }
0x62: {  	_ =	shalt  }
0x63: {  	_ =	shalt  }
0x64: {  	_ =	shalt  }
0x65: {  	_ =	shalt  }
0x66: {  	_ =	shalt  }
0x67: {  	_ =	shalt  }
0x68: {  	_ =	shalt  }
0x69: {  	_ =	shalt  }
0x6a: {  	_ =	shalt  }
0x6b: {  	_ =	shalt  }
0x6c: {  	_ =	shalt  }
0x6d: {  	_ =	shalt  }
0x6e: {  	_ =	shalt  }
0x6f: {  	_ =	shalt  }
0x70: {  	_ =	shalt  }
0x71: {  	_ =	shalt  }
0x72: {  	_ =	shalt  }
0x73: {  	_ =	shalt  }
0x74: {  	_ =	shalt  }
0x75: {  	_ =	shalt  }
0x76: {  	_ =	shalt  }
0x77: {  	_ =	shalt  }
0x78: {  	_ =	shalt  }
0x79: {  	_ =	shalt  }
0x7a: {  	_ =	shalt  }
0x7b: {  	_ =	shalt  }
0x7c: {  	_ =	shalt  }
0x7d: {  	_ =	shalt  }
0x7e: {  	_ =	shalt  }
0x7f: {  	_ =	shalt  }
0x80: {  	_ =	shalt  }
0x81: {  	_ =	shalt  }
0x82: {  	_ =	shalt  }
0x83: {  	_ =	shalt  }
0x84: {  	_ =	shalt  }
0x85: {  	_ =	shalt  }
0x86: {  	_ =	shalt  }
0x87: {  	_ =	shalt  }
.Lfunc_end0:
.L_simem_size_0:
called_computation.1_lowered:
.L_overlay_start_0:
0x88: {  	s2 =	sld [smem:$0x3FD9]  }
0x89: {  	s3 =	sld [smem:$0x3FFE];
	_ =	sdelay $0x1  }
0x8a: {  	s1 =	srdreg.scid  }
0x8b: {  	s0 =	sand.u32 $0x1, s1  }
0x8c: {  	s17 =	sshll.u32 s0, $0xA;
	s2 =	sadd.s32 s3, s2  }
0x8d: {  	s2 =	sadd.s32 s2, s17  }
0x8e: {  	[smem:$0x3FC2] =	sst s2  }
0x8f: {  	_ = 	snop  }
0x90: {  	s2 =	sld [smem:$0x3FD0];
	(tm) =	ssettm $0x1  }
0x91: {  	s18 =	sld [smem:$0x3FFB];
	_ =	sdelay $0x3  }
0x92: {  	_ =	strace s18  }
0x93: {  	s3 =	sld [smem:$0x3FFC];
	_ =	sdelay $0x3  }
0x94: {  	_ =	strace s3  }
0x95: {  	s3 =	sld [smem:$0x3FFD];
	_ =	sdelay $0x3  }
0x96: {  	_ =	strace s3  }
0x97: {  	_ =	strace $0x8FFFFFFF  }
0x98: {  	s19 =	sld [smem:$0x3FDB];
	_ =	sdelay $0x1  }
0x99: {  	s4 =	simm.s32 $_scs_section_size  }
0x9a: {  	s5 =	simm.s32 $_size__tile_overlayer_lowered;
	s6 =	simm.s32 $_tile_overlayer_lowered  }
0x9b: {  	s22 =	simm.s32 $0x1BFF;
	s21 =	sshll.u32 s6, $0x1;
	s3 =	sadd.s32 s4, s19  }
0x9c: {  	s7 =	simm.s32 $0x0;
	s20 =	sshll.u32 s5, $0x1;
	s5 =	sadd.s32 s21, s3  }
0x9d: {  	[timem:s7], [sflag:s22] =	dma.local [hbm:s5], s20  }
0x9e: {  	_ =	swait.ge [sflag:s22], s20  }
0x9f: {  	s4 =	ssub.s32 $0x0, s20;
	[sflag:s22] =	ssyncset.done $0x0  }
0xa0: {  	[sflag:s22] =	ssyncadd.s32 s4;
	_ =	sdelay $0x1  }
0xa1: {  	s23 =	simm.s32 $0x1B8B  }
0xa2: {  	_ =	swait.ge [sflag:s23], $0x1  }
0xa3: {  	[sflag:s23] =	ssyncset.done $0x0  }
0xa4: {  	s25 =	simm.s32 $0x1B8E;
	s24 =	sld [smem:$0x3FFE];
	[sflag:s23] =	ssyncadd.s32 $0xFFFFFFFF  }
0xa5: {  	s26 =	simm.s32 $execute0_lowered;
	[smem:$0x3FD2] =	sst s25  }
0xa6: {  	s5 =	sshll.u32 s26, $0x1;
	_ =	strace $0x80000049;
	[dreg:$0x1] =	wrdreg $0xFFFFFFFF  }
0xa7: {  	s28 =	simm.s32 $_size_execute0_lowered;
	s3 =	sadd.s32 s3, s5;
	[dreg:$0x0] =	wrdreg $0x0  }
0xa8: {  	s5 =	sshll.u32 s28, $0x1;
	[dreg:$0x2] =	wrdreg s3  }
0xa9: {  	[dreg:$0x3] =	wrdreg s5  }
0xaa: {  	[dreg:$0x4] =	wrdreg $0xC0  }
0xab: {  	_ =	task [dreg:s7], $0x5FFFF  }
0xac: {  	[dreg:$0x1] =	wrdreg $0xFFFFFFFF  }
0xad: {  	[dreg:$0x0] =	wrdreg $0x60  }
0xae: {  	[dreg:$0x2] =	wrdreg s2  }
0xaf: {  	[dreg:$0x3] =	wrdreg s24  }
0xb0: {  	[dreg:$0x4] =	wrdreg $0xF0000  }
0xb1: {  	[dreg:$0x5] =	wrdreg $0x9  }
0xb2: {  	_ =	task.clear_ibuf [dreg:s7], $0x6FFFF;
	_ =	strace $0x90000049  }
0xb3: {  	s29 =	simm.s32 $0x9;
	_ =	strace $0x8000004B  }
0xb4: {  	_ =	swait.ge [sflag:s29], $0x1  }
0xb5: {  	[sflag:s29] =	ssyncadd.s32 $0xFFFFFFFF  }
0xb6: {  	_ =	strace $0x9000004B  }
0xb7: {  	_ =	sfence  }
0xb8: {  	s30 =	sld [smem:$0x0];
	_ =	sdelay $0x2  }
0xb9: {  	s31 =	sshll.u32 s1, $0xD;
	s1 =	sshrl.u32 s1, $0x2  }
0xba: {  	s3 =	sand.u32 $0x4000, s31;
	s1 =	sadd.s32 s1, s30  }
0xbb: {  	s0 =	sor.u32 s3, s0;
	s1 =	sshll.u32 s1, $0x11  }
0xbc: {  	s0 =	sor.u32 s1, s0  }
0xbd: {  	s0 =	sadd.s32 $0x8F2B, s0  }
0xbe: {  	[sflag:s0] =	ssyncadd.remote.s32 $0x1  }
0xbf: {  	_ =	sfence.sel $0xFFFF  }
0xc0: {  	[dreg:$0x0] =	wrdreg $0xFFFFFFFF;
	(pc) =	sbr.abs _section_cstart, $3  }
0xc1: {  	[dreg:$0x1] =	wrdreg $0xFFFFFFFF  }
0xc2: {  	_ =	task.clear_ibuf [dreg:s7], $0x2FFFF;
	_ =	strace $0x9FFFFFFF  }
0xc3: {  	(tm) =	ssettm $0x7FFFFFFF  }
tec
execute0_lowered:
.L_overlay_start_1:
0x0: {  	(tag) =	ssettag $0x1  }
0x1: {  	s1 =	rddreg [dreg:$0x0]  }
0x2: {  	s0 =	rddreg [dreg:$0x1]  }
0x3: {  	s3 =	rddreg [dreg:$0x2];
	s4 =	srdreg.scid  }
0x4: {  	s2 =	stileid.u32;
	s6 =	simm.s32 $0x0;
	s15 =	simm.s32 $0x140000  }
0x5: {  	s17 =	simm.s32 $0x100;
	s18 =	simm.s32 $0x180;
	s9 =	smul.u32 $0x28000, s2  }
0x6: {  	s29 =	simm.s32 $0xB000;
	s30 =	simm.s32 $0x1;
	s22 =	smul.u32 $0xA000, s2  }
0x7: {  	s31 =	simm.s32 $0x2;
	s4 =	sand.u32 $0x1, s4;
	s13 =	smul.u32 $0x2800, s2  }
0x8: {  	s5 =	sshll.u32 s2, $0x1;
	[smem:$0x7FF] =	sst s6;
	s14 =	smul.u32 $0x14000, s2  }
0x9: {  	s5 =	sor.u32 s4, s5;
	_ =	strace $0x8000004A;
	s7 =	ssub.s32 $0x2, s4  }
0xa: {  	p0 =	seq.s32 s4, $0x0;
	s19 =	smul.u32 $0x500, s5;
	s5 =	sadd.s32 $0x16400, s0  }
0xb: {  	s8 =	sshrl.u32 s7, $0x1;
	s21 =	sshrl.u32 s9, $0x2;
	s16 =	sadd.s32 s22, s3  }
0xc: {  	s15 =	simm.s32 @!p0 $0x140040;
	p0 =	sne.s32 s4, $0x0;
	s4 =	simm.s32 $0x5  }
0xd: {  	s7 =	ssub.s32 s7, s8;
	s8 =	sadd.s32 s21, s3;
	[dreg:$0x6] =	wrdreg s16  }
0xe: {  	s24 =	sadd.s32 s15, s14;
	s21 =	simm.s32 $0x4;
	s6 =	sadd.s32 s19, s0  }
0xf: {  	s0 =	sadd.s32 $0x2A400, s0;
	s9 =	sadd.s32 $0x2000, s8;
	s10 =	sadd.s32 $0x4000, s8  }
0x10: {  	s11 =	sadd.s32 $0x6000, s8;
	s12 =	sadd.s32 $0x8000, s8;
	s28 =	smax.u32 s7, $0x1  }
0x11: {  	s7 =	simm.s32 $0x7;
	s20 =	sadd.s32 $0x2400, s6;
	[dreg:$0xb] =	wrdreg s28  }
0x12: {  	s6 =	sadd.s32 $0xC400, s6;
	s23 =	sadd.s32 s0, s13;
	[dreg:$0x4] =	wrdreg s20  }
0x13: {  	s13 =	sshrl.u32 s24, $0x3;
	s24 =	simm.s32 $0x7000;
	[dreg:$0x5] =	wrdreg s6  }
0x14: {  	s6 =	sshrl.u32 s22, $0x3;
	[dreg:$0x7] =	wrdreg s23;
	s26 =	sadd.s32 $0x8, s23  }
0x15: {  	s0 =	sadd.s32 s0, s13;
	s20 =	simm.s32 $0x9;
	s22 =	simm.s32 $0x80  }
0x16: {  	s23 =	simm.s32 $0x5000;
	s13 =	simm.s32 $0x8;
	[dreg:$0x9] =	wrdreg s26  }
0x17: {  	s25 =	sadd.s32 s1, s6;
	s6 =	sadd.s32 s5, s6;
	[dreg:$0xc] =	wrdreg s0  }
0x18: {  	s26 =	simm.s32 $0x9000;
	s0 =	simm.s32 $0x3;
	[dreg:$0x8] =	wrdreg s25  }
0x19: {  	v0 =	vimm.f32 $0.0e+00;
	[dreg:$0xa] =	wrdreg s6;
	s6 =	simm.s32 $0x6;
	s25 =	simm.s32 $0x0  }
.LBB2_1:
0x1a: {  	s14 =	simm.s32 $0x0;
	s15 =	rddreg [dreg:$0x4]  }
0x1b: {  	[tilespmem:s14], [sflag:$0x9] =	stream.linear.gather [hbm4b:s15+s14], $0x2800, $0x38;
	[tilespmem:$0x19000] =	vst v63  }
0x1c: {  	_ =	swait.ge [sflag:s20], $0x2800  }
0x1d: {  	[sflag:s20] =	ssyncset.done $0x0  }
0x1e: {  	s16 =	simm.s32 $0x2800;
	s28 =	rddreg [dreg:$0x5];
	[sflag:s20] =	ssyncadd.s32 $0xFFFFD800  }
0x1f: {  	[tilespmem:s16], [sflag:$0x9] =	stream.linear.gather [hbm4b:s28+s14], $0x2800, $0x38;
	[tilespmem:$0x19000] =	vst v63  }
0x20: {  	_ =	swait.ge [sflag:s20], $0x2800  }
0x21: {  	[sflag:s20] =	ssyncset.done $0x0  }
0x22: {  	s15 =	simm.s32 $0x100;
	s14 =	simm.s32 $0x0;
	[sflag:s20] =	ssyncadd.s32 $0xFFFFD800  }
.LBB2_2:
0x23: {  	p1 =	sne.s32 s15, $0x7F00;
	[tilespmem:s14+$0xD030] =	vst v0;
	s19 =	smov.u32 s15;
	s15 =	sadd.s32 $0x100, s15  }
.Ltmp0:
0x24: {  	[tilespmem:s14+$0xD020] =	vst v0;
	(pc) =	sbr.rel @p1 .LBB2_2-.Ltmp0, $3  }
0x25: {  	[tilespmem:s14+$0xD000] =	vst v0  }
0x26: {  	[tilespmem:s14+$0xD010] =	vst v0;
	_ =	sdelay $0x1  }
0x27: {  	s14 =	sshra.s32 s19, $0x2  }
0x28: {  	[tilespmem:s14+$0xD030] =	vst v0  }
0x29: {  	[tilespmem:s14+$0xD020] =	vst v0  }
0x2a: {  	[tilespmem:s14+$0xD000] =	vst v0  }
0x2b: {  	[tilespmem:s14+$0xD010] =	vst v0;
	s14 =	simm.s32 @p0 $0xD000;
	s15 =	simm.s32 @p0 $0x9  }
0x2c: {  	[spmem:s8] =	stream.linear.scatter @p0 [tilespmem:s14], [sflag:$0x9], $0x2000, $0x38;
	[tilespmem:$0x19000] =	vst v63  }
0x2d: {  	_ =	swait.ge @p0 [sflag:s15], $0x2000  }
0x2e: {  	[sflag:s15] =	ssyncset.done @p0 $0x0  }
0x2f: {  	[sflag:s15] =	ssyncadd.s32 @p0 $0xFFFFE000  }
0x30: {  	[spmem:s9] =	stream.linear.scatter @p0 [tilespmem:s14], [sflag:$0x9], $0x2000, $0x38;
	[tilespmem:$0x19000] =	vst v63  }
0x31: {  	_ =	swait.ge @p0 [sflag:s15], $0x2000  }
0x32: {  	[sflag:s15] =	ssyncset.done @p0 $0x0  }
0x33: {  	[sflag:s15] =	ssyncadd.s32 @p0 $0xFFFFE000  }
0x34: {  	[spmem:s10] =	stream.linear.scatter @p0 [tilespmem:s14], [sflag:$0x9], $0x2000, $0x38;
	[tilespmem:$0x19000] =	vst v63  }
0x35: {  	_ =	swait.ge @p0 [sflag:s15], $0x2000  }
0x36: {  	[sflag:s15] =	ssyncset.done @p0 $0x0  }
0x37: {  	[sflag:s15] =	ssyncadd.s32 @p0 $0xFFFFE000  }
0x38: {  	[spmem:s11] =	stream.linear.scatter @p0 [tilespmem:s14], [sflag:$0x9], $0x2000, $0x38;
	[tilespmem:$0x19000] =	vst v63  }
0x39: {  	_ =	swait.ge @p0 [sflag:s15], $0x2000  }
0x3a: {  	[sflag:s15] =	ssyncset.done @p0 $0x0  }
0x3b: {  	[sflag:s15] =	ssyncadd.s32 @p0 $0xFFFFE000  }
0x3c: {  	[spmem:s12] =	stream.linear.scatter @p0 [tilespmem:s14], [sflag:$0x9], $0x2000, $0x38;
	[tilespmem:$0x19000] =	vst v63  }
0x3d: {  	s14 =	sshll.u32 @!p0 s2, $0x6;
	_ =	swait.ge @p0 [sflag:s15], $0x2000  }
0x3e: {  	s19 =	sor.u32 @!p0 $0x1C09, s14;
	[sflag:s15] =	ssyncset.done @p0 $0x0;
	s14 =	rddreg [dreg:$0x6]  }
0x3f: {  	[sflag:s15] =	ssyncadd.s32 @p0 $0xFFFFE000;
	s28 =	sshrl.u32 @!p0 s14, $0x3;
	s14 =	rddreg [dreg:$0x8]  }
0x40: {  	[spmem:s28], [sflag:s19] =	dma.local @!p0 [hbm:s14], $0x1400  }
0x41: {  	s14 =	simm.s32 @!p0 $0x9  }
0x42: {  	_ =	swait.ge @!p0 [sflag:s14], $0x1400  }
0x43: {  	[sflag:s14] =	ssyncset.done @!p0 $0x0  }
0x44: {  	[sflag:s14] =	ssyncadd.s32 @!p0 $0xFFFFEC00  }
0x45: {  	s15 =	simm.s32 $0x0;
	[bflag:$0x0] =	sbarrier.arrive $0xFFFF  }
0x46: {  	[tilespmem:s23], [sflag:$0x1] =	stream.indirect.gather [hbm4b:s1+s22], $0x40, s15, s22, $0xb8;
	[tilespmem:$0x19000] =	vst v63  }
0x47: {  	_ = 	snop  }
0x48: {  	[tilespmem:s24], [sflag:$0x2] =	stream.indirect.gather [hbm4b:s1+s22], $0x40, s22, s22, $0xb8;
	[tilespmem:$0x19000] =	vst v63  }
0x49: {  	_ = 	snop  }
0x4a: {  	[tilespmem:s26], [sflag:$0x3] =	stream.indirect.gather [hbm4b:s1+s22], $0x40, s17, s22, $0xb8;
	[tilespmem:$0x19000] =	vst v63  }
0x4b: {  	_ = 	snop  }
0x4c: {  	[tilespmem:s29], [sflag:$0x4] =	stream.indirect.gather [hbm4b:s1+s22], $0x40, s18, s22, $0xb8;
	[tilespmem:$0x19000] =	vst v63  }
0x4d: {  	_ =	swait.ge [sflag:s30], $0x2000  }
0x4e: {  	[sflag:s30] =	ssyncset.done $0x0  }
0x4f: {  	s16 =	simm.s32 $0x2800;
	[sflag:s30] =	ssyncadd.s32 $0xFFFFE000  }
0x50: {  	[spmem:s3] =	stream.indirect.scatter.add.f32 [tilespmem:s23], [sflag:$0x5], $0x40, s16, s22, $0xb8;
	[tilespmem:$0x19000] =	vst v63  }
0x51: {  	_ =	swait.ge [sflag:s31], $0x2000  }
0x52: {  	[sflag:s31] =	ssyncset.done $0x0  }
0x53: {  	s17 =	simm.s32 $0x2880;
	[sflag:s31] =	ssyncadd.s32 $0xFFFFE000  }
0x54: {  	[spmem:s3] =	stream.indirect.scatter.add.f32 [tilespmem:s24], [sflag:$0x6], $0x40, s17, s22, $0xb8;
	[tilespmem:$0x19000] =	vst v63  }
0x55: {  	_ =	swait.ge [sflag:s0], $0x2000  }
0x56: {  	[sflag:s0] =	ssyncset.done $0x0  }
0x57: {  	s18 =	simm.s32 $0x2900;
	[sflag:s0] =	ssyncadd.s32 $0xFFFFE000  }
0x58: {  	[spmem:s3] =	stream.indirect.scatter.add.f32 [tilespmem:s26], [sflag:$0x7], $0x40, s18, s22, $0xb8;
	[tilespmem:$0x19000] =	vst v63  }
0x59: {  	_ =	swait.ge [sflag:s21], $0x2000  }
0x5a: {  	[sflag:s21] =	ssyncset.done $0x0  }
0x5b: {  	s15 =	simm.s32 $0x2980;
	[sflag:s21] =	ssyncadd.s32 $0xFFFFE000  }
0x5c: {  	[spmem:s3] =	stream.indirect.scatter.add.f32 [tilespmem:s29], [sflag:$0x8], $0x40, s15, s22, $0xb8;
	[tilespmem:$0x19000] =	vst v63  }
0x5d: {  	_ =	swait.ge [sflag:s4], $0x2000  }
0x5e: {  	[sflag:s4] =	ssyncset.done $0x0  }
0x5f: {  	s16 =	simm.s32 $0x200;
	[sflag:s4] =	ssyncadd.s32 $0xFFFFE000  }
0x60: {  	[tilespmem:s23], [sflag:$0x1] =	stream.indirect.gather [hbm4b:s1+s22], $0x40, s16, s22, $0xb8;
	[tilespmem:$0x19000] =	vst v63  }
0x61: {  	_ =	swait.ge [sflag:s6], $0x2000  }
0x62: {  	[sflag:s6] =	ssyncset.done $0x0  }
0x63: {  	s17 =	simm.s32 $0x280;
	[sflag:s6] =	ssyncadd.s32 $0xFFFFE000  }
0x64: {  	[tilespmem:s24], [sflag:$0x2] =	stream.indirect.gather [hbm4b:s1+s22], $0x40, s17, s22, $0xb8;
	[tilespmem:$0x19000] =	vst v63  }
0x65: {  	_ =	swait.ge [sflag:s7], $0x2000  }
0x66: {  	[sflag:s7] =	ssyncset.done $0x0  }
0x67: {  	s18 =	simm.s32 $0x300;
	[sflag:s7] =	ssyncadd.s32 $0xFFFFE000  }
0x68: {  	[tilespmem:s26], [sflag:$0x3] =	stream.indirect.gather [hbm4b:s1+s22], $0x40, s18, s22, $0xb8;
	[tilespmem:$0x19000] =	vst v63  }
0x69: {  	_ =	swait.ge [sflag:s13], $0x2000  }
0x6a: {  	[sflag:s13] =	ssyncset.done $0x0  }
0x6b: {  	s14 =	simm.s32 $0x800;
	s15 =	simm.s32 $0x380;
	[sflag:s13] =	ssyncadd.s32 $0xFFFFE000  }
.LBB2_4:
0x6c: {  	[tilespmem:s29], [sflag:$0x4] =	stream.indirect.gather [hbm4b:s1+s22], $0x40, s15, s22, $0xb8;
	[tilespmem:$0x19000] =	vst v63  }
0x6d: {  	s15 =	smov.u32 s14  }
0x6e: {  	p1 =	sne.s32 s14, $0x9000;
	s14 =	sadd.s32 $0x800, s14;
	_ =	swait.ge [sflag:s30], $0x2000  }
0x6f: {  	s15 =	sshra.s32 s15, $0x2;
	[sflag:s30] =	ssyncset.done $0x0  }
0x70: {  	s16 =	sadd.s32 $0x2800, s15;
	[sflag:s30] =	ssyncadd.s32 $0xFFFFE000  }
0x71: {  	[spmem:s3] =	stream.indirect.scatter.add.f32 [tilespmem:s23], [sflag:$0x5], $0x40, s16, s22, $0xb8;
	[tilespmem:$0x19000] =	vst v63  }
0x72: {  	_ =	swait.ge [sflag:s31], $0x2000  }
0x73: {  	[sflag:s31] =	ssyncset.done $0x0  }
0x74: {  	s16 =	sadd.s32 $0x2880, s15;
	[sflag:s31] =	ssyncadd.s32 $0xFFFFE000  }
0x75: {  	[spmem:s3] =	stream.indirect.scatter.add.f32 [tilespmem:s24], [sflag:$0x6], $0x40, s16, s22, $0xb8;
	[tilespmem:$0x19000] =	vst v63  }
0x76: {  	_ =	swait.ge [sflag:s0], $0x2000  }
0x77: {  	[sflag:s0] =	ssyncset.done $0x0  }
0x78: {  	s16 =	sadd.s32 $0x2900, s15;
	[sflag:s0] =	ssyncadd.s32 $0xFFFFE000  }
0x79: {  	[spmem:s3] =	stream.indirect.scatter.add.f32 [tilespmem:s26], [sflag:$0x7], $0x40, s16, s22, $0xb8;
	[tilespmem:$0x19000] =	vst v63  }
0x7a: {  	_ =	swait.ge [sflag:s21], $0x2000  }
0x7b: {  	[sflag:s21] =	ssyncset.done $0x0  }
0x7c: {  	s16 =	sadd.s32 $0x2980, s15;
	[sflag:s21] =	ssyncadd.s32 $0xFFFFE000  }
0x7d: {  	[spmem:s3] =	stream.indirect.scatter.add.f32 [tilespmem:s29], [sflag:$0x8], $0x40, s16, s22, $0xb8;
	[tilespmem:$0x19000] =	vst v63  }
0x7e: {  	_ =	swait.ge [sflag:s4], $0x2000  }
0x7f: {  	[sflag:s4] =	ssyncset.done $0x0  }
0x80: {  	s16 =	sadd.s32 $0x200, s15;
	[sflag:s4] =	ssyncadd.s32 $0xFFFFE000  }
0x81: {  	[tilespmem:s23], [sflag:$0x1] =	stream.indirect.gather [hbm4b:s1+s22], $0x40, s16, s22, $0xb8;
	[tilespmem:$0x19000] =	vst v63  }
0x82: {  	_ =	swait.ge [sflag:s6], $0x2000  }
0x83: {  	[sflag:s6] =	ssyncset.done $0x0  }
0x84: {  	s16 =	sadd.s32 $0x280, s15;
	[sflag:s6] =	ssyncadd.s32 $0xFFFFE000  }
0x85: {  	[tilespmem:s24], [sflag:$0x2] =	stream.indirect.gather [hbm4b:s1+s22], $0x40, s16, s22, $0xb8;
	[tilespmem:$0x19000] =	vst v63  }
0x86: {  	_ =	swait.ge [sflag:s7], $0x2000  }
0x87: {  	[sflag:s7] =	ssyncset.done $0x0  }
.Ltmp1:
0x88: {  	s16 =	sadd.s32 $0x300, s15;
	[sflag:s7] =	ssyncadd.s32 $0xFFFFE000;
	(pc) =	sbr.rel @p1 .LBB2_4-.Ltmp1, $4  }
0x89: {  	[tilespmem:s26], [sflag:$0x3] =	stream.indirect.gather [hbm4b:s1+s22], $0x40, s16, s22, $0xb8;
	[tilespmem:$0x19000] =	vst v63  }
0x8a: {  	_ =	swait.ge [sflag:s13], $0x2000  }
0x8b: {  	[sflag:s13] =	ssyncset.done $0x0  }
0x8c: {  	s15 =	sadd.s32 $0x380, s15;
	[sflag:s13] =	ssyncadd.s32 $0xFFFFE000  }
0x8d: {  	[tilespmem:s29], [sflag:$0x4] =	stream.indirect.gather [hbm4b:s1+s22], $0x40, s15, s22, $0xb8;
	[tilespmem:$0x19000] =	vst v63  }
0x8e: {  	_ =	swait.ge [sflag:s30], $0x2000  }
0x8f: {  	[sflag:s30] =	ssyncset.done $0x0  }
0x90: {  	s14 =	simm.s32 $0x4E00;
	[sflag:s30] =	ssyncadd.s32 $0xFFFFE000  }
0x91: {  	[spmem:s3] =	stream.indirect.scatter.add.f32 [tilespmem:s23], [sflag:$0x5], $0x40, s14, s22, $0xb8;
	[tilespmem:$0x19000] =	vst v63  }
0x92: {  	_ =	swait.ge [sflag:s31], $0x2000  }
0x93: {  	[sflag:s31] =	ssyncset.done $0x0  }
0x94: {  	s15 =	simm.s32 $0x4E80;
	[sflag:s31] =	ssyncadd.s32 $0xFFFFE000  }
0x95: {  	[spmem:s3] =	stream.indirect.scatter.add.f32 [tilespmem:s24], [sflag:$0x6], $0x40, s15, s22, $0xb8;
	[tilespmem:$0x19000] =	vst v63  }
0x96: {  	_ =	swait.ge [sflag:s0], $0x2000  }
0x97: {  	[sflag:s0] =	ssyncset.done $0x0  }
0x98: {  	s16 =	simm.s32 $0x4F00;
	[sflag:s0] =	ssyncadd.s32 $0xFFFFE000  }
0x99: {  	[spmem:s3] =	stream.indirect.scatter.add.f32 [tilespmem:s26], [sflag:$0x7], $0x40, s16, s22, $0xb8;
	[tilespmem:$0x19000] =	vst v63  }
0x9a: {  	_ =	swait.ge [sflag:s21], $0x2000  }
0x9b: {  	[sflag:s21] =	ssyncset.done $0x0  }
0x9c: {  	s17 =	simm.s32 $0x4F80;
	[sflag:s21] =	ssyncadd.s32 $0xFFFFE000  }
0x9d: {  	[spmem:s3] =	stream.indirect.scatter.add.f32 [tilespmem:s29], [sflag:$0x8], $0x40, s17, s22, $0xb8;
	[tilespmem:$0x19000] =	vst v63  }
0x9e: {  	_ =	swait.ge [sflag:s4], $0x2000  }
0x9f: {  	[sflag:s4] =	ssyncset.done $0x0  }
0xa0: {  	[sflag:s4] =	ssyncadd.s32 $0xFFFFE000  }
0xa1: {  	_ =	swait.ge [sflag:s6], $0x2000  }
0xa2: {  	[sflag:s6] =	ssyncset.done $0x0  }
0xa3: {  	[sflag:s6] =	ssyncadd.s32 $0xFFFFE000  }
0xa4: {  	_ =	swait.ge [sflag:s7], $0x2000  }
0xa5: {  	[sflag:s7] =	ssyncset.done $0x0  }
0xa6: {  	[sflag:s7] =	ssyncadd.s32 $0xFFFFE000  }
0xa7: {  	_ =	swait.ge [sflag:s13], $0x2000  }
0xa8: {  	[sflag:s13] =	ssyncset.done $0x0  }
0xa9: {  	s18 =	simm.s32 @p0 $0x8;
	s14 =	sshll.u32 @p0 s2, $0x6;
	[sflag:s13] =	ssyncadd.s32 $0xFFFFE000  }
0xaa: {  	s14 =	sor.u32 @p0 $0x1C09, s14;
	s15 =	sshrl.u32 @p0 s8, $0x3;
	[bflag:$0x0] =	sbarrier.arrive $0xFFFF  }
0xab: {  	s16 =	simm.s32 @p0 $0x1;
	s17 =	simm.s32 @p0 $0x10;
	s2 =	rddreg [dreg:$0x9]  }
0xac: {  	[hbm:s2@s17], [sflag:s14] =	dma.strided @p0 [spmem:s15@s18], $0x1400, s16, $0x8   }
0xad: {  	s14 =	simm.s32 @p0 $0x9  }
0xae: {  	_ =	swait.ge @p0 [sflag:s14], $0x1400  }
0xaf: {  	[sflag:s14] =	ssyncset.done @p0 $0x0  }
0xb0: {  	s15 =	simm.s32 @p0 $0xD000;
	[sflag:s14] =	ssyncadd.s32 @p0 $0xFFFFEC00  }
0xb1: {  	[spmem:s8] =	stream.linear.scatter @p0 [tilespmem:s15], [sflag:$0x9], $0x2000, $0x38;
	[tilespmem:$0x19000] =	vst v63  }
0xb2: {  	_ =	swait.ge @p0 [sflag:s14], $0x2000  }
0xb3: {  	[sflag:s14] =	ssyncset.done @p0 $0x0  }
0xb4: {  	[sflag:s14] =	ssyncadd.s32 @p0 $0xFFFFE000  }
0xb5: {  	[spmem:s9] =	stream.linear.scatter @p0 [tilespmem:s15], [sflag:$0x9], $0x2000, $0x38;
	[tilespmem:$0x19000] =	vst v63  }
0xb6: {  	_ =	swait.ge @p0 [sflag:s14], $0x2000  }
0xb7: {  	[sflag:s14] =	ssyncset.done @p0 $0x0  }
0xb8: {  	[sflag:s14] =	ssyncadd.s32 @p0 $0xFFFFE000  }
0xb9: {  	[spmem:s10] =	stream.linear.scatter @p0 [tilespmem:s15], [sflag:$0x9], $0x2000, $0x38;
	[tilespmem:$0x19000] =	vst v63  }
0xba: {  	_ =	swait.ge @p0 [sflag:s14], $0x2000  }
0xbb: {  	[sflag:s14] =	ssyncset.done @p0 $0x0  }
0xbc: {  	[sflag:s14] =	ssyncadd.s32 @p0 $0xFFFFE000  }
0xbd: {  	[spmem:s11] =	stream.linear.scatter @p0 [tilespmem:s15], [sflag:$0x9], $0x2000, $0x38;
	[tilespmem:$0x19000] =	vst v63  }
0xbe: {  	_ =	swait.ge @p0 [sflag:s14], $0x2000  }
0xbf: {  	[sflag:s14] =	ssyncset.done @p0 $0x0  }
0xc0: {  	[sflag:s14] =	ssyncadd.s32 @p0 $0xFFFFE000  }
0xc1: {  	[spmem:s12] =	stream.linear.scatter @p0 [tilespmem:s15], [sflag:$0x9], $0x2000, $0x38;
	[tilespmem:$0x19000] =	vst v63  }
0xc2: {  	s16 =	simm.s32 @!p0 $0x10;
	_ =	swait.ge @p0 [sflag:s14], $0x2000  }
0xc3: {  	s17 =	simm.s32 @!p0 $0x8;
	s15 =	simm.s32 @!p0 $0x1;
	[sflag:s14] =	ssyncset.done @p0 $0x0  }
0xc4: {  	s18 =	rddreg [dreg:$0x7];
	[sflag:s14] =	ssyncadd.s32 @p0 $0xFFFFE000;
	s14 =	sshrl.u32 @!p0 s8, $0x3  }
0xc5: {  	[hbm:s18@s16], [sflag:s19] =	dma.strided @!p0 [spmem:s14@s17], $0x1400, s15, $0x8   }
0xc6: {  	s14 =	simm.s32 @!p0 $0x9  }
0xc7: {  	_ =	swait.ge @!p0 [sflag:s14], $0x1400  }
0xc8: {  	[sflag:s14] =	ssyncset.done @!p0 $0x0  }
0xc9: {  	s2 =	rddreg [dreg:$0xa];
	[sflag:s14] =	ssyncadd.s32 @!p0 $0xFFFFEC00  }
0xca: {  	[spmem:s28], [sflag:s19] =	dma.local @!p0 [hbm:s2], $0x1400  }
0xcb: {  	_ =	swait.ge @!p0 [sflag:s14], $0x1400  }
0xcc: {  	[sflag:s14] =	ssyncset.done @!p0 $0x0  }
0xcd: {  	[sflag:s14] =	ssyncadd.s32 @!p0 $0xFFFFEC00  }
0xce: {  	s18 =	simm.s32 $0x0;
	[bflag:$0x0] =	sbarrier.arrive $0xFFFF  }
0xcf: {  	[tilespmem:s23], [sflag:$0x1] =	stream.indirect.gather [hbm4b:s5+s22], $0x40, s18, s22, $0xb8;
	[tilespmem:$0x19000] =	vst v63  }
0xd0: {  	_ = 	snop  }
0xd1: {  	[tilespmem:s24], [sflag:$0x2] =	stream.indirect.gather [hbm4b:s5+s22], $0x40, s22, s22, $0xb8;
	[tilespmem:$0x19000] =	vst v63  }
0xd2: {  	s17 =	simm.s32 $0x100  }
0xd3: {  	[tilespmem:s26], [sflag:$0x3] =	stream.indirect.gather [hbm4b:s5+s22], $0x40, s17, s22, $0xb8;
	[tilespmem:$0x19000] =	vst v63  }
0xd4: {  	s18 =	simm.s32 $0x180  }
0xd5: {  	[tilespmem:s29], [sflag:$0x4] =	stream.indirect.gather [hbm4b:s5+s22], $0x40, s18, s22, $0xb8;
	[tilespmem:$0x19000] =	vst v63  }
0xd6: {  	_ =	swait.ge [sflag:s30], $0x2000  }
0xd7: {  	[sflag:s30] =	ssyncset.done $0x0  }
0xd8: {  	s19 =	simm.s32 $0x2800;
	[sflag:s30] =	ssyncadd.s32 $0xFFFFE000  }
0xd9: {  	[spmem:s3] =	stream.indirect.scatter.add.f32 [tilespmem:s23], [sflag:$0x5], $0x40, s19, s22, $0xb8;
	[tilespmem:$0x19000] =	vst v63  }
0xda: {  	_ =	swait.ge [sflag:s31], $0x2000  }
0xdb: {  	[sflag:s31] =	ssyncset.done $0x0  }
0xdc: {  	s28 =	simm.s32 $0x2880;
	[sflag:s31] =	ssyncadd.s32 $0xFFFFE000  }
0xdd: {  	[spmem:s3] =	stream.indirect.scatter.add.f32 [tilespmem:s24], [sflag:$0x6], $0x40, s28, s22, $0xb8;
	[tilespmem:$0x19000] =	vst v63  }
0xde: {  	_ =	swait.ge [sflag:s0], $0x2000  }
0xdf: {  	[sflag:s0] =	ssyncset.done $0x0  }
0xe0: {  	s2 =	simm.s32 $0x2900;
	[sflag:s0] =	ssyncadd.s32 $0xFFFFE000  }
0xe1: {  	[spmem:s3] =	stream.indirect.scatter.add.f32 [tilespmem:s26], [sflag:$0x7], $0x40, s2, s22, $0xb8;
	[tilespmem:$0x19000] =	vst v63  }
0xe2: {  	_ =	swait.ge [sflag:s21], $0x2000  }
0xe3: {  	[sflag:s21] =	ssyncset.done $0x0  }
0xe4: {  	s15 =	simm.s32 $0x2980;
	[sflag:s21] =	ssyncadd.s32 $0xFFFFE000  }
0xe5: {  	[spmem:s3] =	stream.indirect.scatter.add.f32 [tilespmem:s29], [sflag:$0x8], $0x40, s15, s22, $0xb8;
	[tilespmem:$0x19000] =	vst v63  }
0xe6: {  	_ =	swait.ge [sflag:s4], $0x2000  }
0xe7: {  	[sflag:s4] =	ssyncset.done $0x0  }
0xe8: {  	s16 =	simm.s32 $0x200;
	[sflag:s4] =	ssyncadd.s32 $0xFFFFE000  }
0xe9: {  	[tilespmem:s23], [sflag:$0x1] =	stream.indirect.gather [hbm4b:s5+s22], $0x40, s16, s22, $0xb8;
	[tilespmem:$0x19000] =	vst v63  }
0xea: {  	_ =	swait.ge [sflag:s6], $0x2000  }
0xeb: {  	[sflag:s6] =	ssyncset.done $0x0  }
0xec: {  	s19 =	simm.s32 $0x280;
	[sflag:s6] =	ssyncadd.s32 $0xFFFFE000  }
0xed: {  	[tilespmem:s24], [sflag:$0x2] =	stream.indirect.gather [hbm4b:s5+s22], $0x40, s19, s22, $0xb8;
	[tilespmem:$0x19000] =	vst v63  }
0xee: {  	_ =	swait.ge [sflag:s7], $0x2000  }
0xef: {  	[sflag:s7] =	ssyncset.done $0x0  }
0xf0: {  	s28 =	simm.s32 $0x300;
	[sflag:s7] =	ssyncadd.s32 $0xFFFFE000  }
0xf1: {  	[tilespmem:s26], [sflag:$0x3] =	stream.indirect.gather [hbm4b:s5+s22], $0x40, s28, s22, $0xb8;
	[tilespmem:$0x19000] =	vst v63  }
0xf2: {  	_ =	swait.ge [sflag:s13], $0x2000  }
0xf3: {  	[sflag:s13] =	ssyncset.done $0x0  }
0xf4: {  	s14 =	simm.s32 $0x800;
	s15 =	simm.s32 $0x380;
	[sflag:s13] =	ssyncadd.s32 $0xFFFFE000  }
.LBB2_6:
0xf5: {  	[tilespmem:s29], [sflag:$0x4] =	stream.indirect.gather [hbm4b:s5+s22], $0x40, s15, s22, $0xb8;
	[tilespmem:$0x19000] =	vst v63  }
0xf6: {  	s15 =	smov.u32 s14  }
0xf7: {  	p1 =	sne.s32 s14, $0x9000;
	s14 =	sadd.s32 $0x800, s14;
	_ =	swait.ge [sflag:s30], $0x2000  }
0xf8: {  	s15 =	sshra.s32 s15, $0x2;
	[sflag:s30] =	ssyncset.done $0x0  }
0xf9: {  	s16 =	sadd.s32 $0x2800, s15;
	[sflag:s30] =	ssyncadd.s32 $0xFFFFE000  }
0xfa: {  	[spmem:s3] =	stream.indirect.scatter.add.f32 [tilespmem:s23], [sflag:$0x5], $0x40, s16, s22, $0xb8;
	[tilespmem:$0x19000] =	vst v63  }
0xfb: {  	_ =	swait.ge [sflag:s31], $0x2000  }
0xfc: {  	[sflag:s31] =	ssyncset.done $0x0  }
0xfd: {  	s16 =	sadd.s32 $0x2880, s15;
	[sflag:s31] =	ssyncadd.s32 $0xFFFFE000  }
0xfe: {  	[spmem:s3] =	stream.indirect.scatter.add.f32 [tilespmem:s24], [sflag:$0x6], $0x40, s16, s22, $0xb8;
	[tilespmem:$0x19000] =	vst v63  }
0xff: {  	_ =	swait.ge [sflag:s0], $0x2000  }
0x100: {  	[sflag:s0] =	ssyncset.done $0x0  }
0x101: {  	s16 =	sadd.s32 $0x2900, s15;
	[sflag:s0] =	ssyncadd.s32 $0xFFFFE000  }
0x102: {  	[spmem:s3] =	stream.indirect.scatter.add.f32 [tilespmem:s26], [sflag:$0x7], $0x40, s16, s22, $0xb8;
	[tilespmem:$0x19000] =	vst v63  }
0x103: {  	_ =	swait.ge [sflag:s21], $0x2000  }
0x104: {  	[sflag:s21] =	ssyncset.done $0x0  }
0x105: {  	s16 =	sadd.s32 $0x2980, s15;
	[sflag:s21] =	ssyncadd.s32 $0xFFFFE000  }
0x106: {  	[spmem:s3] =	stream.indirect.scatter.add.f32 [tilespmem:s29], [sflag:$0x8], $0x40, s16, s22, $0xb8;
	[tilespmem:$0x19000] =	vst v63  }
0x107: {  	_ =	swait.ge [sflag:s4], $0x2000  }
0x108: {  	[sflag:s4] =	ssyncset.done $0x0  }
0x109: {  	s16 =	sadd.s32 $0x200, s15;
	[sflag:s4] =	ssyncadd.s32 $0xFFFFE000  }
0x10a: {  	[tilespmem:s23], [sflag:$0x1] =	stream.indirect.gather [hbm4b:s5+s22], $0x40, s16, s22, $0xb8;
	[tilespmem:$0x19000] =	vst v63  }
0x10b: {  	_ =	swait.ge [sflag:s6], $0x2000  }
0x10c: {  	[sflag:s6] =	ssyncset.done $0x0  }
0x10d: {  	s16 =	sadd.s32 $0x280, s15;
	[sflag:s6] =	ssyncadd.s32 $0xFFFFE000  }
0x10e: {  	[tilespmem:s24], [sflag:$0x2] =	stream.indirect.gather [hbm4b:s5+s22], $0x40, s16, s22, $0xb8;
	[tilespmem:$0x19000] =	vst v63  }
0x10f: {  	_ =	swait.ge [sflag:s7], $0x2000  }
0x110: {  	[sflag:s7] =	ssyncset.done $0x0  }
.Ltmp2:
0x111: {  	s16 =	sadd.s32 $0x300, s15;
	[sflag:s7] =	ssyncadd.s32 $0xFFFFE000;
	(pc) =	sbr.rel @p1 .LBB2_6-.Ltmp2, $4  }
0x112: {  	[tilespmem:s26], [sflag:$0x3] =	stream.indirect.gather [hbm4b:s5+s22], $0x40, s16, s22, $0xb8;
	[tilespmem:$0x19000] =	vst v63  }
0x113: {  	_ =	swait.ge [sflag:s13], $0x2000  }
0x114: {  	[sflag:s13] =	ssyncset.done $0x0  }
0x115: {  	s15 =	sadd.s32 $0x380, s15;
	[sflag:s13] =	ssyncadd.s32 $0xFFFFE000  }
0x116: {  	[tilespmem:s29], [sflag:$0x4] =	stream.indirect.gather [hbm4b:s5+s22], $0x40, s15, s22, $0xb8;
	[tilespmem:$0x19000] =	vst v63  }
0x117: {  	_ =	swait.ge [sflag:s30], $0x2000  }
0x118: {  	[sflag:s30] =	ssyncset.done $0x0  }
0x119: {  	s2 =	simm.s32 $0x4E00;
	[sflag:s30] =	ssyncadd.s32 $0xFFFFE000  }
0x11a: {  	[spmem:s3] =	stream.indirect.scatter.add.f32 [tilespmem:s23], [sflag:$0x5], $0x40, s2, s22, $0xb8;
	[tilespmem:$0x19000] =	vst v63  }
0x11b: {  	_ =	swait.ge [sflag:s31], $0x2000  }
0x11c: {  	[sflag:s31] =	ssyncset.done $0x0  }
0x11d: {  	s15 =	simm.s32 $0x4E80;
	[sflag:s31] =	ssyncadd.s32 $0xFFFFE000  }
0x11e: {  	[spmem:s3] =	stream.indirect.scatter.add.f32 [tilespmem:s24], [sflag:$0x6], $0x40, s15, s22, $0xb8;
	[tilespmem:$0x19000] =	vst v63  }
0x11f: {  	_ =	swait.ge [sflag:s0], $0x2000  }
0x120: {  	[sflag:s0] =	ssyncset.done $0x0  }
0x121: {  	s16 =	simm.s32 $0x4F00;
	[sflag:s0] =	ssyncadd.s32 $0xFFFFE000  }
0x122: {  	[spmem:s3] =	stream.indirect.scatter.add.f32 [tilespmem:s26], [sflag:$0x7], $0x40, s16, s22, $0xb8;
	[tilespmem:$0x19000] =	vst v63  }
0x123: {  	_ =	swait.ge [sflag:s21], $0x2000  }
0x124: {  	[sflag:s21] =	ssyncset.done $0x0  }
0x125: {  	s19 =	simm.s32 $0x4F80;
	[sflag:s21] =	ssyncadd.s32 $0xFFFFE000  }
0x126: {  	[spmem:s3] =	stream.indirect.scatter.add.f32 [tilespmem:s29], [sflag:$0x8], $0x40, s19, s22, $0xb8;
	[tilespmem:$0x19000] =	vst v63  }
0x127: {  	_ =	swait.ge [sflag:s4], $0x2000  }
0x128: {  	[sflag:s4] =	ssyncset.done $0x0  }
0x129: {  	[sflag:s4] =	ssyncadd.s32 $0xFFFFE000  }
0x12a: {  	_ =	swait.ge [sflag:s6], $0x2000  }
0x12b: {  	[sflag:s6] =	ssyncset.done $0x0  }
0x12c: {  	[sflag:s6] =	ssyncadd.s32 $0xFFFFE000  }
0x12d: {  	_ =	swait.ge [sflag:s7], $0x2000  }
0x12e: {  	[sflag:s7] =	ssyncset.done $0x0  }
0x12f: {  	[sflag:s7] =	ssyncadd.s32 $0xFFFFE000  }
0x130: {  	_ =	swait.ge [sflag:s13], $0x2000  }
0x131: {  	[sflag:s13] =	ssyncset.done $0x0  }
0x132: {  	s2 =	stileid.u32;
	[sflag:s13] =	ssyncadd.s32 $0xFFFFE000  }
0x133: {  	s28 =	sshrl.u32 s8, $0x3;
	s14 =	sshll.u32 s2, $0x6;
	[bflag:$0x0] =	sbarrier.arrive $0xFFFF  }
0x134: {  	s14 =	sor.u32 $0x1C09, s14;
	s19 =	simm.s32 $0x10;
	s16 =	rddreg [dreg:$0xc]  }
0x135: {  	[hbm:s16@s19], [sflag:s14] =	dma.strided [spmem:s28@s13], $0x1400, s30, $0x8   }
0x136: {  	_ =	swait.ge [sflag:s20], $0x1400  }
0x137: {  	s25 =	sadd.s32 $0x1, s25;
	s28 =	rddreg [dreg:$0xb]  }
0x138: {  	p1 =	sne.s32 s25, s28  }
.Ltmp3:
0x139: {  	_ = 	snop;
	(pc) =	sbr.rel @p1 .LBB2_1-.Ltmp3, $3  }
0x13a: {  	_ =	sdelay $0x1  }
0x13b: {  	[sflag:s20] =	ssyncset.done $0x0  }
0x13c: {  	[sflag:s20] =	ssyncadd.s32 $0xFFFFEC00  }
0x13d: {  	_ =	sfence.sel $0x180000  }
0x13e: {  	[bflag:$0x0] =	sbarrier.arrive $0xFFFF  }
0x13f: {  	_ =	strace $0x9000004A  }
0x140: {  	[bflag:$0x2] =	sbarrier.arrive $0xFFFF  }
0x141: {  	p0 =	sne.s32 s2, $0x0;
	s0 =	rddreg [dreg:$0x3]  }
0x142: {  	s0 =	sadd.s32 @!p0 $0x100000, s0  }
0x143: {  	[sflag:s0] =	ssyncadd.tile.s32 @!p0 $0x1;
	_ =	shalt  }
.Lfunc_end2:
_tile_overlayer_lowered:
.L_overlay_start_2:
0x144: {  	(tag) =	ssettag $0x2  }
0x145: {  	s0 =	rddreg [dreg:$0x0];
	s2 =	stileid.u32  }
0x146: {  	s1 =	rddreg [dreg:$0x1];
	p0 =	sne.s32 s2, $0x0  }
0x147: {  	s3 =	rddreg [dreg:$0x2];
	[bflag:$0x3] =	sbarrier.arrive $0xFFFF;
	s2 =	simm.s32 @!p0 $0x1C09  }
0x148: {  	[timem:s3], [sflag:s2] =	dma.local @!p0 [hbm:s0], s1  }
0x149: {  	s0 =	simm.s32 @!p0 $0x9  }
0x14a: {  	_ =	swait.ge @!p0 [sflag:s0], s1  }
0x14b: {  	s1 =	ssub.s32 @!p0 $0x0, s1;
	[sflag:s0] =	ssyncset.done @!p0 $0x0  }
0x14c: {  	[sflag:s0] =	ssyncadd.s32 @!p0 s1  }
0x14d: {  	[bflag:$0x3] =	sbarrier.arrive $0xFFFF  }
0x14e: {  	_ =	shalt  }

// kernel: kernel.15.cloned.1.call-start
scs
__scs_entry_jumppad:
0x0: {  	(pc) =	sbr.rel $0x88, $3  }
0x1: {  	(tag) =	ssettag $0x0;
	lr =	simm.s32 $0x1  }
0x2: {  	[smem:$0x3F9B] =	sst lr;
	_ =	strace $0xD0000000  }
0x3: {  	_ = 	snop  }
0x4: {  	_ = 	snop  }
0x5: {  	_ = 	snop  }
0x6: {  	_ = 	snop  }
0x7: {  	_ = 	snop  }
__scs_overlays_trampoline_lowered:
0x8: {  	[smem:$0x3FAA] =	sst s0  }
0x9: {  	[smem:$0x3FAB] =	sst s1  }
0xa: {  	[smem:$0x3FAC] =	sst s2  }
0xb: {  	[smem:$0x3FAD] =	sst s3  }
0xc: {  	[smem:$0x3FAE] =	sst s4  }
0xd: {  	[smem:$0x3FAF] =	sst s5  }
0xe: {  	[smem:$0x3FB0] =	sst s6  }
0xf: {  	[smem:$0x3FB1] =	sst s7  }
0x10: {  	[smem:$0x3FB2] =	sst s8  }
0x11: {  	[smem:$0x3FB3] =	sst s9;
	s0 =	simm.s32 @!p0 $0x0  }
0x12: {  	s1 =	sld [smem:$0x3F99];
	s0 =	simm.s32 @p0 $0x1  }
0x13: {  	[smem:$0x3FB4] =	sst s0;
	s0 =	simm.s32 @!p1 $0x0  }
0x14: {  	s2 =	sld [smem:$0x3F98];
	s0 =	simm.s32 @p1 $0x1  }
0x15: {  	[smem:$0x3FB5] =	sst s0;
	s0 =	simm.s32 @!p2 $0x0  }
0x16: {  	s3 =	sld [smem:$0x3FDB];
	s0 =	simm.s32 @p2 $0x1  }
0x17: {  	s4 =	simm.s32 $0x1BF5;
	[smem:$0x3FB7] =	sst s0  }
0x18: {  	s0 =	sld [smem:$0x3F9A];
	_ =	swait.ge [sflag:s4], $0x0  }
0x19: {  	s7 =	sld [smem:$0x3F9B]  }
0x1a: {  	s8 =	sadd.s32 $0xFFFFE003, lr  }
0x1b: {  	s9 =	sadd.s32 $0xFFFFFEF7, lr;
	s5 =	simm.s32 $0xFFFFFFFF;
	p2 =	slt.u32 s8, $0xFFFFF086  }
0x1c: {  	p1 =	slt.u32 s9, $0xF7A;
	s5 =	simm.s32 @!p2 $0x0  }
0x1d: {  	s5 =	simm.s32 @p1 $0x1;
	p0 =	seq.s32 s7, s2  }
0x1e: {  	s7 =	smul.u32 @!p0 $0xF7A, s2;
	p2 =	seq.s32 @!p0 s5, $0x0  }
0x1f: {  	s9 =	smul.u32 $0xF7A, s1;
	s8 =	simm.s32 @!p0 $0x1BF5;
	p2 =	por !p2, p0  }
0x20: {  	[sflag:s8] =	ssyncset.s32 @!p0 $0xFFFFF086;
	s6 =	sadd.s32 @!p0 s3, s7;
	s7 =	simm.s32 @!p0 $0x108  }
0x21: {  	s3 =	sadd.s32 s3, s9;
	s6 =	sadd.s32 @!p0 $0x88, s6;
	s7 =	simm.s32 @p2 $0x1082  }
0x22: {  	[simem:s7], [sflag:s8] =	dma.local @!p0 [hbm:s6], $0xF7A  }
0x23: {  	s9 =	sor.u32 $0xD0000000, s2;
	s6 =	simm.s32 $0x108;
	_ =	swait.ge @!p0 [sflag:s8], $0x0  }
0x24: {  	s3 =	sadd.s32 $0x88, s3;
	s6 =	simm.s32 @!p1 $0x1082;
	[sflag:s4] =	ssyncset.s32 $0xFFFFF086  }
0x25: {  	[simem:s6], [sflag:s4] =	dma.local [hbm:s3], $0xF7A  }
0x26: {  	[smem:$0x3F9B] =	sst s1;
	(tag) =	ssettag s2;
	_ =	strace s9  }
0x27: {  	s1 =	sld [smem:$0x3FAB]  }
0x28: {  	s2 =	sld [smem:$0x3FAC]  }
0x29: {  	s4 =	sld [smem:$0x3FAE]  }
0x2a: {  	p0 =	seq.s32 s5, $0x0;
	s5 =	sld [smem:$0x3FAF]  }
0x2b: {  	s6 =	sld [smem:$0x3FB0]  }
0x2c: {  	s7 =	sld [smem:$0x3FB1]  }
0x2d: {  	s3 =	simm.s32 $0x108;
	s8 =	sld [smem:$0x3FB2]  }
0x2e: {  	s3 =	simm.s32 @!p0 $0x1082;
	s9 =	sld [smem:$0x3FB3]  }
0x2f: {  	lr =	sadd.s32 s0, s3;
	s0 =	sld [smem:$0x3FAA]  }
0x30: {  	s3 =	sld [smem:$0x3FAD]  }
0x31: {  	[smem:$0x3FB6] =	sst s10  }
0x32: {  	s10 =	sld [smem:$0x3FB4];
	_ =	sdelay $0x3  }
0x33: {  	p0 =	seq.s32 s10, $0x1;
	s10 =	sld [smem:$0x3FB6];
	_ =	sdelay $0x3  }
0x34: {  	[smem:$0x3FB6] =	sst s10  }
0x35: {  	s10 =	sld [smem:$0x3FB5];
	_ =	sdelay $0x3  }
0x36: {  	p1 =	seq.s32 s10, $0x1;
	s10 =	sld [smem:$0x3FB6];
	_ =	sdelay $0x3  }
0x37: {  	[smem:$0x3FB6] =	sst s10  }
0x38: {  	s10 =	sld [smem:$0x3FB7]  }
0x39: {  	_ = 	snop;
	(pc) =	sbr.ind lr, $3  }
0x3a: {  	_ = 	snop  }
0x3b: {  	_ = 	snop  }
0x3c: {  	p2 =	seq.s32 s10, $0x1;
	s10 =	sld [smem:$0x3FB6]  }
0x3d: {  	_ =	shalt  }
0x3e: {  	_ =	shalt  }
0x3f: {  	_ =	shalt  }
0x40: {  	_ =	shalt  }
0x41: {  	_ =	shalt  }
0x42: {  	_ =	shalt  }
0x43: {  	_ =	shalt  }
0x44: {  	_ =	shalt  }
0x45: {  	_ =	shalt  }
0x46: {  	_ =	shalt  }
0x47: {  	_ =	shalt  }
0x48: {  	_ =	shalt  }
0x49: {  	_ =	shalt  }
0x4a: {  	_ =	shalt  }
0x4b: {  	_ =	shalt  }
0x4c: {  	_ =	shalt  }
0x4d: {  	_ =	shalt  }
0x4e: {  	_ =	shalt  }
0x4f: {  	_ =	shalt  }
0x50: {  	_ =	shalt  }
0x51: {  	_ =	shalt  }
0x52: {  	_ =	shalt  }
0x53: {  	_ =	shalt  }
0x54: {  	_ =	shalt  }
0x55: {  	_ =	shalt  }
0x56: {  	_ =	shalt  }
0x57: {  	_ =	shalt  }
0x58: {  	_ =	shalt  }
0x59: {  	_ =	shalt  }
0x5a: {  	_ =	shalt  }
0x5b: {  	_ =	shalt  }
0x5c: {  	_ =	shalt  }
0x5d: {  	_ =	shalt  }
0x5e: {  	_ =	shalt  }
0x5f: {  	_ =	shalt  }
0x60: {  	_ =	shalt  }
0x61: {  	_ =	shalt  }
0x62: {  	_ =	shalt  }
0x63: {  	_ =	shalt  }
0x64: {  	_ =	shalt  }
0x65: {  	_ =	shalt  }
0x66: {  	_ =	shalt  }
0x67: {  	_ =	shalt  }
0x68: {  	_ =	shalt  }
0x69: {  	_ =	shalt  }
0x6a: {  	_ =	shalt  }
0x6b: {  	_ =	shalt  }
0x6c: {  	_ =	shalt  }
0x6d: {  	_ =	shalt  }
0x6e: {  	_ =	shalt  }
0x6f: {  	_ =	shalt  }
0x70: {  	_ =	shalt  }
0x71: {  	_ =	shalt  }
0x72: {  	_ =	shalt  }
0x73: {  	_ =	shalt  }
0x74: {  	_ =	shalt  }
0x75: {  	_ =	shalt  }
0x76: {  	_ =	shalt  }
0x77: {  	_ =	shalt  }
0x78: {  	_ =	shalt  }
0x79: {  	_ =	shalt  }
0x7a: {  	_ =	shalt  }
0x7b: {  	_ =	shalt  }
0x7c: {  	_ =	shalt  }
0x7d: {  	_ =	shalt  }
0x7e: {  	_ =	shalt  }
0x7f: {  	_ =	shalt  }
0x80: {  	_ =	shalt  }
0x81: {  	_ =	shalt  }
0x82: {  	_ =	shalt  }
0x83: {  	_ =	shalt  }
0x84: {  	_ =	shalt  }
0x85: {  	_ =	shalt  }
0x86: {  	_ =	shalt  }
0x87: {  	_ =	shalt  }
.Lfunc_end0:
.L_simem_size_0:
called_computation.2_lowered:
.L_overlay_start_0:
0x88: {  	s2 =	sld [smem:$0x3FD9]  }
0x89: {  	s3 =	sld [smem:$0x3FFE];
	_ =	sdelay $0x1  }
0x8a: {  	s1 =	srdreg.scid  }
0x8b: {  	s0 =	sand.u32 $0x1, s1  }
0x8c: {  	s17 =	sshll.u32 s0, $0xA;
	s2 =	sadd.s32 s3, s2  }
0x8d: {  	s2 =	sadd.s32 s2, s17  }
0x8e: {  	[smem:$0x3FC2] =	sst s2  }
0x8f: {  	_ = 	snop  }
0x90: {  	s2 =	sld [smem:$0x3FD0];
	(tm) =	ssettm $0x1  }
0x91: {  	s18 =	sld [smem:$0x3FFB];
	_ =	sdelay $0x3  }
0x92: {  	_ =	strace s18  }
0x93: {  	s3 =	sld [smem:$0x3FFC];
	_ =	sdelay $0x3  }
0x94: {  	_ =	strace s3  }
0x95: {  	s3 =	sld [smem:$0x3FFD];
	_ =	sdelay $0x3  }
0x96: {  	_ =	strace s3  }
0x97: {  	_ =	strace $0x8FFFFFFF  }
0x98: {  	s19 =	sld [smem:$0x3FDB];
	_ =	sdelay $0x1  }
0x99: {  	s4 =	simm.s32 $_scs_section_size  }
0x9a: {  	s5 =	simm.s32 $_size__tile_overlayer_lowered;
	s6 =	simm.s32 $_tile_overlayer_lowered  }
0x9b: {  	s22 =	simm.s32 $0x1BFF;
	s21 =	sshll.u32 s6, $0x1;
	s3 =	sadd.s32 s4, s19  }
0x9c: {  	s7 =	simm.s32 $0x0;
	s20 =	sshll.u32 s5, $0x1;
	s5 =	sadd.s32 s21, s3  }
0x9d: {  	[timem:s7], [sflag:s22] =	dma.local [hbm:s5], s20  }
0x9e: {  	_ =	swait.ge [sflag:s22], s20  }
0x9f: {  	s4 =	ssub.s32 $0x0, s20;
	[sflag:s22] =	ssyncset.done $0x0  }
0xa0: {  	[sflag:s22] =	ssyncadd.s32 s4;
	_ =	sdelay $0x1  }
0xa1: {  	s23 =	simm.s32 $0x1B8B  }
0xa2: {  	_ =	swait.ge [sflag:s23], $0x1  }
0xa3: {  	[sflag:s23] =	ssyncset.done $0x0  }
0xa4: {  	s25 =	simm.s32 $0x1B8E;
	s24 =	sld [smem:$0x3FFE];
	[sflag:s23] =	ssyncadd.s32 $0xFFFFFFFF  }
0xa5: {  	s26 =	simm.s32 $execute0_lowered;
	[smem:$0x3FD2] =	sst s25  }
0xa6: {  	s5 =	sshll.u32 s26, $0x1;
	_ =	strace $0x8000004C;
	[dreg:$0x1] =	wrdreg $0xFFFFFFFF  }
0xa7: {  	s28 =	simm.s32 $_size_execute0_lowered;
	s3 =	sadd.s32 s3, s5;
	[dreg:$0x0] =	wrdreg $0x0  }
0xa8: {  	s5 =	sshll.u32 s28, $0x1;
	[dreg:$0x2] =	wrdreg s3  }
0xa9: {  	[dreg:$0x3] =	wrdreg s5  }
0xaa: {  	[dreg:$0x4] =	wrdreg $0xC0  }
0xab: {  	_ =	task [dreg:s7], $0x5FFFF  }
0xac: {  	[dreg:$0x1] =	wrdreg $0xFFFFFFFF  }
0xad: {  	[dreg:$0x0] =	wrdreg $0x60  }
0xae: {  	[dreg:$0x2] =	wrdreg s2  }
0xaf: {  	[dreg:$0x3] =	wrdreg s24  }
0xb0: {  	[dreg:$0x4] =	wrdreg $0xF0000  }
0xb1: {  	[dreg:$0x5] =	wrdreg $0x9  }
0xb2: {  	_ =	task.clear_ibuf [dreg:s7], $0x6FFFF;
	_ =	strace $0x9000004C  }
0xb3: {  	s29 =	simm.s32 $0x9;
	_ =	strace $0x8000004E  }
0xb4: {  	_ =	swait.ge [sflag:s29], $0x1  }
0xb5: {  	[sflag:s29] =	ssyncadd.s32 $0xFFFFFFFF  }
0xb6: {  	_ =	strace $0x9000004E  }
0xb7: {  	_ =	sfence  }
0xb8: {  	s30 =	sld [smem:$0x0];
	_ =	sdelay $0x2  }
0xb9: {  	s31 =	sshll.u32 s1, $0xD;
	s1 =	sshrl.u32 s1, $0x2  }
0xba: {  	s3 =	sand.u32 $0x4000, s31;
	s1 =	sadd.s32 s1, s30  }
0xbb: {  	s0 =	sor.u32 s3, s0;
	s1 =	sshll.u32 s1, $0x11  }
0xbc: {  	s0 =	sor.u32 s1, s0  }
0xbd: {  	s0 =	sadd.s32 $0x8F2B, s0  }
0xbe: {  	[sflag:s0] =	ssyncadd.remote.s32 $0x1  }
0xbf: {  	_ =	sfence.sel $0xFFFF  }
0xc0: {  	[dreg:$0x0] =	wrdreg $0xFFFFFFFF;
	(pc) =	sbr.abs _section_cstart, $3  }
0xc1: {  	[dreg:$0x1] =	wrdreg $0xFFFFFFFF  }
0xc2: {  	_ =	task.clear_ibuf [dreg:s7], $0x2FFFF;
	_ =	strace $0x9FFFFFFF  }
0xc3: {  	(tm) =	ssettm $0x7FFFFFFF  }
tec
execute0_lowered:
.L_overlay_start_1:
0x0: {  	(tag) =	ssettag $0x1  }
0x1: {  	s1 =	rddreg [dreg:$0x0]  }
0x2: {  	s0 =	rddreg [dreg:$0x1]  }
0x3: {  	s3 =	rddreg [dreg:$0x2];
	s4 =	srdreg.scid  }
0x4: {  	s2 =	stileid.u32;
	s6 =	simm.s32 $0x0;
	s15 =	simm.s32 $0x140000  }
0x5: {  	s17 =	simm.s32 $0x100;
	s18 =	simm.s32 $0x180;
	s9 =	smul.u32 $0x28000, s2  }
0x6: {  	s29 =	simm.s32 $0xB000;
	s30 =	simm.s32 $0x1;
	s22 =	smul.u32 $0xA000, s2  }
0x7: {  	s31 =	simm.s32 $0x2;
	s4 =	sand.u32 $0x1, s4;
	s13 =	smul.u32 $0x2800, s2  }
0x8: {  	s5 =	sshll.u32 s2, $0x1;
	[smem:$0x7FF] =	sst s6;
	s14 =	smul.u32 $0x14000, s2  }
0x9: {  	s5 =	sor.u32 s4, s5;
	_ =	strace $0x8000004D;
	s7 =	ssub.s32 $0x2, s4  }
0xa: {  	p0 =	seq.s32 s4, $0x0;
	s19 =	smul.u32 $0x500, s5;
	s5 =	sadd.s32 $0x16400, s0  }
0xb: {  	s8 =	sshrl.u32 s7, $0x1;
	s21 =	sshrl.u32 s9, $0x2;
	s16 =	sadd.s32 s22, s3  }
0xc: {  	s15 =	simm.s32 @!p0 $0x140040;
	p0 =	sne.s32 s4, $0x0;
	s4 =	simm.s32 $0x5  }
0xd: {  	s7 =	ssub.s32 s7, s8;
	s8 =	sadd.s32 s21, s3;
	[dreg:$0x6] =	wrdreg s16  }
0xe: {  	s24 =	sadd.s32 s15, s14;
	s21 =	simm.s32 $0x4;
	s6 =	sadd.s32 s19, s0  }
0xf: {  	s0 =	sadd.s32 $0x2A400, s0;
	s9 =	sadd.s32 $0x2000, s8;
	s10 =	sadd.s32 $0x4000, s8  }
0x10: {  	s11 =	sadd.s32 $0x6000, s8;
	s12 =	sadd.s32 $0x8000, s8;
	s28 =	smax.u32 s7, $0x1  }
0x11: {  	s7 =	simm.s32 $0x7;
	s20 =	sadd.s32 $0x2400, s6;
	[dreg:$0xb] =	wrdreg s28  }
0x12: {  	s6 =	sadd.s32 $0xC400, s6;
	s23 =	sadd.s32 s0, s13;
	[dreg:$0x4] =	wrdreg s20  }
0x13: {  	s13 =	sshrl.u32 s24, $0x3;
	s24 =	simm.s32 $0x7000;
	[dreg:$0x5] =	wrdreg s6  }
0x14: {  	s6 =	sshrl.u32 s22, $0x3;
	[dreg:$0x7] =	wrdreg s23;
	s26 =	sadd.s32 $0x8, s23  }
0x15: {  	s0 =	sadd.s32 s0, s13;
	s20 =	simm.s32 $0x9;
	s22 =	simm.s32 $0x80  }
0x16: {  	s23 =	simm.s32 $0x5000;
	s13 =	simm.s32 $0x8;
	[dreg:$0x9] =	wrdreg s26  }
0x17: {  	s25 =	sadd.s32 s1, s6;
	s6 =	sadd.s32 s5, s6;
	[dreg:$0xc] =	wrdreg s0  }
0x18: {  	s26 =	simm.s32 $0x9000;
	s0 =	simm.s32 $0x3;
	[dreg:$0x8] =	wrdreg s25  }
0x19: {  	v0 =	vimm.f32 $0.0e+00;
	[dreg:$0xa] =	wrdreg s6;
	s6 =	simm.s32 $0x6;
	s25 =	simm.s32 $0x0  }
.LBB2_1:
0x1a: {  	s14 =	simm.s32 $0x0;
	s15 =	rddreg [dreg:$0x4]  }
0x1b: {  	[tilespmem:s14], [sflag:$0x9] =	stream.linear.gather [hbm4b:s15+s14], $0x2800, $0x38;
	[tilespmem:$0x19000] =	vst v63  }
0x1c: {  	_ =	swait.ge [sflag:s20], $0x2800  }
0x1d: {  	[sflag:s20] =	ssyncset.done $0x0  }
0x1e: {  	s16 =	simm.s32 $0x2800;
	s28 =	rddreg [dreg:$0x5];
	[sflag:s20] =	ssyncadd.s32 $0xFFFFD800  }
0x1f: {  	[tilespmem:s16], [sflag:$0x9] =	stream.linear.gather [hbm4b:s28+s14], $0x2800, $0x38;
	[tilespmem:$0x19000] =	vst v63  }
0x20: {  	_ =	swait.ge [sflag:s20], $0x2800  }
0x21: {  	[sflag:s20] =	ssyncset.done $0x0  }
0x22: {  	s15 =	simm.s32 $0x100;
	s14 =	simm.s32 $0x0;
	[sflag:s20] =	ssyncadd.s32 $0xFFFFD800  }
.LBB2_2:
0x23: {  	p1 =	sne.s32 s15, $0x7F00;
	[tilespmem:s14+$0xD030] =	vst v0;
	s19 =	smov.u32 s15;
	s15 =	sadd.s32 $0x100, s15  }
.Ltmp0:
0x24: {  	[tilespmem:s14+$0xD020] =	vst v0;
	(pc) =	sbr.rel @p1 .LBB2_2-.Ltmp0, $3  }
0x25: {  	[tilespmem:s14+$0xD000] =	vst v0  }
0x26: {  	[tilespmem:s14+$0xD010] =	vst v0;
	_ =	sdelay $0x1  }
0x27: {  	s14 =	sshra.s32 s19, $0x2  }
0x28: {  	[tilespmem:s14+$0xD030] =	vst v0  }
0x29: {  	[tilespmem:s14+$0xD020] =	vst v0  }
0x2a: {  	[tilespmem:s14+$0xD000] =	vst v0  }
0x2b: {  	[tilespmem:s14+$0xD010] =	vst v0;
	s14 =	simm.s32 @p0 $0xD000;
	s15 =	simm.s32 @p0 $0x9  }
0x2c: {  	[spmem:s8] =	stream.linear.scatter @p0 [tilespmem:s14], [sflag:$0x9], $0x2000, $0x38;
	[tilespmem:$0x19000] =	vst v63  }
0x2d: {  	_ =	swait.ge @p0 [sflag:s15], $0x2000  }
0x2e: {  	[sflag:s15] =	ssyncset.done @p0 $0x0  }
0x2f: {  	[sflag:s15] =	ssyncadd.s32 @p0 $0xFFFFE000  }
0x30: {  	[spmem:s9] =	stream.linear.scatter @p0 [tilespmem:s14], [sflag:$0x9], $0x2000, $0x38;
	[tilespmem:$0x19000] =	vst v63  }
0x31: {  	_ =	swait.ge @p0 [sflag:s15], $0x2000  }
0x32: {  	[sflag:s15] =	ssyncset.done @p0 $0x0  }
0x33: {  	[sflag:s15] =	ssyncadd.s32 @p0 $0xFFFFE000  }
0x34: {  	[spmem:s10] =	stream.linear.scatter @p0 [tilespmem:s14], [sflag:$0x9], $0x2000, $0x38;
	[tilespmem:$0x19000] =	vst v63  }
0x35: {  	_ =	swait.ge @p0 [sflag:s15], $0x2000  }
0x36: {  	[sflag:s15] =	ssyncset.done @p0 $0x0  }
0x37: {  	[sflag:s15] =	ssyncadd.s32 @p0 $0xFFFFE000  }
0x38: {  	[spmem:s11] =	stream.linear.scatter @p0 [tilespmem:s14], [sflag:$0x9], $0x2000, $0x38;
	[tilespmem:$0x19000] =	vst v63  }
0x39: {  	_ =	swait.ge @p0 [sflag:s15], $0x2000  }
0x3a: {  	[sflag:s15] =	ssyncset.done @p0 $0x0  }
0x3b: {  	[sflag:s15] =	ssyncadd.s32 @p0 $0xFFFFE000  }
0x3c: {  	[spmem:s12] =	stream.linear.scatter @p0 [tilespmem:s14], [sflag:$0x9], $0x2000, $0x38;
	[tilespmem:$0x19000] =	vst v63  }
0x3d: {  	s14 =	sshll.u32 @!p0 s2, $0x6;
	_ =	swait.ge @p0 [sflag:s15], $0x2000  }
0x3e: {  	s19 =	sor.u32 @!p0 $0x1C09, s14;
	[sflag:s15] =	ssyncset.done @p0 $0x0;
	s14 =	rddreg [dreg:$0x6]  }
0x3f: {  	[sflag:s15] =	ssyncadd.s32 @p0 $0xFFFFE000;
	s28 =	sshrl.u32 @!p0 s14, $0x3;
	s14 =	rddreg [dreg:$0x8]  }
0x40: {  	[spmem:s28], [sflag:s19] =	dma.local @!p0 [hbm:s14], $0x1400  }
0x41: {  	s14 =	simm.s32 @!p0 $0x9  }
0x42: {  	_ =	swait.ge @!p0 [sflag:s14], $0x1400  }
0x43: {  	[sflag:s14] =	ssyncset.done @!p0 $0x0  }
0x44: {  	[sflag:s14] =	ssyncadd.s32 @!p0 $0xFFFFEC00  }
0x45: {  	s15 =	simm.s32 $0x0;
	[bflag:$0x0] =	sbarrier.arrive $0xFFFF  }
0x46: {  	[tilespmem:s23], [sflag:$0x1] =	stream.indirect.gather [hbm4b:s1+s22], $0x40, s15, s22, $0xb8;
	[tilespmem:$0x19000] =	vst v63  }
0x47: {  	_ = 	snop  }
0x48: {  	[tilespmem:s24], [sflag:$0x2] =	stream.indirect.gather [hbm4b:s1+s22], $0x40, s22, s22, $0xb8;
	[tilespmem:$0x19000] =	vst v63  }
0x49: {  	_ = 	snop  }
0x4a: {  	[tilespmem:s26], [sflag:$0x3] =	stream.indirect.gather [hbm4b:s1+s22], $0x40, s17, s22, $0xb8;
	[tilespmem:$0x19000] =	vst v63  }
0x4b: {  	_ = 	snop  }
0x4c: {  	[tilespmem:s29], [sflag:$0x4] =	stream.indirect.gather [hbm4b:s1+s22], $0x40, s18, s22, $0xb8;
	[tilespmem:$0x19000] =	vst v63  }
0x4d: {  	_ =	swait.ge [sflag:s30], $0x2000  }
0x4e: {  	[sflag:s30] =	ssyncset.done $0x0  }
0x4f: {  	s16 =	simm.s32 $0x2800;
	[sflag:s30] =	ssyncadd.s32 $0xFFFFE000  }
0x50: {  	[spmem:s3] =	stream.indirect.scatter.add.f32 [tilespmem:s23], [sflag:$0x5], $0x40, s16, s22, $0xb8;
	[tilespmem:$0x19000] =	vst v63  }
0x51: {  	_ =	swait.ge [sflag:s31], $0x2000  }
0x52: {  	[sflag:s31] =	ssyncset.done $0x0  }
0x53: {  	s17 =	simm.s32 $0x2880;
	[sflag:s31] =	ssyncadd.s32 $0xFFFFE000  }
0x54: {  	[spmem:s3] =	stream.indirect.scatter.add.f32 [tilespmem:s24], [sflag:$0x6], $0x40, s17, s22, $0xb8;
	[tilespmem:$0x19000] =	vst v63  }
0x55: {  	_ =	swait.ge [sflag:s0], $0x2000  }
0x56: {  	[sflag:s0] =	ssyncset.done $0x0  }
0x57: {  	s18 =	simm.s32 $0x2900;
	[sflag:s0] =	ssyncadd.s32 $0xFFFFE000  }
0x58: {  	[spmem:s3] =	stream.indirect.scatter.add.f32 [tilespmem:s26], [sflag:$0x7], $0x40, s18, s22, $0xb8;
	[tilespmem:$0x19000] =	vst v63  }
0x59: {  	_ =	swait.ge [sflag:s21], $0x2000  }
0x5a: {  	[sflag:s21] =	ssyncset.done $0x0  }
0x5b: {  	s15 =	simm.s32 $0x2980;
	[sflag:s21] =	ssyncadd.s32 $0xFFFFE000  }
0x5c: {  	[spmem:s3] =	stream.indirect.scatter.add.f32 [tilespmem:s29], [sflag:$0x8], $0x40, s15, s22, $0xb8;
	[tilespmem:$0x19000] =	vst v63  }
0x5d: {  	_ =	swait.ge [sflag:s4], $0x2000  }
0x5e: {  	[sflag:s4] =	ssyncset.done $0x0  }
0x5f: {  	s16 =	simm.s32 $0x200;
	[sflag:s4] =	ssyncadd.s32 $0xFFFFE000  }
0x60: {  	[tilespmem:s23], [sflag:$0x1] =	stream.indirect.gather [hbm4b:s1+s22], $0x40, s16, s22, $0xb8;
	[tilespmem:$0x19000] =	vst v63  }
0x61: {  	_ =	swait.ge [sflag:s6], $0x2000  }
0x62: {  	[sflag:s6] =	ssyncset.done $0x0  }
0x63: {  	s17 =	simm.s32 $0x280;
	[sflag:s6] =	ssyncadd.s32 $0xFFFFE000  }
0x64: {  	[tilespmem:s24], [sflag:$0x2] =	stream.indirect.gather [hbm4b:s1+s22], $0x40, s17, s22, $0xb8;
	[tilespmem:$0x19000] =	vst v63  }
0x65: {  	_ =	swait.ge [sflag:s7], $0x2000  }
0x66: {  	[sflag:s7] =	ssyncset.done $0x0  }
0x67: {  	s18 =	simm.s32 $0x300;
	[sflag:s7] =	ssyncadd.s32 $0xFFFFE000  }
0x68: {  	[tilespmem:s26], [sflag:$0x3] =	stream.indirect.gather [hbm4b:s1+s22], $0x40, s18, s22, $0xb8;
	[tilespmem:$0x19000] =	vst v63  }
0x69: {  	_ =	swait.ge [sflag:s13], $0x2000  }
0x6a: {  	[sflag:s13] =	ssyncset.done $0x0  }
0x6b: {  	s14 =	simm.s32 $0x800;
	s15 =	simm.s32 $0x380;
	[sflag:s13] =	ssyncadd.s32 $0xFFFFE000  }
.LBB2_4:
0x6c: {  	[tilespmem:s29], [sflag:$0x4] =	stream.indirect.gather [hbm4b:s1+s22], $0x40, s15, s22, $0xb8;
	[tilespmem:$0x19000] =	vst v63  }
0x6d: {  	s15 =	smov.u32 s14  }
0x6e: {  	p1 =	sne.s32 s14, $0x9000;
	s14 =	sadd.s32 $0x800, s14;
	_ =	swait.ge [sflag:s30], $0x2000  }
0x6f: {  	s15 =	sshra.s32 s15, $0x2;
	[sflag:s30] =	ssyncset.done $0x0  }
0x70: {  	s16 =	sadd.s32 $0x2800, s15;
	[sflag:s30] =	ssyncadd.s32 $0xFFFFE000  }
0x71: {  	[spmem:s3] =	stream.indirect.scatter.add.f32 [tilespmem:s23], [sflag:$0x5], $0x40, s16, s22, $0xb8;
	[tilespmem:$0x19000] =	vst v63  }
0x72: {  	_ =	swait.ge [sflag:s31], $0x2000  }
0x73: {  	[sflag:s31] =	ssyncset.done $0x0  }
0x74: {  	s16 =	sadd.s32 $0x2880, s15;
	[sflag:s31] =	ssyncadd.s32 $0xFFFFE000  }
0x75: {  	[spmem:s3] =	stream.indirect.scatter.add.f32 [tilespmem:s24], [sflag:$0x6], $0x40, s16, s22, $0xb8;
	[tilespmem:$0x19000] =	vst v63  }
0x76: {  	_ =	swait.ge [sflag:s0], $0x2000  }
0x77: {  	[sflag:s0] =	ssyncset.done $0x0  }
0x78: {  	s16 =	sadd.s32 $0x2900, s15;
	[sflag:s0] =	ssyncadd.s32 $0xFFFFE000  }
0x79: {  	[spmem:s3] =	stream.indirect.scatter.add.f32 [tilespmem:s26], [sflag:$0x7], $0x40, s16, s22, $0xb8;
	[tilespmem:$0x19000] =	vst v63  }
0x7a: {  	_ =	swait.ge [sflag:s21], $0x2000  }
0x7b: {  	[sflag:s21] =	ssyncset.done $0x0  }
0x7c: {  	s16 =	sadd.s32 $0x2980, s15;
	[sflag:s21] =	ssyncadd.s32 $0xFFFFE000  }
0x7d: {  	[spmem:s3] =	stream.indirect.scatter.add.f32 [tilespmem:s29], [sflag:$0x8], $0x40, s16, s22, $0xb8;
	[tilespmem:$0x19000] =	vst v63  }
0x7e: {  	_ =	swait.ge [sflag:s4], $0x2000  }
0x7f: {  	[sflag:s4] =	ssyncset.done $0x0  }
0x80: {  	s16 =	sadd.s32 $0x200, s15;
	[sflag:s4] =	ssyncadd.s32 $0xFFFFE000  }
0x81: {  	[tilespmem:s23], [sflag:$0x1] =	stream.indirect.gather [hbm4b:s1+s22], $0x40, s16, s22, $0xb8;
	[tilespmem:$0x19000] =	vst v63  }
0x82: {  	_ =	swait.ge [sflag:s6], $0x2000  }
0x83: {  	[sflag:s6] =	ssyncset.done $0x0  }
0x84: {  	s16 =	sadd.s32 $0x280, s15;
	[sflag:s6] =	ssyncadd.s32 $0xFFFFE000  }
0x85: {  	[tilespmem:s24], [sflag:$0x2] =	stream.indirect.gather [hbm4b:s1+s22], $0x40, s16, s22, $0xb8;
	[tilespmem:$0x19000] =	vst v63  }
0x86: {  	_ =	swait.ge [sflag:s7], $0x2000  }
0x87: {  	[sflag:s7] =	ssyncset.done $0x0  }
.Ltmp1:
0x88: {  	s16 =	sadd.s32 $0x300, s15;
	[sflag:s7] =	ssyncadd.s32 $0xFFFFE000;
	(pc) =	sbr.rel @p1 .LBB2_4-.Ltmp1, $4  }
0x89: {  	[tilespmem:s26], [sflag:$0x3] =	stream.indirect.gather [hbm4b:s1+s22], $0x40, s16, s22, $0xb8;
	[tilespmem:$0x19000] =	vst v63  }
0x8a: {  	_ =	swait.ge [sflag:s13], $0x2000  }
0x8b: {  	[sflag:s13] =	ssyncset.done $0x0  }
0x8c: {  	s15 =	sadd.s32 $0x380, s15;
	[sflag:s13] =	ssyncadd.s32 $0xFFFFE000  }
0x8d: {  	[tilespmem:s29], [sflag:$0x4] =	stream.indirect.gather [hbm4b:s1+s22], $0x40, s15, s22, $0xb8;
	[tilespmem:$0x19000] =	vst v63  }
0x8e: {  	_ =	swait.ge [sflag:s30], $0x2000  }
0x8f: {  	[sflag:s30] =	ssyncset.done $0x0  }
0x90: {  	s14 =	simm.s32 $0x4E00;
	[sflag:s30] =	ssyncadd.s32 $0xFFFFE000  }
0x91: {  	[spmem:s3] =	stream.indirect.scatter.add.f32 [tilespmem:s23], [sflag:$0x5], $0x40, s14, s22, $0xb8;
	[tilespmem:$0x19000] =	vst v63  }
0x92: {  	_ =	swait.ge [sflag:s31], $0x2000  }
0x93: {  	[sflag:s31] =	ssyncset.done $0x0  }
0x94: {  	s15 =	simm.s32 $0x4E80;
	[sflag:s31] =	ssyncadd.s32 $0xFFFFE000  }
0x95: {  	[spmem:s3] =	stream.indirect.scatter.add.f32 [tilespmem:s24], [sflag:$0x6], $0x40, s15, s22, $0xb8;
	[tilespmem:$0x19000] =	vst v63  }
0x96: {  	_ =	swait.ge [sflag:s0], $0x2000  }
0x97: {  	[sflag:s0] =	ssyncset.done $0x0  }
0x98: {  	s16 =	simm.s32 $0x4F00;
	[sflag:s0] =	ssyncadd.s32 $0xFFFFE000  }
0x99: {  	[spmem:s3] =	stream.indirect.scatter.add.f32 [tilespmem:s26], [sflag:$0x7], $0x40, s16, s22, $0xb8;
	[tilespmem:$0x19000] =	vst v63  }
0x9a: {  	_ =	swait.ge [sflag:s21], $0x2000  }
0x9b: {  	[sflag:s21] =	ssyncset.done $0x0  }
0x9c: {  	s17 =	simm.s32 $0x4F80;
	[sflag:s21] =	ssyncadd.s32 $0xFFFFE000  }
0x9d: {  	[spmem:s3] =	stream.indirect.scatter.add.f32 [tilespmem:s29], [sflag:$0x8], $0x40, s17, s22, $0xb8;
	[tilespmem:$0x19000] =	vst v63  }
0x9e: {  	_ =	swait.ge [sflag:s4], $0x2000  }
0x9f: {  	[sflag:s4] =	ssyncset.done $0x0  }
0xa0: {  	[sflag:s4] =	ssyncadd.s32 $0xFFFFE000  }
0xa1: {  	_ =	swait.ge [sflag:s6], $0x2000  }
0xa2: {  	[sflag:s6] =	ssyncset.done $0x0  }
0xa3: {  	[sflag:s6] =	ssyncadd.s32 $0xFFFFE000  }
0xa4: {  	_ =	swait.ge [sflag:s7], $0x2000  }
0xa5: {  	[sflag:s7] =	ssyncset.done $0x0  }
0xa6: {  	[sflag:s7] =	ssyncadd.s32 $0xFFFFE000  }
0xa7: {  	_ =	swait.ge [sflag:s13], $0x2000  }
0xa8: {  	[sflag:s13] =	ssyncset.done $0x0  }
0xa9: {  	s18 =	simm.s32 @p0 $0x8;
	s14 =	sshll.u32 @p0 s2, $0x6;
	[sflag:s13] =	ssyncadd.s32 $0xFFFFE000  }
0xaa: {  	s14 =	sor.u32 @p0 $0x1C09, s14;
	s15 =	sshrl.u32 @p0 s8, $0x3;
	[bflag:$0x0] =	sbarrier.arrive $0xFFFF  }
0xab: {  	s16 =	simm.s32 @p0 $0x1;
	s17 =	simm.s32 @p0 $0x10;
	s2 =	rddreg [dreg:$0x9]  }
0xac: {  	[hbm:s2@s17], [sflag:s14] =	dma.strided @p0 [spmem:s15@s18], $0x1400, s16, $0x8   }
0xad: {  	s14 =	simm.s32 @p0 $0x9  }
0xae: {  	_ =	swait.ge @p0 [sflag:s14], $0x1400  }
0xaf: {  	[sflag:s14] =	ssyncset.done @p0 $0x0  }
0xb0: {  	s15 =	simm.s32 @p0 $0xD000;
	[sflag:s14] =	ssyncadd.s32 @p0 $0xFFFFEC00  }
0xb1: {  	[spmem:s8] =	stream.linear.scatter @p0 [tilespmem:s15], [sflag:$0x9], $0x2000, $0x38;
	[tilespmem:$0x19000] =	vst v63  }
0xb2: {  	_ =	swait.ge @p0 [sflag:s14], $0x2000  }
0xb3: {  	[sflag:s14] =	ssyncset.done @p0 $0x0  }
0xb4: {  	[sflag:s14] =	ssyncadd.s32 @p0 $0xFFFFE000  }
0xb5: {  	[spmem:s9] =	stream.linear.scatter @p0 [tilespmem:s15], [sflag:$0x9], $0x2000, $0x38;
	[tilespmem:$0x19000] =	vst v63  }
0xb6: {  	_ =	swait.ge @p0 [sflag:s14], $0x2000  }
0xb7: {  	[sflag:s14] =	ssyncset.done @p0 $0x0  }
0xb8: {  	[sflag:s14] =	ssyncadd.s32 @p0 $0xFFFFE000  }
0xb9: {  	[spmem:s10] =	stream.linear.scatter @p0 [tilespmem:s15], [sflag:$0x9], $0x2000, $0x38;
	[tilespmem:$0x19000] =	vst v63  }
0xba: {  	_ =	swait.ge @p0 [sflag:s14], $0x2000  }
0xbb: {  	[sflag:s14] =	ssyncset.done @p0 $0x0  }
0xbc: {  	[sflag:s14] =	ssyncadd.s32 @p0 $0xFFFFE000  }
0xbd: {  	[spmem:s11] =	stream.linear.scatter @p0 [tilespmem:s15], [sflag:$0x9], $0x2000, $0x38;
	[tilespmem:$0x19000] =	vst v63  }
0xbe: {  	_ =	swait.ge @p0 [sflag:s14], $0x2000  }
0xbf: {  	[sflag:s14] =	ssyncset.done @p0 $0x0  }
0xc0: {  	[sflag:s14] =	ssyncadd.s32 @p0 $0xFFFFE000  }
0xc1: {  	[spmem:s12] =	stream.linear.scatter @p0 [tilespmem:s15], [sflag:$0x9], $0x2000, $0x38;
	[tilespmem:$0x19000] =	vst v63  }
0xc2: {  	s16 =	simm.s32 @!p0 $0x10;
	_ =	swait.ge @p0 [sflag:s14], $0x2000  }
0xc3: {  	s17 =	simm.s32 @!p0 $0x8;
	s15 =	simm.s32 @!p0 $0x1;
	[sflag:s14] =	ssyncset.done @p0 $0x0  }
0xc4: {  	s18 =	rddreg [dreg:$0x7];
	[sflag:s14] =	ssyncadd.s32 @p0 $0xFFFFE000;
	s14 =	sshrl.u32 @!p0 s8, $0x3  }
0xc5: {  	[hbm:s18@s16], [sflag:s19] =	dma.strided @!p0 [spmem:s14@s17], $0x1400, s15, $0x8   }
0xc6: {  	s14 =	simm.s32 @!p0 $0x9  }
0xc7: {  	_ =	swait.ge @!p0 [sflag:s14], $0x1400  }
0xc8: {  	[sflag:s14] =	ssyncset.done @!p0 $0x0  }
0xc9: {  	s2 =	rddreg [dreg:$0xa];
	[sflag:s14] =	ssyncadd.s32 @!p0 $0xFFFFEC00  }
0xca: {  	[spmem:s28], [sflag:s19] =	dma.local @!p0 [hbm:s2], $0x1400  }
0xcb: {  	_ =	swait.ge @!p0 [sflag:s14], $0x1400  }
0xcc: {  	[sflag:s14] =	ssyncset.done @!p0 $0x0  }
0xcd: {  	[sflag:s14] =	ssyncadd.s32 @!p0 $0xFFFFEC00  }
0xce: {  	s18 =	simm.s32 $0x0;
	[bflag:$0x0] =	sbarrier.arrive $0xFFFF  }
0xcf: {  	[tilespmem:s23], [sflag:$0x1] =	stream.indirect.gather [hbm4b:s5+s22], $0x40, s18, s22, $0xb8;
	[tilespmem:$0x19000] =	vst v63  }
0xd0: {  	_ = 	snop  }
0xd1: {  	[tilespmem:s24], [sflag:$0x2] =	stream.indirect.gather [hbm4b:s5+s22], $0x40, s22, s22, $0xb8;
	[tilespmem:$0x19000] =	vst v63  }
0xd2: {  	s17 =	simm.s32 $0x100  }
0xd3: {  	[tilespmem:s26], [sflag:$0x3] =	stream.indirect.gather [hbm4b:s5+s22], $0x40, s17, s22, $0xb8;
	[tilespmem:$0x19000] =	vst v63  }
0xd4: {  	s18 =	simm.s32 $0x180  }
0xd5: {  	[tilespmem:s29], [sflag:$0x4] =	stream.indirect.gather [hbm4b:s5+s22], $0x40, s18, s22, $0xb8;
	[tilespmem:$0x19000] =	vst v63  }
0xd6: {  	_ =	swait.ge [sflag:s30], $0x2000  }
0xd7: {  	[sflag:s30] =	ssyncset.done $0x0  }
0xd8: {  	s19 =	simm.s32 $0x2800;
	[sflag:s30] =	ssyncadd.s32 $0xFFFFE000  }
0xd9: {  	[spmem:s3] =	stream.indirect.scatter.add.f32 [tilespmem:s23], [sflag:$0x5], $0x40, s19, s22, $0xb8;
	[tilespmem:$0x19000] =	vst v63  }
0xda: {  	_ =	swait.ge [sflag:s31], $0x2000  }
0xdb: {  	[sflag:s31] =	ssyncset.done $0x0  }
0xdc: {  	s28 =	simm.s32 $0x2880;
	[sflag:s31] =	ssyncadd.s32 $0xFFFFE000  }
0xdd: {  	[spmem:s3] =	stream.indirect.scatter.add.f32 [tilespmem:s24], [sflag:$0x6], $0x40, s28, s22, $0xb8;
	[tilespmem:$0x19000] =	vst v63  }
0xde: {  	_ =	swait.ge [sflag:s0], $0x2000  }
0xdf: {  	[sflag:s0] =	ssyncset.done $0x0  }
0xe0: {  	s2 =	simm.s32 $0x2900;
	[sflag:s0] =	ssyncadd.s32 $0xFFFFE000  }
0xe1: {  	[spmem:s3] =	stream.indirect.scatter.add.f32 [tilespmem:s26], [sflag:$0x7], $0x40, s2, s22, $0xb8;
	[tilespmem:$0x19000] =	vst v63  }
0xe2: {  	_ =	swait.ge [sflag:s21], $0x2000  }
0xe3: {  	[sflag:s21] =	ssyncset.done $0x0  }
0xe4: {  	s15 =	simm.s32 $0x2980;
	[sflag:s21] =	ssyncadd.s32 $0xFFFFE000  }
0xe5: {  	[spmem:s3] =	stream.indirect.scatter.add.f32 [tilespmem:s29], [sflag:$0x8], $0x40, s15, s22, $0xb8;
	[tilespmem:$0x19000] =	vst v63  }
0xe6: {  	_ =	swait.ge [sflag:s4], $0x2000  }
0xe7: {  	[sflag:s4] =	ssyncset.done $0x0  }
0xe8: {  	s16 =	simm.s32 $0x200;
	[sflag:s4] =	ssyncadd.s32 $0xFFFFE000  }
0xe9: {  	[tilespmem:s23], [sflag:$0x1] =	stream.indirect.gather [hbm4b:s5+s22], $0x40, s16, s22, $0xb8;
	[tilespmem:$0x19000] =	vst v63  }
0xea: {  	_ =	swait.ge [sflag:s6], $0x2000  }
0xeb: {  	[sflag:s6] =	ssyncset.done $0x0  }
0xec: {  	s19 =	simm.s32 $0x280;
	[sflag:s6] =	ssyncadd.s32 $0xFFFFE000  }
0xed: {  	[tilespmem:s24], [sflag:$0x2] =	stream.indirect.gather [hbm4b:s5+s22], $0x40, s19, s22, $0xb8;
	[tilespmem:$0x19000] =	vst v63  }
0xee: {  	_ =	swait.ge [sflag:s7], $0x2000  }
0xef: {  	[sflag:s7] =	ssyncset.done $0x0  }
0xf0: {  	s28 =	simm.s32 $0x300;
	[sflag:s7] =	ssyncadd.s32 $0xFFFFE000  }
0xf1: {  	[tilespmem:s26], [sflag:$0x3] =	stream.indirect.gather [hbm4b:s5+s22], $0x40, s28, s22, $0xb8;
	[tilespmem:$0x19000] =	vst v63  }
0xf2: {  	_ =	swait.ge [sflag:s13], $0x2000  }
0xf3: {  	[sflag:s13] =	ssyncset.done $0x0  }
0xf4: {  	s14 =	simm.s32 $0x800;
	s15 =	simm.s32 $0x380;
	[sflag:s13] =	ssyncadd.s32 $0xFFFFE000  }
.LBB2_6:
0xf5: {  	[tilespmem:s29], [sflag:$0x4] =	stream.indirect.gather [hbm4b:s5+s22], $0x40, s15, s22, $0xb8;
	[tilespmem:$0x19000] =	vst v63  }
0xf6: {  	s15 =	smov.u32 s14  }
0xf7: {  	p1 =	sne.s32 s14, $0x9000;
	s14 =	sadd.s32 $0x800, s14;
	_ =	swait.ge [sflag:s30], $0x2000  }
0xf8: {  	s15 =	sshra.s32 s15, $0x2;
	[sflag:s30] =	ssyncset.done $0x0  }
0xf9: {  	s16 =	sadd.s32 $0x2800, s15;
	[sflag:s30] =	ssyncadd.s32 $0xFFFFE000  }
0xfa: {  	[spmem:s3] =	stream.indirect.scatter.add.f32 [tilespmem:s23], [sflag:$0x5], $0x40, s16, s22, $0xb8;
	[tilespmem:$0x19000] =	vst v63  }
0xfb: {  	_ =	swait.ge [sflag:s31], $0x2000  }
0xfc: {  	[sflag:s31] =	ssyncset.done $0x0  }
0xfd: {  	s16 =	sadd.s32 $0x2880, s15;
	[sflag:s31] =	ssyncadd.s32 $0xFFFFE000  }
0xfe: {  	[spmem:s3] =	stream.indirect.scatter.add.f32 [tilespmem:s24], [sflag:$0x6], $0x40, s16, s22, $0xb8;
	[tilespmem:$0x19000] =	vst v63  }
0xff: {  	_ =	swait.ge [sflag:s0], $0x2000  }
0x100: {  	[sflag:s0] =	ssyncset.done $0x0  }
0x101: {  	s16 =	sadd.s32 $0x2900, s15;
	[sflag:s0] =	ssyncadd.s32 $0xFFFFE000  }
0x102: {  	[spmem:s3] =	stream.indirect.scatter.add.f32 [tilespmem:s26], [sflag:$0x7], $0x40, s16, s22, $0xb8;
	[tilespmem:$0x19000] =	vst v63  }
0x103: {  	_ =	swait.ge [sflag:s21], $0x2000  }
0x104: {  	[sflag:s21] =	ssyncset.done $0x0  }
0x105: {  	s16 =	sadd.s32 $0x2980, s15;
	[sflag:s21] =	ssyncadd.s32 $0xFFFFE000  }
0x106: {  	[spmem:s3] =	stream.indirect.scatter.add.f32 [tilespmem:s29], [sflag:$0x8], $0x40, s16, s22, $0xb8;
	[tilespmem:$0x19000] =	vst v63  }
0x107: {  	_ =	swait.ge [sflag:s4], $0x2000  }
0x108: {  	[sflag:s4] =	ssyncset.done $0x0  }
0x109: {  	s16 =	sadd.s32 $0x200, s15;
	[sflag:s4] =	ssyncadd.s32 $0xFFFFE000  }
0x10a: {  	[tilespmem:s23], [sflag:$0x1] =	stream.indirect.gather [hbm4b:s5+s22], $0x40, s16, s22, $0xb8;
	[tilespmem:$0x19000] =	vst v63  }
0x10b: {  	_ =	swait.ge [sflag:s6], $0x2000  }
0x10c: {  	[sflag:s6] =	ssyncset.done $0x0  }
0x10d: {  	s16 =	sadd.s32 $0x280, s15;
	[sflag:s6] =	ssyncadd.s32 $0xFFFFE000  }
0x10e: {  	[tilespmem:s24], [sflag:$0x2] =	stream.indirect.gather [hbm4b:s5+s22], $0x40, s16, s22, $0xb8;
	[tilespmem:$0x19000] =	vst v63  }
0x10f: {  	_ =	swait.ge [sflag:s7], $0x2000  }
0x110: {  	[sflag:s7] =	ssyncset.done $0x0  }
.Ltmp2:
0x111: {  	s16 =	sadd.s32 $0x300, s15;
	[sflag:s7] =	ssyncadd.s32 $0xFFFFE000;
	(pc) =	sbr.rel @p1 .LBB2_6-.Ltmp2, $4  }
0x112: {  	[tilespmem:s26], [sflag:$0x3] =	stream.indirect.gather [hbm4b:s5+s22], $0x40, s16, s22, $0xb8;
	[tilespmem:$0x19000] =	vst v63  }
0x113: {  	_ =	swait.ge [sflag:s13], $0x2000  }
0x114: {  	[sflag:s13] =	ssyncset.done $0x0  }
0x115: {  	s15 =	sadd.s32 $0x380, s15;
	[sflag:s13] =	ssyncadd.s32 $0xFFFFE000  }
0x116: {  	[tilespmem:s29], [sflag:$0x4] =	stream.indirect.gather [hbm4b:s5+s22], $0x40, s15, s22, $0xb8;
	[tilespmem:$0x19000] =	vst v63  }
0x117: {  	_ =	swait.ge [sflag:s30], $0x2000  }
0x118: {  	[sflag:s30] =	ssyncset.done $0x0  }
0x119: {  	s2 =	simm.s32 $0x4E00;
	[sflag:s30] =	ssyncadd.s32 $0xFFFFE000  }
0x11a: {  	[spmem:s3] =	stream.indirect.scatter.add.f32 [tilespmem:s23], [sflag:$0x5], $0x40, s2, s22, $0xb8;
	[tilespmem:$0x19000] =	vst v63  }
0x11b: {  	_ =	swait.ge [sflag:s31], $0x2000  }
0x11c: {  	[sflag:s31] =	ssyncset.done $0x0  }
0x11d: {  	s15 =	simm.s32 $0x4E80;
	[sflag:s31] =	ssyncadd.s32 $0xFFFFE000  }
0x11e: {  	[spmem:s3] =	stream.indirect.scatter.add.f32 [tilespmem:s24], [sflag:$0x6], $0x40, s15, s22, $0xb8;
	[tilespmem:$0x19000] =	vst v63  }
0x11f: {  	_ =	swait.ge [sflag:s0], $0x2000  }
0x120: {  	[sflag:s0] =	ssyncset.done $0x0  }
0x121: {  	s16 =	simm.s32 $0x4F00;
	[sflag:s0] =	ssyncadd.s32 $0xFFFFE000  }
0x122: {  	[spmem:s3] =	stream.indirect.scatter.add.f32 [tilespmem:s26], [sflag:$0x7], $0x40, s16, s22, $0xb8;
	[tilespmem:$0x19000] =	vst v63  }
0x123: {  	_ =	swait.ge [sflag:s21], $0x2000  }
0x124: {  	[sflag:s21] =	ssyncset.done $0x0  }
0x125: {  	s19 =	simm.s32 $0x4F80;
	[sflag:s21] =	ssyncadd.s32 $0xFFFFE000  }
0x126: {  	[spmem:s3] =	stream.indirect.scatter.add.f32 [tilespmem:s29], [sflag:$0x8], $0x40, s19, s22, $0xb8;
	[tilespmem:$0x19000] =	vst v63  }
0x127: {  	_ =	swait.ge [sflag:s4], $0x2000  }
0x128: {  	[sflag:s4] =	ssyncset.done $0x0  }
0x129: {  	[sflag:s4] =	ssyncadd.s32 $0xFFFFE000  }
0x12a: {  	_ =	swait.ge [sflag:s6], $0x2000  }
0x12b: {  	[sflag:s6] =	ssyncset.done $0x0  }
0x12c: {  	[sflag:s6] =	ssyncadd.s32 $0xFFFFE000  }
0x12d: {  	_ =	swait.ge [sflag:s7], $0x2000  }
0x12e: {  	[sflag:s7] =	ssyncset.done $0x0  }
0x12f: {  	[sflag:s7] =	ssyncadd.s32 $0xFFFFE000  }
0x130: {  	_ =	swait.ge [sflag:s13], $0x2000  }
0x131: {  	[sflag:s13] =	ssyncset.done $0x0  }
0x132: {  	s2 =	stileid.u32;
	[sflag:s13] =	ssyncadd.s32 $0xFFFFE000  }
0x133: {  	s28 =	sshrl.u32 s8, $0x3;
	s14 =	sshll.u32 s2, $0x6;
	[bflag:$0x0] =	sbarrier.arrive $0xFFFF  }
0x134: {  	s14 =	sor.u32 $0x1C09, s14;
	s19 =	simm.s32 $0x10;
	s16 =	rddreg [dreg:$0xc]  }
0x135: {  	[hbm:s16@s19], [sflag:s14] =	dma.strided [spmem:s28@s13], $0x1400, s30, $0x8   }
0x136: {  	_ =	swait.ge [sflag:s20], $0x1400  }
0x137: {  	s25 =	sadd.s32 $0x1, s25;
	s28 =	rddreg [dreg:$0xb]  }
0x138: {  	p1 =	sne.s32 s25, s28  }
.Ltmp3:
0x139: {  	_ = 	snop;
	(pc) =	sbr.rel @p1 .LBB2_1-.Ltmp3, $3  }
0x13a: {  	_ =	sdelay $0x1  }
0x13b: {  	[sflag:s20] =	ssyncset.done $0x0  }
0x13c: {  	[sflag:s20] =	ssyncadd.s32 $0xFFFFEC00  }
0x13d: {  	_ =	sfence.sel $0x180000  }
0x13e: {  	[bflag:$0x0] =	sbarrier.arrive $0xFFFF  }
0x13f: {  	_ =	strace $0x9000004D  }
0x140: {  	[bflag:$0x2] =	sbarrier.arrive $0xFFFF  }
0x141: {  	p0 =	sne.s32 s2, $0x0;
	s0 =	rddreg [dreg:$0x3]  }
0x142: {  	s0 =	sadd.s32 @!p0 $0x100000, s0  }
0x143: {  	[sflag:s0] =	ssyncadd.tile.s32 @!p0 $0x1;
	_ =	shalt  }
.Lfunc_end2:
_tile_overlayer_lowered:
.L_overlay_start_2:
0x144: {  	(tag) =	ssettag $0x2  }
0x145: {  	s0 =	rddreg [dreg:$0x0];
	s2 =	stileid.u32  }
0x146: {  	s1 =	rddreg [dreg:$0x1];
	p0 =	sne.s32 s2, $0x0  }
0x147: {  	s3 =	rddreg [dreg:$0x2];
	[bflag:$0x3] =	sbarrier.arrive $0xFFFF;
	s2 =	simm.s32 @!p0 $0x1C09  }
0x148: {  	[timem:s3], [sflag:s2] =	dma.local @!p0 [hbm:s0], s1  }
0x149: {  	s0 =	simm.s32 @!p0 $0x9  }
0x14a: {  	_ =	swait.ge @!p0 [sflag:s0], s1  }
0x14b: {  	s1 =	ssub.s32 @!p0 $0x0, s1;
	[sflag:s0] =	ssyncset.done @!p0 $0x0  }
0x14c: {  	[sflag:s0] =	ssyncadd.s32 @!p0 s1  }
0x14d: {  	[bflag:$0x3] =	sbarrier.arrive $0xFFFF  }
0x14e: {  	_ =	shalt  }

// kernel: kernel.9.cloned.1.call-start
scs
__scs_entry_jumppad:
0x0: {  	(pc) =	sbr.rel $0x88, $3  }
0x1: {  	(tag) =	ssettag $0x0;
	lr =	simm.s32 $0x1  }
0x2: {  	[smem:$0x3F9B] =	sst lr;
	_ =	strace $0xD0000000  }
0x3: {  	_ = 	snop  }
0x4: {  	_ = 	snop  }
0x5: {  	_ = 	snop  }
0x6: {  	_ = 	snop  }
0x7: {  	_ = 	snop  }
__scs_overlays_trampoline_lowered:
0x8: {  	[smem:$0x3FAA] =	sst s0  }
0x9: {  	[smem:$0x3FAB] =	sst s1  }
0xa: {  	[smem:$0x3FAC] =	sst s2  }
0xb: {  	[smem:$0x3FAD] =	sst s3  }
0xc: {  	[smem:$0x3FAE] =	sst s4  }
0xd: {  	[smem:$0x3FAF] =	sst s5  }
0xe: {  	[smem:$0x3FB0] =	sst s6  }
0xf: {  	[smem:$0x3FB1] =	sst s7  }
0x10: {  	[smem:$0x3FB2] =	sst s8  }
0x11: {  	[smem:$0x3FB3] =	sst s9;
	s0 =	simm.s32 @!p0 $0x0  }
0x12: {  	s1 =	sld [smem:$0x3F99];
	s0 =	simm.s32 @p0 $0x1  }
0x13: {  	[smem:$0x3FB4] =	sst s0;
	s0 =	simm.s32 @!p1 $0x0  }
0x14: {  	s2 =	sld [smem:$0x3F98];
	s0 =	simm.s32 @p1 $0x1  }
0x15: {  	[smem:$0x3FB5] =	sst s0;
	s0 =	simm.s32 @!p2 $0x0  }
0x16: {  	s3 =	sld [smem:$0x3FDB];
	s0 =	simm.s32 @p2 $0x1  }
0x17: {  	s4 =	simm.s32 $0x1BF5;
	[smem:$0x3FB7] =	sst s0  }
0x18: {  	s0 =	sld [smem:$0x3F9A];
	_ =	swait.ge [sflag:s4], $0x0  }
0x19: {  	s7 =	sld [smem:$0x3F9B]  }
0x1a: {  	s8 =	sadd.s32 $0xFFFFE003, lr  }
0x1b: {  	s9 =	sadd.s32 $0xFFFFFEF7, lr;
	s5 =	simm.s32 $0xFFFFFFFF;
	p2 =	slt.u32 s8, $0xFFFFF086  }
0x1c: {  	p1 =	slt.u32 s9, $0xF7A;
	s5 =	simm.s32 @!p2 $0x0  }
0x1d: {  	s5 =	simm.s32 @p1 $0x1;
	p0 =	seq.s32 s7, s2  }
0x1e: {  	s7 =	smul.u32 @!p0 $0xF7A, s2;
	p2 =	seq.s32 @!p0 s5, $0x0  }
0x1f: {  	s9 =	smul.u32 $0xF7A, s1;
	s8 =	simm.s32 @!p0 $0x1BF5;
	p2 =	por !p2, p0  }
0x20: {  	[sflag:s8] =	ssyncset.s32 @!p0 $0xFFFFF086;
	s6 =	sadd.s32 @!p0 s3, s7;
	s7 =	simm.s32 @!p0 $0x108  }
0x21: {  	s3 =	sadd.s32 s3, s9;
	s6 =	sadd.s32 @!p0 $0x88, s6;
	s7 =	simm.s32 @p2 $0x1082  }
0x22: {  	[simem:s7], [sflag:s8] =	dma.local @!p0 [hbm:s6], $0xF7A  }
0x23: {  	s9 =	sor.u32 $0xD0000000, s2;
	s6 =	simm.s32 $0x108;
	_ =	swait.ge @!p0 [sflag:s8], $0x0  }
0x24: {  	s3 =	sadd.s32 $0x88, s3;
	s6 =	simm.s32 @!p1 $0x1082;
	[sflag:s4] =	ssyncset.s32 $0xFFFFF086  }
0x25: {  	[simem:s6], [sflag:s4] =	dma.local [hbm:s3], $0xF7A  }
0x26: {  	[smem:$0x3F9B] =	sst s1;
	(tag) =	ssettag s2;
	_ =	strace s9  }
0x27: {  	s1 =	sld [smem:$0x3FAB]  }
0x28: {  	s2 =	sld [smem:$0x3FAC]  }
0x29: {  	s4 =	sld [smem:$0x3FAE]  }
0x2a: {  	p0 =	seq.s32 s5, $0x0;
	s5 =	sld [smem:$0x3FAF]  }
0x2b: {  	s6 =	sld [smem:$0x3FB0]  }
0x2c: {  	s7 =	sld [smem:$0x3FB1]  }
0x2d: {  	s3 =	simm.s32 $0x108;
	s8 =	sld [smem:$0x3FB2]  }
0x2e: {  	s3 =	simm.s32 @!p0 $0x1082;
	s9 =	sld [smem:$0x3FB3]  }
0x2f: {  	lr =	sadd.s32 s0, s3;
	s0 =	sld [smem:$0x3FAA]  }
0x30: {  	s3 =	sld [smem:$0x3FAD]  }
0x31: {  	[smem:$0x3FB6] =	sst s10  }
0x32: {  	s10 =	sld [smem:$0x3FB4];
	_ =	sdelay $0x3  }
0x33: {  	p0 =	seq.s32 s10, $0x1;
	s10 =	sld [smem:$0x3FB6];
	_ =	sdelay $0x3  }
0x34: {  	[smem:$0x3FB6] =	sst s10  }
0x35: {  	s10 =	sld [smem:$0x3FB5];
	_ =	sdelay $0x3  }
0x36: {  	p1 =	seq.s32 s10, $0x1;
	s10 =	sld [smem:$0x3FB6];
	_ =	sdelay $0x3  }
0x37: {  	[smem:$0x3FB6] =	sst s10  }
0x38: {  	s10 =	sld [smem:$0x3FB7]  }
0x39: {  	_ = 	snop;
	(pc) =	sbr.ind lr, $3  }
0x3a: {  	_ = 	snop  }
0x3b: {  	_ = 	snop  }
0x3c: {  	p2 =	seq.s32 s10, $0x1;
	s10 =	sld [smem:$0x3FB6]  }
0x3d: {  	_ =	shalt  }
0x3e: {  	_ =	shalt  }
0x3f: {  	_ =	shalt  }
0x40: {  	_ =	shalt  }
0x41: {  	_ =	shalt  }
0x42: {  	_ =	shalt  }
0x43: {  	_ =	shalt  }
0x44: {  	_ =	shalt  }
0x45: {  	_ =	shalt  }
0x46: {  	_ =	shalt  }
0x47: {  	_ =	shalt  }
0x48: {  	_ =	shalt  }
0x49: {  	_ =	shalt  }
0x4a: {  	_ =	shalt  }
0x4b: {  	_ =	shalt  }
0x4c: {  	_ =	shalt  }
0x4d: {  	_ =	shalt  }
0x4e: {  	_ =	shalt  }
0x4f: {  	_ =	shalt  }
0x50: {  	_ =	shalt  }
0x51: {  	_ =	shalt  }
0x52: {  	_ =	shalt  }
0x53: {  	_ =	shalt  }
0x54: {  	_ =	shalt  }
0x55: {  	_ =	shalt  }
0x56: {  	_ =	shalt  }
0x57: {  	_ =	shalt  }
0x58: {  	_ =	shalt  }
0x59: {  	_ =	shalt  }
0x5a: {  	_ =	shalt  }
0x5b: {  	_ =	shalt  }
0x5c: {  	_ =	shalt  }
0x5d: {  	_ =	shalt  }
0x5e: {  	_ =	shalt  }
0x5f: {  	_ =	shalt  }
0x60: {  	_ =	shalt  }
0x61: {  	_ =	shalt  }
0x62: {  	_ =	shalt  }
0x63: {  	_ =	shalt  }
0x64: {  	_ =	shalt  }
0x65: {  	_ =	shalt  }
0x66: {  	_ =	shalt  }
0x67: {  	_ =	shalt  }
0x68: {  	_ =	shalt  }
0x69: {  	_ =	shalt  }
0x6a: {  	_ =	shalt  }
0x6b: {  	_ =	shalt  }
0x6c: {  	_ =	shalt  }
0x6d: {  	_ =	shalt  }
0x6e: {  	_ =	shalt  }
0x6f: {  	_ =	shalt  }
0x70: {  	_ =	shalt  }
0x71: {  	_ =	shalt  }
0x72: {  	_ =	shalt  }
0x73: {  	_ =	shalt  }
0x74: {  	_ =	shalt  }
0x75: {  	_ =	shalt  }
0x76: {  	_ =	shalt  }
0x77: {  	_ =	shalt  }
0x78: {  	_ =	shalt  }
0x79: {  	_ =	shalt  }
0x7a: {  	_ =	shalt  }
0x7b: {  	_ =	shalt  }
0x7c: {  	_ =	shalt  }
0x7d: {  	_ =	shalt  }
0x7e: {  	_ =	shalt  }
0x7f: {  	_ =	shalt  }
0x80: {  	_ =	shalt  }
0x81: {  	_ =	shalt  }
0x82: {  	_ =	shalt  }
0x83: {  	_ =	shalt  }
0x84: {  	_ =	shalt  }
0x85: {  	_ =	shalt  }
0x86: {  	_ =	shalt  }
0x87: {  	_ =	shalt  }
.Lfunc_end0:
.L_simem_size_0:
called_computation_lowered:
.L_overlay_start_0:
0x88: {  	s2 =	sld [smem:$0x3FD9]  }
0x89: {  	s3 =	sld [smem:$0x3FFE];
	_ =	sdelay $0x1  }
0x8a: {  	s1 =	srdreg.scid  }
0x8b: {  	s0 =	sand.u32 $0x1, s1  }
0x8c: {  	s17 =	sshll.u32 s0, $0xA;
	s2 =	sadd.s32 s3, s2  }
0x8d: {  	s2 =	sadd.s32 s2, s17  }
0x8e: {  	[smem:$0x3FC2] =	sst s2  }
0x8f: {  	_ = 	snop  }
0x90: {  	s2 =	sld [smem:$0x3FD0];
	(tm) =	ssettm $0x1  }
0x91: {  	s18 =	sld [smem:$0x3FFB];
	_ =	sdelay $0x3  }
0x92: {  	_ =	strace s18  }
0x93: {  	s3 =	sld [smem:$0x3FFC];
	_ =	sdelay $0x3  }
0x94: {  	_ =	strace s3  }
0x95: {  	s3 =	sld [smem:$0x3FFD];
	_ =	sdelay $0x3  }
0x96: {  	_ =	strace s3  }
0x97: {  	_ =	strace $0x8FFFFFFF  }
0x98: {  	s19 =	sld [smem:$0x3FDB];
	_ =	sdelay $0x1  }
0x99: {  	s4 =	simm.s32 $_scs_section_size  }
0x9a: {  	s5 =	simm.s32 $_size__tile_overlayer_lowered;
	s6 =	simm.s32 $_tile_overlayer_lowered  }
0x9b: {  	s22 =	simm.s32 $0x1BFF;
	s21 =	sshll.u32 s6, $0x1;
	s3 =	sadd.s32 s4, s19  }
0x9c: {  	s7 =	simm.s32 $0x0;
	s20 =	sshll.u32 s5, $0x1;
	s5 =	sadd.s32 s21, s3  }
0x9d: {  	[timem:s7], [sflag:s22] =	dma.local [hbm:s5], s20  }
0x9e: {  	_ =	swait.ge [sflag:s22], s20  }
0x9f: {  	s4 =	ssub.s32 $0x0, s20;
	[sflag:s22] =	ssyncset.done $0x0  }
0xa0: {  	[sflag:s22] =	ssyncadd.s32 s4;
	_ =	sdelay $0x1  }
0xa1: {  	s23 =	simm.s32 $0x1B8B  }
0xa2: {  	_ =	swait.ge [sflag:s23], $0x1  }
0xa3: {  	[sflag:s23] =	ssyncset.done $0x0  }
0xa4: {  	s25 =	simm.s32 $0x1B8E;
	s24 =	sld [smem:$0x3FFE];
	[sflag:s23] =	ssyncadd.s32 $0xFFFFFFFF  }
0xa5: {  	s26 =	simm.s32 $execute0_lowered;
	[smem:$0x3FD2] =	sst s25  }
0xa6: {  	s5 =	sshll.u32 s26, $0x1;
	_ =	strace $0x80000046;
	[dreg:$0x1] =	wrdreg $0xFFFFFFFF  }
0xa7: {  	s28 =	simm.s32 $_size_execute0_lowered;
	s3 =	sadd.s32 s3, s5;
	[dreg:$0x0] =	wrdreg $0x0  }
0xa8: {  	s5 =	sshll.u32 s28, $0x1;
	[dreg:$0x2] =	wrdreg s3  }
0xa9: {  	[dreg:$0x3] =	wrdreg s5  }
0xaa: {  	[dreg:$0x4] =	wrdreg $0xC0  }
0xab: {  	_ =	task [dreg:s7], $0x5FFFF  }
0xac: {  	[dreg:$0x1] =	wrdreg $0xFFFFFFFF  }
0xad: {  	[dreg:$0x0] =	wrdreg $0x60  }
0xae: {  	[dreg:$0x2] =	wrdreg s24  }
0xaf: {  	[dreg:$0x3] =	wrdreg s2  }
0xb0: {  	[dreg:$0x4] =	wrdreg $0x2B000  }
0xb1: {  	[dreg:$0x5] =	wrdreg $0x9  }
0xb2: {  	_ =	task.clear_ibuf [dreg:s7], $0x6FFFF;
	_ =	strace $0x90000046  }
0xb3: {  	s29 =	simm.s32 $0x9;
	_ =	strace $0x80000048  }
0xb4: {  	_ =	swait.ge [sflag:s29], $0x1  }
0xb5: {  	[sflag:s29] =	ssyncadd.s32 $0xFFFFFFFF  }
0xb6: {  	_ =	strace $0x90000048  }
0xb7: {  	_ =	sfence  }
0xb8: {  	s30 =	sld [smem:$0x0];
	_ =	sdelay $0x2  }
0xb9: {  	s31 =	sshll.u32 s1, $0xD;
	s1 =	sshrl.u32 s1, $0x2  }
0xba: {  	s3 =	sand.u32 $0x4000, s31;
	s1 =	sadd.s32 s1, s30  }
0xbb: {  	s0 =	sor.u32 s3, s0;
	s1 =	sshll.u32 s1, $0x11  }
0xbc: {  	s0 =	sor.u32 s1, s0  }
0xbd: {  	s0 =	sadd.s32 $0x8F2B, s0  }
0xbe: {  	[sflag:s0] =	ssyncadd.remote.s32 $0x1  }
0xbf: {  	_ =	sfence.sel $0xFFFF  }
0xc0: {  	[dreg:$0x0] =	wrdreg $0xFFFFFFFF;
	(pc) =	sbr.abs _section_cstart, $3  }
0xc1: {  	[dreg:$0x1] =	wrdreg $0xFFFFFFFF  }
0xc2: {  	_ =	task.clear_ibuf [dreg:s7], $0x2FFFF;
	_ =	strace $0x9FFFFFFF  }
0xc3: {  	(tm) =	ssettm $0x7FFFFFFF  }
tec
execute0_lowered:
.L_overlay_start_1:
0x0: {  	(tag) =	ssettag $0x1  }
0x1: {  	s4 =	rddreg [dreg:$0x0];
	s1 =	srdreg.scid  }
0x2: {  	s0 =	stileid.u32;
	s6 =	rddreg [dreg:$0x1]  }
0x3: {  	s2 =	rddreg [dreg:$0x2];
	s3 =	simm.s32 $0x0;
	s11 =	simm.s32 $0x2800  }
0x4: {  	s14 =	simm.s32 $0x20;
	s15 =	simm.s32 $0x10;
	s16 =	simm.s32 $0x0  }
0x5: {  	s5 =	sand.u32 $0x1, s1;
	s1 =	rddreg [dreg:$0x3];
	s8 =	smul.u32 $0xA00, s0  }
0x6: {  	s26 =	sshll.u32 s0, $0x1;
	[smem:$0x7FF] =	sst s3;
	s10 =	smul.u32 $0x500, s0  }
0x7: {  	s12 =	sshll.u32 s0, $0x6;
	s7 =	sor.u32 s5, s26;
	_ =	strace $0x80000047  }
0x8: {  	s9 =	ssub.s32 $0x2, s5;
	s5 =	sshll.u32 s5, $0x7;
	s12 =	sor.u32 $0x1C01, s12  }
0x9: {  	s7 =	smul.u32 $0x500, s7;
	s28 =	sshrl.u32 s9, $0x1;
	s29 =	sshrl.u32 s8, $0x2  }
0xa: {  	s30 =	sor.u32 s5, s10;
	s8 =	simm.s32 $0x2880;
	s10 =	simm.s32 $0x80  }
0xb: {  	s9 =	ssub.s32 s9, s28;
	s31 =	sshrl.u32 s30, $0x3;
	s7 =	sadd.s32 s7, s4  }
0xc: {  	s4 =	sadd.s32 s29, s2;
	s6 =	sadd.s32 s6, s31;
	s5 =	sadd.s32 $0xC400, s7  }
0xd: {  	v0 =	vimm.f32 $0.0e+00;
	v1 =	vimm.f32 $1.000000000e+00;
	s7 =	smax.u32 s9, $0x1;
	s9 =	simm.s32 $0x1;
	s13 =	sshrl.u32 s4, $0x3  }
.LBB2_1:
0xe: {  	[tilespmem:$0x2880] =	vst v0  }
0xf: {  	[tilespmem:$0x2890] =	vst v0  }
0x10: {  	[tilespmem:$0x28A0] =	vst v0  }
0x11: {  	[tilespmem:$0x28B0] =	vst v0  }
0x12: {  	[tilespmem:$0x28C0] =	vst v0  }
0x13: {  	[tilespmem:$0x28D0] =	vst v0  }
0x14: {  	[tilespmem:$0x28E0] =	vst v0  }
0x15: {  	[tilespmem:$0x28F0] =	vst v0  }
0x16: {  	[tilespmem:$0x2900] =	vst v0  }
0x17: {  	[tilespmem:$0x2910] =	vst v0  }
0x18: {  	[tilespmem:$0x2920] =	vst v0  }
0x19: {  	[tilespmem:$0x2930] =	vst v0  }
0x1a: {  	[tilespmem:$0x2940] =	vst v0  }
0x1b: {  	[tilespmem:$0x2950] =	vst v0  }
0x1c: {  	[tilespmem:$0x2960] =	vst v0  }
0x1d: {  	[tilespmem:$0x2970] =	vst v0  }
0x1e: {  	[tilespmem:$0x2980] =	vst v0  }
0x1f: {  	[tilespmem:$0x2990] =	vst v0  }
0x20: {  	[tilespmem:$0x29A0] =	vst v0  }
0x21: {  	[tilespmem:$0x29B0] =	vst v0  }
0x22: {  	[tilespmem:$0x29C0] =	vst v0  }
0x23: {  	[tilespmem:$0x29D0] =	vst v0  }
0x24: {  	[tilespmem:$0x29E0] =	vst v0  }
0x25: {  	[tilespmem:$0x29F0] =	vst v0  }
0x26: {  	[tilespmem:$0x2A00] =	vst v0  }
0x27: {  	[tilespmem:$0x2A10] =	vst v0  }
0x28: {  	[tilespmem:$0x2A20] =	vst v0  }
0x29: {  	[tilespmem:$0x2A30] =	vst v0  }
0x2a: {  	[tilespmem:$0x2A40] =	vst v0  }
0x2b: {  	[tilespmem:$0x2A50] =	vst v0  }
0x2c: {  	[tilespmem:$0x2A60] =	vst v0  }
0x2d: {  	[tilespmem:$0x2A70] =	vst v0  }
0x2e: {  	[tilespmem:$0x2A80] =	vst v0  }
0x2f: {  	[tilespmem:$0x2A90] =	vst v0  }
0x30: {  	[tilespmem:$0x2AA0] =	vst v0  }
0x31: {  	[tilespmem:$0x2AB0] =	vst v0  }
0x32: {  	[tilespmem:$0x2AC0] =	vst v0  }
0x33: {  	[tilespmem:$0x2AD0] =	vst v0  }
0x34: {  	[tilespmem:$0x2AE0] =	vst v0  }
0x35: {  	[tilespmem:$0x2AF0] =	vst v0  }
0x36: {  	[tilespmem:$0x2800] =	vst v1  }
0x37: {  	[tilespmem:$0x2810] =	vst v1  }
0x38: {  	[tilespmem:$0x2820] =	vst v1  }
0x39: {  	[tilespmem:$0x2830] =	vst v1  }
0x3a: {  	[tilespmem:$0x2840] =	vst v1  }
0x3b: {  	[tilespmem:$0x2850] =	vst v1  }
0x3c: {  	[tilespmem:$0x2860] =	vst v1  }
0x3d: {  	[tilespmem:$0x2870] =	vst v1  }
0x3e: {  	[spmem:s4] =	stream.linear.scatter [tilespmem:s8], [sflag:$0x1], $0x280, $0x38;
	[tilespmem:$0x2D80] =	vst v63  }
0x3f: {  	_ =	swait.ge [sflag:s9], $0x280  }
0x40: {  	[sflag:s9] =	ssyncset.done $0x0  }
0x41: {  	[sflag:s9] =	ssyncadd.s32 $0xFFFFFD80  }
0x42: {  	[bflag:$0x0] =	sbarrier.arrive $0xFFFF  }
0x43: {  	[tilespmem:s3], [sflag:$0x1] =	stream.linear.gather [hbm4b:s5+s3], $0x2800, $0x38;
	[tilespmem:$0x2D80] =	vst v63  }
0x44: {  	_ =	swait.ge [sflag:s9], $0x2800  }
0x45: {  	[sflag:s9] =	ssyncset.done $0x0  }
0x46: {  	s17 =	simm.s32 $0x0;
	[sflag:s9] =	ssyncadd.s32 $0xFFFFD800  }
0x47: {  	[spmem:s2] =	stream.indirect.scatter.add.f32 [tilespmem:s11], [sflag:$0x1], $0x1, s17, s10, $0xb8;
	[tilespmem:$0x2D80] =	vst v63  }
0x48: {  	_ =	swait.ge [sflag:s9], $0x80  }
0x49: {  	s17 =	simm.s32 $0x200;
	[sflag:s9] =	ssyncset.done $0x0  }
.LBB2_2:
0x4a: {  	s18 =	sshra.s32 s17, $0x2;
	[sflag:s9] =	ssyncadd.s32 $0xFFFFFF80;
	p0 =	sne.s32 s17, $0x9E00  }
0x4b: {  	[spmem:s2] =	stream.indirect.scatter.add.f32 [tilespmem:s11], [sflag:$0x1], $0x1, s18, s10, $0xb8;
	[tilespmem:$0x2D80] =	vst v63  }
.Ltmp0:
0x4c: {  	_ = 	snop;
	(pc) =	sbr.rel @p0 .LBB2_2-.Ltmp0, $4  }
0x4d: {  	_ = 	snop  }
0x4e: {  	s17 =	sadd.s32 $0x200, s17  }
0x4f: {  	_ =	swait.ge [sflag:s9], $0x80  }
0x50: {  	[sflag:s9] =	ssyncset.done $0x0  }
0x51: {  	s16 =	sadd.s32 $0x1, s16  }
0x52: {  	[sflag:s9] =	ssyncadd.s32 $0xFFFFFF80;
	p0 =	sne.s32 s16, s7  }
.Ltmp1:
0x53: {  	[bflag:$0x0] =	sbarrier.arrive $0xFFFF;
	(pc) =	sbr.rel @p0 .LBB2_1-.Ltmp1, $4  }
0x54: {  	[hbm:s6@s14], [sflag:s12] =	dma.strided [spmem:s13@s15], $0x50, s9, $0x10   }
0x55: {  	_ =	swait.ge [sflag:s9], $0x50  }
0x56: {  	[sflag:s9] =	ssyncset.done $0x0  }
0x57: {  	[sflag:s9] =	ssyncadd.s32 $0xFFFFFFB0  }
0x58: {  	_ =	sfence.sel $0x180000  }
0x59: {  	[bflag:$0x0] =	sbarrier.arrive $0xFFFF  }
0x5a: {  	p0 =	sne.s32 s0, $0x0;
	_ =	strace $0x90000047  }
0x5b: {  	s0 =	sadd.s32 @!p0 $0x100000, s1;
	[bflag:$0x2] =	sbarrier.arrive $0xFFFF  }
0x5c: {  	[sflag:s0] =	ssyncadd.tile.s32 @!p0 $0x1;
	_ =	shalt  }
.Lfunc_end2:
_tile_overlayer_lowered:
.L_overlay_start_2:
0x5d: {  	(tag) =	ssettag $0x2  }
0x5e: {  	s0 =	rddreg [dreg:$0x0];
	s2 =	stileid.u32  }
0x5f: {  	s1 =	rddreg [dreg:$0x1];
	p0 =	sne.s32 s2, $0x0  }
0x60: {  	s3 =	rddreg [dreg:$0x2];
	[bflag:$0x3] =	sbarrier.arrive $0xFFFF;
	s2 =	simm.s32 @!p0 $0x1C01  }
0x61: {  	[timem:s3], [sflag:s2] =	dma.local @!p0 [hbm:s0], s1  }
0x62: {  	s0 =	simm.s32 @!p0 $0x1  }
0x63: {  	_ =	swait.ge @!p0 [sflag:s0], s1  }
0x64: {  	s1 =	ssub.s32 @!p0 $0x0, s1;
	[sflag:s0] =	ssyncset.done @!p0 $0x0  }
0x65: {  	[sflag:s0] =	ssyncadd.s32 @!p0 s1  }
0x66: {  	[bflag:$0x3] =	sbarrier.arrive $0xFFFF  }
0x67: {  	_ =	shalt  }

</sc_bundles>
